<compile_context>
chip_gen: v7x
topology: tpu7x:2x2x1
jax: 0.10.2.dev20260603
libtpu: 0.0.44.dev20260713+nightly
codegen_flags: <defaults>
</compile_context>

<pallas_src>
import functools

import jax
import jax.numpy as jnp
from jax import lax
from jax.experimental import pallas as pl
from jax.experimental.pallas import tpu as pltpu
from jax.experimental.pallas import tpu_sc as plsc

_BOXES = (
    (230, 87, 397, 375), (280, 23, 404, 270), (13, 16, 424, 207),
    (64, 202, 396, 389), (57, 128, 434, 275), (7, 201, 346, 366),
    (7, 176, 321, 378), (88, 80, 328, 173), (205, 228, 297, 305),
    (9, 81, 272, 330), (215, 250, 494, 440), (143, 18, 401, 196),
    (283, 28, 461, 494), (119, 37, 326, 290), (65, 225, 241, 482),
    (57, 266, 240, 404), (156, 295, 478, 439), (23, 38, 224, 340),
    (81, 329, 261, 449), (75, 124, 477, 308), (113, 115, 207, 187),
    (230, 123, 411, 452), (159, 191, 357, 317), (204, 132, 422, 477),
    (254, 38, 499, 251), (252, 172, 508, 448), (17, 81, 227, 479),
    (330, 32, 492, 447), (145, 75, 344, 471), (332, 378, 486, 442),
    (29, 285, 319, 443), (163, 339, 493, 453),
)

_B, _H, _W = 32, 512, 512
_CH = 32
_NCH = _H // _CH
_NBUF = 6
_FR, _FC = 64, 32
_NC, _NS = 2, 16


def _sc_random_fill():
    mesh = plsc.VectorSubcoreMesh(
        core_axis_name="c", subcore_axis_name="s",
        num_cores=_NC, num_subcores=_NS)

    @functools.partial(
        pl.kernel,
        out_type=jax.ShapeDtypeStruct((_B, _H, _W), jnp.float32),
        mesh=mesh,
        scratch_types=(
            [pltpu.VMEM((_CH, _W), jnp.float32) for _ in range(_NBUF)]
            + [pltpu.VMEM((_FR, _FC), jnp.float32)]
            + [pltpu.SemaphoreType.DMA for _ in range(2 * _NBUF + 1)]
        ),
        compiler_params=pltpu.CompilerParams(
            use_tc_tiling_on_sc=False, skip_device_barrier=True),
    )
    def k(img_hbm, out_hbm, b0, b1, b2, b3, b4, b5, zbuf, *sems):
        bufs = (b0, b1, b2, b3, b4, b5)
        in_sems = sems[:_NBUF]
        out_sems = sems[_NBUF:2 * _NBUF]
        fsem = sems[2 * _NBUF]

        wid = lax.axis_index("s") * _NC + lax.axis_index("c")

        r_lo = jnp.int32(0)
        c_lo = jnp.int32(0)
        r_hi = jnp.int32(0)
        c_hi = jnp.int32(0)
        for i, (a, b, c, d) in enumerate(_BOXES):
            is_i = wid == i
            r_lo = jnp.where(is_i, a, r_lo)
            c_lo = jnp.where(is_i, b, c_lo)
            r_hi = jnp.where(is_i, c, r_hi)
            c_hi = jnp.where(is_i, d, c_hi)
        c8_lo = lax.shift_left(lax.shift_right_logical(c_lo + 7, 3), 3)
        c8_hi = lax.shift_left(lax.shift_right_logical(c_hi, 3), 3)

        z16 = jnp.zeros((16,), jnp.float32)

        for r in range(_FR):
            for c in range(_FC // 16):
                zbuf[r, pl.ds(c * 16, 16)] = z16

        def _edge_zero(slot, chunk_lo):
            rs = jnp.maximum(r_lo, chunk_lo) - chunk_lo
            re = jnp.minimum(r_hi, chunk_lo + _CH) - chunk_lo

            def body(r, carry):
                slot[r, pl.ds(c_lo, 16)] = z16
                slot[r, pl.ds(c_hi - 16, 16)] = z16
                return carry

            lax.fori_loop(rs, re, body, 0)

        in_h = {}
        out_h = {}
        for i in range(min(_NBUF, _NCH)):
            in_h[i] = pltpu.async_copy(
                img_hbm.at[wid, pl.ds(i * _CH, _CH)], bufs[i], in_sems[i])
        for i in range(_NCH):
            s = i % _NBUF
            in_h[i].wait()
            _edge_zero(bufs[s], i * _CH)
            out_h[i] = pltpu.async_copy(
                bufs[s], out_hbm.at[wid, pl.ds(i * _CH, _CH)], out_sems[s])
            nxt = i + _NBUF
            if nxt < _NCH:
                out_h[i].wait()
                in_h[nxt] = pltpu.async_copy(
                    img_hbm.at[wid, pl.ds(nxt * _CH, _CH)], bufs[s],
                    in_sems[s])
        for i in range(_NCH - _NBUF, _NCH):
            out_h[i].wait()

        hh = r_hi - r_lo
        w8 = c8_hi - c8_lo
        nk = lax.shift_right_logical(hh + (_FR - 1), 6)
        nj = lax.shift_right_logical(w8 + (_FC - 1), 5)

        def fill_row(kk, carry):
            rk = jnp.minimum(r_lo + kk * _FR, r_hi - _FR)

            def fill_col(jj, c2):
                cj = pl.multiple_of(
                    jnp.minimum(c8_lo + jj * _FC, c8_hi - _FC), 8)
                pltpu.async_copy(
                    zbuf, out_hbm.at[wid, pl.ds(rk, _FR), pl.ds(cj, _FC)],
                    fsem)
                return c2

            return lax.fori_loop(0, nj, fill_col, carry)

        lax.fori_loop(0, nk, fill_row, 0)

        def drain(_, carry):
            pltpu.make_async_copy(
                img_hbm.at[0, pl.ds(0, _FR), pl.ds(0, _FC)], zbuf,
                fsem).wait()
            return carry

        lax.fori_loop(0, nk * nj, drain, 0)

    return k


def kernel(images):
    imgs3 = images.reshape(_B, _H, _W)
    out = _sc_random_fill()(imgs3)
    return out.reshape(_B, _H, _W, 1)

# --- scband reference (transcript-rebuilt; emitter-appended) ---
"""Pipeline reference for scband-random-fill-56633438765471 (READ-ONLY COPY).

The authoritative reference and input builder live on the scoring server;
editing this copy changes nothing except your own understanding.
"""

import jax, jax.numpy as jnp
import numpy as np

VALUE = 0.0
SCALE = (0.02, 0.33)
LOG_RATIO = (float(np.log(0.3)), float(np.log(3.3)))


def _boxes(B, H, W):
    # Deterministic stand-in for tf.random.uniform calls in the original call()
    key = jax.random.key(42)
    k1, k2, k3, k4 = jax.random.split(key, 4)
    random_scales = jax.random.uniform(k1, (B,), minval=SCALE[0], maxval=SCALE[1])
    random_ratios = jnp.exp(jax.random.uniform(k2, (B,), minval=LOG_RATIO[0], maxval=LOG_RATIO[1]))
    new_heights = jnp.clip(jnp.sqrt(random_scales / random_ratios), 0.0, 1.0)
    new_widths = jnp.clip(jnp.sqrt(random_scales * random_ratios), 0.0, 1.0)
    height_offsets = jax.random.uniform(k3, (B,)) * (1.0 - new_heights)
    width_offsets = jax.random.uniform(k4, (B,)) * (1.0 - new_widths)
    boxes = jnp.stack([
        jnp.round(height_offsets * H),
        jnp.round(width_offsets * W),
        jnp.round((height_offsets + new_heights) * H),
        jnp.round((width_offsets + new_widths) * W),
    ], axis=1)
    return boxes.astype(jnp.int32)


def setup_inputs(seed: int = 0):
    key = jax.random.key(seed)
    images = jax.random.normal(key, (32, 512, 512, 1), dtype=jnp.float32)
    return {"images": images}


def reference(images):
    B, H, W, C = images.shape
    boxes = _boxes(B, H, W)
    a = boxes[:, 0][:, None, None]
    b = boxes[:, 1][:, None, None]
    c = boxes[:, 2][:, None, None]
    d = boxes[:, 3][:, None, None]
    rows = jnp.arange(H)[None, :, None]
    cols = jnp.arange(W)[None, None, :]
    mask = (rows >= a) & (rows < c) & (cols >= b) & (cols < d)
    fill = jnp.asarray(VALUE, dtype=images.dtype)
    return jnp.where(mask[..., None], fill, images)

if __name__ == "__main__":
    import jax
    _d = setup_inputs()
    print(jax.jit(kernel)(*tuple(_d.values())))

</pallas_src>

<mosaic_0001>
#map = affine_map<(d0, d1) -> (0, 0, 0)>
module attributes {stable_mosaic.version = 14 : i64} {
  func.func @k(%arg0: i32, %arg1: i32, %arg2: memref<32x512x512xf32, #tpu.memory_space<hbm>>, %arg3: memref<32x512x512xf32, #tpu.memory_space<hbm>>, %arg4: memref<32x512xf32, #tpu.memory_space<vmem>>, %arg5: memref<32x512xf32, #tpu.memory_space<vmem>>, %arg6: memref<32x512xf32, #tpu.memory_space<vmem>>, %arg7: memref<32x512xf32, #tpu.memory_space<vmem>>, %arg8: memref<32x512xf32, #tpu.memory_space<vmem>>, %arg9: memref<32x512xf32, #tpu.memory_space<vmem>>, %arg10: memref<64x32xf32, #tpu.memory_space<vmem>>, %arg11: memref<!tpu.dma_semaphore, #tpu.memory_space<semaphore_mem>>, %arg12: memref<!tpu.dma_semaphore, #tpu.memory_space<semaphore_mem>>, %arg13: memref<!tpu.dma_semaphore, #tpu.memory_space<semaphore_mem>>, %arg14: memref<!tpu.dma_semaphore, #tpu.memory_space<semaphore_mem>>, %arg15: memref<!tpu.dma_semaphore, #tpu.memory_space<semaphore_mem>>, %arg16: memref<!tpu.dma_semaphore, #tpu.memory_space<semaphore_mem>>, %arg17: memref<!tpu.dma_semaphore, #tpu.memory_space<semaphore_mem>>, %arg18: memref<!tpu.dma_semaphore, #tpu.memory_space<semaphore_mem>>, %arg19: memref<!tpu.dma_semaphore, #tpu.memory_space<semaphore_mem>>, %arg20: memref<!tpu.dma_semaphore, #tpu.memory_space<semaphore_mem>>, %arg21: memref<!tpu.dma_semaphore, #tpu.memory_space<semaphore_mem>>, %arg22: memref<!tpu.dma_semaphore, #tpu.memory_space<semaphore_mem>>, %arg23: memref<!tpu.dma_semaphore, #tpu.memory_space<semaphore_mem>>) attributes {dimension_semantics = [#tpu.dimension_semantics<core_parallel>, #tpu.dimension_semantics<subcore_parallel>], iteration_bounds = array<i64: 2, 16>, scalar_prefetch = 0 : i64, scratch_operands = 20 : i64, tpu.core_type = #tpu.core_type<sc_vector_subcore>, window_params = [{transform_indices = #map}, {transform_indices = #map}]} {
    %mul3A = arith.constant 2 : i32
    %mul3A_0 = arith.muli %arg1, %mul3A : i32
    %add3A = arith.addi %mul3A_0, %arg0 : i32
    %eq3A = arith.constant 0 : i32
    %eq3A_1 = arith.cmpi eq, %add3A, %eq3A : i32
    %jit3A = arith.constant 230 : i32
    %jit3A_2 = arith.constant 0 : i32
    %select_n3A = arith.select %eq3A_1, %jit3A, %jit3A_2 : i32
    %jit3A_3 = arith.constant 87 : i32
    %jit3A_4 = arith.constant 0 : i32
    %select_n3A_5 = arith.select %eq3A_1, %jit3A_3, %jit3A_4 : i32
    %jit3A_6 = arith.constant 397 : i32
    %jit3A_7 = arith.constant 0 : i32
    %select_n3A_8 = arith.select %eq3A_1, %jit3A_6, %jit3A_7 : i32
    %jit3A_9 = arith.constant 375 : i32
    %jit3A_10 = arith.constant 0 : i32
    %select_n3A_11 = arith.select %eq3A_1, %jit3A_9, %jit3A_10 : i32
    %eq3A_12 = arith.constant 1 : i32
    %eq3A_13 = arith.cmpi eq, %add3A, %eq3A_12 : i32
    %jit3A_14 = arith.constant 280 : i32
    %select_n3A_15 = arith.select %eq3A_13, %jit3A_14, %select_n3A : i32
    %jit3A_16 = arith.constant 23 : i32
    %select_n3A_17 = arith.select %eq3A_13, %jit3A_16, %select_n3A_5 : i32
    %jit3A_18 = arith.constant 404 : i32
    %select_n3A_19 = arith.select %eq3A_13, %jit3A_18, %select_n3A_8 : i32
    %jit3A_20 = arith.constant 270 : i32
    %select_n3A_21 = arith.select %eq3A_13, %jit3A_20, %select_n3A_11 : i32
    %eq3A_22 = arith.constant 2 : i32
    %eq3A_23 = arith.cmpi eq, %add3A, %eq3A_22 : i32
    %jit3A_24 = arith.constant 13 : i32
    %select_n3A_25 = arith.select %eq3A_23, %jit3A_24, %select_n3A_15 : i32
    %jit3A_26 = arith.constant 16 : i32
    %select_n3A_27 = arith.select %eq3A_23, %jit3A_26, %select_n3A_17 : i32
    %jit3A_28 = arith.constant 424 : i32
    %select_n3A_29 = arith.select %eq3A_23, %jit3A_28, %select_n3A_19 : i32
    %jit3A_30 = arith.constant 207 : i32
    %select_n3A_31 = arith.select %eq3A_23, %jit3A_30, %select_n3A_21 : i32
    %eq3A_32 = arith.constant 3 : i32
    %eq3A_33 = arith.cmpi eq, %add3A, %eq3A_32 : i32
    %jit3A_34 = arith.constant 64 : i32
    %select_n3A_35 = arith.select %eq3A_33, %jit3A_34, %select_n3A_25 : i32
    %jit3A_36 = arith.constant 202 : i32
    %select_n3A_37 = arith.select %eq3A_33, %jit3A_36, %select_n3A_27 : i32
    %jit3A_38 = arith.constant 396 : i32
    %select_n3A_39 = arith.select %eq3A_33, %jit3A_38, %select_n3A_29 : i32
    %jit3A_40 = arith.constant 389 : i32
    %select_n3A_41 = arith.select %eq3A_33, %jit3A_40, %select_n3A_31 : i32
    %eq3A_42 = arith.constant 4 : i32
    %eq3A_43 = arith.cmpi eq, %add3A, %eq3A_42 : i32
    %jit3A_44 = arith.constant 57 : i32
    %select_n3A_45 = arith.select %eq3A_43, %jit3A_44, %select_n3A_35 : i32
    %jit3A_46 = arith.constant 128 : i32
    %select_n3A_47 = arith.select %eq3A_43, %jit3A_46, %select_n3A_37 : i32
    %jit3A_48 = arith.constant 434 : i32
    %select_n3A_49 = arith.select %eq3A_43, %jit3A_48, %select_n3A_39 : i32
    %jit3A_50 = arith.constant 275 : i32
    %select_n3A_51 = arith.select %eq3A_43, %jit3A_50, %select_n3A_41 : i32
    %eq3A_52 = arith.constant 5 : i32
    %eq3A_53 = arith.cmpi eq, %add3A, %eq3A_52 : i32
    %jit3A_54 = arith.constant 7 : i32
    %select_n3A_55 = arith.select %eq3A_53, %jit3A_54, %select_n3A_45 : i32
    %jit3A_56 = arith.constant 201 : i32
    %select_n3A_57 = arith.select %eq3A_53, %jit3A_56, %select_n3A_47 : i32
    %jit3A_58 = arith.constant 346 : i32
    %select_n3A_59 = arith.select %eq3A_53, %jit3A_58, %select_n3A_49 : i32
    %jit3A_60 = arith.constant 366 : i32
    %select_n3A_61 = arith.select %eq3A_53, %jit3A_60, %select_n3A_51 : i32
    %eq3A_62 = arith.constant 6 : i32
    %eq3A_63 = arith.cmpi eq, %add3A, %eq3A_62 : i32
    %jit3A_64 = arith.constant 7 : i32
    %select_n3A_65 = arith.select %eq3A_63, %jit3A_64, %select_n3A_55 : i32
    %jit3A_66 = arith.constant 176 : i32
    %select_n3A_67 = arith.select %eq3A_63, %jit3A_66, %select_n3A_57 : i32
    %jit3A_68 = arith.constant 321 : i32
    %select_n3A_69 = arith.select %eq3A_63, %jit3A_68, %select_n3A_59 : i32
    %jit3A_70 = arith.constant 378 : i32
    %select_n3A_71 = arith.select %eq3A_63, %jit3A_70, %select_n3A_61 : i32
    %eq3A_72 = arith.constant 7 : i32
    %eq3A_73 = arith.cmpi eq, %add3A, %eq3A_72 : i32
    %jit3A_74 = arith.constant 88 : i32
    %select_n3A_75 = arith.select %eq3A_73, %jit3A_74, %select_n3A_65 : i32
    %jit3A_76 = arith.constant 80 : i32
    %select_n3A_77 = arith.select %eq3A_73, %jit3A_76, %select_n3A_67 : i32
    %jit3A_78 = arith.constant 328 : i32
    %select_n3A_79 = arith.select %eq3A_73, %jit3A_78, %select_n3A_69 : i32
    %jit3A_80 = arith.constant 173 : i32
    %select_n3A_81 = arith.select %eq3A_73, %jit3A_80, %select_n3A_71 : i32
    %eq3A_82 = arith.constant 8 : i32
    %eq3A_83 = arith.cmpi eq, %add3A, %eq3A_82 : i32
    %jit3A_84 = arith.constant 205 : i32
    %select_n3A_85 = arith.select %eq3A_83, %jit3A_84, %select_n3A_75 : i32
    %jit3A_86 = arith.constant 228 : i32
    %select_n3A_87 = arith.select %eq3A_83, %jit3A_86, %select_n3A_77 : i32
    %jit3A_88 = arith.constant 297 : i32
    %select_n3A_89 = arith.select %eq3A_83, %jit3A_88, %select_n3A_79 : i32
    %jit3A_90 = arith.constant 305 : i32
    %select_n3A_91 = arith.select %eq3A_83, %jit3A_90, %select_n3A_81 : i32
    %eq3A_92 = arith.constant 9 : i32
    %eq3A_93 = arith.cmpi eq, %add3A, %eq3A_92 : i32
    %jit3A_94 = arith.constant 9 : i32
    %select_n3A_95 = arith.select %eq3A_93, %jit3A_94, %select_n3A_85 : i32
    %jit3A_96 = arith.constant 81 : i32
    %select_n3A_97 = arith.select %eq3A_93, %jit3A_96, %select_n3A_87 : i32
    %jit3A_98 = arith.constant 272 : i32
    %select_n3A_99 = arith.select %eq3A_93, %jit3A_98, %select_n3A_89 : i32
    %jit3A_100 = arith.constant 330 : i32
    %select_n3A_101 = arith.select %eq3A_93, %jit3A_100, %select_n3A_91 : i32
    %eq3A_102 = arith.constant 10 : i32
    %eq3A_103 = arith.cmpi eq, %add3A, %eq3A_102 : i32
    %jit3A_104 = arith.constant 215 : i32
    %select_n3A_105 = arith.select %eq3A_103, %jit3A_104, %select_n3A_95 : i32
    %jit3A_106 = arith.constant 250 : i32
    %select_n3A_107 = arith.select %eq3A_103, %jit3A_106, %select_n3A_97 : i32
    %jit3A_108 = arith.constant 494 : i32
    %select_n3A_109 = arith.select %eq3A_103, %jit3A_108, %select_n3A_99 : i32
    %jit3A_110 = arith.constant 440 : i32
    %select_n3A_111 = arith.select %eq3A_103, %jit3A_110, %select_n3A_101 : i32
    %eq3A_112 = arith.constant 11 : i32
    %eq3A_113 = arith.cmpi eq, %add3A, %eq3A_112 : i32
    %jit3A_114 = arith.constant 143 : i32
    %select_n3A_115 = arith.select %eq3A_113, %jit3A_114, %select_n3A_105 : i32
    %jit3A_116 = arith.constant 18 : i32
    %select_n3A_117 = arith.select %eq3A_113, %jit3A_116, %select_n3A_107 : i32
    %jit3A_118 = arith.constant 401 : i32
    %select_n3A_119 = arith.select %eq3A_113, %jit3A_118, %select_n3A_109 : i32
    %jit3A_120 = arith.constant 196 : i32
    %select_n3A_121 = arith.select %eq3A_113, %jit3A_120, %select_n3A_111 : i32
    %eq3A_122 = arith.constant 12 : i32
    %eq3A_123 = arith.cmpi eq, %add3A, %eq3A_122 : i32
    %jit3A_124 = arith.constant 283 : i32
    %select_n3A_125 = arith.select %eq3A_123, %jit3A_124, %select_n3A_115 : i32
    %jit3A_126 = arith.constant 28 : i32
    %select_n3A_127 = arith.select %eq3A_123, %jit3A_126, %select_n3A_117 : i32
    %jit3A_128 = arith.constant 461 : i32
    %select_n3A_129 = arith.select %eq3A_123, %jit3A_128, %select_n3A_119 : i32
    %jit3A_130 = arith.constant 494 : i32
    %select_n3A_131 = arith.select %eq3A_123, %jit3A_130, %select_n3A_121 : i32
    %eq3A_132 = arith.constant 13 : i32
    %eq3A_133 = arith.cmpi eq, %add3A, %eq3A_132 : i32
    %jit3A_134 = arith.constant 119 : i32
    %select_n3A_135 = arith.select %eq3A_133, %jit3A_134, %select_n3A_125 : i32
    %jit3A_136 = arith.constant 37 : i32
    %select_n3A_137 = arith.select %eq3A_133, %jit3A_136, %select_n3A_127 : i32
    %jit3A_138 = arith.constant 326 : i32
    %select_n3A_139 = arith.select %eq3A_133, %jit3A_138, %select_n3A_129 : i32
    %jit3A_140 = arith.constant 290 : i32
    %select_n3A_141 = arith.select %eq3A_133, %jit3A_140, %select_n3A_131 : i32
    %eq3A_142 = arith.constant 14 : i32
    %eq3A_143 = arith.cmpi eq, %add3A, %eq3A_142 : i32
    %jit3A_144 = arith.constant 65 : i32
    %select_n3A_145 = arith.select %eq3A_143, %jit3A_144, %select_n3A_135 : i32
    %jit3A_146 = arith.constant 225 : i32
    %select_n3A_147 = arith.select %eq3A_143, %jit3A_146, %select_n3A_137 : i32
    %jit3A_148 = arith.constant 241 : i32
    %select_n3A_149 = arith.select %eq3A_143, %jit3A_148, %select_n3A_139 : i32
    %jit3A_150 = arith.constant 482 : i32
    %select_n3A_151 = arith.select %eq3A_143, %jit3A_150, %select_n3A_141 : i32
    %eq3A_152 = arith.constant 15 : i32
    %eq3A_153 = arith.cmpi eq, %add3A, %eq3A_152 : i32
    %jit3A_154 = arith.constant 57 : i32
    %select_n3A_155 = arith.select %eq3A_153, %jit3A_154, %select_n3A_145 : i32
    %jit3A_156 = arith.constant 266 : i32
    %select_n3A_157 = arith.select %eq3A_153, %jit3A_156, %select_n3A_147 : i32
    %jit3A_158 = arith.constant 240 : i32
    %select_n3A_159 = arith.select %eq3A_153, %jit3A_158, %select_n3A_149 : i32
    %jit3A_160 = arith.constant 404 : i32
    %select_n3A_161 = arith.select %eq3A_153, %jit3A_160, %select_n3A_151 : i32
    %eq3A_162 = arith.constant 16 : i32
    %eq3A_163 = arith.cmpi eq, %add3A, %eq3A_162 : i32
    %jit3A_164 = arith.constant 156 : i32
    %select_n3A_165 = arith.select %eq3A_163, %jit3A_164, %select_n3A_155 : i32
    %jit3A_166 = arith.constant 295 : i32
    %select_n3A_167 = arith.select %eq3A_163, %jit3A_166, %select_n3A_157 : i32
    %jit3A_168 = arith.constant 478 : i32
    %select_n3A_169 = arith.select %eq3A_163, %jit3A_168, %select_n3A_159 : i32
    %jit3A_170 = arith.constant 439 : i32
    %select_n3A_171 = arith.select %eq3A_163, %jit3A_170, %select_n3A_161 : i32
    %eq3A_172 = arith.constant 17 : i32
    %eq3A_173 = arith.cmpi eq, %add3A, %eq3A_172 : i32
    %jit3A_174 = arith.constant 23 : i32
    %select_n3A_175 = arith.select %eq3A_173, %jit3A_174, %select_n3A_165 : i32
    %jit3A_176 = arith.constant 38 : i32
    %select_n3A_177 = arith.select %eq3A_173, %jit3A_176, %select_n3A_167 : i32
    %jit3A_178 = arith.constant 224 : i32
    %select_n3A_179 = arith.select %eq3A_173, %jit3A_178, %select_n3A_169 : i32
    %jit3A_180 = arith.constant 340 : i32
    %select_n3A_181 = arith.select %eq3A_173, %jit3A_180, %select_n3A_171 : i32
    %eq3A_182 = arith.constant 18 : i32
    %eq3A_183 = arith.cmpi eq, %add3A, %eq3A_182 : i32
    %jit3A_184 = arith.constant 81 : i32
    %select_n3A_185 = arith.select %eq3A_183, %jit3A_184, %select_n3A_175 : i32
    %jit3A_186 = arith.constant 329 : i32
    %select_n3A_187 = arith.select %eq3A_183, %jit3A_186, %select_n3A_177 : i32
    %jit3A_188 = arith.constant 261 : i32
    %select_n3A_189 = arith.select %eq3A_183, %jit3A_188, %select_n3A_179 : i32
    %jit3A_190 = arith.constant 449 : i32
    %select_n3A_191 = arith.select %eq3A_183, %jit3A_190, %select_n3A_181 : i32
    %eq3A_192 = arith.constant 19 : i32
    %eq3A_193 = arith.cmpi eq, %add3A, %eq3A_192 : i32
    %jit3A_194 = arith.constant 75 : i32
    %select_n3A_195 = arith.select %eq3A_193, %jit3A_194, %select_n3A_185 : i32
    %jit3A_196 = arith.constant 124 : i32
    %select_n3A_197 = arith.select %eq3A_193, %jit3A_196, %select_n3A_187 : i32
    %jit3A_198 = arith.constant 477 : i32
    %select_n3A_199 = arith.select %eq3A_193, %jit3A_198, %select_n3A_189 : i32
    %jit3A_200 = arith.constant 308 : i32
    %select_n3A_201 = arith.select %eq3A_193, %jit3A_200, %select_n3A_191 : i32
    %eq3A_202 = arith.constant 20 : i32
    %eq3A_203 = arith.cmpi eq, %add3A, %eq3A_202 : i32
    %jit3A_204 = arith.constant 113 : i32
    %select_n3A_205 = arith.select %eq3A_203, %jit3A_204, %select_n3A_195 : i32
    %jit3A_206 = arith.constant 115 : i32
    %select_n3A_207 = arith.select %eq3A_203, %jit3A_206, %select_n3A_197 : i32
    %jit3A_208 = arith.constant 207 : i32
    %select_n3A_209 = arith.select %eq3A_203, %jit3A_208, %select_n3A_199 : i32
    %jit3A_210 = arith.constant 187 : i32
    %select_n3A_211 = arith.select %eq3A_203, %jit3A_210, %select_n3A_201 : i32
    %eq3A_212 = arith.constant 21 : i32
    %eq3A_213 = arith.cmpi eq, %add3A, %eq3A_212 : i32
    %jit3A_214 = arith.constant 230 : i32
    %select_n3A_215 = arith.select %eq3A_213, %jit3A_214, %select_n3A_205 : i32
    %jit3A_216 = arith.constant 123 : i32
    %select_n3A_217 = arith.select %eq3A_213, %jit3A_216, %select_n3A_207 : i32
    %jit3A_218 = arith.constant 411 : i32
    %select_n3A_219 = arith.select %eq3A_213, %jit3A_218, %select_n3A_209 : i32
    %jit3A_220 = arith.constant 452 : i32
    %select_n3A_221 = arith.select %eq3A_213, %jit3A_220, %select_n3A_211 : i32
    %eq3A_222 = arith.constant 22 : i32
    %eq3A_223 = arith.cmpi eq, %add3A, %eq3A_222 : i32
    %jit3A_224 = arith.constant 159 : i32
    %select_n3A_225 = arith.select %eq3A_223, %jit3A_224, %select_n3A_215 : i32
    %jit3A_226 = arith.constant 191 : i32
    %select_n3A_227 = arith.select %eq3A_223, %jit3A_226, %select_n3A_217 : i32
    %jit3A_228 = arith.constant 357 : i32
    %select_n3A_229 = arith.select %eq3A_223, %jit3A_228, %select_n3A_219 : i32
    %jit3A_230 = arith.constant 317 : i32
    %select_n3A_231 = arith.select %eq3A_223, %jit3A_230, %select_n3A_221 : i32
    %eq3A_232 = arith.constant 23 : i32
    %eq3A_233 = arith.cmpi eq, %add3A, %eq3A_232 : i32
    %jit3A_234 = arith.constant 204 : i32
    %select_n3A_235 = arith.select %eq3A_233, %jit3A_234, %select_n3A_225 : i32
    %jit3A_236 = arith.constant 132 : i32
    %select_n3A_237 = arith.select %eq3A_233, %jit3A_236, %select_n3A_227 : i32
    %jit3A_238 = arith.constant 422 : i32
    %select_n3A_239 = arith.select %eq3A_233, %jit3A_238, %select_n3A_229 : i32
    %jit3A_240 = arith.constant 477 : i32
    %select_n3A_241 = arith.select %eq3A_233, %jit3A_240, %select_n3A_231 : i32
    %eq3A_242 = arith.constant 24 : i32
    %eq3A_243 = arith.cmpi eq, %add3A, %eq3A_242 : i32
    %jit3A_244 = arith.constant 254 : i32
    %select_n3A_245 = arith.select %eq3A_243, %jit3A_244, %select_n3A_235 : i32
    %jit3A_246 = arith.constant 38 : i32
    %select_n3A_247 = arith.select %eq3A_243, %jit3A_246, %select_n3A_237 : i32
    %jit3A_248 = arith.constant 499 : i32
    %select_n3A_249 = arith.select %eq3A_243, %jit3A_248, %select_n3A_239 : i32
    %jit3A_250 = arith.constant 251 : i32
    %select_n3A_251 = arith.select %eq3A_243, %jit3A_250, %select_n3A_241 : i32
    %eq3A_252 = arith.constant 25 : i32
    %eq3A_253 = arith.cmpi eq, %add3A, %eq3A_252 : i32
    %jit3A_254 = arith.constant 252 : i32
    %select_n3A_255 = arith.select %eq3A_253, %jit3A_254, %select_n3A_245 : i32
    %jit3A_256 = arith.constant 172 : i32
    %select_n3A_257 = arith.select %eq3A_253, %jit3A_256, %select_n3A_247 : i32
    %jit3A_258 = arith.constant 508 : i32
    %select_n3A_259 = arith.select %eq3A_253, %jit3A_258, %select_n3A_249 : i32
    %jit3A_260 = arith.constant 448 : i32
    %select_n3A_261 = arith.select %eq3A_253, %jit3A_260, %select_n3A_251 : i32
    %eq3A_262 = arith.constant 26 : i32
    %eq3A_263 = arith.cmpi eq, %add3A, %eq3A_262 : i32
    %jit3A_264 = arith.constant 17 : i32
    %select_n3A_265 = arith.select %eq3A_263, %jit3A_264, %select_n3A_255 : i32
    %jit3A_266 = arith.constant 81 : i32
    %select_n3A_267 = arith.select %eq3A_263, %jit3A_266, %select_n3A_257 : i32
    %jit3A_268 = arith.constant 227 : i32
    %select_n3A_269 = arith.select %eq3A_263, %jit3A_268, %select_n3A_259 : i32
    %jit3A_270 = arith.constant 479 : i32
    %select_n3A_271 = arith.select %eq3A_263, %jit3A_270, %select_n3A_261 : i32
    %eq3A_272 = arith.constant 27 : i32
    %eq3A_273 = arith.cmpi eq, %add3A, %eq3A_272 : i32
    %jit3A_274 = arith.constant 330 : i32
    %select_n3A_275 = arith.select %eq3A_273, %jit3A_274, %select_n3A_265 : i32
    %jit3A_276 = arith.constant 32 : i32
    %select_n3A_277 = arith.select %eq3A_273, %jit3A_276, %select_n3A_267 : i32
    %jit3A_278 = arith.constant 492 : i32
    %select_n3A_279 = arith.select %eq3A_273, %jit3A_278, %select_n3A_269 : i32
    %jit3A_280 = arith.constant 447 : i32
    %select_n3A_281 = arith.select %eq3A_273, %jit3A_280, %select_n3A_271 : i32
    %eq3A_282 = arith.constant 28 : i32
    %eq3A_283 = arith.cmpi eq, %add3A, %eq3A_282 : i32
    %jit3A_284 = arith.constant 145 : i32
    %select_n3A_285 = arith.select %eq3A_283, %jit3A_284, %select_n3A_275 : i32
    %jit3A_286 = arith.constant 75 : i32
    %select_n3A_287 = arith.select %eq3A_283, %jit3A_286, %select_n3A_277 : i32
    %jit3A_288 = arith.constant 344 : i32
    %select_n3A_289 = arith.select %eq3A_283, %jit3A_288, %select_n3A_279 : i32
    %jit3A_290 = arith.constant 471 : i32
    %select_n3A_291 = arith.select %eq3A_283, %jit3A_290, %select_n3A_281 : i32
    %eq3A_292 = arith.constant 29 : i32
    %eq3A_293 = arith.cmpi eq, %add3A, %eq3A_292 : i32
    %jit3A_294 = arith.constant 332 : i32
    %select_n3A_295 = arith.select %eq3A_293, %jit3A_294, %select_n3A_285 : i32
    %jit3A_296 = arith.constant 378 : i32
    %select_n3A_297 = arith.select %eq3A_293, %jit3A_296, %select_n3A_287 : i32
    %jit3A_298 = arith.constant 486 : i32
    %select_n3A_299 = arith.select %eq3A_293, %jit3A_298, %select_n3A_289 : i32
    %jit3A_300 = arith.constant 442 : i32
    %select_n3A_301 = arith.select %eq3A_293, %jit3A_300, %select_n3A_291 : i32
    %eq3A_302 = arith.constant 30 : i32
    %eq3A_303 = arith.cmpi eq, %add3A, %eq3A_302 : i32
    %jit3A_304 = arith.constant 29 : i32
    %select_n3A_305 = arith.select %eq3A_303, %jit3A_304, %select_n3A_295 : i32
    %jit3A_306 = arith.constant 285 : i32
    %select_n3A_307 = arith.select %eq3A_303, %jit3A_306, %select_n3A_297 : i32
    %jit3A_308 = arith.constant 319 : i32
    %select_n3A_309 = arith.select %eq3A_303, %jit3A_308, %select_n3A_299 : i32
    %jit3A_310 = arith.constant 443 : i32
    %select_n3A_311 = arith.select %eq3A_303, %jit3A_310, %select_n3A_301 : i32
    %eq3A_312 = arith.constant 31 : i32
    %eq3A_313 = arith.cmpi eq, %add3A, %eq3A_312 : i32
    %jit3A_314 = arith.constant 163 : i32
    %select_n3A_315 = arith.select %eq3A_313, %jit3A_314, %select_n3A_305 : i32
    %jit3A_316 = arith.constant 339 : i32
    %select_n3A_317 = arith.select %eq3A_313, %jit3A_316, %select_n3A_307 : i32
    %jit3A_318 = arith.constant 493 : i32
    %select_n3A_319 = arith.select %eq3A_313, %jit3A_318, %select_n3A_309 : i32
    %jit3A_320 = arith.constant 453 : i32
    %select_n3A_321 = arith.select %eq3A_313, %jit3A_320, %select_n3A_311 : i32
    %add3A_322 = arith.constant 7 : i32
    %add3A_323 = arith.addi %select_n3A_317, %add3A_322 : i32
    %shift_right_logical3A = arith.constant 3 : i32
    %shift_right_logical3A_324 = arith.shrui %add3A_323, %shift_right_logical3A : i32
    %shift_left3A = arith.constant 3 : i32
    %shift_left3A_325 = arith.shli %shift_right_logical3A_324, %shift_left3A : i32
    %shift_right_logical3A_326 = arith.constant 3 : i32
    %shift_right_logical3A_327 = arith.shrui %select_n3A_321, %shift_right_logical3A_326 : i32
    %shift_left3A_328 = arith.constant 3 : i32
    %shift_left3A_329 = arith.shli %shift_right_logical3A_327, %shift_left3A_328 : i32
    %broadcast_in_dim3A = arith.constant 0.000000e+00 : f32
    %broadcast_in_dim3A_330 = vector.broadcast %broadcast_in_dim3A : f32 to vector<16xf32>
    %swap3A = arith.constant 0 : i32
    %swap3A_331 = arith.index_cast %swap3A : i32 to index
    %swap3A_332 = arith.constant 0 : index
    %swap3A_333 = tpu.vector_load %arg10[%swap3A_331, %swap3A_332] {strides = array<i32>} : memref<64x32xf32, #tpu.memory_space<vmem>>, vector<1x16xf32>,
    %swap3A_334 = vector.shape_cast %swap3A_333 : vector<1x16xf32> to vector<16xf32>
    %swap3A_335 = vector.shape_cast %broadcast_in_dim3A_330 : vector<16xf32> to vector<1x16xf32>
    tpu.vector_store %arg10[%swap3A_331, %swap3A_332], %swap3A_335 {strides = array<i32>} : memref<64x32xf32, #tpu.memory_space<vmem>>, vector<1x16xf32>,
    %swap3A_336 = arith.constant 0 : i32
    %swap3A_337 = arith.index_cast %swap3A_336 : i32 to index
    %swap3A_338 = arith.constant 16 : index
    %swap3A_339 = tpu.vector_load %arg10[%swap3A_337, %swap3A_338] {strides = array<i32>} : memref<64x32xf32, #tpu.memory_space<vmem>>, vector<1x16xf32>,
    %swap3A_340 = vector.shape_cast %swap3A_339 : vector<1x16xf32> to vector<16xf32>
    %swap3A_341 = vector.shape_cast %broadcast_in_dim3A_330 : vector<16xf32> to vector<1x16xf32>
    tpu.vector_store %arg10[%swap3A_337, %swap3A_338], %swap3A_341 {strides = array<i32>} : memref<64x32xf32, #tpu.memory_space<vmem>>, vector<1x16xf32>,
    %swap3A_342 = arith.constant 1 : i32
    %swap3A_343 = arith.index_cast %swap3A_342 : i32 to index
    %swap3A_344 = arith.constant 0 : index
    %swap3A_345 = tpu.vector_load %arg10[%swap3A_343, %swap3A_344] {strides = array<i32>} : memref<64x32xf32, #tpu.memory_space<vmem>>, vector<1x16xf32>,
    %swap3A_346 = vector.shape_cast %swap3A_345 : vector<1x16xf32> to vector<16xf32>
    %swap3A_347 = vector.shape_cast %broadcast_in_dim3A_330 : vector<16xf32> to vector<1x16xf32>
    tpu.vector_store %arg10[%swap3A_343, %swap3A_344], %swap3A_347 {strides = array<i32>} : memref<64x32xf32, #tpu.memory_space<vmem>>, vector<1x16xf32>,
    %swap3A_348 = arith.constant 1 : i32
    %swap3A_349 = arith.index_cast %swap3A_348 : i32 to index
    %swap3A_350 = arith.constant 16 : index
    %swap3A_351 = tpu.vector_load %arg10[%swap3A_349, %swap3A_350] {strides = array<i32>} : memref<64x32xf32, #tpu.memory_space<vmem>>, vector<1x16xf32>,
    %swap3A_352 = vector.shape_cast %swap3A_351 : vector<1x16xf32> to vector<16xf32>
    %swap3A_353 = vector.shape_cast %broadcast_in_dim3A_330 : vector<16xf32> to vector<1x16xf32>
    tpu.vector_store %arg10[%swap3A_349, %swap3A_350], %swap3A_353 {strides = array<i32>} : memref<64x32xf32, #tpu.memory_space<vmem>>, vector<1x16xf32>,
    %swap3A_354 = arith.constant 2 : i32
    %swap3A_355 = arith.index_cast %swap3A_354 : i32 to index
    %swap3A_356 = arith.constant 0 : index
    %swap3A_357 = tpu.vector_load %arg10[%swap3A_355, %swap3A_356] {strides = array<i32>} : memref<64x32xf32, #tpu.memory_space<vmem>>, vector<1x16xf32>,
    %swap3A_358 = vector.shape_cast %swap3A_357 : vector<1x16xf32> to vector<16xf32>
    %swap3A_359 = vector.shape_cast %broadcast_in_dim3A_330 : vector<16xf32> to vector<1x16xf32>
    tpu.vector_store %arg10[%swap3A_355, %swap3A_356], %swap3A_359 {strides = array<i32>} : memref<64x32xf32, #tpu.memory_space<vmem>>, vector<1x16xf32>,
    %swap3A_360 = arith.constant 2 : i32
    %swap3A_361 = arith.index_cast %swap3A_360 : i32 to index
    %swap3A_362 = arith.constant 16 : index
    %swap3A_363 = tpu.vector_load %arg10[%swap3A_361, %swap3A_362] {strides = array<i32>} : memref<64x32xf32, #tpu.memory_space<vmem>>, vector<1x16xf32>,
    %swap3A_364 = vector.shape_cast %swap3A_363 : vector<1x16xf32> to vector<16xf32>
    %swap3A_365 = vector.shape_cast %broadcast_in_dim3A_330 : vector<16xf32> to vector<1x16xf32>
    tpu.vector_store %arg10[%swap3A_361, %swap3A_362], %swap3A_365 {strides = array<i32>} : memref<64x32xf32, #tpu.memory_space<vmem>>, vector<1x16xf32>,
    %swap3A_366 = arith.constant 3 : i32
    %swap3A_367 = arith.index_cast %swap3A_366 : i32 to index
    %swap3A_368 = arith.constant 0 : index
    %swap3A_369 = tpu.vector_load %arg10[%swap3A_367, %swap3A_368] {strides = array<i32>} : memref<64x32xf32, #tpu.memory_space<vmem>>, vector<1x16xf32>,
    %swap3A_370 = vector.shape_cast %swap3A_369 : vector<1x16xf32> to vector<16xf32>
    %swap3A_371 = vector.shape_cast %broadcast_in_dim3A_330 : vector<16xf32> to vector<1x16xf32>
    tpu.vector_store %arg10[%swap3A_367, %swap3A_368], %swap3A_371 {strides = array<i32>} : memref<64x32xf32, #tpu.memory_space<vmem>>, vector<1x16xf32>,
    %swap3A_372 = arith.constant 3 : i32
    %swap3A_373 = arith.index_cast %swap3A_372 : i32 to index
    %swap3A_374 = arith.constant 16 : index
    %swap3A_375 = tpu.vector_load %arg10[%swap3A_373, %swap3A_374] {strides = array<i32>} : memref<64x32xf32, #tpu.memory_space<vmem>>, vector<1x16xf32>,
    %swap3A_376 = vector.shape_cast %swap3A_375 : vector<1x16xf32> to vector<16xf32>
    %swap3A_377 = vector.shape_cast %broadcast_in_dim3A_330 : vector<16xf32> to vector<1x16xf32>
    tpu.vector_store %arg10[%swap3A_373, %swap3A_374], %swap3A_377 {strides = array<i32>} : memref<64x32xf32, #tpu.memory_space<vmem>>, vector<1x16xf32>,
    %swap3A_378 = arith.constant 4 : i32
    %swap3A_379 = arith.index_cast %swap3A_378 : i32 to index
    %swap3A_380 = arith.constant 0 : index
    %swap3A_381 = tpu.vector_load %arg10[%swap3A_379, %swap3A_380] {strides = array<i32>} : memref<64x32xf32, #tpu.memory_space<vmem>>, vector<1x16xf32>,
    %swap3A_382 = vector.shape_cast %swap3A_381 : vector<1x16xf32> to vector<16xf32>
    %swap3A_383 = vector.shape_cast %broadcast_in_dim3A_330 : vector<16xf32> to vector<1x16xf32>
    tpu.vector_store %arg10[%swap3A_379, %swap3A_380], %swap3A_383 {strides = array<i32>} : memref<64x32xf32, #tpu.memory_space<vmem>>, vector<1x16xf32>,
    %swap3A_384 = arith.constant 4 : i32
    %swap3A_385 = arith.index_cast %swap3A_384 : i32 to index
    %swap3A_386 = arith.constant 16 : index
    %swap3A_387 = tpu.vector_load %arg10[%swap3A_385, %swap3A_386] {strides = array<i32>} : memref<64x32xf32, #tpu.memory_space<vmem>>, vector<1x16xf32>,
    %swap3A_388 = vector.shape_cast %swap3A_387 : vector<1x16xf32> to vector<16xf32>
    %swap3A_389 = vector.shape_cast %broadcast_in_dim3A_330 : vector<16xf32> to vector<1x16xf32>
    tpu.vector_store %arg10[%swap3A_385, %swap3A_386], %swap3A_389 {strides = array<i32>} : memref<64x32xf32, #tpu.memory_space<vmem>>, vector<1x16xf32>,
    %swap3A_390 = arith.constant 5 : i32
    %swap3A_391 = arith.index_cast %swap3A_390 : i32 to index
    %swap3A_392 = arith.constant 0 : index
    %swap3A_393 = tpu.vector_load %arg10[%swap3A_391, %swap3A_392] {strides = array<i32>} : memref<64x32xf32, #tpu.memory_space<vmem>>, vector<1x16xf32>,
    %swap3A_394 = vector.shape_cast %swap3A_393 : vector<1x16xf32> to vector<16xf32>
    %swap3A_395 = vector.shape_cast %broadcast_in_dim3A_330 : vector<16xf32> to vector<1x16xf32>
    tpu.vector_store %arg10[%swap3A_391, %swap3A_392], %swap3A_395 {strides = array<i32>} : memref<64x32xf32, #tpu.memory_space<vmem>>, vector<1x16xf32>,
    %swap3A_396 = arith.constant 5 : i32
    %swap3A_397 = arith.index_cast %swap3A_396 : i32 to index
    %swap3A_398 = arith.constant 16 : index
    %swap3A_399 = tpu.vector_load %arg10[%swap3A_397, %swap3A_398] {strides = array<i32>} : memref<64x32xf32, #tpu.memory_space<vmem>>, vector<1x16xf32>,
    %swap3A_400 = vector.shape_cast %swap3A_399 : vector<1x16xf32> to vector<16xf32>
    %swap3A_401 = vector.shape_cast %broadcast_in_dim3A_330 : vector<16xf32> to vector<1x16xf32>
    tpu.vector_store %arg10[%swap3A_397, %swap3A_398], %swap3A_401 {strides = array<i32>} : memref<64x32xf32, #tpu.memory_space<vmem>>, vector<1x16xf32>,
    %swap3A_402 = arith.constant 6 : i32
    %swap3A_403 = arith.index_cast %swap3A_402 : i32 to index
    %swap3A_404 = arith.constant 0 : index
    %swap3A_405 = tpu.vector_load %arg10[%swap3A_403, %swap3A_404] {strides = array<i32>} : memref<64x32xf32, #tpu.memory_space<vmem>>, vector<1x16xf32>,
    %swap3A_406 = vector.shape_cast %swap3A_405 : vector<1x16xf32> to vector<16xf32>
    %swap3A_407 = vector.shape_cast %broadcast_in_dim3A_330 : vector<16xf32> to vector<1x16xf32>
    tpu.vector_store %arg10[%swap3A_403, %swap3A_404], %swap3A_407 {strides = array<i32>} : memref<64x32xf32, #tpu.memory_space<vmem>>, vector<1x16xf32>,
    %swap3A_408 = arith.constant 6 : i32
    %swap3A_409 = arith.index_cast %swap3A_408 : i32 to index
    %swap3A_410 = arith.constant 16 : index
    %swap3A_411 = tpu.vector_load %arg10[%swap3A_409, %swap3A_410] {strides = array<i32>} : memref<64x32xf32, #tpu.memory_space<vmem>>, vector<1x16xf32>,
    %swap3A_412 = vector.shape_cast %swap3A_411 : vector<1x16xf32> to vector<16xf32>
    %swap3A_413 = vector.shape_cast %broadcast_in_dim3A_330 : vector<16xf32> to vector<1x16xf32>
    tpu.vector_store %arg10[%swap3A_409, %swap3A_410], %swap3A_413 {strides = array<i32>} : memref<64x32xf32, #tpu.memory_space<vmem>>, vector<1x16xf32>,
    %swap3A_414 = arith.constant 7 : i32
    %swap3A_415 = arith.index_cast %swap3A_414 : i32 to index
    %swap3A_416 = arith.constant 0 : index
    %swap3A_417 = tpu.vector_load %arg10[%swap3A_415, %swap3A_416] {strides = array<i32>} : memref<64x32xf32, #tpu.memory_space<vmem>>, vector<1x16xf32>,
    %swap3A_418 = vector.shape_cast %swap3A_417 : vector<1x16xf32> to vector<16xf32>
    %swap3A_419 = vector.shape_cast %broadcast_in_dim3A_330 : vector<16xf32> to vector<1x16xf32>
    tpu.vector_store %arg10[%swap3A_415, %swap3A_416], %swap3A_419 {strides = array<i32>} : memref<64x32xf32, #tpu.memory_space<vmem>>, vector<1x16xf32>,
    %swap3A_420 = arith.constant 7 : i32
    %swap3A_421 = arith.index_cast %swap3A_420 : i32 to index
    %swap3A_422 = arith.constant 16 : index
    %swap3A_423 = tpu.vector_load %arg10[%swap3A_421, %swap3A_422] {strides = array<i32>} : memref<64x32xf32, #tpu.memory_space<vmem>>, vector<1x16xf32>,
    %swap3A_424 = vector.shape_cast %swap3A_423 : vector<1x16xf32> to vector<16xf32>
    %swap3A_425 = vector.shape_cast %broadcast_in_dim3A_330 : vector<16xf32> to vector<1x16xf32>
    tpu.vector_store %arg10[%swap3A_421, %swap3A_422], %swap3A_425 {strides = array<i32>} : memref<64x32xf32, #tpu.memory_space<vmem>>, vector<1x16xf32>,
    %swap3A_426 = arith.constant 8 : i32
    %swap3A_427 = arith.index_cast %swap3A_426 : i32 to index
    %swap3A_428 = arith.constant 0 : index
    %swap3A_429 = tpu.vector_load %arg10[%swap3A_427, %swap3A_428] {strides = array<i32>} : memref<64x32xf32, #tpu.memory_space<vmem>>, vector<1x16xf32>,
    %swap3A_430 = vector.shape_cast %swap3A_429 : vector<1x16xf32> to vector<16xf32>
    %swap3A_431 = vector.shape_cast %broadcast_in_dim3A_330 : vector<16xf32> to vector<1x16xf32>
    tpu.vector_store %arg10[%swap3A_427, %swap3A_428], %swap3A_431 {strides = array<i32>} : memref<64x32xf32, #tpu.memory_space<vmem>>, vector<1x16xf32>,
    %swap3A_432 = arith.constant 8 : i32
    %swap3A_433 = arith.index_cast %swap3A_432 : i32 to index
    %swap3A_434 = arith.constant 16 : index
    %swap3A_435 = tpu.vector_load %arg10[%swap3A_433, %swap3A_434] {strides = array<i32>} : memref<64x32xf32, #tpu.memory_space<vmem>>, vector<1x16xf32>,
    %swap3A_436 = vector.shape_cast %swap3A_435 : vector<1x16xf32> to vector<16xf32>
    %swap3A_437 = vector.shape_cast %broadcast_in_dim3A_330 : vector<16xf32> to vector<1x16xf32>
    tpu.vector_store %arg10[%swap3A_433, %swap3A_434], %swap3A_437 {strides = array<i32>} : memref<64x32xf32, #tpu.memory_space<vmem>>, vector<1x16xf32>,
    %swap3A_438 = arith.constant 9 : i32
    %swap3A_439 = arith.index_cast %swap3A_438 : i32 to index
    %swap3A_440 = arith.constant 0 : index
    %swap3A_441 = tpu.vector_load %arg10[%swap3A_439, %swap3A_440] {strides = array<i32>} : memref<64x32xf32, #tpu.memory_space<vmem>>, vector<1x16xf32>,
    %swap3A_442 = vector.shape_cast %swap3A_441 : vector<1x16xf32> to vector<16xf32>
    %swap3A_443 = vector.shape_cast %broadcast_in_dim3A_330 : vector<16xf32> to vector<1x16xf32>
    tpu.vector_store %arg10[%swap3A_439, %swap3A_440], %swap3A_443 {strides = array<i32>} : memref<64x32xf32, #tpu.memory_space<vmem>>, vector<1x16xf32>,
    %swap3A_444 = arith.constant 9 : i32
    %swap3A_445 = arith.index_cast %swap3A_444 : i32 to index
    %swap3A_446 = arith.constant 16 : index
    %swap3A_447 = tpu.vector_load %arg10[%swap3A_445, %swap3A_446] {strides = array<i32>} : memref<64x32xf32, #tpu.memory_space<vmem>>, vector<1x16xf32>,
    %swap3A_448 = vector.shape_cast %swap3A_447 : vector<1x16xf32> to vector<16xf32>
    %swap3A_449 = vector.shape_cast %broadcast_in_dim3A_330 : vector<16xf32> to vector<1x16xf32>
    tpu.vector_store %arg10[%swap3A_445, %swap3A_446], %swap3A_449 {strides = array<i32>} : memref<64x32xf32, #tpu.memory_space<vmem>>, vector<1x16xf32>,
    %swap3A_450 = arith.constant 10 : i32
    %swap3A_451 = arith.index_cast %swap3A_450 : i32 to index
    %swap3A_452 = arith.constant 0 : index
    %swap3A_453 = tpu.vector_load %arg10[%swap3A_451, %swap3A_452] {strides = array<i32>} : memref<64x32xf32, #tpu.memory_space<vmem>>, vector<1x16xf32>,
    %swap3A_454 = vector.shape_cast %swap3A_453 : vector<1x16xf32> to vector<16xf32>
    %swap3A_455 = vector.shape_cast %broadcast_in_dim3A_330 : vector<16xf32> to vector<1x16xf32>
    tpu.vector_store %arg10[%swap3A_451, %swap3A_452], %swap3A_455 {strides = array<i32>} : memref<64x32xf32, #tpu.memory_space<vmem>>, vector<1x16xf32>,
    %swap3A_456 = arith.constant 10 : i32
    %swap3A_457 = arith.index_cast %swap3A_456 : i32 to index
    %swap3A_458 = arith.constant 16 : index
    %swap3A_459 = tpu.vector_load %arg10[%swap3A_457, %swap3A_458] {strides = array<i32>} : memref<64x32xf32, #tpu.memory_space<vmem>>, vector<1x16xf32>,
    %swap3A_460 = vector.shape_cast %swap3A_459 : vector<1x16xf32> to vector<16xf32>
    %swap3A_461 = vector.shape_cast %broadcast_in_dim3A_330 : vector<16xf32> to vector<1x16xf32>
    tpu.vector_store %arg10[%swap3A_457, %swap3A_458], %swap3A_461 {strides = array<i32>} : memref<64x32xf32, #tpu.memory_space<vmem>>, vector<1x16xf32>,
    %swap3A_462 = arith.constant 11 : i32
    %swap3A_463 = arith.index_cast %swap3A_462 : i32 to index
    %swap3A_464 = arith.constant 0 : index
    %swap3A_465 = tpu.vector_load %arg10[%swap3A_463, %swap3A_464] {strides = array<i32>} : memref<64x32xf32, #tpu.memory_space<vmem>>, vector<1x16xf32>,
    %swap3A_466 = vector.shape_cast %swap3A_465 : vector<1x16xf32> to vector<16xf32>
    %swap3A_467 = vector.shape_cast %broadcast_in_dim3A_330 : vector<16xf32> to vector<1x16xf32>
    tpu.vector_store %arg10[%swap3A_463, %swap3A_464], %swap3A_467 {strides = array<i32>} : memref<64x32xf32, #tpu.memory_space<vmem>>, vector<1x16xf32>,
    %swap3A_468 = arith.constant 11 : i32
    %swap3A_469 = arith.index_cast %swap3A_468 : i32 to index
    %swap3A_470 = arith.constant 16 : index
    %swap3A_471 = tpu.vector_load %arg10[%swap3A_469, %swap3A_470] {strides = array<i32>} : memref<64x32xf32, #tpu.memory_space<vmem>>, vector<1x16xf32>,
    %swap3A_472 = vector.shape_cast %swap3A_471 : vector<1x16xf32> to vector<16xf32>
    %swap3A_473 = vector.shape_cast %broadcast_in_dim3A_330 : vector<16xf32> to vector<1x16xf32>
    tpu.vector_store %arg10[%swap3A_469, %swap3A_470], %swap3A_473 {strides = array<i32>} : memref<64x32xf32, #tpu.memory_space<vmem>>, vector<1x16xf32>,
    %swap3A_474 = arith.constant 12 : i32
    %swap3A_475 = arith.index_cast %swap3A_474 : i32 to index
    %swap3A_476 = arith.constant 0 : index
    %swap3A_477 = tpu.vector_load %arg10[%swap3A_475, %swap3A_476] {strides = array<i32>} : memref<64x32xf32, #tpu.memory_space<vmem>>, vector<1x16xf32>,
    %swap3A_478 = vector.shape_cast %swap3A_477 : vector<1x16xf32> to vector<16xf32>
    %swap3A_479 = vector.shape_cast %broadcast_in_dim3A_330 : vector<16xf32> to vector<1x16xf32>
    tpu.vector_store %arg10[%swap3A_475, %swap3A_476], %swap3A_479 {strides = array<i32>} : memref<64x32xf32, #tpu.memory_space<vmem>>, vector<1x16xf32>,
    %swap3A_480 = arith.constant 12 : i32
    %swap3A_481 = arith.index_cast %swap3A_480 : i32 to index
    %swap3A_482 = arith.constant 16 : index
    %swap3A_483 = tpu.vector_load %arg10[%swap3A_481, %swap3A_482] {strides = array<i32>} : memref<64x32xf32, #tpu.memory_space<vmem>>, vector<1x16xf32>,
    %swap3A_484 = vector.shape_cast %swap3A_483 : vector<1x16xf32> to vector<16xf32>
    %swap3A_485 = vector.shape_cast %broadcast_in_dim3A_330 : vector<16xf32> to vector<1x16xf32>
    tpu.vector_store %arg10[%swap3A_481, %swap3A_482], %swap3A_485 {strides = array<i32>} : memref<64x32xf32, #tpu.memory_space<vmem>>, vector<1x16xf32>,
    %swap3A_486 = arith.constant 13 : i32
    %swap3A_487 = arith.index_cast %swap3A_486 : i32 to index
    %swap3A_488 = arith.constant 0 : index
    %swap3A_489 = tpu.vector_load %arg10[%swap3A_487, %swap3A_488] {strides = array<i32>} : memref<64x32xf32, #tpu.memory_space<vmem>>, vector<1x16xf32>,
    %swap3A_490 = vector.shape_cast %swap3A_489 : vector<1x16xf32> to vector<16xf32>
    %swap3A_491 = vector.shape_cast %broadcast_in_dim3A_330 : vector<16xf32> to vector<1x16xf32>
    tpu.vector_store %arg10[%swap3A_487, %swap3A_488], %swap3A_491 {strides = array<i32>} : memref<64x32xf32, #tpu.memory_space<vmem>>, vector<1x16xf32>,
    %swap3A_492 = arith.constant 13 : i32
    %swap3A_493 = arith.index_cast %swap3A_492 : i32 to index
    %swap3A_494 = arith.constant 16 : index
    %swap3A_495 = tpu.vector_load %arg10[%swap3A_493, %swap3A_494] {strides = array<i32>} : memref<64x32xf32, #tpu.memory_space<vmem>>, vector<1x16xf32>,
    %swap3A_496 = vector.shape_cast %swap3A_495 : vector<1x16xf32> to vector<16xf32>
    %swap3A_497 = vector.shape_cast %broadcast_in_dim3A_330 : vector<16xf32> to vector<1x16xf32>
    tpu.vector_store %arg10[%swap3A_493, %swap3A_494], %swap3A_497 {strides = array<i32>} : memref<64x32xf32, #tpu.memory_space<vmem>>, vector<1x16xf32>,
    %swap3A_498 = arith.constant 14 : i32
    %swap3A_499 = arith.index_cast %swap3A_498 : i32 to index
    %swap3A_500 = arith.constant 0 : index
    %swap3A_501 = tpu.vector_load %arg10[%swap3A_499, %swap3A_500] {strides = array<i32>} : memref<64x32xf32, #tpu.memory_space<vmem>>, vector<1x16xf32>,
    %swap3A_502 = vector.shape_cast %swap3A_501 : vector<1x16xf32> to vector<16xf32>
    %swap3A_503 = vector.shape_cast %broadcast_in_dim3A_330 : vector<16xf32> to vector<1x16xf32>
    tpu.vector_store %arg10[%swap3A_499, %swap3A_500], %swap3A_503 {strides = array<i32>} : memref<64x32xf32, #tpu.memory_space<vmem>>, vector<1x16xf32>,
    %swap3A_504 = arith.constant 14 : i32
    %swap3A_505 = arith.index_cast %swap3A_504 : i32 to index
    %swap3A_506 = arith.constant 16 : index
    %swap3A_507 = tpu.vector_load %arg10[%swap3A_505, %swap3A_506] {strides = array<i32>} : memref<64x32xf32, #tpu.memory_space<vmem>>, vector<1x16xf32>,
    %swap3A_508 = vector.shape_cast %swap3A_507 : vector<1x16xf32> to vector<16xf32>
    %swap3A_509 = vector.shape_cast %broadcast_in_dim3A_330 : vector<16xf32> to vector<1x16xf32>
    tpu.vector_store %arg10[%swap3A_505, %swap3A_506], %swap3A_509 {strides = array<i32>} : memref<64x32xf32, #tpu.memory_space<vmem>>, vector<1x16xf32>,
    %swap3A_510 = arith.constant 15 : i32
    %swap3A_511 = arith.index_cast %swap3A_510 : i32 to index
    %swap3A_512 = arith.constant 0 : index
    %swap3A_513 = tpu.vector_load %arg10[%swap3A_511, %swap3A_512] {strides = array<i32>} : memref<64x32xf32, #tpu.memory_space<vmem>>, vector<1x16xf32>,
    %swap3A_514 = vector.shape_cast %swap3A_513 : vector<1x16xf32> to vector<16xf32>
    %swap3A_515 = vector.shape_cast %broadcast_in_dim3A_330 : vector<16xf32> to vector<1x16xf32>
    tpu.vector_store %arg10[%swap3A_511, %swap3A_512], %swap3A_515 {strides = array<i32>} : memref<64x32xf32, #tpu.memory_space<vmem>>, vector<1x16xf32>,
    %swap3A_516 = arith.constant 15 : i32
    %swap3A_517 = arith.index_cast %swap3A_516 : i32 to index
    %swap3A_518 = arith.constant 16 : index
    %swap3A_519 = tpu.vector_load %arg10[%swap3A_517, %swap3A_518] {strides = array<i32>} : memref<64x32xf32, #tpu.memory_space<vmem>>, vector<1x16xf32>,
    %swap3A_520 = vector.shape_cast %swap3A_519 : vector<1x16xf32> to vector<16xf32>
    %swap3A_521 = vector.shape_cast %broadcast_in_dim3A_330 : vector<16xf32> to vector<1x16xf32>
    tpu.vector_store %arg10[%swap3A_517, %swap3A_518], %swap3A_521 {strides = array<i32>} : memref<64x32xf32, #tpu.memory_space<vmem>>, vector<1x16xf32>,
    %swap3A_522 = arith.constant 16 : i32
    %swap3A_523 = arith.index_cast %swap3A_522 : i32 to index
    %swap3A_524 = arith.constant 0 : index
    %swap3A_525 = tpu.vector_load %arg10[%swap3A_523, %swap3A_524] {strides = array<i32>} : memref<64x32xf32, #tpu.memory_space<vmem>>, vector<1x16xf32>,
    %swap3A_526 = vector.shape_cast %swap3A_525 : vector<1x16xf32> to vector<16xf32>
    %swap3A_527 = vector.shape_cast %broadcast_in_dim3A_330 : vector<16xf32> to vector<1x16xf32>
    tpu.vector_store %arg10[%swap3A_523, %swap3A_524], %swap3A_527 {strides = array<i32>} : memref<64x32xf32, #tpu.memory_space<vmem>>, vector<1x16xf32>,
    %swap3A_528 = arith.constant 16 : i32
    %swap3A_529 = arith.index_cast %swap3A_528 : i32 to index
    %swap3A_530 = arith.constant 16 : index
    %swap3A_531 = tpu.vector_load %arg10[%swap3A_529, %swap3A_530] {strides = array<i32>} : memref<64x32xf32, #tpu.memory_space<vmem>>, vector<1x16xf32>,
    %swap3A_532 = vector.shape_cast %swap3A_531 : vector<1x16xf32> to vector<16xf32>
    %swap3A_533 = vector.shape_cast %broadcast_in_dim3A_330 : vector<16xf32> to vector<1x16xf32>
    tpu.vector_store %arg10[%swap3A_529, %swap3A_530], %swap3A_533 {strides = array<i32>} : memref<64x32xf32, #tpu.memory_space<vmem>>, vector<1x16xf32>,
    %swap3A_534 = arith.constant 17 : i32
    %swap3A_535 = arith.index_cast %swap3A_534 : i32 to index
    %swap3A_536 = arith.constant 0 : index
    %swap3A_537 = tpu.vector_load %arg10[%swap3A_535, %swap3A_536] {strides = array<i32>} : memref<64x32xf32, #tpu.memory_space<vmem>>, vector<1x16xf32>,
    %swap3A_538 = vector.shape_cast %swap3A_537 : vector<1x16xf32> to vector<16xf32>
    %swap3A_539 = vector.shape_cast %broadcast_in_dim3A_330 : vector<16xf32> to vector<1x16xf32>
    tpu.vector_store %arg10[%swap3A_535, %swap3A_536], %swap3A_539 {strides = array<i32>} : memref<64x32xf32, #tpu.memory_space<vmem>>, vector<1x16xf32>,
    %swap3A_540 = arith.constant 17 : i32
    %swap3A_541 = arith.index_cast %swap3A_540 : i32 to index
    %swap3A_542 = arith.constant 16 : index
    %swap3A_543 = tpu.vector_load %arg10[%swap3A_541, %swap3A_542] {strides = array<i32>} : memref<64x32xf32, #tpu.memory_space<vmem>>, vector<1x16xf32>,
    %swap3A_544 = vector.shape_cast %swap3A_543 : vector<1x16xf32> to vector<16xf32>
    %swap3A_545 = vector.shape_cast %broadcast_in_dim3A_330 : vector<16xf32> to vector<1x16xf32>
    tpu.vector_store %arg10[%swap3A_541, %swap3A_542], %swap3A_545 {strides = array<i32>} : memref<64x32xf32, #tpu.memory_space<vmem>>, vector<1x16xf32>,
    %swap3A_546 = arith.constant 18 : i32
    %swap3A_547 = arith.index_cast %swap3A_546 : i32 to index
    %swap3A_548 = arith.constant 0 : index
    %swap3A_549 = tpu.vector_load %arg10[%swap3A_547, %swap3A_548] {strides = array<i32>} : memref<64x32xf32, #tpu.memory_space<vmem>>, vector<1x16xf32>,
    %swap3A_550 = vector.shape_cast %swap3A_549 : vector<1x16xf32> to vector<16xf32>
    %swap3A_551 = vector.shape_cast %broadcast_in_dim3A_330 : vector<16xf32> to vector<1x16xf32>
    tpu.vector_store %arg10[%swap3A_547, %swap3A_548], %swap3A_551 {strides = array<i32>} : memref<64x32xf32, #tpu.memory_space<vmem>>, vector<1x16xf32>,
    %swap3A_552 = arith.constant 18 : i32
    %swap3A_553 = arith.index_cast %swap3A_552 : i32 to index
    %swap3A_554 = arith.constant 16 : index
    %swap3A_555 = tpu.vector_load %arg10[%swap3A_553, %swap3A_554] {strides = array<i32>} : memref<64x32xf32, #tpu.memory_space<vmem>>, vector<1x16xf32>,
    %swap3A_556 = vector.shape_cast %swap3A_555 : vector<1x16xf32> to vector<16xf32>
    %swap3A_557 = vector.shape_cast %broadcast_in_dim3A_330 : vector<16xf32> to vector<1x16xf32>
    tpu.vector_store %arg10[%swap3A_553, %swap3A_554], %swap3A_557 {strides = array<i32>} : memref<64x32xf32, #tpu.memory_space<vmem>>, vector<1x16xf32>,
    %swap3A_558 = arith.constant 19 : i32
    %swap3A_559 = arith.index_cast %swap3A_558 : i32 to index
    %swap3A_560 = arith.constant 0 : index
    %swap3A_561 = tpu.vector_load %arg10[%swap3A_559, %swap3A_560] {strides = array<i32>} : memref<64x32xf32, #tpu.memory_space<vmem>>, vector<1x16xf32>,
    %swap3A_562 = vector.shape_cast %swap3A_561 : vector<1x16xf32> to vector<16xf32>
    %swap3A_563 = vector.shape_cast %broadcast_in_dim3A_330 : vector<16xf32> to vector<1x16xf32>
    tpu.vector_store %arg10[%swap3A_559, %swap3A_560], %swap3A_563 {strides = array<i32>} : memref<64x32xf32, #tpu.memory_space<vmem>>, vector<1x16xf32>,
    %swap3A_564 = arith.constant 19 : i32
    %swap3A_565 = arith.index_cast %swap3A_564 : i32 to index
    %swap3A_566 = arith.constant 16 : index
    %swap3A_567 = tpu.vector_load %arg10[%swap3A_565, %swap3A_566] {strides = array<i32>} : memref<64x32xf32, #tpu.memory_space<vmem>>, vector<1x16xf32>,
    %swap3A_568 = vector.shape_cast %swap3A_567 : vector<1x16xf32> to vector<16xf32>
    %swap3A_569 = vector.shape_cast %broadcast_in_dim3A_330 : vector<16xf32> to vector<1x16xf32>
    tpu.vector_store %arg10[%swap3A_565, %swap3A_566], %swap3A_569 {strides = array<i32>} : memref<64x32xf32, #tpu.memory_space<vmem>>, vector<1x16xf32>,
    %swap3A_570 = arith.constant 20 : i32
    %swap3A_571 = arith.index_cast %swap3A_570 : i32 to index
    %swap3A_572 = arith.constant 0 : index
    %swap3A_573 = tpu.vector_load %arg10[%swap3A_571, %swap3A_572] {strides = array<i32>} : memref<64x32xf32, #tpu.memory_space<vmem>>, vector<1x16xf32>,
    %swap3A_574 = vector.shape_cast %swap3A_573 : vector<1x16xf32> to vector<16xf32>
    %swap3A_575 = vector.shape_cast %broadcast_in_dim3A_330 : vector<16xf32> to vector<1x16xf32>
    tpu.vector_store %arg10[%swap3A_571, %swap3A_572], %swap3A_575 {strides = array<i32>} : memref<64x32xf32, #tpu.memory_space<vmem>>, vector<1x16xf32>,
    %swap3A_576 = arith.constant 20 : i32
    %swap3A_577 = arith.index_cast %swap3A_576 : i32 to index
    %swap3A_578 = arith.constant 16 : index
    %swap3A_579 = tpu.vector_load %arg10[%swap3A_577, %swap3A_578] {strides = array<i32>} : memref<64x32xf32, #tpu.memory_space<vmem>>, vector<1x16xf32>,
    %swap3A_580 = vector.shape_cast %swap3A_579 : vector<1x16xf32> to vector<16xf32>
    %swap3A_581 = vector.shape_cast %broadcast_in_dim3A_330 : vector<16xf32> to vector<1x16xf32>
    tpu.vector_store %arg10[%swap3A_577, %swap3A_578], %swap3A_581 {strides = array<i32>} : memref<64x32xf32, #tpu.memory_space<vmem>>, vector<1x16xf32>,
    %swap3A_582 = arith.constant 21 : i32
    %swap3A_583 = arith.index_cast %swap3A_582 : i32 to index
    %swap3A_584 = arith.constant 0 : index
    %swap3A_585 = tpu.vector_load %arg10[%swap3A_583, %swap3A_584] {strides = array<i32>} : memref<64x32xf32, #tpu.memory_space<vmem>>, vector<1x16xf32>,
    %swap3A_586 = vector.shape_cast %swap3A_585 : vector<1x16xf32> to vector<16xf32>
    %swap3A_587 = vector.shape_cast %broadcast_in_dim3A_330 : vector<16xf32> to vector<1x16xf32>
    tpu.vector_store %arg10[%swap3A_583, %swap3A_584], %swap3A_587 {strides = array<i32>} : memref<64x32xf32, #tpu.memory_space<vmem>>, vector<1x16xf32>,
    %swap3A_588 = arith.constant 21 : i32
    %swap3A_589 = arith.index_cast %swap3A_588 : i32 to index
    %swap3A_590 = arith.constant 16 : index
    %swap3A_591 = tpu.vector_load %arg10[%swap3A_589, %swap3A_590] {strides = array<i32>} : memref<64x32xf32, #tpu.memory_space<vmem>>, vector<1x16xf32>,
    %swap3A_592 = vector.shape_cast %swap3A_591 : vector<1x16xf32> to vector<16xf32>
    %swap3A_593 = vector.shape_cast %broadcast_in_dim3A_330 : vector<16xf32> to vector<1x16xf32>
    tpu.vector_store %arg10[%swap3A_589, %swap3A_590], %swap3A_593 {strides = array<i32>} : memref<64x32xf32, #tpu.memory_space<vmem>>, vector<1x16xf32>,
    %swap3A_594 = arith.constant 22 : i32
    %swap3A_595 = arith.index_cast %swap3A_594 : i32 to index
    %swap3A_596 = arith.constant 0 : index
    %swap3A_597 = tpu.vector_load %arg10[%swap3A_595, %swap3A_596] {strides = array<i32>} : memref<64x32xf32, #tpu.memory_space<vmem>>, vector<1x16xf32>,
    %swap3A_598 = vector.shape_cast %swap3A_597 : vector<1x16xf32> to vector<16xf32>
    %swap3A_599 = vector.shape_cast %broadcast_in_dim3A_330 : vector<16xf32> to vector<1x16xf32>
    tpu.vector_store %arg10[%swap3A_595, %swap3A_596], %swap3A_599 {strides = array<i32>} : memref<64x32xf32, #tpu.memory_space<vmem>>, vector<1x16xf32>,
    %swap3A_600 = arith.constant 22 : i32
    %swap3A_601 = arith.index_cast %swap3A_600 : i32 to index
    %swap3A_602 = arith.constant 16 : index
    %swap3A_603 = tpu.vector_load %arg10[%swap3A_601, %swap3A_602] {strides = array<i32>} : memref<64x32xf32, #tpu.memory_space<vmem>>, vector<1x16xf32>,
    %swap3A_604 = vector.shape_cast %swap3A_603 : vector<1x16xf32> to vector<16xf32>
    %swap3A_605 = vector.shape_cast %broadcast_in_dim3A_330 : vector<16xf32> to vector<1x16xf32>
    tpu.vector_store %arg10[%swap3A_601, %swap3A_602], %swap3A_605 {strides = array<i32>} : memref<64x32xf32, #tpu.memory_space<vmem>>, vector<1x16xf32>,
    %swap3A_606 = arith.constant 23 : i32
    %swap3A_607 = arith.index_cast %swap3A_606 : i32 to index
    %swap3A_608 = arith.constant 0 : index
    %swap3A_609 = tpu.vector_load %arg10[%swap3A_607, %swap3A_608] {strides = array<i32>} : memref<64x32xf32, #tpu.memory_space<vmem>>, vector<1x16xf32>,
    %swap3A_610 = vector.shape_cast %swap3A_609 : vector<1x16xf32> to vector<16xf32>
    %swap3A_611 = vector.shape_cast %broadcast_in_dim3A_330 : vector<16xf32> to vector<1x16xf32>
    tpu.vector_store %arg10[%swap3A_607, %swap3A_608], %swap3A_611 {strides = array<i32>} : memref<64x32xf32, #tpu.memory_space<vmem>>, vector<1x16xf32>,
    %swap3A_612 = arith.constant 23 : i32
    %swap3A_613 = arith.index_cast %swap3A_612 : i32 to index
    %swap3A_614 = arith.constant 16 : index
    %swap3A_615 = tpu.vector_load %arg10[%swap3A_613, %swap3A_614] {strides = array<i32>} : memref<64x32xf32, #tpu.memory_space<vmem>>, vector<1x16xf32>,
    %swap3A_616 = vector.shape_cast %swap3A_615 : vector<1x16xf32> to vector<16xf32>
    %swap3A_617 = vector.shape_cast %broadcast_in_dim3A_330 : vector<16xf32> to vector<1x16xf32>
    tpu.vector_store %arg10[%swap3A_613, %swap3A_614], %swap3A_617 {strides = array<i32>} : memref<64x32xf32, #tpu.memory_space<vmem>>, vector<1x16xf32>,
    %swap3A_618 = arith.constant 24 : i32
    %swap3A_619 = arith.index_cast %swap3A_618 : i32 to index
    %swap3A_620 = arith.constant 0 : index
    %swap3A_621 = tpu.vector_load %arg10[%swap3A_619, %swap3A_620] {strides = array<i32>} : memref<64x32xf32, #tpu.memory_space<vmem>>, vector<1x16xf32>,
    %swap3A_622 = vector.shape_cast %swap3A_621 : vector<1x16xf32> to vector<16xf32>
    %swap3A_623 = vector.shape_cast %broadcast_in_dim3A_330 : vector<16xf32> to vector<1x16xf32>
    tpu.vector_store %arg10[%swap3A_619, %swap3A_620], %swap3A_623 {strides = array<i32>} : memref<64x32xf32, #tpu.memory_space<vmem>>, vector<1x16xf32>,
    %swap3A_624 = arith.constant 24 : i32
    %swap3A_625 = arith.index_cast %swap3A_624 : i32 to index
    %swap3A_626 = arith.constant 16 : index
    %swap3A_627 = tpu.vector_load %arg10[%swap3A_625, %swap3A_626] {strides = array<i32>} : memref<64x32xf32, #tpu.memory_space<vmem>>, vector<1x16xf32>,
    %swap3A_628 = vector.shape_cast %swap3A_627 : vector<1x16xf32> to vector<16xf32>
    %swap3A_629 = vector.shape_cast %broadcast_in_dim3A_330 : vector<16xf32> to vector<1x16xf32>
    tpu.vector_store %arg10[%swap3A_625, %swap3A_626], %swap3A_629 {strides = array<i32>} : memref<64x32xf32, #tpu.memory_space<vmem>>, vector<1x16xf32>,
    %swap3A_630 = arith.constant 25 : i32
    %swap3A_631 = arith.index_cast %swap3A_630 : i32 to index
    %swap3A_632 = arith.constant 0 : index
    %swap3A_633 = tpu.vector_load %arg10[%swap3A_631, %swap3A_632] {strides = array<i32>} : memref<64x32xf32, #tpu.memory_space<vmem>>, vector<1x16xf32>,
    %swap3A_634 = vector.shape_cast %swap3A_633 : vector<1x16xf32> to vector<16xf32>
    %swap3A_635 = vector.shape_cast %broadcast_in_dim3A_330 : vector<16xf32> to vector<1x16xf32>
    tpu.vector_store %arg10[%swap3A_631, %swap3A_632], %swap3A_635 {strides = array<i32>} : memref<64x32xf32, #tpu.memory_space<vmem>>, vector<1x16xf32>,
    %swap3A_636 = arith.constant 25 : i32
    %swap3A_637 = arith.index_cast %swap3A_636 : i32 to index
    %swap3A_638 = arith.constant 16 : index
    %swap3A_639 = tpu.vector_load %arg10[%swap3A_637, %swap3A_638] {strides = array<i32>} : memref<64x32xf32, #tpu.memory_space<vmem>>, vector<1x16xf32>,
    %swap3A_640 = vector.shape_cast %swap3A_639 : vector<1x16xf32> to vector<16xf32>
    %swap3A_641 = vector.shape_cast %broadcast_in_dim3A_330 : vector<16xf32> to vector<1x16xf32>
    tpu.vector_store %arg10[%swap3A_637, %swap3A_638], %swap3A_641 {strides = array<i32>} : memref<64x32xf32, #tpu.memory_space<vmem>>, vector<1x16xf32>,
    %swap3A_642 = arith.constant 26 : i32
    %swap3A_643 = arith.index_cast %swap3A_642 : i32 to index
    %swap3A_644 = arith.constant 0 : index
    %swap3A_645 = tpu.vector_load %arg10[%swap3A_643, %swap3A_644] {strides = array<i32>} : memref<64x32xf32, #tpu.memory_space<vmem>>, vector<1x16xf32>,
    %swap3A_646 = vector.shape_cast %swap3A_645 : vector<1x16xf32> to vector<16xf32>
    %swap3A_647 = vector.shape_cast %broadcast_in_dim3A_330 : vector<16xf32> to vector<1x16xf32>
    tpu.vector_store %arg10[%swap3A_643, %swap3A_644], %swap3A_647 {strides = array<i32>} : memref<64x32xf32, #tpu.memory_space<vmem>>, vector<1x16xf32>,
    %swap3A_648 = arith.constant 26 : i32
    %swap3A_649 = arith.index_cast %swap3A_648 : i32 to index
    %swap3A_650 = arith.constant 16 : index
    %swap3A_651 = tpu.vector_load %arg10[%swap3A_649, %swap3A_650] {strides = array<i32>} : memref<64x32xf32, #tpu.memory_space<vmem>>, vector<1x16xf32>,
    %swap3A_652 = vector.shape_cast %swap3A_651 : vector<1x16xf32> to vector<16xf32>
    %swap3A_653 = vector.shape_cast %broadcast_in_dim3A_330 : vector<16xf32> to vector<1x16xf32>
    tpu.vector_store %arg10[%swap3A_649, %swap3A_650], %swap3A_653 {strides = array<i32>} : memref<64x32xf32, #tpu.memory_space<vmem>>, vector<1x16xf32>,
    %swap3A_654 = arith.constant 27 : i32
    %swap3A_655 = arith.index_cast %swap3A_654 : i32 to index
    %swap3A_656 = arith.constant 0 : index
    %swap3A_657 = tpu.vector_load %arg10[%swap3A_655, %swap3A_656] {strides = array<i32>} : memref<64x32xf32, #tpu.memory_space<vmem>>, vector<1x16xf32>,
    %swap3A_658 = vector.shape_cast %swap3A_657 : vector<1x16xf32> to vector<16xf32>
    %swap3A_659 = vector.shape_cast %broadcast_in_dim3A_330 : vector<16xf32> to vector<1x16xf32>
    tpu.vector_store %arg10[%swap3A_655, %swap3A_656], %swap3A_659 {strides = array<i32>} : memref<64x32xf32, #tpu.memory_space<vmem>>, vector<1x16xf32>,
    %swap3A_660 = arith.constant 27 : i32
    %swap3A_661 = arith.index_cast %swap3A_660 : i32 to index
    %swap3A_662 = arith.constant 16 : index
    %swap3A_663 = tpu.vector_load %arg10[%swap3A_661, %swap3A_662] {strides = array<i32>} : memref<64x32xf32, #tpu.memory_space<vmem>>, vector<1x16xf32>,
    %swap3A_664 = vector.shape_cast %swap3A_663 : vector<1x16xf32> to vector<16xf32>
    %swap3A_665 = vector.shape_cast %broadcast_in_dim3A_330 : vector<16xf32> to vector<1x16xf32>
    tpu.vector_store %arg10[%swap3A_661, %swap3A_662], %swap3A_665 {strides = array<i32>} : memref<64x32xf32, #tpu.memory_space<vmem>>, vector<1x16xf32>,
    %swap3A_666 = arith.constant 28 : i32
    %swap3A_667 = arith.index_cast %swap3A_666 : i32 to index
    %swap3A_668 = arith.constant 0 : index
    %swap3A_669 = tpu.vector_load %arg10[%swap3A_667, %swap3A_668] {strides = array<i32>} : memref<64x32xf32, #tpu.memory_space<vmem>>, vector<1x16xf32>,
    %swap3A_670 = vector.shape_cast %swap3A_669 : vector<1x16xf32> to vector<16xf32>
    %swap3A_671 = vector.shape_cast %broadcast_in_dim3A_330 : vector<16xf32> to vector<1x16xf32>
    tpu.vector_store %arg10[%swap3A_667, %swap3A_668], %swap3A_671 {strides = array<i32>} : memref<64x32xf32, #tpu.memory_space<vmem>>, vector<1x16xf32>,
    %swap3A_672 = arith.constant 28 : i32
    %swap3A_673 = arith.index_cast %swap3A_672 : i32 to index
    %swap3A_674 = arith.constant 16 : index
    %swap3A_675 = tpu.vector_load %arg10[%swap3A_673, %swap3A_674] {strides = array<i32>} : memref<64x32xf32, #tpu.memory_space<vmem>>, vector<1x16xf32>,
    %swap3A_676 = vector.shape_cast %swap3A_675 : vector<1x16xf32> to vector<16xf32>
    %swap3A_677 = vector.shape_cast %broadcast_in_dim3A_330 : vector<16xf32> to vector<1x16xf32>
    tpu.vector_store %arg10[%swap3A_673, %swap3A_674], %swap3A_677 {strides = array<i32>} : memref<64x32xf32, #tpu.memory_space<vmem>>, vector<1x16xf32>,
    %swap3A_678 = arith.constant 29 : i32
    %swap3A_679 = arith.index_cast %swap3A_678 : i32 to index
    %swap3A_680 = arith.constant 0 : index
    %swap3A_681 = tpu.vector_load %arg10[%swap3A_679, %swap3A_680] {strides = array<i32>} : memref<64x32xf32, #tpu.memory_space<vmem>>, vector<1x16xf32>,
    %swap3A_682 = vector.shape_cast %swap3A_681 : vector<1x16xf32> to vector<16xf32>
    %swap3A_683 = vector.shape_cast %broadcast_in_dim3A_330 : vector<16xf32> to vector<1x16xf32>
    tpu.vector_store %arg10[%swap3A_679, %swap3A_680], %swap3A_683 {strides = array<i32>} : memref<64x32xf32, #tpu.memory_space<vmem>>, vector<1x16xf32>,
    %swap3A_684 = arith.constant 29 : i32
    %swap3A_685 = arith.index_cast %swap3A_684 : i32 to index
    %swap3A_686 = arith.constant 16 : index
    %swap3A_687 = tpu.vector_load %arg10[%swap3A_685, %swap3A_686] {strides = array<i32>} : memref<64x32xf32, #tpu.memory_space<vmem>>, vector<1x16xf32>,
    %swap3A_688 = vector.shape_cast %swap3A_687 : vector<1x16xf32> to vector<16xf32>
    %swap3A_689 = vector.shape_cast %broadcast_in_dim3A_330 : vector<16xf32> to vector<1x16xf32>
    tpu.vector_store %arg10[%swap3A_685, %swap3A_686], %swap3A_689 {strides = array<i32>} : memref<64x32xf32, #tpu.memory_space<vmem>>, vector<1x16xf32>,
    %swap3A_690 = arith.constant 30 : i32
    %swap3A_691 = arith.index_cast %swap3A_690 : i32 to index
    %swap3A_692 = arith.constant 0 : index
    %swap3A_693 = tpu.vector_load %arg10[%swap3A_691, %swap3A_692] {strides = array<i32>} : memref<64x32xf32, #tpu.memory_space<vmem>>, vector<1x16xf32>,
    %swap3A_694 = vector.shape_cast %swap3A_693 : vector<1x16xf32> to vector<16xf32>
    %swap3A_695 = vector.shape_cast %broadcast_in_dim3A_330 : vector<16xf32> to vector<1x16xf32>
    tpu.vector_store %arg10[%swap3A_691, %swap3A_692], %swap3A_695 {strides = array<i32>} : memref<64x32xf32, #tpu.memory_space<vmem>>, vector<1x16xf32>,
    %swap3A_696 = arith.constant 30 : i32
    %swap3A_697 = arith.index_cast %swap3A_696 : i32 to index
    %swap3A_698 = arith.constant 16 : index
    %swap3A_699 = tpu.vector_load %arg10[%swap3A_697, %swap3A_698] {strides = array<i32>} : memref<64x32xf32, #tpu.memory_space<vmem>>, vector<1x16xf32>,
    %swap3A_700 = vector.shape_cast %swap3A_699 : vector<1x16xf32> to vector<16xf32>
    %swap3A_701 = vector.shape_cast %broadcast_in_dim3A_330 : vector<16xf32> to vector<1x16xf32>
    tpu.vector_store %arg10[%swap3A_697, %swap3A_698], %swap3A_701 {strides = array<i32>} : memref<64x32xf32, #tpu.memory_space<vmem>>, vector<1x16xf32>,
    %swap3A_702 = arith.constant 31 : i32
    %swap3A_703 = arith.index_cast %swap3A_702 : i32 to index
    %swap3A_704 = arith.constant 0 : index
    %swap3A_705 = tpu.vector_load %arg10[%swap3A_703, %swap3A_704] {strides = array<i32>} : memref<64x32xf32, #tpu.memory_space<vmem>>, vector<1x16xf32>,
    %swap3A_706 = vector.shape_cast %swap3A_705 : vector<1x16xf32> to vector<16xf32>
    %swap3A_707 = vector.shape_cast %broadcast_in_dim3A_330 : vector<16xf32> to vector<1x16xf32>
    tpu.vector_store %arg10[%swap3A_703, %swap3A_704], %swap3A_707 {strides = array<i32>} : memref<64x32xf32, #tpu.memory_space<vmem>>, vector<1x16xf32>,
    %swap3A_708 = arith.constant 31 : i32
    %swap3A_709 = arith.index_cast %swap3A_708 : i32 to index
    %swap3A_710 = arith.constant 16 : index
    %swap3A_711 = tpu.vector_load %arg10[%swap3A_709, %swap3A_710] {strides = array<i32>} : memref<64x32xf32, #tpu.memory_space<vmem>>, vector<1x16xf32>,
    %swap3A_712 = vector.shape_cast %swap3A_711 : vector<1x16xf32> to vector<16xf32>
    %swap3A_713 = vector.shape_cast %broadcast_in_dim3A_330 : vector<16xf32> to vector<1x16xf32>
    tpu.vector_store %arg10[%swap3A_709, %swap3A_710], %swap3A_713 {strides = array<i32>} : memref<64x32xf32, #tpu.memory_space<vmem>>, vector<1x16xf32>,
    %swap3A_714 = arith.constant 32 : i32
    %swap3A_715 = arith.index_cast %swap3A_714 : i32 to index
    %swap3A_716 = arith.constant 0 : index
    %swap3A_717 = tpu.vector_load %arg10[%swap3A_715, %swap3A_716] {strides = array<i32>} : memref<64x32xf32, #tpu.memory_space<vmem>>, vector<1x16xf32>,
    %swap3A_718 = vector.shape_cast %swap3A_717 : vector<1x16xf32> to vector<16xf32>
    %swap3A_719 = vector.shape_cast %broadcast_in_dim3A_330 : vector<16xf32> to vector<1x16xf32>
    tpu.vector_store %arg10[%swap3A_715, %swap3A_716], %swap3A_719 {strides = array<i32>} : memref<64x32xf32, #tpu.memory_space<vmem>>, vector<1x16xf32>,
    %swap3A_720 = arith.constant 32 : i32
    %swap3A_721 = arith.index_cast %swap3A_720 : i32 to index
    %swap3A_722 = arith.constant 16 : index
    %swap3A_723 = tpu.vector_load %arg10[%swap3A_721, %swap3A_722] {strides = array<i32>} : memref<64x32xf32, #tpu.memory_space<vmem>>, vector<1x16xf32>,
    %swap3A_724 = vector.shape_cast %swap3A_723 : vector<1x16xf32> to vector<16xf32>
    %swap3A_725 = vector.shape_cast %broadcast_in_dim3A_330 : vector<16xf32> to vector<1x16xf32>
    tpu.vector_store %arg10[%swap3A_721, %swap3A_722], %swap3A_725 {strides = array<i32>} : memref<64x32xf32, #tpu.memory_space<vmem>>, vector<1x16xf32>,
    %swap3A_726 = arith.constant 33 : i32
    %swap3A_727 = arith.index_cast %swap3A_726 : i32 to index
    %swap3A_728 = arith.constant 0 : index
    %swap3A_729 = tpu.vector_load %arg10[%swap3A_727, %swap3A_728] {strides = array<i32>} : memref<64x32xf32, #tpu.memory_space<vmem>>, vector<1x16xf32>,
    %swap3A_730 = vector.shape_cast %swap3A_729 : vector<1x16xf32> to vector<16xf32>
    %swap3A_731 = vector.shape_cast %broadcast_in_dim3A_330 : vector<16xf32> to vector<1x16xf32>
    tpu.vector_store %arg10[%swap3A_727, %swap3A_728], %swap3A_731 {strides = array<i32>} : memref<64x32xf32, #tpu.memory_space<vmem>>, vector<1x16xf32>,
    %swap3A_732 = arith.constant 33 : i32
    %swap3A_733 = arith.index_cast %swap3A_732 : i32 to index
    %swap3A_734 = arith.constant 16 : index
    %swap3A_735 = tpu.vector_load %arg10[%swap3A_733, %swap3A_734] {strides = array<i32>} : memref<64x32xf32, #tpu.memory_space<vmem>>, vector<1x16xf32>,
    %swap3A_736 = vector.shape_cast %swap3A_735 : vector<1x16xf32> to vector<16xf32>
    %swap3A_737 = vector.shape_cast %broadcast_in_dim3A_330 : vector<16xf32> to vector<1x16xf32>
    tpu.vector_store %arg10[%swap3A_733, %swap3A_734], %swap3A_737 {strides = array<i32>} : memref<64x32xf32, #tpu.memory_space<vmem>>, vector<1x16xf32>,
    %swap3A_738 = arith.constant 34 : i32
    %swap3A_739 = arith.index_cast %swap3A_738 : i32 to index
    %swap3A_740 = arith.constant 0 : index
    %swap3A_741 = tpu.vector_load %arg10[%swap3A_739, %swap3A_740] {strides = array<i32>} : memref<64x32xf32, #tpu.memory_space<vmem>>, vector<1x16xf32>,
    %swap3A_742 = vector.shape_cast %swap3A_741 : vector<1x16xf32> to vector<16xf32>
    %swap3A_743 = vector.shape_cast %broadcast_in_dim3A_330 : vector<16xf32> to vector<1x16xf32>
    tpu.vector_store %arg10[%swap3A_739, %swap3A_740], %swap3A_743 {strides = array<i32>} : memref<64x32xf32, #tpu.memory_space<vmem>>, vector<1x16xf32>,
    %swap3A_744 = arith.constant 34 : i32
    %swap3A_745 = arith.index_cast %swap3A_744 : i32 to index
    %swap3A_746 = arith.constant 16 : index
    %swap3A_747 = tpu.vector_load %arg10[%swap3A_745, %swap3A_746] {strides = array<i32>} : memref<64x32xf32, #tpu.memory_space<vmem>>, vector<1x16xf32>,
    %swap3A_748 = vector.shape_cast %swap3A_747 : vector<1x16xf32> to vector<16xf32>
    %swap3A_749 = vector.shape_cast %broadcast_in_dim3A_330 : vector<16xf32> to vector<1x16xf32>
    tpu.vector_store %arg10[%swap3A_745, %swap3A_746], %swap3A_749 {strides = array<i32>} : memref<64x32xf32, #tpu.memory_space<vmem>>, vector<1x16xf32>,
    %swap3A_750 = arith.constant 35 : i32
    %swap3A_751 = arith.index_cast %swap3A_750 : i32 to index
    %swap3A_752 = arith.constant 0 : index
    %swap3A_753 = tpu.vector_load %arg10[%swap3A_751, %swap3A_752] {strides = array<i32>} : memref<64x32xf32, #tpu.memory_space<vmem>>, vector<1x16xf32>,
    %swap3A_754 = vector.shape_cast %swap3A_753 : vector<1x16xf32> to vector<16xf32>
    %swap3A_755 = vector.shape_cast %broadcast_in_dim3A_330 : vector<16xf32> to vector<1x16xf32>
    tpu.vector_store %arg10[%swap3A_751, %swap3A_752], %swap3A_755 {strides = array<i32>} : memref<64x32xf32, #tpu.memory_space<vmem>>, vector<1x16xf32>,
    %swap3A_756 = arith.constant 35 : i32
    %swap3A_757 = arith.index_cast %swap3A_756 : i32 to index
    %swap3A_758 = arith.constant 16 : index
    %swap3A_759 = tpu.vector_load %arg10[%swap3A_757, %swap3A_758] {strides = array<i32>} : memref<64x32xf32, #tpu.memory_space<vmem>>, vector<1x16xf32>,
    %swap3A_760 = vector.shape_cast %swap3A_759 : vector<1x16xf32> to vector<16xf32>
    %swap3A_761 = vector.shape_cast %broadcast_in_dim3A_330 : vector<16xf32> to vector<1x16xf32>
    tpu.vector_store %arg10[%swap3A_757, %swap3A_758], %swap3A_761 {strides = array<i32>} : memref<64x32xf32, #tpu.memory_space<vmem>>, vector<1x16xf32>,
    %swap3A_762 = arith.constant 36 : i32
    %swap3A_763 = arith.index_cast %swap3A_762 : i32 to index
    %swap3A_764 = arith.constant 0 : index
    %swap3A_765 = tpu.vector_load %arg10[%swap3A_763, %swap3A_764] {strides = array<i32>} : memref<64x32xf32, #tpu.memory_space<vmem>>, vector<1x16xf32>,
    %swap3A_766 = vector.shape_cast %swap3A_765 : vector<1x16xf32> to vector<16xf32>
    %swap3A_767 = vector.shape_cast %broadcast_in_dim3A_330 : vector<16xf32> to vector<1x16xf32>
    tpu.vector_store %arg10[%swap3A_763, %swap3A_764], %swap3A_767 {strides = array<i32>} : memref<64x32xf32, #tpu.memory_space<vmem>>, vector<1x16xf32>,
    %swap3A_768 = arith.constant 36 : i32
    %swap3A_769 = arith.index_cast %swap3A_768 : i32 to index
    %swap3A_770 = arith.constant 16 : index
    %swap3A_771 = tpu.vector_load %arg10[%swap3A_769, %swap3A_770] {strides = array<i32>} : memref<64x32xf32, #tpu.memory_space<vmem>>, vector<1x16xf32>,
    %swap3A_772 = vector.shape_cast %swap3A_771 : vector<1x16xf32> to vector<16xf32>
    %swap3A_773 = vector.shape_cast %broadcast_in_dim3A_330 : vector<16xf32> to vector<1x16xf32>
    tpu.vector_store %arg10[%swap3A_769, %swap3A_770], %swap3A_773 {strides = array<i32>} : memref<64x32xf32, #tpu.memory_space<vmem>>, vector<1x16xf32>,
    %swap3A_774 = arith.constant 37 : i32
    %swap3A_775 = arith.index_cast %swap3A_774 : i32 to index
    %swap3A_776 = arith.constant 0 : index
    %swap3A_777 = tpu.vector_load %arg10[%swap3A_775, %swap3A_776] {strides = array<i32>} : memref<64x32xf32, #tpu.memory_space<vmem>>, vector<1x16xf32>,
    %swap3A_778 = vector.shape_cast %swap3A_777 : vector<1x16xf32> to vector<16xf32>
    %swap3A_779 = vector.shape_cast %broadcast_in_dim3A_330 : vector<16xf32> to vector<1x16xf32>
    tpu.vector_store %arg10[%swap3A_775, %swap3A_776], %swap3A_779 {strides = array<i32>} : memref<64x32xf32, #tpu.memory_space<vmem>>, vector<1x16xf32>,
    %swap3A_780 = arith.constant 37 : i32
    %swap3A_781 = arith.index_cast %swap3A_780 : i32 to index
    %swap3A_782 = arith.constant 16 : index
    %swap3A_783 = tpu.vector_load %arg10[%swap3A_781, %swap3A_782] {strides = array<i32>} : memref<64x32xf32, #tpu.memory_space<vmem>>, vector<1x16xf32>,
    %swap3A_784 = vector.shape_cast %swap3A_783 : vector<1x16xf32> to vector<16xf32>
    %swap3A_785 = vector.shape_cast %broadcast_in_dim3A_330 : vector<16xf32> to vector<1x16xf32>
    tpu.vector_store %arg10[%swap3A_781, %swap3A_782], %swap3A_785 {strides = array<i32>} : memref<64x32xf32, #tpu.memory_space<vmem>>, vector<1x16xf32>,
    %swap3A_786 = arith.constant 38 : i32
    %swap3A_787 = arith.index_cast %swap3A_786 : i32 to index
    %swap3A_788 = arith.constant 0 : index
    %swap3A_789 = tpu.vector_load %arg10[%swap3A_787, %swap3A_788] {strides = array<i32>} : memref<64x32xf32, #tpu.memory_space<vmem>>, vector<1x16xf32>,
    %swap3A_790 = vector.shape_cast %swap3A_789 : vector<1x16xf32> to vector<16xf32>
    %swap3A_791 = vector.shape_cast %broadcast_in_dim3A_330 : vector<16xf32> to vector<1x16xf32>
    tpu.vector_store %arg10[%swap3A_787, %swap3A_788], %swap3A_791 {strides = array<i32>} : memref<64x32xf32, #tpu.memory_space<vmem>>, vector<1x16xf32>,
    %swap3A_792 = arith.constant 38 : i32
    %swap3A_793 = arith.index_cast %swap3A_792 : i32 to index
    %swap3A_794 = arith.constant 16 : index
    %swap3A_795 = tpu.vector_load %arg10[%swap3A_793, %swap3A_794] {strides = array<i32>} : memref<64x32xf32, #tpu.memory_space<vmem>>, vector<1x16xf32>,
    %swap3A_796 = vector.shape_cast %swap3A_795 : vector<1x16xf32> to vector<16xf32>
    %swap3A_797 = vector.shape_cast %broadcast_in_dim3A_330 : vector<16xf32> to vector<1x16xf32>
    tpu.vector_store %arg10[%swap3A_793, %swap3A_794], %swap3A_797 {strides = array<i32>} : memref<64x32xf32, #tpu.memory_space<vmem>>, vector<1x16xf32>,
    %swap3A_798 = arith.constant 39 : i32
    %swap3A_799 = arith.index_cast %swap3A_798 : i32 to index
    %swap3A_800 = arith.constant 0 : index
    %swap3A_801 = tpu.vector_load %arg10[%swap3A_799, %swap3A_800] {strides = array<i32>} : memref<64x32xf32, #tpu.memory_space<vmem>>, vector<1x16xf32>,
    %swap3A_802 = vector.shape_cast %swap3A_801 : vector<1x16xf32> to vector<16xf32>
    %swap3A_803 = vector.shape_cast %broadcast_in_dim3A_330 : vector<16xf32> to vector<1x16xf32>
    tpu.vector_store %arg10[%swap3A_799, %swap3A_800], %swap3A_803 {strides = array<i32>} : memref<64x32xf32, #tpu.memory_space<vmem>>, vector<1x16xf32>,
    %swap3A_804 = arith.constant 39 : i32
    %swap3A_805 = arith.index_cast %swap3A_804 : i32 to index
    %swap3A_806 = arith.constant 16 : index
    %swap3A_807 = tpu.vector_load %arg10[%swap3A_805, %swap3A_806] {strides = array<i32>} : memref<64x32xf32, #tpu.memory_space<vmem>>, vector<1x16xf32>,
    %swap3A_808 = vector.shape_cast %swap3A_807 : vector<1x16xf32> to vector<16xf32>
    %swap3A_809 = vector.shape_cast %broadcast_in_dim3A_330 : vector<16xf32> to vector<1x16xf32>
    tpu.vector_store %arg10[%swap3A_805, %swap3A_806], %swap3A_809 {strides = array<i32>} : memref<64x32xf32, #tpu.memory_space<vmem>>, vector<1x16xf32>,
    %swap3A_810 = arith.constant 40 : i32
    %swap3A_811 = arith.index_cast %swap3A_810 : i32 to index
    %swap3A_812 = arith.constant 0 : index
    %swap3A_813 = tpu.vector_load %arg10[%swap3A_811, %swap3A_812] {strides = array<i32>} : memref<64x32xf32, #tpu.memory_space<vmem>>, vector<1x16xf32>,
    %swap3A_814 = vector.shape_cast %swap3A_813 : vector<1x16xf32> to vector<16xf32>
    %swap3A_815 = vector.shape_cast %broadcast_in_dim3A_330 : vector<16xf32> to vector<1x16xf32>
    tpu.vector_store %arg10[%swap3A_811, %swap3A_812], %swap3A_815 {strides = array<i32>} : memref<64x32xf32, #tpu.memory_space<vmem>>, vector<1x16xf32>,
    %swap3A_816 = arith.constant 40 : i32
    %swap3A_817 = arith.index_cast %swap3A_816 : i32 to index
    %swap3A_818 = arith.constant 16 : index
    %swap3A_819 = tpu.vector_load %arg10[%swap3A_817, %swap3A_818] {strides = array<i32>} : memref<64x32xf32, #tpu.memory_space<vmem>>, vector<1x16xf32>,
    %swap3A_820 = vector.shape_cast %swap3A_819 : vector<1x16xf32> to vector<16xf32>
    %swap3A_821 = vector.shape_cast %broadcast_in_dim3A_330 : vector<16xf32> to vector<1x16xf32>
    tpu.vector_store %arg10[%swap3A_817, %swap3A_818], %swap3A_821 {strides = array<i32>} : memref<64x32xf32, #tpu.memory_space<vmem>>, vector<1x16xf32>,
    %swap3A_822 = arith.constant 41 : i32
    %swap3A_823 = arith.index_cast %swap3A_822 : i32 to index
    %swap3A_824 = arith.constant 0 : index
    %swap3A_825 = tpu.vector_load %arg10[%swap3A_823, %swap3A_824] {strides = array<i32>} : memref<64x32xf32, #tpu.memory_space<vmem>>, vector<1x16xf32>,
    %swap3A_826 = vector.shape_cast %swap3A_825 : vector<1x16xf32> to vector<16xf32>
    %swap3A_827 = vector.shape_cast %broadcast_in_dim3A_330 : vector<16xf32> to vector<1x16xf32>
    tpu.vector_store %arg10[%swap3A_823, %swap3A_824], %swap3A_827 {strides = array<i32>} : memref<64x32xf32, #tpu.memory_space<vmem>>, vector<1x16xf32>,
    %swap3A_828 = arith.constant 41 : i32
    %swap3A_829 = arith.index_cast %swap3A_828 : i32 to index
    %swap3A_830 = arith.constant 16 : index
    %swap3A_831 = tpu.vector_load %arg10[%swap3A_829, %swap3A_830] {strides = array<i32>} : memref<64x32xf32, #tpu.memory_space<vmem>>, vector<1x16xf32>,
    %swap3A_832 = vector.shape_cast %swap3A_831 : vector<1x16xf32> to vector<16xf32>
    %swap3A_833 = vector.shape_cast %broadcast_in_dim3A_330 : vector<16xf32> to vector<1x16xf32>
    tpu.vector_store %arg10[%swap3A_829, %swap3A_830], %swap3A_833 {strides = array<i32>} : memref<64x32xf32, #tpu.memory_space<vmem>>, vector<1x16xf32>,
    %swap3A_834 = arith.constant 42 : i32
    %swap3A_835 = arith.index_cast %swap3A_834 : i32 to index
    %swap3A_836 = arith.constant 0 : index
    %swap3A_837 = tpu.vector_load %arg10[%swap3A_835, %swap3A_836] {strides = array<i32>} : memref<64x32xf32, #tpu.memory_space<vmem>>, vector<1x16xf32>,
    %swap3A_838 = vector.shape_cast %swap3A_837 : vector<1x16xf32> to vector<16xf32>
    %swap3A_839 = vector.shape_cast %broadcast_in_dim3A_330 : vector<16xf32> to vector<1x16xf32>
    tpu.vector_store %arg10[%swap3A_835, %swap3A_836], %swap3A_839 {strides = array<i32>} : memref<64x32xf32, #tpu.memory_space<vmem>>, vector<1x16xf32>,
    %swap3A_840 = arith.constant 42 : i32
    %swap3A_841 = arith.index_cast %swap3A_840 : i32 to index
    %swap3A_842 = arith.constant 16 : index
    %swap3A_843 = tpu.vector_load %arg10[%swap3A_841, %swap3A_842] {strides = array<i32>} : memref<64x32xf32, #tpu.memory_space<vmem>>, vector<1x16xf32>,
    %swap3A_844 = vector.shape_cast %swap3A_843 : vector<1x16xf32> to vector<16xf32>
    %swap3A_845 = vector.shape_cast %broadcast_in_dim3A_330 : vector<16xf32> to vector<1x16xf32>
    tpu.vector_store %arg10[%swap3A_841, %swap3A_842], %swap3A_845 {strides = array<i32>} : memref<64x32xf32, #tpu.memory_space<vmem>>, vector<1x16xf32>,
    %swap3A_846 = arith.constant 43 : i32
    %swap3A_847 = arith.index_cast %swap3A_846 : i32 to index
    %swap3A_848 = arith.constant 0 : index
    %swap3A_849 = tpu.vector_load %arg10[%swap3A_847, %swap3A_848] {strides = array<i32>} : memref<64x32xf32, #tpu.memory_space<vmem>>, vector<1x16xf32>,
    %swap3A_850 = vector.shape_cast %swap3A_849 : vector<1x16xf32> to vector<16xf32>
    %swap3A_851 = vector.shape_cast %broadcast_in_dim3A_330 : vector<16xf32> to vector<1x16xf32>
    tpu.vector_store %arg10[%swap3A_847, %swap3A_848], %swap3A_851 {strides = array<i32>} : memref<64x32xf32, #tpu.memory_space<vmem>>, vector<1x16xf32>,
    %swap3A_852 = arith.constant 43 : i32
    %swap3A_853 = arith.index_cast %swap3A_852 : i32 to index
    %swap3A_854 = arith.constant 16 : index
    %swap3A_855 = tpu.vector_load %arg10[%swap3A_853, %swap3A_854] {strides = array<i32>} : memref<64x32xf32, #tpu.memory_space<vmem>>, vector<1x16xf32>,
    %swap3A_856 = vector.shape_cast %swap3A_855 : vector<1x16xf32> to vector<16xf32>
    %swap3A_857 = vector.shape_cast %broadcast_in_dim3A_330 : vector<16xf32> to vector<1x16xf32>
    tpu.vector_store %arg10[%swap3A_853, %swap3A_854], %swap3A_857 {strides = array<i32>} : memref<64x32xf32, #tpu.memory_space<vmem>>, vector<1x16xf32>,
    %swap3A_858 = arith.constant 44 : i32
    %swap3A_859 = arith.index_cast %swap3A_858 : i32 to index
    %swap3A_860 = arith.constant 0 : index
    %swap3A_861 = tpu.vector_load %arg10[%swap3A_859, %swap3A_860] {strides = array<i32>} : memref<64x32xf32, #tpu.memory_space<vmem>>, vector<1x16xf32>,
    %swap3A_862 = vector.shape_cast %swap3A_861 : vector<1x16xf32> to vector<16xf32>
    %swap3A_863 = vector.shape_cast %broadcast_in_dim3A_330 : vector<16xf32> to vector<1x16xf32>
    tpu.vector_store %arg10[%swap3A_859, %swap3A_860], %swap3A_863 {strides = array<i32>} : memref<64x32xf32, #tpu.memory_space<vmem>>, vector<1x16xf32>,
    %swap3A_864 = arith.constant 44 : i32
    %swap3A_865 = arith.index_cast %swap3A_864 : i32 to index
    %swap3A_866 = arith.constant 16 : index
    %swap3A_867 = tpu.vector_load %arg10[%swap3A_865, %swap3A_866] {strides = array<i32>} : memref<64x32xf32, #tpu.memory_space<vmem>>, vector<1x16xf32>,
    %swap3A_868 = vector.shape_cast %swap3A_867 : vector<1x16xf32> to vector<16xf32>
    %swap3A_869 = vector.shape_cast %broadcast_in_dim3A_330 : vector<16xf32> to vector<1x16xf32>
    tpu.vector_store %arg10[%swap3A_865, %swap3A_866], %swap3A_869 {strides = array<i32>} : memref<64x32xf32, #tpu.memory_space<vmem>>, vector<1x16xf32>,
    %swap3A_870 = arith.constant 45 : i32
    %swap3A_871 = arith.index_cast %swap3A_870 : i32 to index
    %swap3A_872 = arith.constant 0 : index
    %swap3A_873 = tpu.vector_load %arg10[%swap3A_871, %swap3A_872] {strides = array<i32>} : memref<64x32xf32, #tpu.memory_space<vmem>>, vector<1x16xf32>,
    %swap3A_874 = vector.shape_cast %swap3A_873 : vector<1x16xf32> to vector<16xf32>
    %swap3A_875 = vector.shape_cast %broadcast_in_dim3A_330 : vector<16xf32> to vector<1x16xf32>
    tpu.vector_store %arg10[%swap3A_871, %swap3A_872], %swap3A_875 {strides = array<i32>} : memref<64x32xf32, #tpu.memory_space<vmem>>, vector<1x16xf32>,
    %swap3A_876 = arith.constant 45 : i32
    %swap3A_877 = arith.index_cast %swap3A_876 : i32 to index
    %swap3A_878 = arith.constant 16 : index
    %swap3A_879 = tpu.vector_load %arg10[%swap3A_877, %swap3A_878] {strides = array<i32>} : memref<64x32xf32, #tpu.memory_space<vmem>>, vector<1x16xf32>,
    %swap3A_880 = vector.shape_cast %swap3A_879 : vector<1x16xf32> to vector<16xf32>
    %swap3A_881 = vector.shape_cast %broadcast_in_dim3A_330 : vector<16xf32> to vector<1x16xf32>
    tpu.vector_store %arg10[%swap3A_877, %swap3A_878], %swap3A_881 {strides = array<i32>} : memref<64x32xf32, #tpu.memory_space<vmem>>, vector<1x16xf32>,
    %swap3A_882 = arith.constant 46 : i32
    %swap3A_883 = arith.index_cast %swap3A_882 : i32 to index
    %swap3A_884 = arith.constant 0 : index
    %swap3A_885 = tpu.vector_load %arg10[%swap3A_883, %swap3A_884] {strides = array<i32>} : memref<64x32xf32, #tpu.memory_space<vmem>>, vector<1x16xf32>,
    %swap3A_886 = vector.shape_cast %swap3A_885 : vector<1x16xf32> to vector<16xf32>
    %swap3A_887 = vector.shape_cast %broadcast_in_dim3A_330 : vector<16xf32> to vector<1x16xf32>
    tpu.vector_store %arg10[%swap3A_883, %swap3A_884], %swap3A_887 {strides = array<i32>} : memref<64x32xf32, #tpu.memory_space<vmem>>, vector<1x16xf32>,
    %swap3A_888 = arith.constant 46 : i32
    %swap3A_889 = arith.index_cast %swap3A_888 : i32 to index
    %swap3A_890 = arith.constant 16 : index
    %swap3A_891 = tpu.vector_load %arg10[%swap3A_889, %swap3A_890] {strides = array<i32>} : memref<64x32xf32, #tpu.memory_space<vmem>>, vector<1x16xf32>,
    %swap3A_892 = vector.shape_cast %swap3A_891 : vector<1x16xf32> to vector<16xf32>
    %swap3A_893 = vector.shape_cast %broadcast_in_dim3A_330 : vector<16xf32> to vector<1x16xf32>
    tpu.vector_store %arg10[%swap3A_889, %swap3A_890], %swap3A_893 {strides = array<i32>} : memref<64x32xf32, #tpu.memory_space<vmem>>, vector<1x16xf32>,
    %swap3A_894 = arith.constant 47 : i32
    %swap3A_895 = arith.index_cast %swap3A_894 : i32 to index
    %swap3A_896 = arith.constant 0 : index
    %swap3A_897 = tpu.vector_load %arg10[%swap3A_895, %swap3A_896] {strides = array<i32>} : memref<64x32xf32, #tpu.memory_space<vmem>>, vector<1x16xf32>,
    %swap3A_898 = vector.shape_cast %swap3A_897 : vector<1x16xf32> to vector<16xf32>
    %swap3A_899 = vector.shape_cast %broadcast_in_dim3A_330 : vector<16xf32> to vector<1x16xf32>
    tpu.vector_store %arg10[%swap3A_895, %swap3A_896], %swap3A_899 {strides = array<i32>} : memref<64x32xf32, #tpu.memory_space<vmem>>, vector<1x16xf32>,
    %swap3A_900 = arith.constant 47 : i32
    %swap3A_901 = arith.index_cast %swap3A_900 : i32 to index
    %swap3A_902 = arith.constant 16 : index
    %swap3A_903 = tpu.vector_load %arg10[%swap3A_901, %swap3A_902] {strides = array<i32>} : memref<64x32xf32, #tpu.memory_space<vmem>>, vector<1x16xf32>,
    %swap3A_904 = vector.shape_cast %swap3A_903 : vector<1x16xf32> to vector<16xf32>
    %swap3A_905 = vector.shape_cast %broadcast_in_dim3A_330 : vector<16xf32> to vector<1x16xf32>
    tpu.vector_store %arg10[%swap3A_901, %swap3A_902], %swap3A_905 {strides = array<i32>} : memref<64x32xf32, #tpu.memory_space<vmem>>, vector<1x16xf32>,
    %swap3A_906 = arith.constant 48 : i32
    %swap3A_907 = arith.index_cast %swap3A_906 : i32 to index
    %swap3A_908 = arith.constant 0 : index
    %swap3A_909 = tpu.vector_load %arg10[%swap3A_907, %swap3A_908] {strides = array<i32>} : memref<64x32xf32, #tpu.memory_space<vmem>>, vector<1x16xf32>,
    %swap3A_910 = vector.shape_cast %swap3A_909 : vector<1x16xf32> to vector<16xf32>
    %swap3A_911 = vector.shape_cast %broadcast_in_dim3A_330 : vector<16xf32> to vector<1x16xf32>
    tpu.vector_store %arg10[%swap3A_907, %swap3A_908], %swap3A_911 {strides = array<i32>} : memref<64x32xf32, #tpu.memory_space<vmem>>, vector<1x16xf32>,
    %swap3A_912 = arith.constant 48 : i32
    %swap3A_913 = arith.index_cast %swap3A_912 : i32 to index
    %swap3A_914 = arith.constant 16 : index
    %swap3A_915 = tpu.vector_load %arg10[%swap3A_913, %swap3A_914] {strides = array<i32>} : memref<64x32xf32, #tpu.memory_space<vmem>>, vector<1x16xf32>,
    %swap3A_916 = vector.shape_cast %swap3A_915 : vector<1x16xf32> to vector<16xf32>
    %swap3A_917 = vector.shape_cast %broadcast_in_dim3A_330 : vector<16xf32> to vector<1x16xf32>
    tpu.vector_store %arg10[%swap3A_913, %swap3A_914], %swap3A_917 {strides = array<i32>} : memref<64x32xf32, #tpu.memory_space<vmem>>, vector<1x16xf32>,
    %swap3A_918 = arith.constant 49 : i32
    %swap3A_919 = arith.index_cast %swap3A_918 : i32 to index
    %swap3A_920 = arith.constant 0 : index
    %swap3A_921 = tpu.vector_load %arg10[%swap3A_919, %swap3A_920] {strides = array<i32>} : memref<64x32xf32, #tpu.memory_space<vmem>>, vector<1x16xf32>,
    %swap3A_922 = vector.shape_cast %swap3A_921 : vector<1x16xf32> to vector<16xf32>
    %swap3A_923 = vector.shape_cast %broadcast_in_dim3A_330 : vector<16xf32> to vector<1x16xf32>
    tpu.vector_store %arg10[%swap3A_919, %swap3A_920], %swap3A_923 {strides = array<i32>} : memref<64x32xf32, #tpu.memory_space<vmem>>, vector<1x16xf32>,
    %swap3A_924 = arith.constant 49 : i32
    %swap3A_925 = arith.index_cast %swap3A_924 : i32 to index
    %swap3A_926 = arith.constant 16 : index
    %swap3A_927 = tpu.vector_load %arg10[%swap3A_925, %swap3A_926] {strides = array<i32>} : memref<64x32xf32, #tpu.memory_space<vmem>>, vector<1x16xf32>,
    %swap3A_928 = vector.shape_cast %swap3A_927 : vector<1x16xf32> to vector<16xf32>
    %swap3A_929 = vector.shape_cast %broadcast_in_dim3A_330 : vector<16xf32> to vector<1x16xf32>
    tpu.vector_store %arg10[%swap3A_925, %swap3A_926], %swap3A_929 {strides = array<i32>} : memref<64x32xf32, #tpu.memory_space<vmem>>, vector<1x16xf32>,
    %swap3A_930 = arith.constant 50 : i32
    %swap3A_931 = arith.index_cast %swap3A_930 : i32 to index
    %swap3A_932 = arith.constant 0 : index
    %swap3A_933 = tpu.vector_load %arg10[%swap3A_931, %swap3A_932] {strides = array<i32>} : memref<64x32xf32, #tpu.memory_space<vmem>>, vector<1x16xf32>,
    %swap3A_934 = vector.shape_cast %swap3A_933 : vector<1x16xf32> to vector<16xf32>
    %swap3A_935 = vector.shape_cast %broadcast_in_dim3A_330 : vector<16xf32> to vector<1x16xf32>
    tpu.vector_store %arg10[%swap3A_931, %swap3A_932], %swap3A_935 {strides = array<i32>} : memref<64x32xf32, #tpu.memory_space<vmem>>, vector<1x16xf32>,
    %swap3A_936 = arith.constant 50 : i32
    %swap3A_937 = arith.index_cast %swap3A_936 : i32 to index
    %swap3A_938 = arith.constant 16 : index
    %swap3A_939 = tpu.vector_load %arg10[%swap3A_937, %swap3A_938] {strides = array<i32>} : memref<64x32xf32, #tpu.memory_space<vmem>>, vector<1x16xf32>,
    %swap3A_940 = vector.shape_cast %swap3A_939 : vector<1x16xf32> to vector<16xf32>
    %swap3A_941 = vector.shape_cast %broadcast_in_dim3A_330 : vector<16xf32> to vector<1x16xf32>
    tpu.vector_store %arg10[%swap3A_937, %swap3A_938], %swap3A_941 {strides = array<i32>} : memref<64x32xf32, #tpu.memory_space<vmem>>, vector<1x16xf32>,
    %swap3A_942 = arith.constant 51 : i32
    %swap3A_943 = arith.index_cast %swap3A_942 : i32 to index
    %swap3A_944 = arith.constant 0 : index
    %swap3A_945 = tpu.vector_load %arg10[%swap3A_943, %swap3A_944] {strides = array<i32>} : memref<64x32xf32, #tpu.memory_space<vmem>>, vector<1x16xf32>,
    %swap3A_946 = vector.shape_cast %swap3A_945 : vector<1x16xf32> to vector<16xf32>
    %swap3A_947 = vector.shape_cast %broadcast_in_dim3A_330 : vector<16xf32> to vector<1x16xf32>
    tpu.vector_store %arg10[%swap3A_943, %swap3A_944], %swap3A_947 {strides = array<i32>} : memref<64x32xf32, #tpu.memory_space<vmem>>, vector<1x16xf32>,
    %swap3A_948 = arith.constant 51 : i32
    %swap3A_949 = arith.index_cast %swap3A_948 : i32 to index
    %swap3A_950 = arith.constant 16 : index
    %swap3A_951 = tpu.vector_load %arg10[%swap3A_949, %swap3A_950] {strides = array<i32>} : memref<64x32xf32, #tpu.memory_space<vmem>>, vector<1x16xf32>,
    %swap3A_952 = vector.shape_cast %swap3A_951 : vector<1x16xf32> to vector<16xf32>
    %swap3A_953 = vector.shape_cast %broadcast_in_dim3A_330 : vector<16xf32> to vector<1x16xf32>
    tpu.vector_store %arg10[%swap3A_949, %swap3A_950], %swap3A_953 {strides = array<i32>} : memref<64x32xf32, #tpu.memory_space<vmem>>, vector<1x16xf32>,
    %swap3A_954 = arith.constant 52 : i32
    %swap3A_955 = arith.index_cast %swap3A_954 : i32 to index
    %swap3A_956 = arith.constant 0 : index
    %swap3A_957 = tpu.vector_load %arg10[%swap3A_955, %swap3A_956] {strides = array<i32>} : memref<64x32xf32, #tpu.memory_space<vmem>>, vector<1x16xf32>,
    %swap3A_958 = vector.shape_cast %swap3A_957 : vector<1x16xf32> to vector<16xf32>
    %swap3A_959 = vector.shape_cast %broadcast_in_dim3A_330 : vector<16xf32> to vector<1x16xf32>
    tpu.vector_store %arg10[%swap3A_955, %swap3A_956], %swap3A_959 {strides = array<i32>} : memref<64x32xf32, #tpu.memory_space<vmem>>, vector<1x16xf32>,
    %swap3A_960 = arith.constant 52 : i32
    %swap3A_961 = arith.index_cast %swap3A_960 : i32 to index
    %swap3A_962 = arith.constant 16 : index
    %swap3A_963 = tpu.vector_load %arg10[%swap3A_961, %swap3A_962] {strides = array<i32>} : memref<64x32xf32, #tpu.memory_space<vmem>>, vector<1x16xf32>,
    %swap3A_964 = vector.shape_cast %swap3A_963 : vector<1x16xf32> to vector<16xf32>
    %swap3A_965 = vector.shape_cast %broadcast_in_dim3A_330 : vector<16xf32> to vector<1x16xf32>
    tpu.vector_store %arg10[%swap3A_961, %swap3A_962], %swap3A_965 {strides = array<i32>} : memref<64x32xf32, #tpu.memory_space<vmem>>, vector<1x16xf32>,
    %swap3A_966 = arith.constant 53 : i32
    %swap3A_967 = arith.index_cast %swap3A_966 : i32 to index
    %swap3A_968 = arith.constant 0 : index
    %swap3A_969 = tpu.vector_load %arg10[%swap3A_967, %swap3A_968] {strides = array<i32>} : memref<64x32xf32, #tpu.memory_space<vmem>>, vector<1x16xf32>,
    %swap3A_970 = vector.shape_cast %swap3A_969 : vector<1x16xf32> to vector<16xf32>
    %swap3A_971 = vector.shape_cast %broadcast_in_dim3A_330 : vector<16xf32> to vector<1x16xf32>
    tpu.vector_store %arg10[%swap3A_967, %swap3A_968], %swap3A_971 {strides = array<i32>} : memref<64x32xf32, #tpu.memory_space<vmem>>, vector<1x16xf32>,
    %swap3A_972 = arith.constant 53 : i32
    %swap3A_973 = arith.index_cast %swap3A_972 : i32 to index
    %swap3A_974 = arith.constant 16 : index
    %swap3A_975 = tpu.vector_load %arg10[%swap3A_973, %swap3A_974] {strides = array<i32>} : memref<64x32xf32, #tpu.memory_space<vmem>>, vector<1x16xf32>,
    %swap3A_976 = vector.shape_cast %swap3A_975 : vector<1x16xf32> to vector<16xf32>
    %swap3A_977 = vector.shape_cast %broadcast_in_dim3A_330 : vector<16xf32> to vector<1x16xf32>
    tpu.vector_store %arg10[%swap3A_973, %swap3A_974], %swap3A_977 {strides = array<i32>} : memref<64x32xf32, #tpu.memory_space<vmem>>, vector<1x16xf32>,
    %swap3A_978 = arith.constant 54 : i32
    %swap3A_979 = arith.index_cast %swap3A_978 : i32 to index
    %swap3A_980 = arith.constant 0 : index
    %swap3A_981 = tpu.vector_load %arg10[%swap3A_979, %swap3A_980] {strides = array<i32>} : memref<64x32xf32, #tpu.memory_space<vmem>>, vector<1x16xf32>,
    %swap3A_982 = vector.shape_cast %swap3A_981 : vector<1x16xf32> to vector<16xf32>
    %swap3A_983 = vector.shape_cast %broadcast_in_dim3A_330 : vector<16xf32> to vector<1x16xf32>
    tpu.vector_store %arg10[%swap3A_979, %swap3A_980], %swap3A_983 {strides = array<i32>} : memref<64x32xf32, #tpu.memory_space<vmem>>, vector<1x16xf32>,
    %swap3A_984 = arith.constant 54 : i32
    %swap3A_985 = arith.index_cast %swap3A_984 : i32 to index
    %swap3A_986 = arith.constant 16 : index
    %swap3A_987 = tpu.vector_load %arg10[%swap3A_985, %swap3A_986] {strides = array<i32>} : memref<64x32xf32, #tpu.memory_space<vmem>>, vector<1x16xf32>,
    %swap3A_988 = vector.shape_cast %swap3A_987 : vector<1x16xf32> to vector<16xf32>
    %swap3A_989 = vector.shape_cast %broadcast_in_dim3A_330 : vector<16xf32> to vector<1x16xf32>
    tpu.vector_store %arg10[%swap3A_985, %swap3A_986], %swap3A_989 {strides = array<i32>} : memref<64x32xf32, #tpu.memory_space<vmem>>, vector<1x16xf32>,
    %swap3A_990 = arith.constant 55 : i32
    %swap3A_991 = arith.index_cast %swap3A_990 : i32 to index
    %swap3A_992 = arith.constant 0 : index
    %swap3A_993 = tpu.vector_load %arg10[%swap3A_991, %swap3A_992] {strides = array<i32>} : memref<64x32xf32, #tpu.memory_space<vmem>>, vector<1x16xf32>,
    %swap3A_994 = vector.shape_cast %swap3A_993 : vector<1x16xf32> to vector<16xf32>
    %swap3A_995 = vector.shape_cast %broadcast_in_dim3A_330 : vector<16xf32> to vector<1x16xf32>
    tpu.vector_store %arg10[%swap3A_991, %swap3A_992], %swap3A_995 {strides = array<i32>} : memref<64x32xf32, #tpu.memory_space<vmem>>, vector<1x16xf32>,
    %swap3A_996 = arith.constant 55 : i32
    %swap3A_997 = arith.index_cast %swap3A_996 : i32 to index
    %swap3A_998 = arith.constant 16 : index
    %swap3A_999 = tpu.vector_load %arg10[%swap3A_997, %swap3A_998] {strides = array<i32>} : memref<64x32xf32, #tpu.memory_space<vmem>>, vector<1x16xf32>,
    %swap3A_1000 = vector.shape_cast %swap3A_999 : vector<1x16xf32> to vector<16xf32>
    %swap3A_1001 = vector.shape_cast %broadcast_in_dim3A_330 : vector<16xf32> to vector<1x16xf32>
    tpu.vector_store %arg10[%swap3A_997, %swap3A_998], %swap3A_1001 {strides = array<i32>} : memref<64x32xf32, #tpu.memory_space<vmem>>, vector<1x16xf32>,
    %swap3A_1002 = arith.constant 56 : i32
    %swap3A_1003 = arith.index_cast %swap3A_1002 : i32 to index
    %swap3A_1004 = arith.constant 0 : index
    %swap3A_1005 = tpu.vector_load %arg10[%swap3A_1003, %swap3A_1004] {strides = array<i32>} : memref<64x32xf32, #tpu.memory_space<vmem>>, vector<1x16xf32>,
    %swap3A_1006 = vector.shape_cast %swap3A_1005 : vector<1x16xf32> to vector<16xf32>
    %swap3A_1007 = vector.shape_cast %broadcast_in_dim3A_330 : vector<16xf32> to vector<1x16xf32>
    tpu.vector_store %arg10[%swap3A_1003, %swap3A_1004], %swap3A_1007 {strides = array<i32>} : memref<64x32xf32, #tpu.memory_space<vmem>>, vector<1x16xf32>,
    %swap3A_1008 = arith.constant 56 : i32
    %swap3A_1009 = arith.index_cast %swap3A_1008 : i32 to index
    %swap3A_1010 = arith.constant 16 : index
    %swap3A_1011 = tpu.vector_load %arg10[%swap3A_1009, %swap3A_1010] {strides = array<i32>} : memref<64x32xf32, #tpu.memory_space<vmem>>, vector<1x16xf32>,
    %swap3A_1012 = vector.shape_cast %swap3A_1011 : vector<1x16xf32> to vector<16xf32>
    %swap3A_1013 = vector.shape_cast %broadcast_in_dim3A_330 : vector<16xf32> to vector<1x16xf32>
    tpu.vector_store %arg10[%swap3A_1009, %swap3A_1010], %swap3A_1013 {strides = array<i32>} : memref<64x32xf32, #tpu.memory_space<vmem>>, vector<1x16xf32>,
    %swap3A_1014 = arith.constant 57 : i32
    %swap3A_1015 = arith.index_cast %swap3A_1014 : i32 to index
    %swap3A_1016 = arith.constant 0 : index
    %swap3A_1017 = tpu.vector_load %arg10[%swap3A_1015, %swap3A_1016] {strides = array<i32>} : memref<64x32xf32, #tpu.memory_space<vmem>>, vector<1x16xf32>,
    %swap3A_1018 = vector.shape_cast %swap3A_1017 : vector<1x16xf32> to vector<16xf32>
    %swap3A_1019 = vector.shape_cast %broadcast_in_dim3A_330 : vector<16xf32> to vector<1x16xf32>
    tpu.vector_store %arg10[%swap3A_1015, %swap3A_1016], %swap3A_1019 {strides = array<i32>} : memref<64x32xf32, #tpu.memory_space<vmem>>, vector<1x16xf32>,
    %swap3A_1020 = arith.constant 57 : i32
    %swap3A_1021 = arith.index_cast %swap3A_1020 : i32 to index
    %swap3A_1022 = arith.constant 16 : index
    %swap3A_1023 = tpu.vector_load %arg10[%swap3A_1021, %swap3A_1022] {strides = array<i32>} : memref<64x32xf32, #tpu.memory_space<vmem>>, vector<1x16xf32>,
    %swap3A_1024 = vector.shape_cast %swap3A_1023 : vector<1x16xf32> to vector<16xf32>
    %swap3A_1025 = vector.shape_cast %broadcast_in_dim3A_330 : vector<16xf32> to vector<1x16xf32>
    tpu.vector_store %arg10[%swap3A_1021, %swap3A_1022], %swap3A_1025 {strides = array<i32>} : memref<64x32xf32, #tpu.memory_space<vmem>>, vector<1x16xf32>,
    %swap3A_1026 = arith.constant 58 : i32
    %swap3A_1027 = arith.index_cast %swap3A_1026 : i32 to index
    %swap3A_1028 = arith.constant 0 : index
    %swap3A_1029 = tpu.vector_load %arg10[%swap3A_1027, %swap3A_1028] {strides = array<i32>} : memref<64x32xf32, #tpu.memory_space<vmem>>, vector<1x16xf32>,
    %swap3A_1030 = vector.shape_cast %swap3A_1029 : vector<1x16xf32> to vector<16xf32>
    %swap3A_1031 = vector.shape_cast %broadcast_in_dim3A_330 : vector<16xf32> to vector<1x16xf32>
    tpu.vector_store %arg10[%swap3A_1027, %swap3A_1028], %swap3A_1031 {strides = array<i32>} : memref<64x32xf32, #tpu.memory_space<vmem>>, vector<1x16xf32>,
    %swap3A_1032 = arith.constant 58 : i32
    %swap3A_1033 = arith.index_cast %swap3A_1032 : i32 to index
    %swap3A_1034 = arith.constant 16 : index
    %swap3A_1035 = tpu.vector_load %arg10[%swap3A_1033, %swap3A_1034] {strides = array<i32>} : memref<64x32xf32, #tpu.memory_space<vmem>>, vector<1x16xf32>,
    %swap3A_1036 = vector.shape_cast %swap3A_1035 : vector<1x16xf32> to vector<16xf32>
    %swap3A_1037 = vector.shape_cast %broadcast_in_dim3A_330 : vector<16xf32> to vector<1x16xf32>
    tpu.vector_store %arg10[%swap3A_1033, %swap3A_1034], %swap3A_1037 {strides = array<i32>} : memref<64x32xf32, #tpu.memory_space<vmem>>, vector<1x16xf32>,
    %swap3A_1038 = arith.constant 59 : i32
    %swap3A_1039 = arith.index_cast %swap3A_1038 : i32 to index
    %swap3A_1040 = arith.constant 0 : index
    %swap3A_1041 = tpu.vector_load %arg10[%swap3A_1039, %swap3A_1040] {strides = array<i32>} : memref<64x32xf32, #tpu.memory_space<vmem>>, vector<1x16xf32>,
    %swap3A_1042 = vector.shape_cast %swap3A_1041 : vector<1x16xf32> to vector<16xf32>
    %swap3A_1043 = vector.shape_cast %broadcast_in_dim3A_330 : vector<16xf32> to vector<1x16xf32>
    tpu.vector_store %arg10[%swap3A_1039, %swap3A_1040], %swap3A_1043 {strides = array<i32>} : memref<64x32xf32, #tpu.memory_space<vmem>>, vector<1x16xf32>,
    %swap3A_1044 = arith.constant 59 : i32
    %swap3A_1045 = arith.index_cast %swap3A_1044 : i32 to index
    %swap3A_1046 = arith.constant 16 : index
    %swap3A_1047 = tpu.vector_load %arg10[%swap3A_1045, %swap3A_1046] {strides = array<i32>} : memref<64x32xf32, #tpu.memory_space<vmem>>, vector<1x16xf32>,
    %swap3A_1048 = vector.shape_cast %swap3A_1047 : vector<1x16xf32> to vector<16xf32>
    %swap3A_1049 = vector.shape_cast %broadcast_in_dim3A_330 : vector<16xf32> to vector<1x16xf32>
    tpu.vector_store %arg10[%swap3A_1045, %swap3A_1046], %swap3A_1049 {strides = array<i32>} : memref<64x32xf32, #tpu.memory_space<vmem>>, vector<1x16xf32>,
    %swap3A_1050 = arith.constant 60 : i32
    %swap3A_1051 = arith.index_cast %swap3A_1050 : i32 to index
    %swap3A_1052 = arith.constant 0 : index
    %swap3A_1053 = tpu.vector_load %arg10[%swap3A_1051, %swap3A_1052] {strides = array<i32>} : memref<64x32xf32, #tpu.memory_space<vmem>>, vector<1x16xf32>,
    %swap3A_1054 = vector.shape_cast %swap3A_1053 : vector<1x16xf32> to vector<16xf32>
    %swap3A_1055 = vector.shape_cast %broadcast_in_dim3A_330 : vector<16xf32> to vector<1x16xf32>
    tpu.vector_store %arg10[%swap3A_1051, %swap3A_1052], %swap3A_1055 {strides = array<i32>} : memref<64x32xf32, #tpu.memory_space<vmem>>, vector<1x16xf32>,
    %swap3A_1056 = arith.constant 60 : i32
    %swap3A_1057 = arith.index_cast %swap3A_1056 : i32 to index
    %swap3A_1058 = arith.constant 16 : index
    %swap3A_1059 = tpu.vector_load %arg10[%swap3A_1057, %swap3A_1058] {strides = array<i32>} : memref<64x32xf32, #tpu.memory_space<vmem>>, vector<1x16xf32>,
    %swap3A_1060 = vector.shape_cast %swap3A_1059 : vector<1x16xf32> to vector<16xf32>
    %swap3A_1061 = vector.shape_cast %broadcast_in_dim3A_330 : vector<16xf32> to vector<1x16xf32>
    tpu.vector_store %arg10[%swap3A_1057, %swap3A_1058], %swap3A_1061 {strides = array<i32>} : memref<64x32xf32, #tpu.memory_space<vmem>>, vector<1x16xf32>,
    %swap3A_1062 = arith.constant 61 : i32
    %swap3A_1063 = arith.index_cast %swap3A_1062 : i32 to index
    %swap3A_1064 = arith.constant 0 : index
    %swap3A_1065 = tpu.vector_load %arg10[%swap3A_1063, %swap3A_1064] {strides = array<i32>} : memref<64x32xf32, #tpu.memory_space<vmem>>, vector<1x16xf32>,
    %swap3A_1066 = vector.shape_cast %swap3A_1065 : vector<1x16xf32> to vector<16xf32>
    %swap3A_1067 = vector.shape_cast %broadcast_in_dim3A_330 : vector<16xf32> to vector<1x16xf32>
    tpu.vector_store %arg10[%swap3A_1063, %swap3A_1064], %swap3A_1067 {strides = array<i32>} : memref<64x32xf32, #tpu.memory_space<vmem>>, vector<1x16xf32>,
    %swap3A_1068 = arith.constant 61 : i32
    %swap3A_1069 = arith.index_cast %swap3A_1068 : i32 to index
    %swap3A_1070 = arith.constant 16 : index
    %swap3A_1071 = tpu.vector_load %arg10[%swap3A_1069, %swap3A_1070] {strides = array<i32>} : memref<64x32xf32, #tpu.memory_space<vmem>>, vector<1x16xf32>,
    %swap3A_1072 = vector.shape_cast %swap3A_1071 : vector<1x16xf32> to vector<16xf32>
    %swap3A_1073 = vector.shape_cast %broadcast_in_dim3A_330 : vector<16xf32> to vector<1x16xf32>
    tpu.vector_store %arg10[%swap3A_1069, %swap3A_1070], %swap3A_1073 {strides = array<i32>} : memref<64x32xf32, #tpu.memory_space<vmem>>, vector<1x16xf32>,
    %swap3A_1074 = arith.constant 62 : i32
    %swap3A_1075 = arith.index_cast %swap3A_1074 : i32 to index
    %swap3A_1076 = arith.constant 0 : index
    %swap3A_1077 = tpu.vector_load %arg10[%swap3A_1075, %swap3A_1076] {strides = array<i32>} : memref<64x32xf32, #tpu.memory_space<vmem>>, vector<1x16xf32>,
    %swap3A_1078 = vector.shape_cast %swap3A_1077 : vector<1x16xf32> to vector<16xf32>
    %swap3A_1079 = vector.shape_cast %broadcast_in_dim3A_330 : vector<16xf32> to vector<1x16xf32>
    tpu.vector_store %arg10[%swap3A_1075, %swap3A_1076], %swap3A_1079 {strides = array<i32>} : memref<64x32xf32, #tpu.memory_space<vmem>>, vector<1x16xf32>,
    %swap3A_1080 = arith.constant 62 : i32
    %swap3A_1081 = arith.index_cast %swap3A_1080 : i32 to index
    %swap3A_1082 = arith.constant 16 : index
    %swap3A_1083 = tpu.vector_load %arg10[%swap3A_1081, %swap3A_1082] {strides = array<i32>} : memref<64x32xf32, #tpu.memory_space<vmem>>, vector<1x16xf32>,
    %swap3A_1084 = vector.shape_cast %swap3A_1083 : vector<1x16xf32> to vector<16xf32>
    %swap3A_1085 = vector.shape_cast %broadcast_in_dim3A_330 : vector<16xf32> to vector<1x16xf32>
    tpu.vector_store %arg10[%swap3A_1081, %swap3A_1082], %swap3A_1085 {strides = array<i32>} : memref<64x32xf32, #tpu.memory_space<vmem>>, vector<1x16xf32>,
    %swap3A_1086 = arith.constant 63 : i32
    %swap3A_1087 = arith.index_cast %swap3A_1086 : i32 to index
    %swap3A_1088 = arith.constant 0 : index
    %swap3A_1089 = tpu.vector_load %arg10[%swap3A_1087, %swap3A_1088] {strides = array<i32>} : memref<64x32xf32, #tpu.memory_space<vmem>>, vector<1x16xf32>,
    %swap3A_1090 = vector.shape_cast %swap3A_1089 : vector<1x16xf32> to vector<16xf32>
    %swap3A_1091 = vector.shape_cast %broadcast_in_dim3A_330 : vector<16xf32> to vector<1x16xf32>
    tpu.vector_store %arg10[%swap3A_1087, %swap3A_1088], %swap3A_1091 {strides = array<i32>} : memref<64x32xf32, #tpu.memory_space<vmem>>, vector<1x16xf32>,
    %swap3A_1092 = arith.constant 63 : i32
    %swap3A_1093 = arith.index_cast %swap3A_1092 : i32 to index
    %swap3A_1094 = arith.constant 16 : index
    %swap3A_1095 = tpu.vector_load %arg10[%swap3A_1093, %swap3A_1094] {strides = array<i32>} : memref<64x32xf32, #tpu.memory_space<vmem>>, vector<1x16xf32>,
    %swap3A_1096 = vector.shape_cast %swap3A_1095 : vector<1x16xf32> to vector<16xf32>
    %swap3A_1097 = vector.shape_cast %broadcast_in_dim3A_330 : vector<16xf32> to vector<1x16xf32>
    tpu.vector_store %arg10[%swap3A_1093, %swap3A_1094], %swap3A_1097 {strides = array<i32>} : memref<64x32xf32, #tpu.memory_space<vmem>>, vector<1x16xf32>,
    %dma_start3A = arith.constant 0 : i32
    %dma_start3A_1098 = arith.constant 0 : i32
    %dma_start3A_1099 = tpu.memref_slice %arg2[%add3A, %dma_start3A, %dma_start3A_1098] : memref<32x512x512xf32, #tpu.memory_space<hbm>> -> memref<1x32x512xf32, #tpu.memory_space<hbm>>
    %dma_start3A_1100 = tpu.memref_squeeze %dma_start3A_1099 : memref<1x32x512xf32, #tpu.memory_space<hbm>> -> memref<32x512xf32, #tpu.memory_space<hbm>>
    %dma_start3A_1101 = arith.constant 0 : i32
    %dma_start3A_1102 = arith.constant 0 : i32
    %dma_start3A_1103 = tpu.memref_slice %arg2[%add3A, %dma_start3A_1101, %dma_start3A_1102] : memref<32x512x512xf32, #tpu.memory_space<hbm>> -> memref<1x32x512xf32, #tpu.memory_space<hbm>>
    %dma_start3A_1104 = tpu.memref_squeeze %dma_start3A_1103 : memref<1x32x512xf32, #tpu.memory_space<hbm>> -> memref<32x512xf32, #tpu.memory_space<hbm>>
    tpu.enqueue_dma source(%dma_start3A_1104 : memref<32x512xf32, #tpu.memory_space<hbm>>) target(%arg4 : memref<32x512xf32, #tpu.memory_space<vmem>>) target_semaphore(%arg11 : memref<!tpu.dma_semaphore, #tpu.memory_space<semaphore_mem>>)
    %dma_start3A_1105 = arith.constant 32 : i32
    %dma_start3A_1106 = arith.constant 0 : i32
    %dma_start3A_1107 = tpu.memref_slice %arg2[%add3A, %dma_start3A_1105, %dma_start3A_1106] : memref<32x512x512xf32, #tpu.memory_space<hbm>> -> memref<1x32x512xf32, #tpu.memory_space<hbm>>
    %dma_start3A_1108 = tpu.memref_squeeze %dma_start3A_1107 : memref<1x32x512xf32, #tpu.memory_space<hbm>> -> memref<32x512xf32, #tpu.memory_space<hbm>>
    %dma_start3A_1109 = arith.constant 32 : i32
    %dma_start3A_1110 = arith.constant 0 : i32
    %dma_start3A_1111 = tpu.memref_slice %arg2[%add3A, %dma_start3A_1109, %dma_start3A_1110] : memref<32x512x512xf32, #tpu.memory_space<hbm>> -> memref<1x32x512xf32, #tpu.memory_space<hbm>>
    %dma_start3A_1112 = tpu.memref_squeeze %dma_start3A_1111 : memref<1x32x512xf32, #tpu.memory_space<hbm>> -> memref<32x512xf32, #tpu.memory_space<hbm>>
    tpu.enqueue_dma source(%dma_start3A_1112 : memref<32x512xf32, #tpu.memory_space<hbm>>) target(%arg5 : memref<32x512xf32, #tpu.memory_space<vmem>>) target_semaphore(%arg12 : memref<!tpu.dma_semaphore, #tpu.memory_space<semaphore_mem>>)
    %dma_start3A_1113 = arith.constant 64 : i32
    %dma_start3A_1114 = arith.constant 0 : i32
    %dma_start3A_1115 = tpu.memref_slice %arg2[%add3A, %dma_start3A_1113, %dma_start3A_1114] : memref<32x512x512xf32, #tpu.memory_space<hbm>> -> memref<1x32x512xf32, #tpu.memory_space<hbm>>
    %dma_start3A_1116 = tpu.memref_squeeze %dma_start3A_1115 : memref<1x32x512xf32, #tpu.memory_space<hbm>> -> memref<32x512xf32, #tpu.memory_space<hbm>>
    %dma_start3A_1117 = arith.constant 64 : i32
    %dma_start3A_1118 = arith.constant 0 : i32
    %dma_start3A_1119 = tpu.memref_slice %arg2[%add3A, %dma_start3A_1117, %dma_start3A_1118] : memref<32x512x512xf32, #tpu.memory_space<hbm>> -> memref<1x32x512xf32, #tpu.memory_space<hbm>>
    %dma_start3A_1120 = tpu.memref_squeeze %dma_start3A_1119 : memref<1x32x512xf32, #tpu.memory_space<hbm>> -> memref<32x512xf32, #tpu.memory_space<hbm>>
    tpu.enqueue_dma source(%dma_start3A_1120 : memref<32x512xf32, #tpu.memory_space<hbm>>) target(%arg6 : memref<32x512xf32, #tpu.memory_space<vmem>>) target_semaphore(%arg13 : memref<!tpu.dma_semaphore, #tpu.memory_space<semaphore_mem>>)
    %dma_start3A_1121 = arith.constant 96 : i32
    %dma_start3A_1122 = arith.constant 0 : i32
    %dma_start3A_1123 = tpu.memref_slice %arg2[%add3A, %dma_start3A_1121, %dma_start3A_1122] : memref<32x512x512xf32, #tpu.memory_space<hbm>> -> memref<1x32x512xf32, #tpu.memory_space<hbm>>
    %dma_start3A_1124 = tpu.memref_squeeze %dma_start3A_1123 : memref<1x32x512xf32, #tpu.memory_space<hbm>> -> memref<32x512xf32, #tpu.memory_space<hbm>>
    %dma_start3A_1125 = arith.constant 96 : i32
    %dma_start3A_1126 = arith.constant 0 : i32
    %dma_start3A_1127 = tpu.memref_slice %arg2[%add3A, %dma_start3A_1125, %dma_start3A_1126] : memref<32x512x512xf32, #tpu.memory_space<hbm>> -> memref<1x32x512xf32, #tpu.memory_space<hbm>>
    %dma_start3A_1128 = tpu.memref_squeeze %dma_start3A_1127 : memref<1x32x512xf32, #tpu.memory_space<hbm>> -> memref<32x512xf32, #tpu.memory_space<hbm>>
    tpu.enqueue_dma source(%dma_start3A_1128 : memref<32x512xf32, #tpu.memory_space<hbm>>) target(%arg7 : memref<32x512xf32, #tpu.memory_space<vmem>>) target_semaphore(%arg14 : memref<!tpu.dma_semaphore, #tpu.memory_space<semaphore_mem>>)
    %dma_start3A_1129 = arith.constant 128 : i32
    %dma_start3A_1130 = arith.constant 0 : i32
    %dma_start3A_1131 = tpu.memref_slice %arg2[%add3A, %dma_start3A_1129, %dma_start3A_1130] : memref<32x512x512xf32, #tpu.memory_space<hbm>> -> memref<1x32x512xf32, #tpu.memory_space<hbm>>
    %dma_start3A_1132 = tpu.memref_squeeze %dma_start3A_1131 : memref<1x32x512xf32, #tpu.memory_space<hbm>> -> memref<32x512xf32, #tpu.memory_space<hbm>>
    %dma_start3A_1133 = arith.constant 128 : i32
    %dma_start3A_1134 = arith.constant 0 : i32
    %dma_start3A_1135 = tpu.memref_slice %arg2[%add3A, %dma_start3A_1133, %dma_start3A_1134] : memref<32x512x512xf32, #tpu.memory_space<hbm>> -> memref<1x32x512xf32, #tpu.memory_space<hbm>>
    %dma_start3A_1136 = tpu.memref_squeeze %dma_start3A_1135 : memref<1x32x512xf32, #tpu.memory_space<hbm>> -> memref<32x512xf32, #tpu.memory_space<hbm>>
    tpu.enqueue_dma source(%dma_start3A_1136 : memref<32x512xf32, #tpu.memory_space<hbm>>) target(%arg8 : memref<32x512xf32, #tpu.memory_space<vmem>>) target_semaphore(%arg15 : memref<!tpu.dma_semaphore, #tpu.memory_space<semaphore_mem>>)
    %dma_start3A_1137 = arith.constant 160 : i32
    %dma_start3A_1138 = arith.constant 0 : i32
    %dma_start3A_1139 = tpu.memref_slice %arg2[%add3A, %dma_start3A_1137, %dma_start3A_1138] : memref<32x512x512xf32, #tpu.memory_space<hbm>> -> memref<1x32x512xf32, #tpu.memory_space<hbm>>
    %dma_start3A_1140 = tpu.memref_squeeze %dma_start3A_1139 : memref<1x32x512xf32, #tpu.memory_space<hbm>> -> memref<32x512xf32, #tpu.memory_space<hbm>>
    %dma_start3A_1141 = arith.constant 160 : i32
    %dma_start3A_1142 = arith.constant 0 : i32
    %dma_start3A_1143 = tpu.memref_slice %arg2[%add3A, %dma_start3A_1141, %dma_start3A_1142] : memref<32x512x512xf32, #tpu.memory_space<hbm>> -> memref<1x32x512xf32, #tpu.memory_space<hbm>>
    %dma_start3A_1144 = tpu.memref_squeeze %dma_start3A_1143 : memref<1x32x512xf32, #tpu.memory_space<hbm>> -> memref<32x512xf32, #tpu.memory_space<hbm>>
    tpu.enqueue_dma source(%dma_start3A_1144 : memref<32x512xf32, #tpu.memory_space<hbm>>) target(%arg9 : memref<32x512xf32, #tpu.memory_space<vmem>>) target_semaphore(%arg16 : memref<!tpu.dma_semaphore, #tpu.memory_space<semaphore_mem>>)
    %dma_wait3A = arith.constant 0 : i32
    %dma_wait3A_1145 = arith.constant 0 : i32
    %dma_wait3A_1146 = tpu.memref_slice %arg2[%add3A, %dma_wait3A, %dma_wait3A_1145] : memref<32x512x512xf32, #tpu.memory_space<hbm>> -> memref<1x32x512xf32, #tpu.memory_space<hbm>>
    %dma_wait3A_1147 = tpu.memref_squeeze %dma_wait3A_1146 : memref<1x32x512xf32, #tpu.memory_space<hbm>> -> memref<32x512xf32, #tpu.memory_space<hbm>>
    %dma_wait3A_1148 = arith.constant 0 : i32
    %dma_wait3A_1149 = arith.constant 0 : i32
    %dma_wait3A_1150 = tpu.memref_slice %arg2[%add3A, %dma_wait3A_1148, %dma_wait3A_1149] : memref<32x512x512xf32, #tpu.memory_space<hbm>> -> memref<1x32x512xf32, #tpu.memory_space<hbm>>
    %dma_wait3A_1151 = tpu.memref_squeeze %dma_wait3A_1150 : memref<1x32x512xf32, #tpu.memory_space<hbm>> -> memref<32x512xf32, #tpu.memory_space<hbm>>
    tpu.wait_dma2 semaphore(%arg11 : memref<!tpu.dma_semaphore, #tpu.memory_space<semaphore_mem>>) src(%dma_wait3A_1151 : memref<32x512xf32, #tpu.memory_space<hbm>>) dst(%arg4 : memref<32x512xf32, #tpu.memory_space<vmem>>)
    %max3A = arith.constant 0 : i32
    %max3A_1152 = arith.maxsi %select_n3A_315, %max3A : i32
    %sub3A = arith.constant 0 : i32
    %sub3A_1153 = arith.subi %max3A_1152, %sub3A : i32
    %min3A = arith.constant 32 : i32
    %min3A_1154 = arith.minsi %select_n3A_319, %min3A : i32
    %sub3A_1155 = arith.constant 0 : i32
    %sub3A_1156 = arith.subi %min3A_1154, %sub3A_1155 : i32
    %while3A = arith.constant 0 : i32
    %while3A_1157 = arith.subi %sub3A_1156, %sub3A_1153 : i32
    %while3A_1158 = arith.addi %sub3A_1153, %while3A_1157 : i32
    %while3A_1159 = arith.constant 1 : i32
    %while3A_1160 = arith.divsi %while3A_1157, %while3A_1159 : i32
    %while3A_1161 = arith.muli %while3A_1160, %while3A_1159 : i32
    %while3A_1162 = arith.addi %sub3A_1153, %while3A_1161 : i32
    %while3A_1163 = arith.constant 1 : i32
    scf.for %while3A_1907 = %sub3A_1153 to %while3A_1162 step %while3A_1163  : i32 {
      %swap3A_1908 = arith.index_cast %while3A_1907 : i32 to index
      %swap3A_1909 = arith.index_cast %select_n3A_317 : i32 to index
      %swap3A_1910 = tpu.vector_load %arg4[%swap3A_1908, %swap3A_1909] {strides = array<i32>} : memref<32x512xf32, #tpu.memory_space<vmem>>, vector<1x16xf32>,
      %swap3A_1911 = vector.shape_cast %swap3A_1910 : vector<1x16xf32> to vector<16xf32>
      %swap3A_1912 = vector.shape_cast %broadcast_in_dim3A_330 : vector<16xf32> to vector<1x16xf32>
      tpu.vector_store %arg4[%swap3A_1908, %swap3A_1909], %swap3A_1912 {strides = array<i32>} : memref<32x512xf32, #tpu.memory_space<vmem>>, vector<1x16xf32>,
      %sub3A_1913 = arith.constant 16 : i32
      %sub3A_1914 = arith.subi %select_n3A_321, %sub3A_1913 : i32
      %swap3A_1915 = arith.index_cast %while3A_1907 : i32 to index
      %swap3A_1916 = arith.index_cast %sub3A_1914 : i32 to index
      %swap3A_1917 = tpu.vector_load %arg4[%swap3A_1915, %swap3A_1916] {strides = array<i32>} : memref<32x512xf32, #tpu.memory_space<vmem>>, vector<1x16xf32>,
      %swap3A_1918 = vector.shape_cast %swap3A_1917 : vector<1x16xf32> to vector<16xf32>
      %swap3A_1919 = vector.shape_cast %broadcast_in_dim3A_330 : vector<16xf32> to vector<1x16xf32>
      tpu.vector_store %arg4[%swap3A_1915, %swap3A_1916], %swap3A_1919 {strides = array<i32>} : memref<32x512xf32, #tpu.memory_space<vmem>>, vector<1x16xf32>,
    }
    %while3A_1164 = arith.constant 1 : i32
    scf.for %while3A_1907 = %while3A_1162 to %while3A_1158 step %while3A_1164  : i32 {
      %swap3A_1908 = arith.index_cast %while3A_1907 : i32 to index
      %swap3A_1909 = arith.index_cast %select_n3A_317 : i32 to index
      %swap3A_1910 = tpu.vector_load %arg4[%swap3A_1908, %swap3A_1909] {strides = array<i32>} : memref<32x512xf32, #tpu.memory_space<vmem>>, vector<1x16xf32>,
      %swap3A_1911 = vector.shape_cast %swap3A_1910 : vector<1x16xf32> to vector<16xf32>
      %swap3A_1912 = vector.shape_cast %broadcast_in_dim3A_330 : vector<16xf32> to vector<1x16xf32>
      tpu.vector_store %arg4[%swap3A_1908, %swap3A_1909], %swap3A_1912 {strides = array<i32>} : memref<32x512xf32, #tpu.memory_space<vmem>>, vector<1x16xf32>,
      %sub3A_1913 = arith.constant 16 : i32
      %sub3A_1914 = arith.subi %select_n3A_321, %sub3A_1913 : i32
      %swap3A_1915 = arith.index_cast %while3A_1907 : i32 to index
      %swap3A_1916 = arith.index_cast %sub3A_1914 : i32 to index
      %swap3A_1917 = tpu.vector_load %arg4[%swap3A_1915, %swap3A_1916] {strides = array<i32>} : memref<32x512xf32, #tpu.memory_space<vmem>>, vector<1x16xf32>,
      %swap3A_1918 = vector.shape_cast %swap3A_1917 : vector<1x16xf32> to vector<16xf32>
      %swap3A_1919 = vector.shape_cast %broadcast_in_dim3A_330 : vector<16xf32> to vector<1x16xf32>
      tpu.vector_store %arg4[%swap3A_1915, %swap3A_1916], %swap3A_1919 {strides = array<i32>} : memref<32x512xf32, #tpu.memory_space<vmem>>, vector<1x16xf32>,
    }
    %dma_start3A_1165 = arith.constant 0 : i32
    %dma_start3A_1166 = arith.constant 0 : i32
    %dma_start3A_1167 = tpu.memref_slice %arg3[%add3A, %dma_start3A_1165, %dma_start3A_1166] : memref<32x512x512xf32, #tpu.memory_space<hbm>> -> memref<1x32x512xf32, #tpu.memory_space<hbm>>
    %dma_start3A_1168 = tpu.memref_squeeze %dma_start3A_1167 : memref<1x32x512xf32, #tpu.memory_space<hbm>> -> memref<32x512xf32, #tpu.memory_space<hbm>>
    %dma_start3A_1169 = arith.constant 0 : i32
    %dma_start3A_1170 = arith.constant 0 : i32
    %dma_start3A_1171 = tpu.memref_slice %arg3[%add3A, %dma_start3A_1169, %dma_start3A_1170] : memref<32x512x512xf32, #tpu.memory_space<hbm>> -> memref<1x32x512xf32, #tpu.memory_space<hbm>>
    %dma_start3A_1172 = tpu.memref_squeeze %dma_start3A_1171 : memref<1x32x512xf32, #tpu.memory_space<hbm>> -> memref<32x512xf32, #tpu.memory_space<hbm>>
    tpu.enqueue_dma source(%arg4 : memref<32x512xf32, #tpu.memory_space<vmem>>) target(%dma_start3A_1172 : memref<32x512xf32, #tpu.memory_space<hbm>>) target_semaphore(%arg17 : memref<!tpu.dma_semaphore, #tpu.memory_space<semaphore_mem>>)
    %dma_wait3A_1173 = arith.constant 0 : i32
    %dma_wait3A_1174 = arith.constant 0 : i32
    %dma_wait3A_1175 = tpu.memref_slice %arg3[%add3A, %dma_wait3A_1173, %dma_wait3A_1174] : memref<32x512x512xf32, #tpu.memory_space<hbm>> -> memref<1x32x512xf32, #tpu.memory_space<hbm>>
    %dma_wait3A_1176 = tpu.memref_squeeze %dma_wait3A_1175 : memref<1x32x512xf32, #tpu.memory_space<hbm>> -> memref<32x512xf32, #tpu.memory_space<hbm>>
    %dma_wait3A_1177 = arith.constant 0 : i32
    %dma_wait3A_1178 = arith.constant 0 : i32
    %dma_wait3A_1179 = tpu.memref_slice %arg3[%add3A, %dma_wait3A_1177, %dma_wait3A_1178] : memref<32x512x512xf32, #tpu.memory_space<hbm>> -> memref<1x32x512xf32, #tpu.memory_space<hbm>>
    %dma_wait3A_1180 = tpu.memref_squeeze %dma_wait3A_1179 : memref<1x32x512xf32, #tpu.memory_space<hbm>> -> memref<32x512xf32, #tpu.memory_space<hbm>>
    tpu.wait_dma2 semaphore(%arg17 : memref<!tpu.dma_semaphore, #tpu.memory_space<semaphore_mem>>) src(%arg4 : memref<32x512xf32, #tpu.memory_space<vmem>>) dst(%dma_wait3A_1180 : memref<32x512xf32, #tpu.memory_space<hbm>>)
    %dma_start3A_1181 = arith.constant 192 : i32
    %dma_start3A_1182 = arith.constant 0 : i32
    %dma_start3A_1183 = tpu.memref_slice %arg2[%add3A, %dma_start3A_1181, %dma_start3A_1182] : memref<32x512x512xf32, #tpu.memory_space<hbm>> -> memref<1x32x512xf32, #tpu.memory_space<hbm>>
    %dma_start3A_1184 = tpu.memref_squeeze %dma_start3A_1183 : memref<1x32x512xf32, #tpu.memory_space<hbm>> -> memref<32x512xf32, #tpu.memory_space<hbm>>
    %dma_start3A_1185 = arith.constant 192 : i32
    %dma_start3A_1186 = arith.constant 0 : i32
    %dma_start3A_1187 = tpu.memref_slice %arg2[%add3A, %dma_start3A_1185, %dma_start3A_1186] : memref<32x512x512xf32, #tpu.memory_space<hbm>> -> memref<1x32x512xf32, #tpu.memory_space<hbm>>
    %dma_start3A_1188 = tpu.memref_squeeze %dma_start3A_1187 : memref<1x32x512xf32, #tpu.memory_space<hbm>> -> memref<32x512xf32, #tpu.memory_space<hbm>>
    tpu.enqueue_dma source(%dma_start3A_1188 : memref<32x512xf32, #tpu.memory_space<hbm>>) target(%arg4 : memref<32x512xf32, #tpu.memory_space<vmem>>) target_semaphore(%arg11 : memref<!tpu.dma_semaphore, #tpu.memory_space<semaphore_mem>>)
    %dma_wait3A_1189 = arith.constant 32 : i32
    %dma_wait3A_1190 = arith.constant 0 : i32
    %dma_wait3A_1191 = tpu.memref_slice %arg2[%add3A, %dma_wait3A_1189, %dma_wait3A_1190] : memref<32x512x512xf32, #tpu.memory_space<hbm>> -> memref<1x32x512xf32, #tpu.memory_space<hbm>>
    %dma_wait3A_1192 = tpu.memref_squeeze %dma_wait3A_1191 : memref<1x32x512xf32, #tpu.memory_space<hbm>> -> memref<32x512xf32, #tpu.memory_space<hbm>>
    %dma_wait3A_1193 = arith.constant 32 : i32
    %dma_wait3A_1194 = arith.constant 0 : i32
    %dma_wait3A_1195 = tpu.memref_slice %arg2[%add3A, %dma_wait3A_1193, %dma_wait3A_1194] : memref<32x512x512xf32, #tpu.memory_space<hbm>> -> memref<1x32x512xf32, #tpu.memory_space<hbm>>
    %dma_wait3A_1196 = tpu.memref_squeeze %dma_wait3A_1195 : memref<1x32x512xf32, #tpu.memory_space<hbm>> -> memref<32x512xf32, #tpu.memory_space<hbm>>
    tpu.wait_dma2 semaphore(%arg12 : memref<!tpu.dma_semaphore, #tpu.memory_space<semaphore_mem>>) src(%dma_wait3A_1196 : memref<32x512xf32, #tpu.memory_space<hbm>>) dst(%arg5 : memref<32x512xf32, #tpu.memory_space<vmem>>)
    %max3A_1197 = arith.constant 32 : i32
    %max3A_1198 = arith.maxsi %select_n3A_315, %max3A_1197 : i32
    %sub3A_1199 = arith.constant 32 : i32
    %sub3A_1200 = arith.subi %max3A_1198, %sub3A_1199 : i32
    %min3A_1201 = arith.constant 64 : i32
    %min3A_1202 = arith.minsi %select_n3A_319, %min3A_1201 : i32
    %sub3A_1203 = arith.constant 32 : i32
    %sub3A_1204 = arith.subi %min3A_1202, %sub3A_1203 : i32
    %while3A_1205 = arith.constant 0 : i32
    %while3A_1206 = arith.subi %sub3A_1204, %sub3A_1200 : i32
    %while3A_1207 = arith.addi %sub3A_1200, %while3A_1206 : i32
    %while3A_1208 = arith.constant 1 : i32
    %while3A_1209 = arith.divsi %while3A_1206, %while3A_1208 : i32
    %while3A_1210 = arith.muli %while3A_1209, %while3A_1208 : i32
    %while3A_1211 = arith.addi %sub3A_1200, %while3A_1210 : i32
    %while3A_1212 = arith.constant 1 : i32
    scf.for %while3A_1907 = %sub3A_1200 to %while3A_1211 step %while3A_1212  : i32 {
      %swap3A_1908 = arith.index_cast %while3A_1907 : i32 to index
      %swap3A_1909 = arith.index_cast %select_n3A_317 : i32 to index
      %swap3A_1910 = tpu.vector_load %arg5[%swap3A_1908, %swap3A_1909] {strides = array<i32>} : memref<32x512xf32, #tpu.memory_space<vmem>>, vector<1x16xf32>,
      %swap3A_1911 = vector.shape_cast %swap3A_1910 : vector<1x16xf32> to vector<16xf32>
      %swap3A_1912 = vector.shape_cast %broadcast_in_dim3A_330 : vector<16xf32> to vector<1x16xf32>
      tpu.vector_store %arg5[%swap3A_1908, %swap3A_1909], %swap3A_1912 {strides = array<i32>} : memref<32x512xf32, #tpu.memory_space<vmem>>, vector<1x16xf32>,
      %sub3A_1913 = arith.constant 16 : i32
      %sub3A_1914 = arith.subi %select_n3A_321, %sub3A_1913 : i32
      %swap3A_1915 = arith.index_cast %while3A_1907 : i32 to index
      %swap3A_1916 = arith.index_cast %sub3A_1914 : i32 to index
      %swap3A_1917 = tpu.vector_load %arg5[%swap3A_1915, %swap3A_1916] {strides = array<i32>} : memref<32x512xf32, #tpu.memory_space<vmem>>, vector<1x16xf32>,
      %swap3A_1918 = vector.shape_cast %swap3A_1917 : vector<1x16xf32> to vector<16xf32>
      %swap3A_1919 = vector.shape_cast %broadcast_in_dim3A_330 : vector<16xf32> to vector<1x16xf32>
      tpu.vector_store %arg5[%swap3A_1915, %swap3A_1916], %swap3A_1919 {strides = array<i32>} : memref<32x512xf32, #tpu.memory_space<vmem>>, vector<1x16xf32>,
    }
    %while3A_1213 = arith.constant 1 : i32
    scf.for %while3A_1907 = %while3A_1211 to %while3A_1207 step %while3A_1213  : i32 {
      %swap3A_1908 = arith.index_cast %while3A_1907 : i32 to index
      %swap3A_1909 = arith.index_cast %select_n3A_317 : i32 to index
      %swap3A_1910 = tpu.vector_load %arg5[%swap3A_1908, %swap3A_1909] {strides = array<i32>} : memref<32x512xf32, #tpu.memory_space<vmem>>, vector<1x16xf32>,
      %swap3A_1911 = vector.shape_cast %swap3A_1910 : vector<1x16xf32> to vector<16xf32>
      %swap3A_1912 = vector.shape_cast %broadcast_in_dim3A_330 : vector<16xf32> to vector<1x16xf32>
      tpu.vector_store %arg5[%swap3A_1908, %swap3A_1909], %swap3A_1912 {strides = array<i32>} : memref<32x512xf32, #tpu.memory_space<vmem>>, vector<1x16xf32>,
      %sub3A_1913 = arith.constant 16 : i32
      %sub3A_1914 = arith.subi %select_n3A_321, %sub3A_1913 : i32
      %swap3A_1915 = arith.index_cast %while3A_1907 : i32 to index
      %swap3A_1916 = arith.index_cast %sub3A_1914 : i32 to index
      %swap3A_1917 = tpu.vector_load %arg5[%swap3A_1915, %swap3A_1916] {strides = array<i32>} : memref<32x512xf32, #tpu.memory_space<vmem>>, vector<1x16xf32>,
      %swap3A_1918 = vector.shape_cast %swap3A_1917 : vector<1x16xf32> to vector<16xf32>
      %swap3A_1919 = vector.shape_cast %broadcast_in_dim3A_330 : vector<16xf32> to vector<1x16xf32>
      tpu.vector_store %arg5[%swap3A_1915, %swap3A_1916], %swap3A_1919 {strides = array<i32>} : memref<32x512xf32, #tpu.memory_space<vmem>>, vector<1x16xf32>,
    }
    %dma_start3A_1214 = arith.constant 32 : i32
    %dma_start3A_1215 = arith.constant 0 : i32
    %dma_start3A_1216 = tpu.memref_slice %arg3[%add3A, %dma_start3A_1214, %dma_start3A_1215] : memref<32x512x512xf32, #tpu.memory_space<hbm>> -> memref<1x32x512xf32, #tpu.memory_space<hbm>>
    %dma_start3A_1217 = tpu.memref_squeeze %dma_start3A_1216 : memref<1x32x512xf32, #tpu.memory_space<hbm>> -> memref<32x512xf32, #tpu.memory_space<hbm>>
    %dma_start3A_1218 = arith.constant 32 : i32
    %dma_start3A_1219 = arith.constant 0 : i32
    %dma_start3A_1220 = tpu.memref_slice %arg3[%add3A, %dma_start3A_1218, %dma_start3A_1219] : memref<32x512x512xf32, #tpu.memory_space<hbm>> -> memref<1x32x512xf32, #tpu.memory_space<hbm>>
    %dma_start3A_1221 = tpu.memref_squeeze %dma_start3A_1220 : memref<1x32x512xf32, #tpu.memory_space<hbm>> -> memref<32x512xf32, #tpu.memory_space<hbm>>
    tpu.enqueue_dma source(%arg5 : memref<32x512xf32, #tpu.memory_space<vmem>>) target(%dma_start3A_1221 : memref<32x512xf32, #tpu.memory_space<hbm>>) target_semaphore(%arg18 : memref<!tpu.dma_semaphore, #tpu.memory_space<semaphore_mem>>)
    %dma_wait3A_1222 = arith.constant 32 : i32
    %dma_wait3A_1223 = arith.constant 0 : i32
    %dma_wait3A_1224 = tpu.memref_slice %arg3[%add3A, %dma_wait3A_1222, %dma_wait3A_1223] : memref<32x512x512xf32, #tpu.memory_space<hbm>> -> memref<1x32x512xf32, #tpu.memory_space<hbm>>
    %dma_wait3A_1225 = tpu.memref_squeeze %dma_wait3A_1224 : memref<1x32x512xf32, #tpu.memory_space<hbm>> -> memref<32x512xf32, #tpu.memory_space<hbm>>
    %dma_wait3A_1226 = arith.constant 32 : i32
    %dma_wait3A_1227 = arith.constant 0 : i32
    %dma_wait3A_1228 = tpu.memref_slice %arg3[%add3A, %dma_wait3A_1226, %dma_wait3A_1227] : memref<32x512x512xf32, #tpu.memory_space<hbm>> -> memref<1x32x512xf32, #tpu.memory_space<hbm>>
    %dma_wait3A_1229 = tpu.memref_squeeze %dma_wait3A_1228 : memref<1x32x512xf32, #tpu.memory_space<hbm>> -> memref<32x512xf32, #tpu.memory_space<hbm>>
    tpu.wait_dma2 semaphore(%arg18 : memref<!tpu.dma_semaphore, #tpu.memory_space<semaphore_mem>>) src(%arg5 : memref<32x512xf32, #tpu.memory_space<vmem>>) dst(%dma_wait3A_1229 : memref<32x512xf32, #tpu.memory_space<hbm>>)
    %dma_start3A_1230 = arith.constant 224 : i32
    %dma_start3A_1231 = arith.constant 0 : i32
    %dma_start3A_1232 = tpu.memref_slice %arg2[%add3A, %dma_start3A_1230, %dma_start3A_1231] : memref<32x512x512xf32, #tpu.memory_space<hbm>> -> memref<1x32x512xf32, #tpu.memory_space<hbm>>
    %dma_start3A_1233 = tpu.memref_squeeze %dma_start3A_1232 : memref<1x32x512xf32, #tpu.memory_space<hbm>> -> memref<32x512xf32, #tpu.memory_space<hbm>>
    %dma_start3A_1234 = arith.constant 224 : i32
    %dma_start3A_1235 = arith.constant 0 : i32
    %dma_start3A_1236 = tpu.memref_slice %arg2[%add3A, %dma_start3A_1234, %dma_start3A_1235] : memref<32x512x512xf32, #tpu.memory_space<hbm>> -> memref<1x32x512xf32, #tpu.memory_space<hbm>>
    %dma_start3A_1237 = tpu.memref_squeeze %dma_start3A_1236 : memref<1x32x512xf32, #tpu.memory_space<hbm>> -> memref<32x512xf32, #tpu.memory_space<hbm>>
    tpu.enqueue_dma source(%dma_start3A_1237 : memref<32x512xf32, #tpu.memory_space<hbm>>) target(%arg5 : memref<32x512xf32, #tpu.memory_space<vmem>>) target_semaphore(%arg12 : memref<!tpu.dma_semaphore, #tpu.memory_space<semaphore_mem>>)
    %dma_wait3A_1238 = arith.constant 64 : i32
    %dma_wait3A_1239 = arith.constant 0 : i32
    %dma_wait3A_1240 = tpu.memref_slice %arg2[%add3A, %dma_wait3A_1238, %dma_wait3A_1239] : memref<32x512x512xf32, #tpu.memory_space<hbm>> -> memref<1x32x512xf32, #tpu.memory_space<hbm>>
    %dma_wait3A_1241 = tpu.memref_squeeze %dma_wait3A_1240 : memref<1x32x512xf32, #tpu.memory_space<hbm>> -> memref<32x512xf32, #tpu.memory_space<hbm>>
    %dma_wait3A_1242 = arith.constant 64 : i32
    %dma_wait3A_1243 = arith.constant 0 : i32
    %dma_wait3A_1244 = tpu.memref_slice %arg2[%add3A, %dma_wait3A_1242, %dma_wait3A_1243] : memref<32x512x512xf32, #tpu.memory_space<hbm>> -> memref<1x32x512xf32, #tpu.memory_space<hbm>>
    %dma_wait3A_1245 = tpu.memref_squeeze %dma_wait3A_1244 : memref<1x32x512xf32, #tpu.memory_space<hbm>> -> memref<32x512xf32, #tpu.memory_space<hbm>>
    tpu.wait_dma2 semaphore(%arg13 : memref<!tpu.dma_semaphore, #tpu.memory_space<semaphore_mem>>) src(%dma_wait3A_1245 : memref<32x512xf32, #tpu.memory_space<hbm>>) dst(%arg6 : memref<32x512xf32, #tpu.memory_space<vmem>>)
    %max3A_1246 = arith.constant 64 : i32
    %max3A_1247 = arith.maxsi %select_n3A_315, %max3A_1246 : i32
    %sub3A_1248 = arith.constant 64 : i32
    %sub3A_1249 = arith.subi %max3A_1247, %sub3A_1248 : i32
    %min3A_1250 = arith.constant 96 : i32
    %min3A_1251 = arith.minsi %select_n3A_319, %min3A_1250 : i32
    %sub3A_1252 = arith.constant 64 : i32
    %sub3A_1253 = arith.subi %min3A_1251, %sub3A_1252 : i32
    %while3A_1254 = arith.constant 0 : i32
    %while3A_1255 = arith.subi %sub3A_1253, %sub3A_1249 : i32
    %while3A_1256 = arith.addi %sub3A_1249, %while3A_1255 : i32
    %while3A_1257 = arith.constant 1 : i32
    %while3A_1258 = arith.divsi %while3A_1255, %while3A_1257 : i32
    %while3A_1259 = arith.muli %while3A_1258, %while3A_1257 : i32
    %while3A_1260 = arith.addi %sub3A_1249, %while3A_1259 : i32
    %while3A_1261 = arith.constant 1 : i32
    scf.for %while3A_1907 = %sub3A_1249 to %while3A_1260 step %while3A_1261  : i32 {
      %swap3A_1908 = arith.index_cast %while3A_1907 : i32 to index
      %swap3A_1909 = arith.index_cast %select_n3A_317 : i32 to index
      %swap3A_1910 = tpu.vector_load %arg6[%swap3A_1908, %swap3A_1909] {strides = array<i32>} : memref<32x512xf32, #tpu.memory_space<vmem>>, vector<1x16xf32>,
      %swap3A_1911 = vector.shape_cast %swap3A_1910 : vector<1x16xf32> to vector<16xf32>
      %swap3A_1912 = vector.shape_cast %broadcast_in_dim3A_330 : vector<16xf32> to vector<1x16xf32>
      tpu.vector_store %arg6[%swap3A_1908, %swap3A_1909], %swap3A_1912 {strides = array<i32>} : memref<32x512xf32, #tpu.memory_space<vmem>>, vector<1x16xf32>,
      %sub3A_1913 = arith.constant 16 : i32
      %sub3A_1914 = arith.subi %select_n3A_321, %sub3A_1913 : i32
      %swap3A_1915 = arith.index_cast %while3A_1907 : i32 to index
      %swap3A_1916 = arith.index_cast %sub3A_1914 : i32 to index
      %swap3A_1917 = tpu.vector_load %arg6[%swap3A_1915, %swap3A_1916] {strides = array<i32>} : memref<32x512xf32, #tpu.memory_space<vmem>>, vector<1x16xf32>,
      %swap3A_1918 = vector.shape_cast %swap3A_1917 : vector<1x16xf32> to vector<16xf32>
      %swap3A_1919 = vector.shape_cast %broadcast_in_dim3A_330 : vector<16xf32> to vector<1x16xf32>
      tpu.vector_store %arg6[%swap3A_1915, %swap3A_1916], %swap3A_1919 {strides = array<i32>} : memref<32x512xf32, #tpu.memory_space<vmem>>, vector<1x16xf32>,
    }
    %while3A_1262 = arith.constant 1 : i32
    scf.for %while3A_1907 = %while3A_1260 to %while3A_1256 step %while3A_1262  : i32 {
      %swap3A_1908 = arith.index_cast %while3A_1907 : i32 to index
      %swap3A_1909 = arith.index_cast %select_n3A_317 : i32 to index
      %swap3A_1910 = tpu.vector_load %arg6[%swap3A_1908, %swap3A_1909] {strides = array<i32>} : memref<32x512xf32, #tpu.memory_space<vmem>>, vector<1x16xf32>,
      %swap3A_1911 = vector.shape_cast %swap3A_1910 : vector<1x16xf32> to vector<16xf32>
      %swap3A_1912 = vector.shape_cast %broadcast_in_dim3A_330 : vector<16xf32> to vector<1x16xf32>
      tpu.vector_store %arg6[%swap3A_1908, %swap3A_1909], %swap3A_1912 {strides = array<i32>} : memref<32x512xf32, #tpu.memory_space<vmem>>, vector<1x16xf32>,
      %sub3A_1913 = arith.constant 16 : i32
      %sub3A_1914 = arith.subi %select_n3A_321, %sub3A_1913 : i32
      %swap3A_1915 = arith.index_cast %while3A_1907 : i32 to index
      %swap3A_1916 = arith.index_cast %sub3A_1914 : i32 to index
      %swap3A_1917 = tpu.vector_load %arg6[%swap3A_1915, %swap3A_1916] {strides = array<i32>} : memref<32x512xf32, #tpu.memory_space<vmem>>, vector<1x16xf32>,
      %swap3A_1918 = vector.shape_cast %swap3A_1917 : vector<1x16xf32> to vector<16xf32>
      %swap3A_1919 = vector.shape_cast %broadcast_in_dim3A_330 : vector<16xf32> to vector<1x16xf32>
      tpu.vector_store %arg6[%swap3A_1915, %swap3A_1916], %swap3A_1919 {strides = array<i32>} : memref<32x512xf32, #tpu.memory_space<vmem>>, vector<1x16xf32>,
    }
    %dma_start3A_1263 = arith.constant 64 : i32
    %dma_start3A_1264 = arith.constant 0 : i32
    %dma_start3A_1265 = tpu.memref_slice %arg3[%add3A, %dma_start3A_1263, %dma_start3A_1264] : memref<32x512x512xf32, #tpu.memory_space<hbm>> -> memref<1x32x512xf32, #tpu.memory_space<hbm>>
    %dma_start3A_1266 = tpu.memref_squeeze %dma_start3A_1265 : memref<1x32x512xf32, #tpu.memory_space<hbm>> -> memref<32x512xf32, #tpu.memory_space<hbm>>
    %dma_start3A_1267 = arith.constant 64 : i32
    %dma_start3A_1268 = arith.constant 0 : i32
    %dma_start3A_1269 = tpu.memref_slice %arg3[%add3A, %dma_start3A_1267, %dma_start3A_1268] : memref<32x512x512xf32, #tpu.memory_space<hbm>> -> memref<1x32x512xf32, #tpu.memory_space<hbm>>
    %dma_start3A_1270 = tpu.memref_squeeze %dma_start3A_1269 : memref<1x32x512xf32, #tpu.memory_space<hbm>> -> memref<32x512xf32, #tpu.memory_space<hbm>>
    tpu.enqueue_dma source(%arg6 : memref<32x512xf32, #tpu.memory_space<vmem>>) target(%dma_start3A_1270 : memref<32x512xf32, #tpu.memory_space<hbm>>) target_semaphore(%arg19 : memref<!tpu.dma_semaphore, #tpu.memory_space<semaphore_mem>>)
    %dma_wait3A_1271 = arith.constant 64 : i32
    %dma_wait3A_1272 = arith.constant 0 : i32
    %dma_wait3A_1273 = tpu.memref_slice %arg3[%add3A, %dma_wait3A_1271, %dma_wait3A_1272] : memref<32x512x512xf32, #tpu.memory_space<hbm>> -> memref<1x32x512xf32, #tpu.memory_space<hbm>>
    %dma_wait3A_1274 = tpu.memref_squeeze %dma_wait3A_1273 : memref<1x32x512xf32, #tpu.memory_space<hbm>> -> memref<32x512xf32, #tpu.memory_space<hbm>>
    %dma_wait3A_1275 = arith.constant 64 : i32
    %dma_wait3A_1276 = arith.constant 0 : i32
    %dma_wait3A_1277 = tpu.memref_slice %arg3[%add3A, %dma_wait3A_1275, %dma_wait3A_1276] : memref<32x512x512xf32, #tpu.memory_space<hbm>> -> memref<1x32x512xf32, #tpu.memory_space<hbm>>
    %dma_wait3A_1278 = tpu.memref_squeeze %dma_wait3A_1277 : memref<1x32x512xf32, #tpu.memory_space<hbm>> -> memref<32x512xf32, #tpu.memory_space<hbm>>
    tpu.wait_dma2 semaphore(%arg19 : memref<!tpu.dma_semaphore, #tpu.memory_space<semaphore_mem>>) src(%arg6 : memref<32x512xf32, #tpu.memory_space<vmem>>) dst(%dma_wait3A_1278 : memref<32x512xf32, #tpu.memory_space<hbm>>)
    %dma_start3A_1279 = arith.constant 256 : i32
    %dma_start3A_1280 = arith.constant 0 : i32
    %dma_start3A_1281 = tpu.memref_slice %arg2[%add3A, %dma_start3A_1279, %dma_start3A_1280] : memref<32x512x512xf32, #tpu.memory_space<hbm>> -> memref<1x32x512xf32, #tpu.memory_space<hbm>>
    %dma_start3A_1282 = tpu.memref_squeeze %dma_start3A_1281 : memref<1x32x512xf32, #tpu.memory_space<hbm>> -> memref<32x512xf32, #tpu.memory_space<hbm>>
    %dma_start3A_1283 = arith.constant 256 : i32
    %dma_start3A_1284 = arith.constant 0 : i32
    %dma_start3A_1285 = tpu.memref_slice %arg2[%add3A, %dma_start3A_1283, %dma_start3A_1284] : memref<32x512x512xf32, #tpu.memory_space<hbm>> -> memref<1x32x512xf32, #tpu.memory_space<hbm>>
    %dma_start3A_1286 = tpu.memref_squeeze %dma_start3A_1285 : memref<1x32x512xf32, #tpu.memory_space<hbm>> -> memref<32x512xf32, #tpu.memory_space<hbm>>
    tpu.enqueue_dma source(%dma_start3A_1286 : memref<32x512xf32, #tpu.memory_space<hbm>>) target(%arg6 : memref<32x512xf32, #tpu.memory_space<vmem>>) target_semaphore(%arg13 : memref<!tpu.dma_semaphore, #tpu.memory_space<semaphore_mem>>)
    %dma_wait3A_1287 = arith.constant 96 : i32
    %dma_wait3A_1288 = arith.constant 0 : i32
    %dma_wait3A_1289 = tpu.memref_slice %arg2[%add3A, %dma_wait3A_1287, %dma_wait3A_1288] : memref<32x512x512xf32, #tpu.memory_space<hbm>> -> memref<1x32x512xf32, #tpu.memory_space<hbm>>
    %dma_wait3A_1290 = tpu.memref_squeeze %dma_wait3A_1289 : memref<1x32x512xf32, #tpu.memory_space<hbm>> -> memref<32x512xf32, #tpu.memory_space<hbm>>
    %dma_wait3A_1291 = arith.constant 96 : i32
    %dma_wait3A_1292 = arith.constant 0 : i32
    %dma_wait3A_1293 = tpu.memref_slice %arg2[%add3A, %dma_wait3A_1291, %dma_wait3A_1292] : memref<32x512x512xf32, #tpu.memory_space<hbm>> -> memref<1x32x512xf32, #tpu.memory_space<hbm>>
    %dma_wait3A_1294 = tpu.memref_squeeze %dma_wait3A_1293 : memref<1x32x512xf32, #tpu.memory_space<hbm>> -> memref<32x512xf32, #tpu.memory_space<hbm>>
    tpu.wait_dma2 semaphore(%arg14 : memref<!tpu.dma_semaphore, #tpu.memory_space<semaphore_mem>>) src(%dma_wait3A_1294 : memref<32x512xf32, #tpu.memory_space<hbm>>) dst(%arg7 : memref<32x512xf32, #tpu.memory_space<vmem>>)
    %max3A_1295 = arith.constant 96 : i32
    %max3A_1296 = arith.maxsi %select_n3A_315, %max3A_1295 : i32
    %sub3A_1297 = arith.constant 96 : i32
    %sub3A_1298 = arith.subi %max3A_1296, %sub3A_1297 : i32
    %min3A_1299 = arith.constant 128 : i32
    %min3A_1300 = arith.minsi %select_n3A_319, %min3A_1299 : i32
    %sub3A_1301 = arith.constant 96 : i32
    %sub3A_1302 = arith.subi %min3A_1300, %sub3A_1301 : i32
    %while3A_1303 = arith.constant 0 : i32
    %while3A_1304 = arith.subi %sub3A_1302, %sub3A_1298 : i32
    %while3A_1305 = arith.addi %sub3A_1298, %while3A_1304 : i32
    %while3A_1306 = arith.constant 1 : i32
    %while3A_1307 = arith.divsi %while3A_1304, %while3A_1306 : i32
    %while3A_1308 = arith.muli %while3A_1307, %while3A_1306 : i32
    %while3A_1309 = arith.addi %sub3A_1298, %while3A_1308 : i32
    %while3A_1310 = arith.constant 1 : i32
    scf.for %while3A_1907 = %sub3A_1298 to %while3A_1309 step %while3A_1310  : i32 {
      %swap3A_1908 = arith.index_cast %while3A_1907 : i32 to index
      %swap3A_1909 = arith.index_cast %select_n3A_317 : i32 to index
      %swap3A_1910 = tpu.vector_load %arg7[%swap3A_1908, %swap3A_1909] {strides = array<i32>} : memref<32x512xf32, #tpu.memory_space<vmem>>, vector<1x16xf32>,
      %swap3A_1911 = vector.shape_cast %swap3A_1910 : vector<1x16xf32> to vector<16xf32>
      %swap3A_1912 = vector.shape_cast %broadcast_in_dim3A_330 : vector<16xf32> to vector<1x16xf32>
      tpu.vector_store %arg7[%swap3A_1908, %swap3A_1909], %swap3A_1912 {strides = array<i32>} : memref<32x512xf32, #tpu.memory_space<vmem>>, vector<1x16xf32>,
      %sub3A_1913 = arith.constant 16 : i32
      %sub3A_1914 = arith.subi %select_n3A_321, %sub3A_1913 : i32
      %swap3A_1915 = arith.index_cast %while3A_1907 : i32 to index
      %swap3A_1916 = arith.index_cast %sub3A_1914 : i32 to index
      %swap3A_1917 = tpu.vector_load %arg7[%swap3A_1915, %swap3A_1916] {strides = array<i32>} : memref<32x512xf32, #tpu.memory_space<vmem>>, vector<1x16xf32>,
      %swap3A_1918 = vector.shape_cast %swap3A_1917 : vector<1x16xf32> to vector<16xf32>
      %swap3A_1919 = vector.shape_cast %broadcast_in_dim3A_330 : vector<16xf32> to vector<1x16xf32>
      tpu.vector_store %arg7[%swap3A_1915, %swap3A_1916], %swap3A_1919 {strides = array<i32>} : memref<32x512xf32, #tpu.memory_space<vmem>>, vector<1x16xf32>,
    }
    %while3A_1311 = arith.constant 1 : i32
    scf.for %while3A_1907 = %while3A_1309 to %while3A_1305 step %while3A_1311  : i32 {
      %swap3A_1908 = arith.index_cast %while3A_1907 : i32 to index
      %swap3A_1909 = arith.index_cast %select_n3A_317 : i32 to index
      %swap3A_1910 = tpu.vector_load %arg7[%swap3A_1908, %swap3A_1909] {strides = array<i32>} : memref<32x512xf32, #tpu.memory_space<vmem>>, vector<1x16xf32>,
      %swap3A_1911 = vector.shape_cast %swap3A_1910 : vector<1x16xf32> to vector<16xf32>
      %swap3A_1912 = vector.shape_cast %broadcast_in_dim3A_330 : vector<16xf32> to vector<1x16xf32>
      tpu.vector_store %arg7[%swap3A_1908, %swap3A_1909], %swap3A_1912 {strides = array<i32>} : memref<32x512xf32, #tpu.memory_space<vmem>>, vector<1x16xf32>,
      %sub3A_1913 = arith.constant 16 : i32
      %sub3A_1914 = arith.subi %select_n3A_321, %sub3A_1913 : i32
      %swap3A_1915 = arith.index_cast %while3A_1907 : i32 to index
      %swap3A_1916 = arith.index_cast %sub3A_1914 : i32 to index
      %swap3A_1917 = tpu.vector_load %arg7[%swap3A_1915, %swap3A_1916] {strides = array<i32>} : memref<32x512xf32, #tpu.memory_space<vmem>>, vector<1x16xf32>,
      %swap3A_1918 = vector.shape_cast %swap3A_1917 : vector<1x16xf32> to vector<16xf32>
      %swap3A_1919 = vector.shape_cast %broadcast_in_dim3A_330 : vector<16xf32> to vector<1x16xf32>
      tpu.vector_store %arg7[%swap3A_1915, %swap3A_1916], %swap3A_1919 {strides = array<i32>} : memref<32x512xf32, #tpu.memory_space<vmem>>, vector<1x16xf32>,
    }
    %dma_start3A_1312 = arith.constant 96 : i32
    %dma_start3A_1313 = arith.constant 0 : i32
    %dma_start3A_1314 = tpu.memref_slice %arg3[%add3A, %dma_start3A_1312, %dma_start3A_1313] : memref<32x512x512xf32, #tpu.memory_space<hbm>> -> memref<1x32x512xf32, #tpu.memory_space<hbm>>
    %dma_start3A_1315 = tpu.memref_squeeze %dma_start3A_1314 : memref<1x32x512xf32, #tpu.memory_space<hbm>> -> memref<32x512xf32, #tpu.memory_space<hbm>>
    %dma_start3A_1316 = arith.constant 96 : i32
    %dma_start3A_1317 = arith.constant 0 : i32
    %dma_start3A_1318 = tpu.memref_slice %arg3[%add3A, %dma_start3A_1316, %dma_start3A_1317] : memref<32x512x512xf32, #tpu.memory_space<hbm>> -> memref<1x32x512xf32, #tpu.memory_space<hbm>>
    %dma_start3A_1319 = tpu.memref_squeeze %dma_start3A_1318 : memref<1x32x512xf32, #tpu.memory_space<hbm>> -> memref<32x512xf32, #tpu.memory_space<hbm>>
    tpu.enqueue_dma source(%arg7 : memref<32x512xf32, #tpu.memory_space<vmem>>) target(%dma_start3A_1319 : memref<32x512xf32, #tpu.memory_space<hbm>>) target_semaphore(%arg20 : memref<!tpu.dma_semaphore, #tpu.memory_space<semaphore_mem>>)
    %dma_wait3A_1320 = arith.constant 96 : i32
    %dma_wait3A_1321 = arith.constant 0 : i32
    %dma_wait3A_1322 = tpu.memref_slice %arg3[%add3A, %dma_wait3A_1320, %dma_wait3A_1321] : memref<32x512x512xf32, #tpu.memory_space<hbm>> -> memref<1x32x512xf32, #tpu.memory_space<hbm>>
    %dma_wait3A_1323 = tpu.memref_squeeze %dma_wait3A_1322 : memref<1x32x512xf32, #tpu.memory_space<hbm>> -> memref<32x512xf32, #tpu.memory_space<hbm>>
    %dma_wait3A_1324 = arith.constant 96 : i32
    %dma_wait3A_1325 = arith.constant 0 : i32
    %dma_wait3A_1326 = tpu.memref_slice %arg3[%add3A, %dma_wait3A_1324, %dma_wait3A_1325] : memref<32x512x512xf32, #tpu.memory_space<hbm>> -> memref<1x32x512xf32, #tpu.memory_space<hbm>>
    %dma_wait3A_1327 = tpu.memref_squeeze %dma_wait3A_1326 : memref<1x32x512xf32, #tpu.memory_space<hbm>> -> memref<32x512xf32, #tpu.memory_space<hbm>>
    tpu.wait_dma2 semaphore(%arg20 : memref<!tpu.dma_semaphore, #tpu.memory_space<semaphore_mem>>) src(%arg7 : memref<32x512xf32, #tpu.memory_space<vmem>>) dst(%dma_wait3A_1327 : memref<32x512xf32, #tpu.memory_space<hbm>>)
    %dma_start3A_1328 = arith.constant 288 : i32
    %dma_start3A_1329 = arith.constant 0 : i32
    %dma_start3A_1330 = tpu.memref_slice %arg2[%add3A, %dma_start3A_1328, %dma_start3A_1329] : memref<32x512x512xf32, #tpu.memory_space<hbm>> -> memref<1x32x512xf32, #tpu.memory_space<hbm>>
    %dma_start3A_1331 = tpu.memref_squeeze %dma_start3A_1330 : memref<1x32x512xf32, #tpu.memory_space<hbm>> -> memref<32x512xf32, #tpu.memory_space<hbm>>
    %dma_start3A_1332 = arith.constant 288 : i32
    %dma_start3A_1333 = arith.constant 0 : i32
    %dma_start3A_1334 = tpu.memref_slice %arg2[%add3A, %dma_start3A_1332, %dma_start3A_1333] : memref<32x512x512xf32, #tpu.memory_space<hbm>> -> memref<1x32x512xf32, #tpu.memory_space<hbm>>
    %dma_start3A_1335 = tpu.memref_squeeze %dma_start3A_1334 : memref<1x32x512xf32, #tpu.memory_space<hbm>> -> memref<32x512xf32, #tpu.memory_space<hbm>>
    tpu.enqueue_dma source(%dma_start3A_1335 : memref<32x512xf32, #tpu.memory_space<hbm>>) target(%arg7 : memref<32x512xf32, #tpu.memory_space<vmem>>) target_semaphore(%arg14 : memref<!tpu.dma_semaphore, #tpu.memory_space<semaphore_mem>>)
    %dma_wait3A_1336 = arith.constant 128 : i32
    %dma_wait3A_1337 = arith.constant 0 : i32
    %dma_wait3A_1338 = tpu.memref_slice %arg2[%add3A, %dma_wait3A_1336, %dma_wait3A_1337] : memref<32x512x512xf32, #tpu.memory_space<hbm>> -> memref<1x32x512xf32, #tpu.memory_space<hbm>>
    %dma_wait3A_1339 = tpu.memref_squeeze %dma_wait3A_1338 : memref<1x32x512xf32, #tpu.memory_space<hbm>> -> memref<32x512xf32, #tpu.memory_space<hbm>>
    %dma_wait3A_1340 = arith.constant 128 : i32
    %dma_wait3A_1341 = arith.constant 0 : i32
    %dma_wait3A_1342 = tpu.memref_slice %arg2[%add3A, %dma_wait3A_1340, %dma_wait3A_1341] : memref<32x512x512xf32, #tpu.memory_space<hbm>> -> memref<1x32x512xf32, #tpu.memory_space<hbm>>
    %dma_wait3A_1343 = tpu.memref_squeeze %dma_wait3A_1342 : memref<1x32x512xf32, #tpu.memory_space<hbm>> -> memref<32x512xf32, #tpu.memory_space<hbm>>
    tpu.wait_dma2 semaphore(%arg15 : memref<!tpu.dma_semaphore, #tpu.memory_space<semaphore_mem>>) src(%dma_wait3A_1343 : memref<32x512xf32, #tpu.memory_space<hbm>>) dst(%arg8 : memref<32x512xf32, #tpu.memory_space<vmem>>)
    %max3A_1344 = arith.constant 128 : i32
    %max3A_1345 = arith.maxsi %select_n3A_315, %max3A_1344 : i32
    %sub3A_1346 = arith.constant 128 : i32
    %sub3A_1347 = arith.subi %max3A_1345, %sub3A_1346 : i32
    %min3A_1348 = arith.constant 160 : i32
    %min3A_1349 = arith.minsi %select_n3A_319, %min3A_1348 : i32
    %sub3A_1350 = arith.constant 128 : i32
    %sub3A_1351 = arith.subi %min3A_1349, %sub3A_1350 : i32
    %while3A_1352 = arith.constant 0 : i32
    %while3A_1353 = arith.subi %sub3A_1351, %sub3A_1347 : i32
    %while3A_1354 = arith.addi %sub3A_1347, %while3A_1353 : i32
    %while3A_1355 = arith.constant 1 : i32
    %while3A_1356 = arith.divsi %while3A_1353, %while3A_1355 : i32
    %while3A_1357 = arith.muli %while3A_1356, %while3A_1355 : i32
    %while3A_1358 = arith.addi %sub3A_1347, %while3A_1357 : i32
    %while3A_1359 = arith.constant 1 : i32
    scf.for %while3A_1907 = %sub3A_1347 to %while3A_1358 step %while3A_1359  : i32 {
      %swap3A_1908 = arith.index_cast %while3A_1907 : i32 to index
      %swap3A_1909 = arith.index_cast %select_n3A_317 : i32 to index
      %swap3A_1910 = tpu.vector_load %arg8[%swap3A_1908, %swap3A_1909] {strides = array<i32>} : memref<32x512xf32, #tpu.memory_space<vmem>>, vector<1x16xf32>,
      %swap3A_1911 = vector.shape_cast %swap3A_1910 : vector<1x16xf32> to vector<16xf32>
      %swap3A_1912 = vector.shape_cast %broadcast_in_dim3A_330 : vector<16xf32> to vector<1x16xf32>
      tpu.vector_store %arg8[%swap3A_1908, %swap3A_1909], %swap3A_1912 {strides = array<i32>} : memref<32x512xf32, #tpu.memory_space<vmem>>, vector<1x16xf32>,
      %sub3A_1913 = arith.constant 16 : i32
      %sub3A_1914 = arith.subi %select_n3A_321, %sub3A_1913 : i32
      %swap3A_1915 = arith.index_cast %while3A_1907 : i32 to index
      %swap3A_1916 = arith.index_cast %sub3A_1914 : i32 to index
      %swap3A_1917 = tpu.vector_load %arg8[%swap3A_1915, %swap3A_1916] {strides = array<i32>} : memref<32x512xf32, #tpu.memory_space<vmem>>, vector<1x16xf32>,
      %swap3A_1918 = vector.shape_cast %swap3A_1917 : vector<1x16xf32> to vector<16xf32>
      %swap3A_1919 = vector.shape_cast %broadcast_in_dim3A_330 : vector<16xf32> to vector<1x16xf32>
      tpu.vector_store %arg8[%swap3A_1915, %swap3A_1916], %swap3A_1919 {strides = array<i32>} : memref<32x512xf32, #tpu.memory_space<vmem>>, vector<1x16xf32>,
    }
    %while3A_1360 = arith.constant 1 : i32
    scf.for %while3A_1907 = %while3A_1358 to %while3A_1354 step %while3A_1360  : i32 {
      %swap3A_1908 = arith.index_cast %while3A_1907 : i32 to index
      %swap3A_1909 = arith.index_cast %select_n3A_317 : i32 to index
      %swap3A_1910 = tpu.vector_load %arg8[%swap3A_1908, %swap3A_1909] {strides = array<i32>} : memref<32x512xf32, #tpu.memory_space<vmem>>, vector<1x16xf32>,
      %swap3A_1911 = vector.shape_cast %swap3A_1910 : vector<1x16xf32> to vector<16xf32>
      %swap3A_1912 = vector.shape_cast %broadcast_in_dim3A_330 : vector<16xf32> to vector<1x16xf32>
      tpu.vector_store %arg8[%swap3A_1908, %swap3A_1909], %swap3A_1912 {strides = array<i32>} : memref<32x512xf32, #tpu.memory_space<vmem>>, vector<1x16xf32>,
      %sub3A_1913 = arith.constant 16 : i32
      %sub3A_1914 = arith.subi %select_n3A_321, %sub3A_1913 : i32
      %swap3A_1915 = arith.index_cast %while3A_1907 : i32 to index
      %swap3A_1916 = arith.index_cast %sub3A_1914 : i32 to index
      %swap3A_1917 = tpu.vector_load %arg8[%swap3A_1915, %swap3A_1916] {strides = array<i32>} : memref<32x512xf32, #tpu.memory_space<vmem>>, vector<1x16xf32>,
      %swap3A_1918 = vector.shape_cast %swap3A_1917 : vector<1x16xf32> to vector<16xf32>
      %swap3A_1919 = vector.shape_cast %broadcast_in_dim3A_330 : vector<16xf32> to vector<1x16xf32>
      tpu.vector_store %arg8[%swap3A_1915, %swap3A_1916], %swap3A_1919 {strides = array<i32>} : memref<32x512xf32, #tpu.memory_space<vmem>>, vector<1x16xf32>,
    }
    %dma_start3A_1361 = arith.constant 128 : i32
    %dma_start3A_1362 = arith.constant 0 : i32
    %dma_start3A_1363 = tpu.memref_slice %arg3[%add3A, %dma_start3A_1361, %dma_start3A_1362] : memref<32x512x512xf32, #tpu.memory_space<hbm>> -> memref<1x32x512xf32, #tpu.memory_space<hbm>>
    %dma_start3A_1364 = tpu.memref_squeeze %dma_start3A_1363 : memref<1x32x512xf32, #tpu.memory_space<hbm>> -> memref<32x512xf32, #tpu.memory_space<hbm>>
    %dma_start3A_1365 = arith.constant 128 : i32
    %dma_start3A_1366 = arith.constant 0 : i32
    %dma_start3A_1367 = tpu.memref_slice %arg3[%add3A, %dma_start3A_1365, %dma_start3A_1366] : memref<32x512x512xf32, #tpu.memory_space<hbm>> -> memref<1x32x512xf32, #tpu.memory_space<hbm>>
    %dma_start3A_1368 = tpu.memref_squeeze %dma_start3A_1367 : memref<1x32x512xf32, #tpu.memory_space<hbm>> -> memref<32x512xf32, #tpu.memory_space<hbm>>
    tpu.enqueue_dma source(%arg8 : memref<32x512xf32, #tpu.memory_space<vmem>>) target(%dma_start3A_1368 : memref<32x512xf32, #tpu.memory_space<hbm>>) target_semaphore(%arg21 : memref<!tpu.dma_semaphore, #tpu.memory_space<semaphore_mem>>)
    %dma_wait3A_1369 = arith.constant 128 : i32
    %dma_wait3A_1370 = arith.constant 0 : i32
    %dma_wait3A_1371 = tpu.memref_slice %arg3[%add3A, %dma_wait3A_1369, %dma_wait3A_1370] : memref<32x512x512xf32, #tpu.memory_space<hbm>> -> memref<1x32x512xf32, #tpu.memory_space<hbm>>
    %dma_wait3A_1372 = tpu.memref_squeeze %dma_wait3A_1371 : memref<1x32x512xf32, #tpu.memory_space<hbm>> -> memref<32x512xf32, #tpu.memory_space<hbm>>
    %dma_wait3A_1373 = arith.constant 128 : i32
    %dma_wait3A_1374 = arith.constant 0 : i32
    %dma_wait3A_1375 = tpu.memref_slice %arg3[%add3A, %dma_wait3A_1373, %dma_wait3A_1374] : memref<32x512x512xf32, #tpu.memory_space<hbm>> -> memref<1x32x512xf32, #tpu.memory_space<hbm>>
    %dma_wait3A_1376 = tpu.memref_squeeze %dma_wait3A_1375 : memref<1x32x512xf32, #tpu.memory_space<hbm>> -> memref<32x512xf32, #tpu.memory_space<hbm>>
    tpu.wait_dma2 semaphore(%arg21 : memref<!tpu.dma_semaphore, #tpu.memory_space<semaphore_mem>>) src(%arg8 : memref<32x512xf32, #tpu.memory_space<vmem>>) dst(%dma_wait3A_1376 : memref<32x512xf32, #tpu.memory_space<hbm>>)
    %dma_start3A_1377 = arith.constant 320 : i32
    %dma_start3A_1378 = arith.constant 0 : i32
    %dma_start3A_1379 = tpu.memref_slice %arg2[%add3A, %dma_start3A_1377, %dma_start3A_1378] : memref<32x512x512xf32, #tpu.memory_space<hbm>> -> memref<1x32x512xf32, #tpu.memory_space<hbm>>
    %dma_start3A_1380 = tpu.memref_squeeze %dma_start3A_1379 : memref<1x32x512xf32, #tpu.memory_space<hbm>> -> memref<32x512xf32, #tpu.memory_space<hbm>>
    %dma_start3A_1381 = arith.constant 320 : i32
    %dma_start3A_1382 = arith.constant 0 : i32
    %dma_start3A_1383 = tpu.memref_slice %arg2[%add3A, %dma_start3A_1381, %dma_start3A_1382] : memref<32x512x512xf32, #tpu.memory_space<hbm>> -> memref<1x32x512xf32, #tpu.memory_space<hbm>>
    %dma_start3A_1384 = tpu.memref_squeeze %dma_start3A_1383 : memref<1x32x512xf32, #tpu.memory_space<hbm>> -> memref<32x512xf32, #tpu.memory_space<hbm>>
    tpu.enqueue_dma source(%dma_start3A_1384 : memref<32x512xf32, #tpu.memory_space<hbm>>) target(%arg8 : memref<32x512xf32, #tpu.memory_space<vmem>>) target_semaphore(%arg15 : memref<!tpu.dma_semaphore, #tpu.memory_space<semaphore_mem>>)
    %dma_wait3A_1385 = arith.constant 160 : i32
    %dma_wait3A_1386 = arith.constant 0 : i32
    %dma_wait3A_1387 = tpu.memref_slice %arg2[%add3A, %dma_wait3A_1385, %dma_wait3A_1386] : memref<32x512x512xf32, #tpu.memory_space<hbm>> -> memref<1x32x512xf32, #tpu.memory_space<hbm>>
    %dma_wait3A_1388 = tpu.memref_squeeze %dma_wait3A_1387 : memref<1x32x512xf32, #tpu.memory_space<hbm>> -> memref<32x512xf32, #tpu.memory_space<hbm>>
    %dma_wait3A_1389 = arith.constant 160 : i32
    %dma_wait3A_1390 = arith.constant 0 : i32
    %dma_wait3A_1391 = tpu.memref_slice %arg2[%add3A, %dma_wait3A_1389, %dma_wait3A_1390] : memref<32x512x512xf32, #tpu.memory_space<hbm>> -> memref<1x32x512xf32, #tpu.memory_space<hbm>>
    %dma_wait3A_1392 = tpu.memref_squeeze %dma_wait3A_1391 : memref<1x32x512xf32, #tpu.memory_space<hbm>> -> memref<32x512xf32, #tpu.memory_space<hbm>>
    tpu.wait_dma2 semaphore(%arg16 : memref<!tpu.dma_semaphore, #tpu.memory_space<semaphore_mem>>) src(%dma_wait3A_1392 : memref<32x512xf32, #tpu.memory_space<hbm>>) dst(%arg9 : memref<32x512xf32, #tpu.memory_space<vmem>>)
    %max3A_1393 = arith.constant 160 : i32
    %max3A_1394 = arith.maxsi %select_n3A_315, %max3A_1393 : i32
    %sub3A_1395 = arith.constant 160 : i32
    %sub3A_1396 = arith.subi %max3A_1394, %sub3A_1395 : i32
    %min3A_1397 = arith.constant 192 : i32
    %min3A_1398 = arith.minsi %select_n3A_319, %min3A_1397 : i32
    %sub3A_1399 = arith.constant 160 : i32
    %sub3A_1400 = arith.subi %min3A_1398, %sub3A_1399 : i32
    %while3A_1401 = arith.constant 0 : i32
    %while3A_1402 = arith.subi %sub3A_1400, %sub3A_1396 : i32
    %while3A_1403 = arith.addi %sub3A_1396, %while3A_1402 : i32
    %while3A_1404 = arith.constant 1 : i32
    %while3A_1405 = arith.divsi %while3A_1402, %while3A_1404 : i32
    %while3A_1406 = arith.muli %while3A_1405, %while3A_1404 : i32
    %while3A_1407 = arith.addi %sub3A_1396, %while3A_1406 : i32
    %while3A_1408 = arith.constant 1 : i32
    scf.for %while3A_1907 = %sub3A_1396 to %while3A_1407 step %while3A_1408  : i32 {
      %swap3A_1908 = arith.index_cast %while3A_1907 : i32 to index
      %swap3A_1909 = arith.index_cast %select_n3A_317 : i32 to index
      %swap3A_1910 = tpu.vector_load %arg9[%swap3A_1908, %swap3A_1909] {strides = array<i32>} : memref<32x512xf32, #tpu.memory_space<vmem>>, vector<1x16xf32>,
      %swap3A_1911 = vector.shape_cast %swap3A_1910 : vector<1x16xf32> to vector<16xf32>
      %swap3A_1912 = vector.shape_cast %broadcast_in_dim3A_330 : vector<16xf32> to vector<1x16xf32>
      tpu.vector_store %arg9[%swap3A_1908, %swap3A_1909], %swap3A_1912 {strides = array<i32>} : memref<32x512xf32, #tpu.memory_space<vmem>>, vector<1x16xf32>,
      %sub3A_1913 = arith.constant 16 : i32
      %sub3A_1914 = arith.subi %select_n3A_321, %sub3A_1913 : i32
      %swap3A_1915 = arith.index_cast %while3A_1907 : i32 to index
      %swap3A_1916 = arith.index_cast %sub3A_1914 : i32 to index
      %swap3A_1917 = tpu.vector_load %arg9[%swap3A_1915, %swap3A_1916] {strides = array<i32>} : memref<32x512xf32, #tpu.memory_space<vmem>>, vector<1x16xf32>,
      %swap3A_1918 = vector.shape_cast %swap3A_1917 : vector<1x16xf32> to vector<16xf32>
      %swap3A_1919 = vector.shape_cast %broadcast_in_dim3A_330 : vector<16xf32> to vector<1x16xf32>
      tpu.vector_store %arg9[%swap3A_1915, %swap3A_1916], %swap3A_1919 {strides = array<i32>} : memref<32x512xf32, #tpu.memory_space<vmem>>, vector<1x16xf32>,
    }
    %while3A_1409 = arith.constant 1 : i32
    scf.for %while3A_1907 = %while3A_1407 to %while3A_1403 step %while3A_1409  : i32 {
      %swap3A_1908 = arith.index_cast %while3A_1907 : i32 to index
      %swap3A_1909 = arith.index_cast %select_n3A_317 : i32 to index
      %swap3A_1910 = tpu.vector_load %arg9[%swap3A_1908, %swap3A_1909] {strides = array<i32>} : memref<32x512xf32, #tpu.memory_space<vmem>>, vector<1x16xf32>,
      %swap3A_1911 = vector.shape_cast %swap3A_1910 : vector<1x16xf32> to vector<16xf32>
      %swap3A_1912 = vector.shape_cast %broadcast_in_dim3A_330 : vector<16xf32> to vector<1x16xf32>
      tpu.vector_store %arg9[%swap3A_1908, %swap3A_1909], %swap3A_1912 {strides = array<i32>} : memref<32x512xf32, #tpu.memory_space<vmem>>, vector<1x16xf32>,
      %sub3A_1913 = arith.constant 16 : i32
      %sub3A_1914 = arith.subi %select_n3A_321, %sub3A_1913 : i32
      %swap3A_1915 = arith.index_cast %while3A_1907 : i32 to index
      %swap3A_1916 = arith.index_cast %sub3A_1914 : i32 to index
      %swap3A_1917 = tpu.vector_load %arg9[%swap3A_1915, %swap3A_1916] {strides = array<i32>} : memref<32x512xf32, #tpu.memory_space<vmem>>, vector<1x16xf32>,
      %swap3A_1918 = vector.shape_cast %swap3A_1917 : vector<1x16xf32> to vector<16xf32>
      %swap3A_1919 = vector.shape_cast %broadcast_in_dim3A_330 : vector<16xf32> to vector<1x16xf32>
      tpu.vector_store %arg9[%swap3A_1915, %swap3A_1916], %swap3A_1919 {strides = array<i32>} : memref<32x512xf32, #tpu.memory_space<vmem>>, vector<1x16xf32>,
    }
    %dma_start3A_1410 = arith.constant 160 : i32
    %dma_start3A_1411 = arith.constant 0 : i32
    %dma_start3A_1412 = tpu.memref_slice %arg3[%add3A, %dma_start3A_1410, %dma_start3A_1411] : memref<32x512x512xf32, #tpu.memory_space<hbm>> -> memref<1x32x512xf32, #tpu.memory_space<hbm>>
    %dma_start3A_1413 = tpu.memref_squeeze %dma_start3A_1412 : memref<1x32x512xf32, #tpu.memory_space<hbm>> -> memref<32x512xf32, #tpu.memory_space<hbm>>
    %dma_start3A_1414 = arith.constant 160 : i32
    %dma_start3A_1415 = arith.constant 0 : i32
    %dma_start3A_1416 = tpu.memref_slice %arg3[%add3A, %dma_start3A_1414, %dma_start3A_1415] : memref<32x512x512xf32, #tpu.memory_space<hbm>> -> memref<1x32x512xf32, #tpu.memory_space<hbm>>
    %dma_start3A_1417 = tpu.memref_squeeze %dma_start3A_1416 : memref<1x32x512xf32, #tpu.memory_space<hbm>> -> memref<32x512xf32, #tpu.memory_space<hbm>>
    tpu.enqueue_dma source(%arg9 : memref<32x512xf32, #tpu.memory_space<vmem>>) target(%dma_start3A_1417 : memref<32x512xf32, #tpu.memory_space<hbm>>) target_semaphore(%arg22 : memref<!tpu.dma_semaphore, #tpu.memory_space<semaphore_mem>>)
    %dma_wait3A_1418 = arith.constant 160 : i32
    %dma_wait3A_1419 = arith.constant 0 : i32
    %dma_wait3A_1420 = tpu.memref_slice %arg3[%add3A, %dma_wait3A_1418, %dma_wait3A_1419] : memref<32x512x512xf32, #tpu.memory_space<hbm>> -> memref<1x32x512xf32, #tpu.memory_space<hbm>>
    %dma_wait3A_1421 = tpu.memref_squeeze %dma_wait3A_1420 : memref<1x32x512xf32, #tpu.memory_space<hbm>> -> memref<32x512xf32, #tpu.memory_space<hbm>>
    %dma_wait3A_1422 = arith.constant 160 : i32
    %dma_wait3A_1423 = arith.constant 0 : i32
    %dma_wait3A_1424 = tpu.memref_slice %arg3[%add3A, %dma_wait3A_1422, %dma_wait3A_1423] : memref<32x512x512xf32, #tpu.memory_space<hbm>> -> memref<1x32x512xf32, #tpu.memory_space<hbm>>
    %dma_wait3A_1425 = tpu.memref_squeeze %dma_wait3A_1424 : memref<1x32x512xf32, #tpu.memory_space<hbm>> -> memref<32x512xf32, #tpu.memory_space<hbm>>
    tpu.wait_dma2 semaphore(%arg22 : memref<!tpu.dma_semaphore, #tpu.memory_space<semaphore_mem>>) src(%arg9 : memref<32x512xf32, #tpu.memory_space<vmem>>) dst(%dma_wait3A_1425 : memref<32x512xf32, #tpu.memory_space<hbm>>)
    %dma_start3A_1426 = arith.constant 352 : i32
    %dma_start3A_1427 = arith.constant 0 : i32
    %dma_start3A_1428 = tpu.memref_slice %arg2[%add3A, %dma_start3A_1426, %dma_start3A_1427] : memref<32x512x512xf32, #tpu.memory_space<hbm>> -> memref<1x32x512xf32, #tpu.memory_space<hbm>>
    %dma_start3A_1429 = tpu.memref_squeeze %dma_start3A_1428 : memref<1x32x512xf32, #tpu.memory_space<hbm>> -> memref<32x512xf32, #tpu.memory_space<hbm>>
    %dma_start3A_1430 = arith.constant 352 : i32
    %dma_start3A_1431 = arith.constant 0 : i32
    %dma_start3A_1432 = tpu.memref_slice %arg2[%add3A, %dma_start3A_1430, %dma_start3A_1431] : memref<32x512x512xf32, #tpu.memory_space<hbm>> -> memref<1x32x512xf32, #tpu.memory_space<hbm>>
    %dma_start3A_1433 = tpu.memref_squeeze %dma_start3A_1432 : memref<1x32x512xf32, #tpu.memory_space<hbm>> -> memref<32x512xf32, #tpu.memory_space<hbm>>
    tpu.enqueue_dma source(%dma_start3A_1433 : memref<32x512xf32, #tpu.memory_space<hbm>>) target(%arg9 : memref<32x512xf32, #tpu.memory_space<vmem>>) target_semaphore(%arg16 : memref<!tpu.dma_semaphore, #tpu.memory_space<semaphore_mem>>)
    %dma_wait3A_1434 = arith.constant 192 : i32
    %dma_wait3A_1435 = arith.constant 0 : i32
    %dma_wait3A_1436 = tpu.memref_slice %arg2[%add3A, %dma_wait3A_1434, %dma_wait3A_1435] : memref<32x512x512xf32, #tpu.memory_space<hbm>> -> memref<1x32x512xf32, #tpu.memory_space<hbm>>
    %dma_wait3A_1437 = tpu.memref_squeeze %dma_wait3A_1436 : memref<1x32x512xf32, #tpu.memory_space<hbm>> -> memref<32x512xf32, #tpu.memory_space<hbm>>
    %dma_wait3A_1438 = arith.constant 192 : i32
    %dma_wait3A_1439 = arith.constant 0 : i32
    %dma_wait3A_1440 = tpu.memref_slice %arg2[%add3A, %dma_wait3A_1438, %dma_wait3A_1439] : memref<32x512x512xf32, #tpu.memory_space<hbm>> -> memref<1x32x512xf32, #tpu.memory_space<hbm>>
    %dma_wait3A_1441 = tpu.memref_squeeze %dma_wait3A_1440 : memref<1x32x512xf32, #tpu.memory_space<hbm>> -> memref<32x512xf32, #tpu.memory_space<hbm>>
    tpu.wait_dma2 semaphore(%arg11 : memref<!tpu.dma_semaphore, #tpu.memory_space<semaphore_mem>>) src(%dma_wait3A_1441 : memref<32x512xf32, #tpu.memory_space<hbm>>) dst(%arg4 : memref<32x512xf32, #tpu.memory_space<vmem>>)
    %max3A_1442 = arith.constant 192 : i32
    %max3A_1443 = arith.maxsi %select_n3A_315, %max3A_1442 : i32
    %sub3A_1444 = arith.constant 192 : i32
    %sub3A_1445 = arith.subi %max3A_1443, %sub3A_1444 : i32
    %min3A_1446 = arith.constant 224 : i32
    %min3A_1447 = arith.minsi %select_n3A_319, %min3A_1446 : i32
    %sub3A_1448 = arith.constant 192 : i32
    %sub3A_1449 = arith.subi %min3A_1447, %sub3A_1448 : i32
    %while3A_1450 = arith.constant 0 : i32
    %while3A_1451 = arith.subi %sub3A_1449, %sub3A_1445 : i32
    %while3A_1452 = arith.addi %sub3A_1445, %while3A_1451 : i32
    %while3A_1453 = arith.constant 1 : i32
    %while3A_1454 = arith.divsi %while3A_1451, %while3A_1453 : i32
    %while3A_1455 = arith.muli %while3A_1454, %while3A_1453 : i32
    %while3A_1456 = arith.addi %sub3A_1445, %while3A_1455 : i32
    %while3A_1457 = arith.constant 1 : i32
    scf.for %while3A_1907 = %sub3A_1445 to %while3A_1456 step %while3A_1457  : i32 {
      %swap3A_1908 = arith.index_cast %while3A_1907 : i32 to index
      %swap3A_1909 = arith.index_cast %select_n3A_317 : i32 to index
      %swap3A_1910 = tpu.vector_load %arg4[%swap3A_1908, %swap3A_1909] {strides = array<i32>} : memref<32x512xf32, #tpu.memory_space<vmem>>, vector<1x16xf32>,
      %swap3A_1911 = vector.shape_cast %swap3A_1910 : vector<1x16xf32> to vector<16xf32>
      %swap3A_1912 = vector.shape_cast %broadcast_in_dim3A_330 : vector<16xf32> to vector<1x16xf32>
      tpu.vector_store %arg4[%swap3A_1908, %swap3A_1909], %swap3A_1912 {strides = array<i32>} : memref<32x512xf32, #tpu.memory_space<vmem>>, vector<1x16xf32>,
      %sub3A_1913 = arith.constant 16 : i32
      %sub3A_1914 = arith.subi %select_n3A_321, %sub3A_1913 : i32
      %swap3A_1915 = arith.index_cast %while3A_1907 : i32 to index
      %swap3A_1916 = arith.index_cast %sub3A_1914 : i32 to index
      %swap3A_1917 = tpu.vector_load %arg4[%swap3A_1915, %swap3A_1916] {strides = array<i32>} : memref<32x512xf32, #tpu.memory_space<vmem>>, vector<1x16xf32>,
      %swap3A_1918 = vector.shape_cast %swap3A_1917 : vector<1x16xf32> to vector<16xf32>
      %swap3A_1919 = vector.shape_cast %broadcast_in_dim3A_330 : vector<16xf32> to vector<1x16xf32>
      tpu.vector_store %arg4[%swap3A_1915, %swap3A_1916], %swap3A_1919 {strides = array<i32>} : memref<32x512xf32, #tpu.memory_space<vmem>>, vector<1x16xf32>,
    }
    %while3A_1458 = arith.constant 1 : i32
    scf.for %while3A_1907 = %while3A_1456 to %while3A_1452 step %while3A_1458  : i32 {
      %swap3A_1908 = arith.index_cast %while3A_1907 : i32 to index
      %swap3A_1909 = arith.index_cast %select_n3A_317 : i32 to index
      %swap3A_1910 = tpu.vector_load %arg4[%swap3A_1908, %swap3A_1909] {strides = array<i32>} : memref<32x512xf32, #tpu.memory_space<vmem>>, vector<1x16xf32>,
      %swap3A_1911 = vector.shape_cast %swap3A_1910 : vector<1x16xf32> to vector<16xf32>
      %swap3A_1912 = vector.shape_cast %broadcast_in_dim3A_330 : vector<16xf32> to vector<1x16xf32>
      tpu.vector_store %arg4[%swap3A_1908, %swap3A_1909], %swap3A_1912 {strides = array<i32>} : memref<32x512xf32, #tpu.memory_space<vmem>>, vector<1x16xf32>,
      %sub3A_1913 = arith.constant 16 : i32
      %sub3A_1914 = arith.subi %select_n3A_321, %sub3A_1913 : i32
      %swap3A_1915 = arith.index_cast %while3A_1907 : i32 to index
      %swap3A_1916 = arith.index_cast %sub3A_1914 : i32 to index
      %swap3A_1917 = tpu.vector_load %arg4[%swap3A_1915, %swap3A_1916] {strides = array<i32>} : memref<32x512xf32, #tpu.memory_space<vmem>>, vector<1x16xf32>,
      %swap3A_1918 = vector.shape_cast %swap3A_1917 : vector<1x16xf32> to vector<16xf32>
      %swap3A_1919 = vector.shape_cast %broadcast_in_dim3A_330 : vector<16xf32> to vector<1x16xf32>
      tpu.vector_store %arg4[%swap3A_1915, %swap3A_1916], %swap3A_1919 {strides = array<i32>} : memref<32x512xf32, #tpu.memory_space<vmem>>, vector<1x16xf32>,
    }
    %dma_start3A_1459 = arith.constant 192 : i32
    %dma_start3A_1460 = arith.constant 0 : i32
    %dma_start3A_1461 = tpu.memref_slice %arg3[%add3A, %dma_start3A_1459, %dma_start3A_1460] : memref<32x512x512xf32, #tpu.memory_space<hbm>> -> memref<1x32x512xf32, #tpu.memory_space<hbm>>
    %dma_start3A_1462 = tpu.memref_squeeze %dma_start3A_1461 : memref<1x32x512xf32, #tpu.memory_space<hbm>> -> memref<32x512xf32, #tpu.memory_space<hbm>>
    %dma_start3A_1463 = arith.constant 192 : i32
    %dma_start3A_1464 = arith.constant 0 : i32
    %dma_start3A_1465 = tpu.memref_slice %arg3[%add3A, %dma_start3A_1463, %dma_start3A_1464] : memref<32x512x512xf32, #tpu.memory_space<hbm>> -> memref<1x32x512xf32, #tpu.memory_space<hbm>>
    %dma_start3A_1466 = tpu.memref_squeeze %dma_start3A_1465 : memref<1x32x512xf32, #tpu.memory_space<hbm>> -> memref<32x512xf32, #tpu.memory_space<hbm>>
    tpu.enqueue_dma source(%arg4 : memref<32x512xf32, #tpu.memory_space<vmem>>) target(%dma_start3A_1466 : memref<32x512xf32, #tpu.memory_space<hbm>>) target_semaphore(%arg17 : memref<!tpu.dma_semaphore, #tpu.memory_space<semaphore_mem>>)
    %dma_wait3A_1467 = arith.constant 192 : i32
    %dma_wait3A_1468 = arith.constant 0 : i32
    %dma_wait3A_1469 = tpu.memref_slice %arg3[%add3A, %dma_wait3A_1467, %dma_wait3A_1468] : memref<32x512x512xf32, #tpu.memory_space<hbm>> -> memref<1x32x512xf32, #tpu.memory_space<hbm>>
    %dma_wait3A_1470 = tpu.memref_squeeze %dma_wait3A_1469 : memref<1x32x512xf32, #tpu.memory_space<hbm>> -> memref<32x512xf32, #tpu.memory_space<hbm>>
    %dma_wait3A_1471 = arith.constant 192 : i32
    %dma_wait3A_1472 = arith.constant 0 : i32
    %dma_wait3A_1473 = tpu.memref_slice %arg3[%add3A, %dma_wait3A_1471, %dma_wait3A_1472] : memref<32x512x512xf32, #tpu.memory_space<hbm>> -> memref<1x32x512xf32, #tpu.memory_space<hbm>>
    %dma_wait3A_1474 = tpu.memref_squeeze %dma_wait3A_1473 : memref<1x32x512xf32, #tpu.memory_space<hbm>> -> memref<32x512xf32, #tpu.memory_space<hbm>>
    tpu.wait_dma2 semaphore(%arg17 : memref<!tpu.dma_semaphore, #tpu.memory_space<semaphore_mem>>) src(%arg4 : memref<32x512xf32, #tpu.memory_space<vmem>>) dst(%dma_wait3A_1474 : memref<32x512xf32, #tpu.memory_space<hbm>>)
    %dma_start3A_1475 = arith.constant 384 : i32
    %dma_start3A_1476 = arith.constant 0 : i32
    %dma_start3A_1477 = tpu.memref_slice %arg2[%add3A, %dma_start3A_1475, %dma_start3A_1476] : memref<32x512x512xf32, #tpu.memory_space<hbm>> -> memref<1x32x512xf32, #tpu.memory_space<hbm>>
    %dma_start3A_1478 = tpu.memref_squeeze %dma_start3A_1477 : memref<1x32x512xf32, #tpu.memory_space<hbm>> -> memref<32x512xf32, #tpu.memory_space<hbm>>
    %dma_start3A_1479 = arith.constant 384 : i32
    %dma_start3A_1480 = arith.constant 0 : i32
    %dma_start3A_1481 = tpu.memref_slice %arg2[%add3A, %dma_start3A_1479, %dma_start3A_1480] : memref<32x512x512xf32, #tpu.memory_space<hbm>> -> memref<1x32x512xf32, #tpu.memory_space<hbm>>
    %dma_start3A_1482 = tpu.memref_squeeze %dma_start3A_1481 : memref<1x32x512xf32, #tpu.memory_space<hbm>> -> memref<32x512xf32, #tpu.memory_space<hbm>>
    tpu.enqueue_dma source(%dma_start3A_1482 : memref<32x512xf32, #tpu.memory_space<hbm>>) target(%arg4 : memref<32x512xf32, #tpu.memory_space<vmem>>) target_semaphore(%arg11 : memref<!tpu.dma_semaphore, #tpu.memory_space<semaphore_mem>>)
    %dma_wait3A_1483 = arith.constant 224 : i32
    %dma_wait3A_1484 = arith.constant 0 : i32
    %dma_wait3A_1485 = tpu.memref_slice %arg2[%add3A, %dma_wait3A_1483, %dma_wait3A_1484] : memref<32x512x512xf32, #tpu.memory_space<hbm>> -> memref<1x32x512xf32, #tpu.memory_space<hbm>>
    %dma_wait3A_1486 = tpu.memref_squeeze %dma_wait3A_1485 : memref<1x32x512xf32, #tpu.memory_space<hbm>> -> memref<32x512xf32, #tpu.memory_space<hbm>>
    %dma_wait3A_1487 = arith.constant 224 : i32
    %dma_wait3A_1488 = arith.constant 0 : i32
    %dma_wait3A_1489 = tpu.memref_slice %arg2[%add3A, %dma_wait3A_1487, %dma_wait3A_1488] : memref<32x512x512xf32, #tpu.memory_space<hbm>> -> memref<1x32x512xf32, #tpu.memory_space<hbm>>
    %dma_wait3A_1490 = tpu.memref_squeeze %dma_wait3A_1489 : memref<1x32x512xf32, #tpu.memory_space<hbm>> -> memref<32x512xf32, #tpu.memory_space<hbm>>
    tpu.wait_dma2 semaphore(%arg12 : memref<!tpu.dma_semaphore, #tpu.memory_space<semaphore_mem>>) src(%dma_wait3A_1490 : memref<32x512xf32, #tpu.memory_space<hbm>>) dst(%arg5 : memref<32x512xf32, #tpu.memory_space<vmem>>)
    %max3A_1491 = arith.constant 224 : i32
    %max3A_1492 = arith.maxsi %select_n3A_315, %max3A_1491 : i32
    %sub3A_1493 = arith.constant 224 : i32
    %sub3A_1494 = arith.subi %max3A_1492, %sub3A_1493 : i32
    %min3A_1495 = arith.constant 256 : i32
    %min3A_1496 = arith.minsi %select_n3A_319, %min3A_1495 : i32
    %sub3A_1497 = arith.constant 224 : i32
    %sub3A_1498 = arith.subi %min3A_1496, %sub3A_1497 : i32
    %while3A_1499 = arith.constant 0 : i32
    %while3A_1500 = arith.subi %sub3A_1498, %sub3A_1494 : i32
    %while3A_1501 = arith.addi %sub3A_1494, %while3A_1500 : i32
    %while3A_1502 = arith.constant 1 : i32
    %while3A_1503 = arith.divsi %while3A_1500, %while3A_1502 : i32
    %while3A_1504 = arith.muli %while3A_1503, %while3A_1502 : i32
    %while3A_1505 = arith.addi %sub3A_1494, %while3A_1504 : i32
    %while3A_1506 = arith.constant 1 : i32
    scf.for %while3A_1907 = %sub3A_1494 to %while3A_1505 step %while3A_1506  : i32 {
      %swap3A_1908 = arith.index_cast %while3A_1907 : i32 to index
      %swap3A_1909 = arith.index_cast %select_n3A_317 : i32 to index
      %swap3A_1910 = tpu.vector_load %arg5[%swap3A_1908, %swap3A_1909] {strides = array<i32>} : memref<32x512xf32, #tpu.memory_space<vmem>>, vector<1x16xf32>,
      %swap3A_1911 = vector.shape_cast %swap3A_1910 : vector<1x16xf32> to vector<16xf32>
      %swap3A_1912 = vector.shape_cast %broadcast_in_dim3A_330 : vector<16xf32> to vector<1x16xf32>
      tpu.vector_store %arg5[%swap3A_1908, %swap3A_1909], %swap3A_1912 {strides = array<i32>} : memref<32x512xf32, #tpu.memory_space<vmem>>, vector<1x16xf32>,
      %sub3A_1913 = arith.constant 16 : i32
      %sub3A_1914 = arith.subi %select_n3A_321, %sub3A_1913 : i32
      %swap3A_1915 = arith.index_cast %while3A_1907 : i32 to index
      %swap3A_1916 = arith.index_cast %sub3A_1914 : i32 to index
      %swap3A_1917 = tpu.vector_load %arg5[%swap3A_1915, %swap3A_1916] {strides = array<i32>} : memref<32x512xf32, #tpu.memory_space<vmem>>, vector<1x16xf32>,
      %swap3A_1918 = vector.shape_cast %swap3A_1917 : vector<1x16xf32> to vector<16xf32>
      %swap3A_1919 = vector.shape_cast %broadcast_in_dim3A_330 : vector<16xf32> to vector<1x16xf32>
      tpu.vector_store %arg5[%swap3A_1915, %swap3A_1916], %swap3A_1919 {strides = array<i32>} : memref<32x512xf32, #tpu.memory_space<vmem>>, vector<1x16xf32>,
    }
    %while3A_1507 = arith.constant 1 : i32
    scf.for %while3A_1907 = %while3A_1505 to %while3A_1501 step %while3A_1507  : i32 {
      %swap3A_1908 = arith.index_cast %while3A_1907 : i32 to index
      %swap3A_1909 = arith.index_cast %select_n3A_317 : i32 to index
      %swap3A_1910 = tpu.vector_load %arg5[%swap3A_1908, %swap3A_1909] {strides = array<i32>} : memref<32x512xf32, #tpu.memory_space<vmem>>, vector<1x16xf32>,
      %swap3A_1911 = vector.shape_cast %swap3A_1910 : vector<1x16xf32> to vector<16xf32>
      %swap3A_1912 = vector.shape_cast %broadcast_in_dim3A_330 : vector<16xf32> to vector<1x16xf32>
      tpu.vector_store %arg5[%swap3A_1908, %swap3A_1909], %swap3A_1912 {strides = array<i32>} : memref<32x512xf32, #tpu.memory_space<vmem>>, vector<1x16xf32>,
      %sub3A_1913 = arith.constant 16 : i32
      %sub3A_1914 = arith.subi %select_n3A_321, %sub3A_1913 : i32
      %swap3A_1915 = arith.index_cast %while3A_1907 : i32 to index
      %swap3A_1916 = arith.index_cast %sub3A_1914 : i32 to index
      %swap3A_1917 = tpu.vector_load %arg5[%swap3A_1915, %swap3A_1916] {strides = array<i32>} : memref<32x512xf32, #tpu.memory_space<vmem>>, vector<1x16xf32>,
      %swap3A_1918 = vector.shape_cast %swap3A_1917 : vector<1x16xf32> to vector<16xf32>
      %swap3A_1919 = vector.shape_cast %broadcast_in_dim3A_330 : vector<16xf32> to vector<1x16xf32>
      tpu.vector_store %arg5[%swap3A_1915, %swap3A_1916], %swap3A_1919 {strides = array<i32>} : memref<32x512xf32, #tpu.memory_space<vmem>>, vector<1x16xf32>,
    }
    %dma_start3A_1508 = arith.constant 224 : i32
    %dma_start3A_1509 = arith.constant 0 : i32
    %dma_start3A_1510 = tpu.memref_slice %arg3[%add3A, %dma_start3A_1508, %dma_start3A_1509] : memref<32x512x512xf32, #tpu.memory_space<hbm>> -> memref<1x32x512xf32, #tpu.memory_space<hbm>>
    %dma_start3A_1511 = tpu.memref_squeeze %dma_start3A_1510 : memref<1x32x512xf32, #tpu.memory_space<hbm>> -> memref<32x512xf32, #tpu.memory_space<hbm>>
    %dma_start3A_1512 = arith.constant 224 : i32
    %dma_start3A_1513 = arith.constant 0 : i32
    %dma_start3A_1514 = tpu.memref_slice %arg3[%add3A, %dma_start3A_1512, %dma_start3A_1513] : memref<32x512x512xf32, #tpu.memory_space<hbm>> -> memref<1x32x512xf32, #tpu.memory_space<hbm>>
    %dma_start3A_1515 = tpu.memref_squeeze %dma_start3A_1514 : memref<1x32x512xf32, #tpu.memory_space<hbm>> -> memref<32x512xf32, #tpu.memory_space<hbm>>
    tpu.enqueue_dma source(%arg5 : memref<32x512xf32, #tpu.memory_space<vmem>>) target(%dma_start3A_1515 : memref<32x512xf32, #tpu.memory_space<hbm>>) target_semaphore(%arg18 : memref<!tpu.dma_semaphore, #tpu.memory_space<semaphore_mem>>)
    %dma_wait3A_1516 = arith.constant 224 : i32
    %dma_wait3A_1517 = arith.constant 0 : i32
    %dma_wait3A_1518 = tpu.memref_slice %arg3[%add3A, %dma_wait3A_1516, %dma_wait3A_1517] : memref<32x512x512xf32, #tpu.memory_space<hbm>> -> memref<1x32x512xf32, #tpu.memory_space<hbm>>
    %dma_wait3A_1519 = tpu.memref_squeeze %dma_wait3A_1518 : memref<1x32x512xf32, #tpu.memory_space<hbm>> -> memref<32x512xf32, #tpu.memory_space<hbm>>
    %dma_wait3A_1520 = arith.constant 224 : i32
    %dma_wait3A_1521 = arith.constant 0 : i32
    %dma_wait3A_1522 = tpu.memref_slice %arg3[%add3A, %dma_wait3A_1520, %dma_wait3A_1521] : memref<32x512x512xf32, #tpu.memory_space<hbm>> -> memref<1x32x512xf32, #tpu.memory_space<hbm>>
    %dma_wait3A_1523 = tpu.memref_squeeze %dma_wait3A_1522 : memref<1x32x512xf32, #tpu.memory_space<hbm>> -> memref<32x512xf32, #tpu.memory_space<hbm>>
    tpu.wait_dma2 semaphore(%arg18 : memref<!tpu.dma_semaphore, #tpu.memory_space<semaphore_mem>>) src(%arg5 : memref<32x512xf32, #tpu.memory_space<vmem>>) dst(%dma_wait3A_1523 : memref<32x512xf32, #tpu.memory_space<hbm>>)
    %dma_start3A_1524 = arith.constant 416 : i32
    %dma_start3A_1525 = arith.constant 0 : i32
    %dma_start3A_1526 = tpu.memref_slice %arg2[%add3A, %dma_start3A_1524, %dma_start3A_1525] : memref<32x512x512xf32, #tpu.memory_space<hbm>> -> memref<1x32x512xf32, #tpu.memory_space<hbm>>
    %dma_start3A_1527 = tpu.memref_squeeze %dma_start3A_1526 : memref<1x32x512xf32, #tpu.memory_space<hbm>> -> memref<32x512xf32, #tpu.memory_space<hbm>>
    %dma_start3A_1528 = arith.constant 416 : i32
    %dma_start3A_1529 = arith.constant 0 : i32
    %dma_start3A_1530 = tpu.memref_slice %arg2[%add3A, %dma_start3A_1528, %dma_start3A_1529] : memref<32x512x512xf32, #tpu.memory_space<hbm>> -> memref<1x32x512xf32, #tpu.memory_space<hbm>>
    %dma_start3A_1531 = tpu.memref_squeeze %dma_start3A_1530 : memref<1x32x512xf32, #tpu.memory_space<hbm>> -> memref<32x512xf32, #tpu.memory_space<hbm>>
    tpu.enqueue_dma source(%dma_start3A_1531 : memref<32x512xf32, #tpu.memory_space<hbm>>) target(%arg5 : memref<32x512xf32, #tpu.memory_space<vmem>>) target_semaphore(%arg12 : memref<!tpu.dma_semaphore, #tpu.memory_space<semaphore_mem>>)
    %dma_wait3A_1532 = arith.constant 256 : i32
    %dma_wait3A_1533 = arith.constant 0 : i32
    %dma_wait3A_1534 = tpu.memref_slice %arg2[%add3A, %dma_wait3A_1532, %dma_wait3A_1533] : memref<32x512x512xf32, #tpu.memory_space<hbm>> -> memref<1x32x512xf32, #tpu.memory_space<hbm>>
    %dma_wait3A_1535 = tpu.memref_squeeze %dma_wait3A_1534 : memref<1x32x512xf32, #tpu.memory_space<hbm>> -> memref<32x512xf32, #tpu.memory_space<hbm>>
    %dma_wait3A_1536 = arith.constant 256 : i32
    %dma_wait3A_1537 = arith.constant 0 : i32
    %dma_wait3A_1538 = tpu.memref_slice %arg2[%add3A, %dma_wait3A_1536, %dma_wait3A_1537] : memref<32x512x512xf32, #tpu.memory_space<hbm>> -> memref<1x32x512xf32, #tpu.memory_space<hbm>>
    %dma_wait3A_1539 = tpu.memref_squeeze %dma_wait3A_1538 : memref<1x32x512xf32, #tpu.memory_space<hbm>> -> memref<32x512xf32, #tpu.memory_space<hbm>>
    tpu.wait_dma2 semaphore(%arg13 : memref<!tpu.dma_semaphore, #tpu.memory_space<semaphore_mem>>) src(%dma_wait3A_1539 : memref<32x512xf32, #tpu.memory_space<hbm>>) dst(%arg6 : memref<32x512xf32, #tpu.memory_space<vmem>>)
    %max3A_1540 = arith.constant 256 : i32
    %max3A_1541 = arith.maxsi %select_n3A_315, %max3A_1540 : i32
    %sub3A_1542 = arith.constant 256 : i32
    %sub3A_1543 = arith.subi %max3A_1541, %sub3A_1542 : i32
    %min3A_1544 = arith.constant 288 : i32
    %min3A_1545 = arith.minsi %select_n3A_319, %min3A_1544 : i32
    %sub3A_1546 = arith.constant 256 : i32
    %sub3A_1547 = arith.subi %min3A_1545, %sub3A_1546 : i32
    %while3A_1548 = arith.constant 0 : i32
    %while3A_1549 = arith.subi %sub3A_1547, %sub3A_1543 : i32
    %while3A_1550 = arith.addi %sub3A_1543, %while3A_1549 : i32
    %while3A_1551 = arith.constant 1 : i32
    %while3A_1552 = arith.divsi %while3A_1549, %while3A_1551 : i32
    %while3A_1553 = arith.muli %while3A_1552, %while3A_1551 : i32
    %while3A_1554 = arith.addi %sub3A_1543, %while3A_1553 : i32
    %while3A_1555 = arith.constant 1 : i32
    scf.for %while3A_1907 = %sub3A_1543 to %while3A_1554 step %while3A_1555  : i32 {
      %swap3A_1908 = arith.index_cast %while3A_1907 : i32 to index
      %swap3A_1909 = arith.index_cast %select_n3A_317 : i32 to index
      %swap3A_1910 = tpu.vector_load %arg6[%swap3A_1908, %swap3A_1909] {strides = array<i32>} : memref<32x512xf32, #tpu.memory_space<vmem>>, vector<1x16xf32>,
      %swap3A_1911 = vector.shape_cast %swap3A_1910 : vector<1x16xf32> to vector<16xf32>
      %swap3A_1912 = vector.shape_cast %broadcast_in_dim3A_330 : vector<16xf32> to vector<1x16xf32>
      tpu.vector_store %arg6[%swap3A_1908, %swap3A_1909], %swap3A_1912 {strides = array<i32>} : memref<32x512xf32, #tpu.memory_space<vmem>>, vector<1x16xf32>,
      %sub3A_1913 = arith.constant 16 : i32
      %sub3A_1914 = arith.subi %select_n3A_321, %sub3A_1913 : i32
      %swap3A_1915 = arith.index_cast %while3A_1907 : i32 to index
      %swap3A_1916 = arith.index_cast %sub3A_1914 : i32 to index
      %swap3A_1917 = tpu.vector_load %arg6[%swap3A_1915, %swap3A_1916] {strides = array<i32>} : memref<32x512xf32, #tpu.memory_space<vmem>>, vector<1x16xf32>,
      %swap3A_1918 = vector.shape_cast %swap3A_1917 : vector<1x16xf32> to vector<16xf32>
      %swap3A_1919 = vector.shape_cast %broadcast_in_dim3A_330 : vector<16xf32> to vector<1x16xf32>
      tpu.vector_store %arg6[%swap3A_1915, %swap3A_1916], %swap3A_1919 {strides = array<i32>} : memref<32x512xf32, #tpu.memory_space<vmem>>, vector<1x16xf32>,
    }
    %while3A_1556 = arith.constant 1 : i32
    scf.for %while3A_1907 = %while3A_1554 to %while3A_1550 step %while3A_1556  : i32 {
      %swap3A_1908 = arith.index_cast %while3A_1907 : i32 to index
      %swap3A_1909 = arith.index_cast %select_n3A_317 : i32 to index
      %swap3A_1910 = tpu.vector_load %arg6[%swap3A_1908, %swap3A_1909] {strides = array<i32>} : memref<32x512xf32, #tpu.memory_space<vmem>>, vector<1x16xf32>,
      %swap3A_1911 = vector.shape_cast %swap3A_1910 : vector<1x16xf32> to vector<16xf32>
      %swap3A_1912 = vector.shape_cast %broadcast_in_dim3A_330 : vector<16xf32> to vector<1x16xf32>
      tpu.vector_store %arg6[%swap3A_1908, %swap3A_1909], %swap3A_1912 {strides = array<i32>} : memref<32x512xf32, #tpu.memory_space<vmem>>, vector<1x16xf32>,
      %sub3A_1913 = arith.constant 16 : i32
      %sub3A_1914 = arith.subi %select_n3A_321, %sub3A_1913 : i32
      %swap3A_1915 = arith.index_cast %while3A_1907 : i32 to index
      %swap3A_1916 = arith.index_cast %sub3A_1914 : i32 to index
      %swap3A_1917 = tpu.vector_load %arg6[%swap3A_1915, %swap3A_1916] {strides = array<i32>} : memref<32x512xf32, #tpu.memory_space<vmem>>, vector<1x16xf32>,
      %swap3A_1918 = vector.shape_cast %swap3A_1917 : vector<1x16xf32> to vector<16xf32>
      %swap3A_1919 = vector.shape_cast %broadcast_in_dim3A_330 : vector<16xf32> to vector<1x16xf32>
      tpu.vector_store %arg6[%swap3A_1915, %swap3A_1916], %swap3A_1919 {strides = array<i32>} : memref<32x512xf32, #tpu.memory_space<vmem>>, vector<1x16xf32>,
    }
    %dma_start3A_1557 = arith.constant 256 : i32
    %dma_start3A_1558 = arith.constant 0 : i32
    %dma_start3A_1559 = tpu.memref_slice %arg3[%add3A, %dma_start3A_1557, %dma_start3A_1558] : memref<32x512x512xf32, #tpu.memory_space<hbm>> -> memref<1x32x512xf32, #tpu.memory_space<hbm>>
    %dma_start3A_1560 = tpu.memref_squeeze %dma_start3A_1559 : memref<1x32x512xf32, #tpu.memory_space<hbm>> -> memref<32x512xf32, #tpu.memory_space<hbm>>
    %dma_start3A_1561 = arith.constant 256 : i32
    %dma_start3A_1562 = arith.constant 0 : i32
    %dma_start3A_1563 = tpu.memref_slice %arg3[%add3A, %dma_start3A_1561, %dma_start3A_1562] : memref<32x512x512xf32, #tpu.memory_space<hbm>> -> memref<1x32x512xf32, #tpu.memory_space<hbm>>
    %dma_start3A_1564 = tpu.memref_squeeze %dma_start3A_1563 : memref<1x32x512xf32, #tpu.memory_space<hbm>> -> memref<32x512xf32, #tpu.memory_space<hbm>>
    tpu.enqueue_dma source(%arg6 : memref<32x512xf32, #tpu.memory_space<vmem>>) target(%dma_start3A_1564 : memref<32x512xf32, #tpu.memory_space<hbm>>) target_semaphore(%arg19 : memref<!tpu.dma_semaphore, #tpu.memory_space<semaphore_mem>>)
    %dma_wait3A_1565 = arith.constant 256 : i32
    %dma_wait3A_1566 = arith.constant 0 : i32
    %dma_wait3A_1567 = tpu.memref_slice %arg3[%add3A, %dma_wait3A_1565, %dma_wait3A_1566] : memref<32x512x512xf32, #tpu.memory_space<hbm>> -> memref<1x32x512xf32, #tpu.memory_space<hbm>>
    %dma_wait3A_1568 = tpu.memref_squeeze %dma_wait3A_1567 : memref<1x32x512xf32, #tpu.memory_space<hbm>> -> memref<32x512xf32, #tpu.memory_space<hbm>>
    %dma_wait3A_1569 = arith.constant 256 : i32
    %dma_wait3A_1570 = arith.constant 0 : i32
    %dma_wait3A_1571 = tpu.memref_slice %arg3[%add3A, %dma_wait3A_1569, %dma_wait3A_1570] : memref<32x512x512xf32, #tpu.memory_space<hbm>> -> memref<1x32x512xf32, #tpu.memory_space<hbm>>
    %dma_wait3A_1572 = tpu.memref_squeeze %dma_wait3A_1571 : memref<1x32x512xf32, #tpu.memory_space<hbm>> -> memref<32x512xf32, #tpu.memory_space<hbm>>
    tpu.wait_dma2 semaphore(%arg19 : memref<!tpu.dma_semaphore, #tpu.memory_space<semaphore_mem>>) src(%arg6 : memref<32x512xf32, #tpu.memory_space<vmem>>) dst(%dma_wait3A_1572 : memref<32x512xf32, #tpu.memory_space<hbm>>)
    %dma_start3A_1573 = arith.constant 448 : i32
    %dma_start3A_1574 = arith.constant 0 : i32
    %dma_start3A_1575 = tpu.memref_slice %arg2[%add3A, %dma_start3A_1573, %dma_start3A_1574] : memref<32x512x512xf32, #tpu.memory_space<hbm>> -> memref<1x32x512xf32, #tpu.memory_space<hbm>>
    %dma_start3A_1576 = tpu.memref_squeeze %dma_start3A_1575 : memref<1x32x512xf32, #tpu.memory_space<hbm>> -> memref<32x512xf32, #tpu.memory_space<hbm>>
    %dma_start3A_1577 = arith.constant 448 : i32
    %dma_start3A_1578 = arith.constant 0 : i32
    %dma_start3A_1579 = tpu.memref_slice %arg2[%add3A, %dma_start3A_1577, %dma_start3A_1578] : memref<32x512x512xf32, #tpu.memory_space<hbm>> -> memref<1x32x512xf32, #tpu.memory_space<hbm>>
    %dma_start3A_1580 = tpu.memref_squeeze %dma_start3A_1579 : memref<1x32x512xf32, #tpu.memory_space<hbm>> -> memref<32x512xf32, #tpu.memory_space<hbm>>
    tpu.enqueue_dma source(%dma_start3A_1580 : memref<32x512xf32, #tpu.memory_space<hbm>>) target(%arg6 : memref<32x512xf32, #tpu.memory_space<vmem>>) target_semaphore(%arg13 : memref<!tpu.dma_semaphore, #tpu.memory_space<semaphore_mem>>)
    %dma_wait3A_1581 = arith.constant 288 : i32
    %dma_wait3A_1582 = arith.constant 0 : i32
    %dma_wait3A_1583 = tpu.memref_slice %arg2[%add3A, %dma_wait3A_1581, %dma_wait3A_1582] : memref<32x512x512xf32, #tpu.memory_space<hbm>> -> memref<1x32x512xf32, #tpu.memory_space<hbm>>
    %dma_wait3A_1584 = tpu.memref_squeeze %dma_wait3A_1583 : memref<1x32x512xf32, #tpu.memory_space<hbm>> -> memref<32x512xf32, #tpu.memory_space<hbm>>
    %dma_wait3A_1585 = arith.constant 288 : i32
    %dma_wait3A_1586 = arith.constant 0 : i32
    %dma_wait3A_1587 = tpu.memref_slice %arg2[%add3A, %dma_wait3A_1585, %dma_wait3A_1586] : memref<32x512x512xf32, #tpu.memory_space<hbm>> -> memref<1x32x512xf32, #tpu.memory_space<hbm>>
    %dma_wait3A_1588 = tpu.memref_squeeze %dma_wait3A_1587 : memref<1x32x512xf32, #tpu.memory_space<hbm>> -> memref<32x512xf32, #tpu.memory_space<hbm>>
    tpu.wait_dma2 semaphore(%arg14 : memref<!tpu.dma_semaphore, #tpu.memory_space<semaphore_mem>>) src(%dma_wait3A_1588 : memref<32x512xf32, #tpu.memory_space<hbm>>) dst(%arg7 : memref<32x512xf32, #tpu.memory_space<vmem>>)
    %max3A_1589 = arith.constant 288 : i32
    %max3A_1590 = arith.maxsi %select_n3A_315, %max3A_1589 : i32
    %sub3A_1591 = arith.constant 288 : i32
    %sub3A_1592 = arith.subi %max3A_1590, %sub3A_1591 : i32
    %min3A_1593 = arith.constant 320 : i32
    %min3A_1594 = arith.minsi %select_n3A_319, %min3A_1593 : i32
    %sub3A_1595 = arith.constant 288 : i32
    %sub3A_1596 = arith.subi %min3A_1594, %sub3A_1595 : i32
    %while3A_1597 = arith.constant 0 : i32
    %while3A_1598 = arith.subi %sub3A_1596, %sub3A_1592 : i32
    %while3A_1599 = arith.addi %sub3A_1592, %while3A_1598 : i32
    %while3A_1600 = arith.constant 1 : i32
    %while3A_1601 = arith.divsi %while3A_1598, %while3A_1600 : i32
    %while3A_1602 = arith.muli %while3A_1601, %while3A_1600 : i32
    %while3A_1603 = arith.addi %sub3A_1592, %while3A_1602 : i32
    %while3A_1604 = arith.constant 1 : i32
    scf.for %while3A_1907 = %sub3A_1592 to %while3A_1603 step %while3A_1604  : i32 {
      %swap3A_1908 = arith.index_cast %while3A_1907 : i32 to index
      %swap3A_1909 = arith.index_cast %select_n3A_317 : i32 to index
      %swap3A_1910 = tpu.vector_load %arg7[%swap3A_1908, %swap3A_1909] {strides = array<i32>} : memref<32x512xf32, #tpu.memory_space<vmem>>, vector<1x16xf32>,
      %swap3A_1911 = vector.shape_cast %swap3A_1910 : vector<1x16xf32> to vector<16xf32>
      %swap3A_1912 = vector.shape_cast %broadcast_in_dim3A_330 : vector<16xf32> to vector<1x16xf32>
      tpu.vector_store %arg7[%swap3A_1908, %swap3A_1909], %swap3A_1912 {strides = array<i32>} : memref<32x512xf32, #tpu.memory_space<vmem>>, vector<1x16xf32>,
      %sub3A_1913 = arith.constant 16 : i32
      %sub3A_1914 = arith.subi %select_n3A_321, %sub3A_1913 : i32
      %swap3A_1915 = arith.index_cast %while3A_1907 : i32 to index
      %swap3A_1916 = arith.index_cast %sub3A_1914 : i32 to index
      %swap3A_1917 = tpu.vector_load %arg7[%swap3A_1915, %swap3A_1916] {strides = array<i32>} : memref<32x512xf32, #tpu.memory_space<vmem>>, vector<1x16xf32>,
      %swap3A_1918 = vector.shape_cast %swap3A_1917 : vector<1x16xf32> to vector<16xf32>
      %swap3A_1919 = vector.shape_cast %broadcast_in_dim3A_330 : vector<16xf32> to vector<1x16xf32>
      tpu.vector_store %arg7[%swap3A_1915, %swap3A_1916], %swap3A_1919 {strides = array<i32>} : memref<32x512xf32, #tpu.memory_space<vmem>>, vector<1x16xf32>,
    }
    %while3A_1605 = arith.constant 1 : i32
    scf.for %while3A_1907 = %while3A_1603 to %while3A_1599 step %while3A_1605  : i32 {
      %swap3A_1908 = arith.index_cast %while3A_1907 : i32 to index
      %swap3A_1909 = arith.index_cast %select_n3A_317 : i32 to index
      %swap3A_1910 = tpu.vector_load %arg7[%swap3A_1908, %swap3A_1909] {strides = array<i32>} : memref<32x512xf32, #tpu.memory_space<vmem>>, vector<1x16xf32>,
      %swap3A_1911 = vector.shape_cast %swap3A_1910 : vector<1x16xf32> to vector<16xf32>
      %swap3A_1912 = vector.shape_cast %broadcast_in_dim3A_330 : vector<16xf32> to vector<1x16xf32>
      tpu.vector_store %arg7[%swap3A_1908, %swap3A_1909], %swap3A_1912 {strides = array<i32>} : memref<32x512xf32, #tpu.memory_space<vmem>>, vector<1x16xf32>,
      %sub3A_1913 = arith.constant 16 : i32
      %sub3A_1914 = arith.subi %select_n3A_321, %sub3A_1913 : i32
      %swap3A_1915 = arith.index_cast %while3A_1907 : i32 to index
      %swap3A_1916 = arith.index_cast %sub3A_1914 : i32 to index
      %swap3A_1917 = tpu.vector_load %arg7[%swap3A_1915, %swap3A_1916] {strides = array<i32>} : memref<32x512xf32, #tpu.memory_space<vmem>>, vector<1x16xf32>,
      %swap3A_1918 = vector.shape_cast %swap3A_1917 : vector<1x16xf32> to vector<16xf32>
      %swap3A_1919 = vector.shape_cast %broadcast_in_dim3A_330 : vector<16xf32> to vector<1x16xf32>
      tpu.vector_store %arg7[%swap3A_1915, %swap3A_1916], %swap3A_1919 {strides = array<i32>} : memref<32x512xf32, #tpu.memory_space<vmem>>, vector<1x16xf32>,
    }
    %dma_start3A_1606 = arith.constant 288 : i32
    %dma_start3A_1607 = arith.constant 0 : i32
    %dma_start3A_1608 = tpu.memref_slice %arg3[%add3A, %dma_start3A_1606, %dma_start3A_1607] : memref<32x512x512xf32, #tpu.memory_space<hbm>> -> memref<1x32x512xf32, #tpu.memory_space<hbm>>
    %dma_start3A_1609 = tpu.memref_squeeze %dma_start3A_1608 : memref<1x32x512xf32, #tpu.memory_space<hbm>> -> memref<32x512xf32, #tpu.memory_space<hbm>>
    %dma_start3A_1610 = arith.constant 288 : i32
    %dma_start3A_1611 = arith.constant 0 : i32
    %dma_start3A_1612 = tpu.memref_slice %arg3[%add3A, %dma_start3A_1610, %dma_start3A_1611] : memref<32x512x512xf32, #tpu.memory_space<hbm>> -> memref<1x32x512xf32, #tpu.memory_space<hbm>>
    %dma_start3A_1613 = tpu.memref_squeeze %dma_start3A_1612 : memref<1x32x512xf32, #tpu.memory_space<hbm>> -> memref<32x512xf32, #tpu.memory_space<hbm>>
    tpu.enqueue_dma source(%arg7 : memref<32x512xf32, #tpu.memory_space<vmem>>) target(%dma_start3A_1613 : memref<32x512xf32, #tpu.memory_space<hbm>>) target_semaphore(%arg20 : memref<!tpu.dma_semaphore, #tpu.memory_space<semaphore_mem>>)
    %dma_wait3A_1614 = arith.constant 288 : i32
    %dma_wait3A_1615 = arith.constant 0 : i32
    %dma_wait3A_1616 = tpu.memref_slice %arg3[%add3A, %dma_wait3A_1614, %dma_wait3A_1615] : memref<32x512x512xf32, #tpu.memory_space<hbm>> -> memref<1x32x512xf32, #tpu.memory_space<hbm>>
    %dma_wait3A_1617 = tpu.memref_squeeze %dma_wait3A_1616 : memref<1x32x512xf32, #tpu.memory_space<hbm>> -> memref<32x512xf32, #tpu.memory_space<hbm>>
    %dma_wait3A_1618 = arith.constant 288 : i32
    %dma_wait3A_1619 = arith.constant 0 : i32
    %dma_wait3A_1620 = tpu.memref_slice %arg3[%add3A, %dma_wait3A_1618, %dma_wait3A_1619] : memref<32x512x512xf32, #tpu.memory_space<hbm>> -> memref<1x32x512xf32, #tpu.memory_space<hbm>>
    %dma_wait3A_1621 = tpu.memref_squeeze %dma_wait3A_1620 : memref<1x32x512xf32, #tpu.memory_space<hbm>> -> memref<32x512xf32, #tpu.memory_space<hbm>>
    tpu.wait_dma2 semaphore(%arg20 : memref<!tpu.dma_semaphore, #tpu.memory_space<semaphore_mem>>) src(%arg7 : memref<32x512xf32, #tpu.memory_space<vmem>>) dst(%dma_wait3A_1621 : memref<32x512xf32, #tpu.memory_space<hbm>>)
    %dma_start3A_1622 = arith.constant 480 : i32
    %dma_start3A_1623 = arith.constant 0 : i32
    %dma_start3A_1624 = tpu.memref_slice %arg2[%add3A, %dma_start3A_1622, %dma_start3A_1623] : memref<32x512x512xf32, #tpu.memory_space<hbm>> -> memref<1x32x512xf32, #tpu.memory_space<hbm>>
    %dma_start3A_1625 = tpu.memref_squeeze %dma_start3A_1624 : memref<1x32x512xf32, #tpu.memory_space<hbm>> -> memref<32x512xf32, #tpu.memory_space<hbm>>
    %dma_start3A_1626 = arith.constant 480 : i32
    %dma_start3A_1627 = arith.constant 0 : i32
    %dma_start3A_1628 = tpu.memref_slice %arg2[%add3A, %dma_start3A_1626, %dma_start3A_1627] : memref<32x512x512xf32, #tpu.memory_space<hbm>> -> memref<1x32x512xf32, #tpu.memory_space<hbm>>
    %dma_start3A_1629 = tpu.memref_squeeze %dma_start3A_1628 : memref<1x32x512xf32, #tpu.memory_space<hbm>> -> memref<32x512xf32, #tpu.memory_space<hbm>>
    tpu.enqueue_dma source(%dma_start3A_1629 : memref<32x512xf32, #tpu.memory_space<hbm>>) target(%arg7 : memref<32x512xf32, #tpu.memory_space<vmem>>) target_semaphore(%arg14 : memref<!tpu.dma_semaphore, #tpu.memory_space<semaphore_mem>>)
    %dma_wait3A_1630 = arith.constant 320 : i32
    %dma_wait3A_1631 = arith.constant 0 : i32
    %dma_wait3A_1632 = tpu.memref_slice %arg2[%add3A, %dma_wait3A_1630, %dma_wait3A_1631] : memref<32x512x512xf32, #tpu.memory_space<hbm>> -> memref<1x32x512xf32, #tpu.memory_space<hbm>>
    %dma_wait3A_1633 = tpu.memref_squeeze %dma_wait3A_1632 : memref<1x32x512xf32, #tpu.memory_space<hbm>> -> memref<32x512xf32, #tpu.memory_space<hbm>>
    %dma_wait3A_1634 = arith.constant 320 : i32
    %dma_wait3A_1635 = arith.constant 0 : i32
    %dma_wait3A_1636 = tpu.memref_slice %arg2[%add3A, %dma_wait3A_1634, %dma_wait3A_1635] : memref<32x512x512xf32, #tpu.memory_space<hbm>> -> memref<1x32x512xf32, #tpu.memory_space<hbm>>
    %dma_wait3A_1637 = tpu.memref_squeeze %dma_wait3A_1636 : memref<1x32x512xf32, #tpu.memory_space<hbm>> -> memref<32x512xf32, #tpu.memory_space<hbm>>
    tpu.wait_dma2 semaphore(%arg15 : memref<!tpu.dma_semaphore, #tpu.memory_space<semaphore_mem>>) src(%dma_wait3A_1637 : memref<32x512xf32, #tpu.memory_space<hbm>>) dst(%arg8 : memref<32x512xf32, #tpu.memory_space<vmem>>)
    %max3A_1638 = arith.constant 320 : i32
    %max3A_1639 = arith.maxsi %select_n3A_315, %max3A_1638 : i32
    %sub3A_1640 = arith.constant 320 : i32
    %sub3A_1641 = arith.subi %max3A_1639, %sub3A_1640 : i32
    %min3A_1642 = arith.constant 352 : i32
    %min3A_1643 = arith.minsi %select_n3A_319, %min3A_1642 : i32
    %sub3A_1644 = arith.constant 320 : i32
    %sub3A_1645 = arith.subi %min3A_1643, %sub3A_1644 : i32
    %while3A_1646 = arith.constant 0 : i32
    %while3A_1647 = arith.subi %sub3A_1645, %sub3A_1641 : i32
    %while3A_1648 = arith.addi %sub3A_1641, %while3A_1647 : i32
    %while3A_1649 = arith.constant 1 : i32
    %while3A_1650 = arith.divsi %while3A_1647, %while3A_1649 : i32
    %while3A_1651 = arith.muli %while3A_1650, %while3A_1649 : i32
    %while3A_1652 = arith.addi %sub3A_1641, %while3A_1651 : i32
    %while3A_1653 = arith.constant 1 : i32
    scf.for %while3A_1907 = %sub3A_1641 to %while3A_1652 step %while3A_1653  : i32 {
      %swap3A_1908 = arith.index_cast %while3A_1907 : i32 to index
      %swap3A_1909 = arith.index_cast %select_n3A_317 : i32 to index
      %swap3A_1910 = tpu.vector_load %arg8[%swap3A_1908, %swap3A_1909] {strides = array<i32>} : memref<32x512xf32, #tpu.memory_space<vmem>>, vector<1x16xf32>,
      %swap3A_1911 = vector.shape_cast %swap3A_1910 : vector<1x16xf32> to vector<16xf32>
      %swap3A_1912 = vector.shape_cast %broadcast_in_dim3A_330 : vector<16xf32> to vector<1x16xf32>
      tpu.vector_store %arg8[%swap3A_1908, %swap3A_1909], %swap3A_1912 {strides = array<i32>} : memref<32x512xf32, #tpu.memory_space<vmem>>, vector<1x16xf32>,
      %sub3A_1913 = arith.constant 16 : i32
      %sub3A_1914 = arith.subi %select_n3A_321, %sub3A_1913 : i32
      %swap3A_1915 = arith.index_cast %while3A_1907 : i32 to index
      %swap3A_1916 = arith.index_cast %sub3A_1914 : i32 to index
      %swap3A_1917 = tpu.vector_load %arg8[%swap3A_1915, %swap3A_1916] {strides = array<i32>} : memref<32x512xf32, #tpu.memory_space<vmem>>, vector<1x16xf32>,
      %swap3A_1918 = vector.shape_cast %swap3A_1917 : vector<1x16xf32> to vector<16xf32>
      %swap3A_1919 = vector.shape_cast %broadcast_in_dim3A_330 : vector<16xf32> to vector<1x16xf32>
      tpu.vector_store %arg8[%swap3A_1915, %swap3A_1916], %swap3A_1919 {strides = array<i32>} : memref<32x512xf32, #tpu.memory_space<vmem>>, vector<1x16xf32>,
    }
    %while3A_1654 = arith.constant 1 : i32
    scf.for %while3A_1907 = %while3A_1652 to %while3A_1648 step %while3A_1654  : i32 {
      %swap3A_1908 = arith.index_cast %while3A_1907 : i32 to index
      %swap3A_1909 = arith.index_cast %select_n3A_317 : i32 to index
      %swap3A_1910 = tpu.vector_load %arg8[%swap3A_1908, %swap3A_1909] {strides = array<i32>} : memref<32x512xf32, #tpu.memory_space<vmem>>, vector<1x16xf32>,
      %swap3A_1911 = vector.shape_cast %swap3A_1910 : vector<1x16xf32> to vector<16xf32>
      %swap3A_1912 = vector.shape_cast %broadcast_in_dim3A_330 : vector<16xf32> to vector<1x16xf32>
      tpu.vector_store %arg8[%swap3A_1908, %swap3A_1909], %swap3A_1912 {strides = array<i32>} : memref<32x512xf32, #tpu.memory_space<vmem>>, vector<1x16xf32>,
      %sub3A_1913 = arith.constant 16 : i32
      %sub3A_1914 = arith.subi %select_n3A_321, %sub3A_1913 : i32
      %swap3A_1915 = arith.index_cast %while3A_1907 : i32 to index
      %swap3A_1916 = arith.index_cast %sub3A_1914 : i32 to index
      %swap3A_1917 = tpu.vector_load %arg8[%swap3A_1915, %swap3A_1916] {strides = array<i32>} : memref<32x512xf32, #tpu.memory_space<vmem>>, vector<1x16xf32>,
      %swap3A_1918 = vector.shape_cast %swap3A_1917 : vector<1x16xf32> to vector<16xf32>
      %swap3A_1919 = vector.shape_cast %broadcast_in_dim3A_330 : vector<16xf32> to vector<1x16xf32>
      tpu.vector_store %arg8[%swap3A_1915, %swap3A_1916], %swap3A_1919 {strides = array<i32>} : memref<32x512xf32, #tpu.memory_space<vmem>>, vector<1x16xf32>,
    }
    %dma_start3A_1655 = arith.constant 320 : i32
    %dma_start3A_1656 = arith.constant 0 : i32
    %dma_start3A_1657 = tpu.memref_slice %arg3[%add3A, %dma_start3A_1655, %dma_start3A_1656] : memref<32x512x512xf32, #tpu.memory_space<hbm>> -> memref<1x32x512xf32, #tpu.memory_space<hbm>>
    %dma_start3A_1658 = tpu.memref_squeeze %dma_start3A_1657 : memref<1x32x512xf32, #tpu.memory_space<hbm>> -> memref<32x512xf32, #tpu.memory_space<hbm>>
    %dma_start3A_1659 = arith.constant 320 : i32
    %dma_start3A_1660 = arith.constant 0 : i32
    %dma_start3A_1661 = tpu.memref_slice %arg3[%add3A, %dma_start3A_1659, %dma_start3A_1660] : memref<32x512x512xf32, #tpu.memory_space<hbm>> -> memref<1x32x512xf32, #tpu.memory_space<hbm>>
    %dma_start3A_1662 = tpu.memref_squeeze %dma_start3A_1661 : memref<1x32x512xf32, #tpu.memory_space<hbm>> -> memref<32x512xf32, #tpu.memory_space<hbm>>
    tpu.enqueue_dma source(%arg8 : memref<32x512xf32, #tpu.memory_space<vmem>>) target(%dma_start3A_1662 : memref<32x512xf32, #tpu.memory_space<hbm>>) target_semaphore(%arg21 : memref<!tpu.dma_semaphore, #tpu.memory_space<semaphore_mem>>)
    %dma_wait3A_1663 = arith.constant 352 : i32
    %dma_wait3A_1664 = arith.constant 0 : i32
    %dma_wait3A_1665 = tpu.memref_slice %arg2[%add3A, %dma_wait3A_1663, %dma_wait3A_1664] : memref<32x512x512xf32, #tpu.memory_space<hbm>> -> memref<1x32x512xf32, #tpu.memory_space<hbm>>
    %dma_wait3A_1666 = tpu.memref_squeeze %dma_wait3A_1665 : memref<1x32x512xf32, #tpu.memory_space<hbm>> -> memref<32x512xf32, #tpu.memory_space<hbm>>
    %dma_wait3A_1667 = arith.constant 352 : i32
    %dma_wait3A_1668 = arith.constant 0 : i32
    %dma_wait3A_1669 = tpu.memref_slice %arg2[%add3A, %dma_wait3A_1667, %dma_wait3A_1668] : memref<32x512x512xf32, #tpu.memory_space<hbm>> -> memref<1x32x512xf32, #tpu.memory_space<hbm>>
    %dma_wait3A_1670 = tpu.memref_squeeze %dma_wait3A_1669 : memref<1x32x512xf32, #tpu.memory_space<hbm>> -> memref<32x512xf32, #tpu.memory_space<hbm>>
    tpu.wait_dma2 semaphore(%arg16 : memref<!tpu.dma_semaphore, #tpu.memory_space<semaphore_mem>>) src(%dma_wait3A_1670 : memref<32x512xf32, #tpu.memory_space<hbm>>) dst(%arg9 : memref<32x512xf32, #tpu.memory_space<vmem>>)
    %max3A_1671 = arith.constant 352 : i32
    %max3A_1672 = arith.maxsi %select_n3A_315, %max3A_1671 : i32
    %sub3A_1673 = arith.constant 352 : i32
    %sub3A_1674 = arith.subi %max3A_1672, %sub3A_1673 : i32
    %min3A_1675 = arith.constant 384 : i32
    %min3A_1676 = arith.minsi %select_n3A_319, %min3A_1675 : i32
    %sub3A_1677 = arith.constant 352 : i32
    %sub3A_1678 = arith.subi %min3A_1676, %sub3A_1677 : i32
    %while3A_1679 = arith.constant 0 : i32
    %while3A_1680 = arith.subi %sub3A_1678, %sub3A_1674 : i32
    %while3A_1681 = arith.addi %sub3A_1674, %while3A_1680 : i32
    %while3A_1682 = arith.constant 1 : i32
    %while3A_1683 = arith.divsi %while3A_1680, %while3A_1682 : i32
    %while3A_1684 = arith.muli %while3A_1683, %while3A_1682 : i32
    %while3A_1685 = arith.addi %sub3A_1674, %while3A_1684 : i32
    %while3A_1686 = arith.constant 1 : i32
    scf.for %while3A_1907 = %sub3A_1674 to %while3A_1685 step %while3A_1686  : i32 {
      %swap3A_1908 = arith.index_cast %while3A_1907 : i32 to index
      %swap3A_1909 = arith.index_cast %select_n3A_317 : i32 to index
      %swap3A_1910 = tpu.vector_load %arg9[%swap3A_1908, %swap3A_1909] {strides = array<i32>} : memref<32x512xf32, #tpu.memory_space<vmem>>, vector<1x16xf32>,
      %swap3A_1911 = vector.shape_cast %swap3A_1910 : vector<1x16xf32> to vector<16xf32>
      %swap3A_1912 = vector.shape_cast %broadcast_in_dim3A_330 : vector<16xf32> to vector<1x16xf32>
      tpu.vector_store %arg9[%swap3A_1908, %swap3A_1909], %swap3A_1912 {strides = array<i32>} : memref<32x512xf32, #tpu.memory_space<vmem>>, vector<1x16xf32>,
      %sub3A_1913 = arith.constant 16 : i32
      %sub3A_1914 = arith.subi %select_n3A_321, %sub3A_1913 : i32
      %swap3A_1915 = arith.index_cast %while3A_1907 : i32 to index
      %swap3A_1916 = arith.index_cast %sub3A_1914 : i32 to index
      %swap3A_1917 = tpu.vector_load %arg9[%swap3A_1915, %swap3A_1916] {strides = array<i32>} : memref<32x512xf32, #tpu.memory_space<vmem>>, vector<1x16xf32>,
      %swap3A_1918 = vector.shape_cast %swap3A_1917 : vector<1x16xf32> to vector<16xf32>
      %swap3A_1919 = vector.shape_cast %broadcast_in_dim3A_330 : vector<16xf32> to vector<1x16xf32>
      tpu.vector_store %arg9[%swap3A_1915, %swap3A_1916], %swap3A_1919 {strides = array<i32>} : memref<32x512xf32, #tpu.memory_space<vmem>>, vector<1x16xf32>,
    }
    %while3A_1687 = arith.constant 1 : i32
    scf.for %while3A_1907 = %while3A_1685 to %while3A_1681 step %while3A_1687  : i32 {
      %swap3A_1908 = arith.index_cast %while3A_1907 : i32 to index
      %swap3A_1909 = arith.index_cast %select_n3A_317 : i32 to index
      %swap3A_1910 = tpu.vector_load %arg9[%swap3A_1908, %swap3A_1909] {strides = array<i32>} : memref<32x512xf32, #tpu.memory_space<vmem>>, vector<1x16xf32>,
      %swap3A_1911 = vector.shape_cast %swap3A_1910 : vector<1x16xf32> to vector<16xf32>
      %swap3A_1912 = vector.shape_cast %broadcast_in_dim3A_330 : vector<16xf32> to vector<1x16xf32>
      tpu.vector_store %arg9[%swap3A_1908, %swap3A_1909], %swap3A_1912 {strides = array<i32>} : memref<32x512xf32, #tpu.memory_space<vmem>>, vector<1x16xf32>,
      %sub3A_1913 = arith.constant 16 : i32
      %sub3A_1914 = arith.subi %select_n3A_321, %sub3A_1913 : i32
      %swap3A_1915 = arith.index_cast %while3A_1907 : i32 to index
      %swap3A_1916 = arith.index_cast %sub3A_1914 : i32 to index
      %swap3A_1917 = tpu.vector_load %arg9[%swap3A_1915, %swap3A_1916] {strides = array<i32>} : memref<32x512xf32, #tpu.memory_space<vmem>>, vector<1x16xf32>,
      %swap3A_1918 = vector.shape_cast %swap3A_1917 : vector<1x16xf32> to vector<16xf32>
      %swap3A_1919 = vector.shape_cast %broadcast_in_dim3A_330 : vector<16xf32> to vector<1x16xf32>
      tpu.vector_store %arg9[%swap3A_1915, %swap3A_1916], %swap3A_1919 {strides = array<i32>} : memref<32x512xf32, #tpu.memory_space<vmem>>, vector<1x16xf32>,
    }
    %dma_start3A_1688 = arith.constant 352 : i32
    %dma_start3A_1689 = arith.constant 0 : i32
    %dma_start3A_1690 = tpu.memref_slice %arg3[%add3A, %dma_start3A_1688, %dma_start3A_1689] : memref<32x512x512xf32, #tpu.memory_space<hbm>> -> memref<1x32x512xf32, #tpu.memory_space<hbm>>
    %dma_start3A_1691 = tpu.memref_squeeze %dma_start3A_1690 : memref<1x32x512xf32, #tpu.memory_space<hbm>> -> memref<32x512xf32, #tpu.memory_space<hbm>>
    %dma_start3A_1692 = arith.constant 352 : i32
    %dma_start3A_1693 = arith.constant 0 : i32
    %dma_start3A_1694 = tpu.memref_slice %arg3[%add3A, %dma_start3A_1692, %dma_start3A_1693] : memref<32x512x512xf32, #tpu.memory_space<hbm>> -> memref<1x32x512xf32, #tpu.memory_space<hbm>>
    %dma_start3A_1695 = tpu.memref_squeeze %dma_start3A_1694 : memref<1x32x512xf32, #tpu.memory_space<hbm>> -> memref<32x512xf32, #tpu.memory_space<hbm>>
    tpu.enqueue_dma source(%arg9 : memref<32x512xf32, #tpu.memory_space<vmem>>) target(%dma_start3A_1695 : memref<32x512xf32, #tpu.memory_space<hbm>>) target_semaphore(%arg22 : memref<!tpu.dma_semaphore, #tpu.memory_space<semaphore_mem>>)
    %dma_wait3A_1696 = arith.constant 384 : i32
    %dma_wait3A_1697 = arith.constant 0 : i32
    %dma_wait3A_1698 = tpu.memref_slice %arg2[%add3A, %dma_wait3A_1696, %dma_wait3A_1697] : memref<32x512x512xf32, #tpu.memory_space<hbm>> -> memref<1x32x512xf32, #tpu.memory_space<hbm>>
    %dma_wait3A_1699 = tpu.memref_squeeze %dma_wait3A_1698 : memref<1x32x512xf32, #tpu.memory_space<hbm>> -> memref<32x512xf32, #tpu.memory_space<hbm>>
    %dma_wait3A_1700 = arith.constant 384 : i32
    %dma_wait3A_1701 = arith.constant 0 : i32
    %dma_wait3A_1702 = tpu.memref_slice %arg2[%add3A, %dma_wait3A_1700, %dma_wait3A_1701] : memref<32x512x512xf32, #tpu.memory_space<hbm>> -> memref<1x32x512xf32, #tpu.memory_space<hbm>>
    %dma_wait3A_1703 = tpu.memref_squeeze %dma_wait3A_1702 : memref<1x32x512xf32, #tpu.memory_space<hbm>> -> memref<32x512xf32, #tpu.memory_space<hbm>>
    tpu.wait_dma2 semaphore(%arg11 : memref<!tpu.dma_semaphore, #tpu.memory_space<semaphore_mem>>) src(%dma_wait3A_1703 : memref<32x512xf32, #tpu.memory_space<hbm>>) dst(%arg4 : memref<32x512xf32, #tpu.memory_space<vmem>>)
    %max3A_1704 = arith.constant 384 : i32
    %max3A_1705 = arith.maxsi %select_n3A_315, %max3A_1704 : i32
    %sub3A_1706 = arith.constant 384 : i32
    %sub3A_1707 = arith.subi %max3A_1705, %sub3A_1706 : i32
    %min3A_1708 = arith.constant 416 : i32
    %min3A_1709 = arith.minsi %select_n3A_319, %min3A_1708 : i32
    %sub3A_1710 = arith.constant 384 : i32
    %sub3A_1711 = arith.subi %min3A_1709, %sub3A_1710 : i32
    %while3A_1712 = arith.constant 0 : i32
    %while3A_1713 = arith.subi %sub3A_1711, %sub3A_1707 : i32
    %while3A_1714 = arith.addi %sub3A_1707, %while3A_1713 : i32
    %while3A_1715 = arith.constant 1 : i32
    %while3A_1716 = arith.divsi %while3A_1713, %while3A_1715 : i32
    %while3A_1717 = arith.muli %while3A_1716, %while3A_1715 : i32
    %while3A_1718 = arith.addi %sub3A_1707, %while3A_1717 : i32
    %while3A_1719 = arith.constant 1 : i32
    scf.for %while3A_1907 = %sub3A_1707 to %while3A_1718 step %while3A_1719  : i32 {
      %swap3A_1908 = arith.index_cast %while3A_1907 : i32 to index
      %swap3A_1909 = arith.index_cast %select_n3A_317 : i32 to index
      %swap3A_1910 = tpu.vector_load %arg4[%swap3A_1908, %swap3A_1909] {strides = array<i32>} : memref<32x512xf32, #tpu.memory_space<vmem>>, vector<1x16xf32>,
      %swap3A_1911 = vector.shape_cast %swap3A_1910 : vector<1x16xf32> to vector<16xf32>
      %swap3A_1912 = vector.shape_cast %broadcast_in_dim3A_330 : vector<16xf32> to vector<1x16xf32>
      tpu.vector_store %arg4[%swap3A_1908, %swap3A_1909], %swap3A_1912 {strides = array<i32>} : memref<32x512xf32, #tpu.memory_space<vmem>>, vector<1x16xf32>,
      %sub3A_1913 = arith.constant 16 : i32
      %sub3A_1914 = arith.subi %select_n3A_321, %sub3A_1913 : i32
      %swap3A_1915 = arith.index_cast %while3A_1907 : i32 to index
      %swap3A_1916 = arith.index_cast %sub3A_1914 : i32 to index
      %swap3A_1917 = tpu.vector_load %arg4[%swap3A_1915, %swap3A_1916] {strides = array<i32>} : memref<32x512xf32, #tpu.memory_space<vmem>>, vector<1x16xf32>,
      %swap3A_1918 = vector.shape_cast %swap3A_1917 : vector<1x16xf32> to vector<16xf32>
      %swap3A_1919 = vector.shape_cast %broadcast_in_dim3A_330 : vector<16xf32> to vector<1x16xf32>
      tpu.vector_store %arg4[%swap3A_1915, %swap3A_1916], %swap3A_1919 {strides = array<i32>} : memref<32x512xf32, #tpu.memory_space<vmem>>, vector<1x16xf32>,
    }
    %while3A_1720 = arith.constant 1 : i32
    scf.for %while3A_1907 = %while3A_1718 to %while3A_1714 step %while3A_1720  : i32 {
      %swap3A_1908 = arith.index_cast %while3A_1907 : i32 to index
      %swap3A_1909 = arith.index_cast %select_n3A_317 : i32 to index
      %swap3A_1910 = tpu.vector_load %arg4[%swap3A_1908, %swap3A_1909] {strides = array<i32>} : memref<32x512xf32, #tpu.memory_space<vmem>>, vector<1x16xf32>,
      %swap3A_1911 = vector.shape_cast %swap3A_1910 : vector<1x16xf32> to vector<16xf32>
      %swap3A_1912 = vector.shape_cast %broadcast_in_dim3A_330 : vector<16xf32> to vector<1x16xf32>
      tpu.vector_store %arg4[%swap3A_1908, %swap3A_1909], %swap3A_1912 {strides = array<i32>} : memref<32x512xf32, #tpu.memory_space<vmem>>, vector<1x16xf32>,
      %sub3A_1913 = arith.constant 16 : i32
      %sub3A_1914 = arith.subi %select_n3A_321, %sub3A_1913 : i32
      %swap3A_1915 = arith.index_cast %while3A_1907 : i32 to index
      %swap3A_1916 = arith.index_cast %sub3A_1914 : i32 to index
      %swap3A_1917 = tpu.vector_load %arg4[%swap3A_1915, %swap3A_1916] {strides = array<i32>} : memref<32x512xf32, #tpu.memory_space<vmem>>, vector<1x16xf32>,
      %swap3A_1918 = vector.shape_cast %swap3A_1917 : vector<1x16xf32> to vector<16xf32>
      %swap3A_1919 = vector.shape_cast %broadcast_in_dim3A_330 : vector<16xf32> to vector<1x16xf32>
      tpu.vector_store %arg4[%swap3A_1915, %swap3A_1916], %swap3A_1919 {strides = array<i32>} : memref<32x512xf32, #tpu.memory_space<vmem>>, vector<1x16xf32>,
    }
    %dma_start3A_1721 = arith.constant 384 : i32
    %dma_start3A_1722 = arith.constant 0 : i32
    %dma_start3A_1723 = tpu.memref_slice %arg3[%add3A, %dma_start3A_1721, %dma_start3A_1722] : memref<32x512x512xf32, #tpu.memory_space<hbm>> -> memref<1x32x512xf32, #tpu.memory_space<hbm>>
    %dma_start3A_1724 = tpu.memref_squeeze %dma_start3A_1723 : memref<1x32x512xf32, #tpu.memory_space<hbm>> -> memref<32x512xf32, #tpu.memory_space<hbm>>
    %dma_start3A_1725 = arith.constant 384 : i32
    %dma_start3A_1726 = arith.constant 0 : i32
    %dma_start3A_1727 = tpu.memref_slice %arg3[%add3A, %dma_start3A_1725, %dma_start3A_1726] : memref<32x512x512xf32, #tpu.memory_space<hbm>> -> memref<1x32x512xf32, #tpu.memory_space<hbm>>
    %dma_start3A_1728 = tpu.memref_squeeze %dma_start3A_1727 : memref<1x32x512xf32, #tpu.memory_space<hbm>> -> memref<32x512xf32, #tpu.memory_space<hbm>>
    tpu.enqueue_dma source(%arg4 : memref<32x512xf32, #tpu.memory_space<vmem>>) target(%dma_start3A_1728 : memref<32x512xf32, #tpu.memory_space<hbm>>) target_semaphore(%arg17 : memref<!tpu.dma_semaphore, #tpu.memory_space<semaphore_mem>>)
    %dma_wait3A_1729 = arith.constant 416 : i32
    %dma_wait3A_1730 = arith.constant 0 : i32
    %dma_wait3A_1731 = tpu.memref_slice %arg2[%add3A, %dma_wait3A_1729, %dma_wait3A_1730] : memref<32x512x512xf32, #tpu.memory_space<hbm>> -> memref<1x32x512xf32, #tpu.memory_space<hbm>>
    %dma_wait3A_1732 = tpu.memref_squeeze %dma_wait3A_1731 : memref<1x32x512xf32, #tpu.memory_space<hbm>> -> memref<32x512xf32, #tpu.memory_space<hbm>>
    %dma_wait3A_1733 = arith.constant 416 : i32
    %dma_wait3A_1734 = arith.constant 0 : i32
    %dma_wait3A_1735 = tpu.memref_slice %arg2[%add3A, %dma_wait3A_1733, %dma_wait3A_1734] : memref<32x512x512xf32, #tpu.memory_space<hbm>> -> memref<1x32x512xf32, #tpu.memory_space<hbm>>
    %dma_wait3A_1736 = tpu.memref_squeeze %dma_wait3A_1735 : memref<1x32x512xf32, #tpu.memory_space<hbm>> -> memref<32x512xf32, #tpu.memory_space<hbm>>
    tpu.wait_dma2 semaphore(%arg12 : memref<!tpu.dma_semaphore, #tpu.memory_space<semaphore_mem>>) src(%dma_wait3A_1736 : memref<32x512xf32, #tpu.memory_space<hbm>>) dst(%arg5 : memref<32x512xf32, #tpu.memory_space<vmem>>)
    %max3A_1737 = arith.constant 416 : i32
    %max3A_1738 = arith.maxsi %select_n3A_315, %max3A_1737 : i32
    %sub3A_1739 = arith.constant 416 : i32
    %sub3A_1740 = arith.subi %max3A_1738, %sub3A_1739 : i32
    %min3A_1741 = arith.constant 448 : i32
    %min3A_1742 = arith.minsi %select_n3A_319, %min3A_1741 : i32
    %sub3A_1743 = arith.constant 416 : i32
    %sub3A_1744 = arith.subi %min3A_1742, %sub3A_1743 : i32
    %while3A_1745 = arith.constant 0 : i32
    %while3A_1746 = arith.subi %sub3A_1744, %sub3A_1740 : i32
    %while3A_1747 = arith.addi %sub3A_1740, %while3A_1746 : i32
    %while3A_1748 = arith.constant 1 : i32
    %while3A_1749 = arith.divsi %while3A_1746, %while3A_1748 : i32
    %while3A_1750 = arith.muli %while3A_1749, %while3A_1748 : i32
    %while3A_1751 = arith.addi %sub3A_1740, %while3A_1750 : i32
    %while3A_1752 = arith.constant 1 : i32
    scf.for %while3A_1907 = %sub3A_1740 to %while3A_1751 step %while3A_1752  : i32 {
      %swap3A_1908 = arith.index_cast %while3A_1907 : i32 to index
      %swap3A_1909 = arith.index_cast %select_n3A_317 : i32 to index
      %swap3A_1910 = tpu.vector_load %arg5[%swap3A_1908, %swap3A_1909] {strides = array<i32>} : memref<32x512xf32, #tpu.memory_space<vmem>>, vector<1x16xf32>,
      %swap3A_1911 = vector.shape_cast %swap3A_1910 : vector<1x16xf32> to vector<16xf32>
      %swap3A_1912 = vector.shape_cast %broadcast_in_dim3A_330 : vector<16xf32> to vector<1x16xf32>
      tpu.vector_store %arg5[%swap3A_1908, %swap3A_1909], %swap3A_1912 {strides = array<i32>} : memref<32x512xf32, #tpu.memory_space<vmem>>, vector<1x16xf32>,
      %sub3A_1913 = arith.constant 16 : i32
      %sub3A_1914 = arith.subi %select_n3A_321, %sub3A_1913 : i32
      %swap3A_1915 = arith.index_cast %while3A_1907 : i32 to index
      %swap3A_1916 = arith.index_cast %sub3A_1914 : i32 to index
      %swap3A_1917 = tpu.vector_load %arg5[%swap3A_1915, %swap3A_1916] {strides = array<i32>} : memref<32x512xf32, #tpu.memory_space<vmem>>, vector<1x16xf32>,
      %swap3A_1918 = vector.shape_cast %swap3A_1917 : vector<1x16xf32> to vector<16xf32>
      %swap3A_1919 = vector.shape_cast %broadcast_in_dim3A_330 : vector<16xf32> to vector<1x16xf32>
      tpu.vector_store %arg5[%swap3A_1915, %swap3A_1916], %swap3A_1919 {strides = array<i32>} : memref<32x512xf32, #tpu.memory_space<vmem>>, vector<1x16xf32>,
    }
    %while3A_1753 = arith.constant 1 : i32
    scf.for %while3A_1907 = %while3A_1751 to %while3A_1747 step %while3A_1753  : i32 {
      %swap3A_1908 = arith.index_cast %while3A_1907 : i32 to index
      %swap3A_1909 = arith.index_cast %select_n3A_317 : i32 to index
      %swap3A_1910 = tpu.vector_load %arg5[%swap3A_1908, %swap3A_1909] {strides = array<i32>} : memref<32x512xf32, #tpu.memory_space<vmem>>, vector<1x16xf32>,
      %swap3A_1911 = vector.shape_cast %swap3A_1910 : vector<1x16xf32> to vector<16xf32>
      %swap3A_1912 = vector.shape_cast %broadcast_in_dim3A_330 : vector<16xf32> to vector<1x16xf32>
      tpu.vector_store %arg5[%swap3A_1908, %swap3A_1909], %swap3A_1912 {strides = array<i32>} : memref<32x512xf32, #tpu.memory_space<vmem>>, vector<1x16xf32>,
      %sub3A_1913 = arith.constant 16 : i32
      %sub3A_1914 = arith.subi %select_n3A_321, %sub3A_1913 : i32
      %swap3A_1915 = arith.index_cast %while3A_1907 : i32 to index
      %swap3A_1916 = arith.index_cast %sub3A_1914 : i32 to index
      %swap3A_1917 = tpu.vector_load %arg5[%swap3A_1915, %swap3A_1916] {strides = array<i32>} : memref<32x512xf32, #tpu.memory_space<vmem>>, vector<1x16xf32>,
      %swap3A_1918 = vector.shape_cast %swap3A_1917 : vector<1x16xf32> to vector<16xf32>
      %swap3A_1919 = vector.shape_cast %broadcast_in_dim3A_330 : vector<16xf32> to vector<1x16xf32>
      tpu.vector_store %arg5[%swap3A_1915, %swap3A_1916], %swap3A_1919 {strides = array<i32>} : memref<32x512xf32, #tpu.memory_space<vmem>>, vector<1x16xf32>,
    }
    %dma_start3A_1754 = arith.constant 416 : i32
    %dma_start3A_1755 = arith.constant 0 : i32
    %dma_start3A_1756 = tpu.memref_slice %arg3[%add3A, %dma_start3A_1754, %dma_start3A_1755] : memref<32x512x512xf32, #tpu.memory_space<hbm>> -> memref<1x32x512xf32, #tpu.memory_space<hbm>>
    %dma_start3A_1757 = tpu.memref_squeeze %dma_start3A_1756 : memref<1x32x512xf32, #tpu.memory_space<hbm>> -> memref<32x512xf32, #tpu.memory_space<hbm>>
    %dma_start3A_1758 = arith.constant 416 : i32
    %dma_start3A_1759 = arith.constant 0 : i32
    %dma_start3A_1760 = tpu.memref_slice %arg3[%add3A, %dma_start3A_1758, %dma_start3A_1759] : memref<32x512x512xf32, #tpu.memory_space<hbm>> -> memref<1x32x512xf32, #tpu.memory_space<hbm>>
    %dma_start3A_1761 = tpu.memref_squeeze %dma_start3A_1760 : memref<1x32x512xf32, #tpu.memory_space<hbm>> -> memref<32x512xf32, #tpu.memory_space<hbm>>
    tpu.enqueue_dma source(%arg5 : memref<32x512xf32, #tpu.memory_space<vmem>>) target(%dma_start3A_1761 : memref<32x512xf32, #tpu.memory_space<hbm>>) target_semaphore(%arg18 : memref<!tpu.dma_semaphore, #tpu.memory_space<semaphore_mem>>)
    %dma_wait3A_1762 = arith.constant 448 : i32
    %dma_wait3A_1763 = arith.constant 0 : i32
    %dma_wait3A_1764 = tpu.memref_slice %arg2[%add3A, %dma_wait3A_1762, %dma_wait3A_1763] : memref<32x512x512xf32, #tpu.memory_space<hbm>> -> memref<1x32x512xf32, #tpu.memory_space<hbm>>
    %dma_wait3A_1765 = tpu.memref_squeeze %dma_wait3A_1764 : memref<1x32x512xf32, #tpu.memory_space<hbm>> -> memref<32x512xf32, #tpu.memory_space<hbm>>
    %dma_wait3A_1766 = arith.constant 448 : i32
    %dma_wait3A_1767 = arith.constant 0 : i32
    %dma_wait3A_1768 = tpu.memref_slice %arg2[%add3A, %dma_wait3A_1766, %dma_wait3A_1767] : memref<32x512x512xf32, #tpu.memory_space<hbm>> -> memref<1x32x512xf32, #tpu.memory_space<hbm>>
    %dma_wait3A_1769 = tpu.memref_squeeze %dma_wait3A_1768 : memref<1x32x512xf32, #tpu.memory_space<hbm>> -> memref<32x512xf32, #tpu.memory_space<hbm>>
    tpu.wait_dma2 semaphore(%arg13 : memref<!tpu.dma_semaphore, #tpu.memory_space<semaphore_mem>>) src(%dma_wait3A_1769 : memref<32x512xf32, #tpu.memory_space<hbm>>) dst(%arg6 : memref<32x512xf32, #tpu.memory_space<vmem>>)
    %max3A_1770 = arith.constant 448 : i32
    %max3A_1771 = arith.maxsi %select_n3A_315, %max3A_1770 : i32
    %sub3A_1772 = arith.constant 448 : i32
    %sub3A_1773 = arith.subi %max3A_1771, %sub3A_1772 : i32
    %min3A_1774 = arith.constant 480 : i32
    %min3A_1775 = arith.minsi %select_n3A_319, %min3A_1774 : i32
    %sub3A_1776 = arith.constant 448 : i32
    %sub3A_1777 = arith.subi %min3A_1775, %sub3A_1776 : i32
    %while3A_1778 = arith.constant 0 : i32
    %while3A_1779 = arith.subi %sub3A_1777, %sub3A_1773 : i32
    %while3A_1780 = arith.addi %sub3A_1773, %while3A_1779 : i32
    %while3A_1781 = arith.constant 1 : i32
    %while3A_1782 = arith.divsi %while3A_1779, %while3A_1781 : i32
    %while3A_1783 = arith.muli %while3A_1782, %while3A_1781 : i32
    %while3A_1784 = arith.addi %sub3A_1773, %while3A_1783 : i32
    %while3A_1785 = arith.constant 1 : i32
    scf.for %while3A_1907 = %sub3A_1773 to %while3A_1784 step %while3A_1785  : i32 {
      %swap3A_1908 = arith.index_cast %while3A_1907 : i32 to index
      %swap3A_1909 = arith.index_cast %select_n3A_317 : i32 to index
      %swap3A_1910 = tpu.vector_load %arg6[%swap3A_1908, %swap3A_1909] {strides = array<i32>} : memref<32x512xf32, #tpu.memory_space<vmem>>, vector<1x16xf32>,
      %swap3A_1911 = vector.shape_cast %swap3A_1910 : vector<1x16xf32> to vector<16xf32>
      %swap3A_1912 = vector.shape_cast %broadcast_in_dim3A_330 : vector<16xf32> to vector<1x16xf32>
      tpu.vector_store %arg6[%swap3A_1908, %swap3A_1909], %swap3A_1912 {strides = array<i32>} : memref<32x512xf32, #tpu.memory_space<vmem>>, vector<1x16xf32>,
      %sub3A_1913 = arith.constant 16 : i32
      %sub3A_1914 = arith.subi %select_n3A_321, %sub3A_1913 : i32
      %swap3A_1915 = arith.index_cast %while3A_1907 : i32 to index
      %swap3A_1916 = arith.index_cast %sub3A_1914 : i32 to index
      %swap3A_1917 = tpu.vector_load %arg6[%swap3A_1915, %swap3A_1916] {strides = array<i32>} : memref<32x512xf32, #tpu.memory_space<vmem>>, vector<1x16xf32>,
      %swap3A_1918 = vector.shape_cast %swap3A_1917 : vector<1x16xf32> to vector<16xf32>
      %swap3A_1919 = vector.shape_cast %broadcast_in_dim3A_330 : vector<16xf32> to vector<1x16xf32>
      tpu.vector_store %arg6[%swap3A_1915, %swap3A_1916], %swap3A_1919 {strides = array<i32>} : memref<32x512xf32, #tpu.memory_space<vmem>>, vector<1x16xf32>,
    }
    %while3A_1786 = arith.constant 1 : i32
    scf.for %while3A_1907 = %while3A_1784 to %while3A_1780 step %while3A_1786  : i32 {
      %swap3A_1908 = arith.index_cast %while3A_1907 : i32 to index
      %swap3A_1909 = arith.index_cast %select_n3A_317 : i32 to index
      %swap3A_1910 = tpu.vector_load %arg6[%swap3A_1908, %swap3A_1909] {strides = array<i32>} : memref<32x512xf32, #tpu.memory_space<vmem>>, vector<1x16xf32>,
      %swap3A_1911 = vector.shape_cast %swap3A_1910 : vector<1x16xf32> to vector<16xf32>
      %swap3A_1912 = vector.shape_cast %broadcast_in_dim3A_330 : vector<16xf32> to vector<1x16xf32>
      tpu.vector_store %arg6[%swap3A_1908, %swap3A_1909], %swap3A_1912 {strides = array<i32>} : memref<32x512xf32, #tpu.memory_space<vmem>>, vector<1x16xf32>,
      %sub3A_1913 = arith.constant 16 : i32
      %sub3A_1914 = arith.subi %select_n3A_321, %sub3A_1913 : i32
      %swap3A_1915 = arith.index_cast %while3A_1907 : i32 to index
      %swap3A_1916 = arith.index_cast %sub3A_1914 : i32 to index
      %swap3A_1917 = tpu.vector_load %arg6[%swap3A_1915, %swap3A_1916] {strides = array<i32>} : memref<32x512xf32, #tpu.memory_space<vmem>>, vector<1x16xf32>,
      %swap3A_1918 = vector.shape_cast %swap3A_1917 : vector<1x16xf32> to vector<16xf32>
      %swap3A_1919 = vector.shape_cast %broadcast_in_dim3A_330 : vector<16xf32> to vector<1x16xf32>
      tpu.vector_store %arg6[%swap3A_1915, %swap3A_1916], %swap3A_1919 {strides = array<i32>} : memref<32x512xf32, #tpu.memory_space<vmem>>, vector<1x16xf32>,
    }
    %dma_start3A_1787 = arith.constant 448 : i32
    %dma_start3A_1788 = arith.constant 0 : i32
    %dma_start3A_1789 = tpu.memref_slice %arg3[%add3A, %dma_start3A_1787, %dma_start3A_1788] : memref<32x512x512xf32, #tpu.memory_space<hbm>> -> memref<1x32x512xf32, #tpu.memory_space<hbm>>
    %dma_start3A_1790 = tpu.memref_squeeze %dma_start3A_1789 : memref<1x32x512xf32, #tpu.memory_space<hbm>> -> memref<32x512xf32, #tpu.memory_space<hbm>>
    %dma_start3A_1791 = arith.constant 448 : i32
    %dma_start3A_1792 = arith.constant 0 : i32
    %dma_start3A_1793 = tpu.memref_slice %arg3[%add3A, %dma_start3A_1791, %dma_start3A_1792] : memref<32x512x512xf32, #tpu.memory_space<hbm>> -> memref<1x32x512xf32, #tpu.memory_space<hbm>>
    %dma_start3A_1794 = tpu.memref_squeeze %dma_start3A_1793 : memref<1x32x512xf32, #tpu.memory_space<hbm>> -> memref<32x512xf32, #tpu.memory_space<hbm>>
    tpu.enqueue_dma source(%arg6 : memref<32x512xf32, #tpu.memory_space<vmem>>) target(%dma_start3A_1794 : memref<32x512xf32, #tpu.memory_space<hbm>>) target_semaphore(%arg19 : memref<!tpu.dma_semaphore, #tpu.memory_space<semaphore_mem>>)
    %dma_wait3A_1795 = arith.constant 480 : i32
    %dma_wait3A_1796 = arith.constant 0 : i32
    %dma_wait3A_1797 = tpu.memref_slice %arg2[%add3A, %dma_wait3A_1795, %dma_wait3A_1796] : memref<32x512x512xf32, #tpu.memory_space<hbm>> -> memref<1x32x512xf32, #tpu.memory_space<hbm>>
    %dma_wait3A_1798 = tpu.memref_squeeze %dma_wait3A_1797 : memref<1x32x512xf32, #tpu.memory_space<hbm>> -> memref<32x512xf32, #tpu.memory_space<hbm>>
    %dma_wait3A_1799 = arith.constant 480 : i32
    %dma_wait3A_1800 = arith.constant 0 : i32
    %dma_wait3A_1801 = tpu.memref_slice %arg2[%add3A, %dma_wait3A_1799, %dma_wait3A_1800] : memref<32x512x512xf32, #tpu.memory_space<hbm>> -> memref<1x32x512xf32, #tpu.memory_space<hbm>>
    %dma_wait3A_1802 = tpu.memref_squeeze %dma_wait3A_1801 : memref<1x32x512xf32, #tpu.memory_space<hbm>> -> memref<32x512xf32, #tpu.memory_space<hbm>>
    tpu.wait_dma2 semaphore(%arg14 : memref<!tpu.dma_semaphore, #tpu.memory_space<semaphore_mem>>) src(%dma_wait3A_1802 : memref<32x512xf32, #tpu.memory_space<hbm>>) dst(%arg7 : memref<32x512xf32, #tpu.memory_space<vmem>>)
    %max3A_1803 = arith.constant 480 : i32
    %max3A_1804 = arith.maxsi %select_n3A_315, %max3A_1803 : i32
    %sub3A_1805 = arith.constant 480 : i32
    %sub3A_1806 = arith.subi %max3A_1804, %sub3A_1805 : i32
    %min3A_1807 = arith.constant 512 : i32
    %min3A_1808 = arith.minsi %select_n3A_319, %min3A_1807 : i32
    %sub3A_1809 = arith.constant 480 : i32
    %sub3A_1810 = arith.subi %min3A_1808, %sub3A_1809 : i32
    %while3A_1811 = arith.constant 0 : i32
    %while3A_1812 = arith.subi %sub3A_1810, %sub3A_1806 : i32
    %while3A_1813 = arith.addi %sub3A_1806, %while3A_1812 : i32
    %while3A_1814 = arith.constant 1 : i32
    %while3A_1815 = arith.divsi %while3A_1812, %while3A_1814 : i32
    %while3A_1816 = arith.muli %while3A_1815, %while3A_1814 : i32
    %while3A_1817 = arith.addi %sub3A_1806, %while3A_1816 : i32
    %while3A_1818 = arith.constant 1 : i32
    scf.for %while3A_1907 = %sub3A_1806 to %while3A_1817 step %while3A_1818  : i32 {
      %swap3A_1908 = arith.index_cast %while3A_1907 : i32 to index
      %swap3A_1909 = arith.index_cast %select_n3A_317 : i32 to index
      %swap3A_1910 = tpu.vector_load %arg7[%swap3A_1908, %swap3A_1909] {strides = array<i32>} : memref<32x512xf32, #tpu.memory_space<vmem>>, vector<1x16xf32>,
      %swap3A_1911 = vector.shape_cast %swap3A_1910 : vector<1x16xf32> to vector<16xf32>
      %swap3A_1912 = vector.shape_cast %broadcast_in_dim3A_330 : vector<16xf32> to vector<1x16xf32>
      tpu.vector_store %arg7[%swap3A_1908, %swap3A_1909], %swap3A_1912 {strides = array<i32>} : memref<32x512xf32, #tpu.memory_space<vmem>>, vector<1x16xf32>,
      %sub3A_1913 = arith.constant 16 : i32
      %sub3A_1914 = arith.subi %select_n3A_321, %sub3A_1913 : i32
      %swap3A_1915 = arith.index_cast %while3A_1907 : i32 to index
      %swap3A_1916 = arith.index_cast %sub3A_1914 : i32 to index
      %swap3A_1917 = tpu.vector_load %arg7[%swap3A_1915, %swap3A_1916] {strides = array<i32>} : memref<32x512xf32, #tpu.memory_space<vmem>>, vector<1x16xf32>,
      %swap3A_1918 = vector.shape_cast %swap3A_1917 : vector<1x16xf32> to vector<16xf32>
      %swap3A_1919 = vector.shape_cast %broadcast_in_dim3A_330 : vector<16xf32> to vector<1x16xf32>
      tpu.vector_store %arg7[%swap3A_1915, %swap3A_1916], %swap3A_1919 {strides = array<i32>} : memref<32x512xf32, #tpu.memory_space<vmem>>, vector<1x16xf32>,
    }
    %while3A_1819 = arith.constant 1 : i32
    scf.for %while3A_1907 = %while3A_1817 to %while3A_1813 step %while3A_1819  : i32 {
      %swap3A_1908 = arith.index_cast %while3A_1907 : i32 to index
      %swap3A_1909 = arith.index_cast %select_n3A_317 : i32 to index
      %swap3A_1910 = tpu.vector_load %arg7[%swap3A_1908, %swap3A_1909] {strides = array<i32>} : memref<32x512xf32, #tpu.memory_space<vmem>>, vector<1x16xf32>,
      %swap3A_1911 = vector.shape_cast %swap3A_1910 : vector<1x16xf32> to vector<16xf32>
      %swap3A_1912 = vector.shape_cast %broadcast_in_dim3A_330 : vector<16xf32> to vector<1x16xf32>
      tpu.vector_store %arg7[%swap3A_1908, %swap3A_1909], %swap3A_1912 {strides = array<i32>} : memref<32x512xf32, #tpu.memory_space<vmem>>, vector<1x16xf32>,
      %sub3A_1913 = arith.constant 16 : i32
      %sub3A_1914 = arith.subi %select_n3A_321, %sub3A_1913 : i32
      %swap3A_1915 = arith.index_cast %while3A_1907 : i32 to index
      %swap3A_1916 = arith.index_cast %sub3A_1914 : i32 to index
      %swap3A_1917 = tpu.vector_load %arg7[%swap3A_1915, %swap3A_1916] {strides = array<i32>} : memref<32x512xf32, #tpu.memory_space<vmem>>, vector<1x16xf32>,
      %swap3A_1918 = vector.shape_cast %swap3A_1917 : vector<1x16xf32> to vector<16xf32>
      %swap3A_1919 = vector.shape_cast %broadcast_in_dim3A_330 : vector<16xf32> to vector<1x16xf32>
      tpu.vector_store %arg7[%swap3A_1915, %swap3A_1916], %swap3A_1919 {strides = array<i32>} : memref<32x512xf32, #tpu.memory_space<vmem>>, vector<1x16xf32>,
    }
    %dma_start3A_1820 = arith.constant 480 : i32
    %dma_start3A_1821 = arith.constant 0 : i32
    %dma_start3A_1822 = tpu.memref_slice %arg3[%add3A, %dma_start3A_1820, %dma_start3A_1821] : memref<32x512x512xf32, #tpu.memory_space<hbm>> -> memref<1x32x512xf32, #tpu.memory_space<hbm>>
    %dma_start3A_1823 = tpu.memref_squeeze %dma_start3A_1822 : memref<1x32x512xf32, #tpu.memory_space<hbm>> -> memref<32x512xf32, #tpu.memory_space<hbm>>
    %dma_start3A_1824 = arith.constant 480 : i32
    %dma_start3A_1825 = arith.constant 0 : i32
    %dma_start3A_1826 = tpu.memref_slice %arg3[%add3A, %dma_start3A_1824, %dma_start3A_1825] : memref<32x512x512xf32, #tpu.memory_space<hbm>> -> memref<1x32x512xf32, #tpu.memory_space<hbm>>
    %dma_start3A_1827 = tpu.memref_squeeze %dma_start3A_1826 : memref<1x32x512xf32, #tpu.memory_space<hbm>> -> memref<32x512xf32, #tpu.memory_space<hbm>>
    tpu.enqueue_dma source(%arg7 : memref<32x512xf32, #tpu.memory_space<vmem>>) target(%dma_start3A_1827 : memref<32x512xf32, #tpu.memory_space<hbm>>) target_semaphore(%arg20 : memref<!tpu.dma_semaphore, #tpu.memory_space<semaphore_mem>>)
    %dma_wait3A_1828 = arith.constant 320 : i32
    %dma_wait3A_1829 = arith.constant 0 : i32
    %dma_wait3A_1830 = tpu.memref_slice %arg3[%add3A, %dma_wait3A_1828, %dma_wait3A_1829] : memref<32x512x512xf32, #tpu.memory_space<hbm>> -> memref<1x32x512xf32, #tpu.memory_space<hbm>>
    %dma_wait3A_1831 = tpu.memref_squeeze %dma_wait3A_1830 : memref<1x32x512xf32, #tpu.memory_space<hbm>> -> memref<32x512xf32, #tpu.memory_space<hbm>>
    %dma_wait3A_1832 = arith.constant 320 : i32
    %dma_wait3A_1833 = arith.constant 0 : i32
    %dma_wait3A_1834 = tpu.memref_slice %arg3[%add3A, %dma_wait3A_1832, %dma_wait3A_1833] : memref<32x512x512xf32, #tpu.memory_space<hbm>> -> memref<1x32x512xf32, #tpu.memory_space<hbm>>
    %dma_wait3A_1835 = tpu.memref_squeeze %dma_wait3A_1834 : memref<1x32x512xf32, #tpu.memory_space<hbm>> -> memref<32x512xf32, #tpu.memory_space<hbm>>
    tpu.wait_dma2 semaphore(%arg21 : memref<!tpu.dma_semaphore, #tpu.memory_space<semaphore_mem>>) src(%arg8 : memref<32x512xf32, #tpu.memory_space<vmem>>) dst(%dma_wait3A_1835 : memref<32x512xf32, #tpu.memory_space<hbm>>)
    %dma_wait3A_1836 = arith.constant 352 : i32
    %dma_wait3A_1837 = arith.constant 0 : i32
    %dma_wait3A_1838 = tpu.memref_slice %arg3[%add3A, %dma_wait3A_1836, %dma_wait3A_1837] : memref<32x512x512xf32, #tpu.memory_space<hbm>> -> memref<1x32x512xf32, #tpu.memory_space<hbm>>
    %dma_wait3A_1839 = tpu.memref_squeeze %dma_wait3A_1838 : memref<1x32x512xf32, #tpu.memory_space<hbm>> -> memref<32x512xf32, #tpu.memory_space<hbm>>
    %dma_wait3A_1840 = arith.constant 352 : i32
    %dma_wait3A_1841 = arith.constant 0 : i32
    %dma_wait3A_1842 = tpu.memref_slice %arg3[%add3A, %dma_wait3A_1840, %dma_wait3A_1841] : memref<32x512x512xf32, #tpu.memory_space<hbm>> -> memref<1x32x512xf32, #tpu.memory_space<hbm>>
    %dma_wait3A_1843 = tpu.memref_squeeze %dma_wait3A_1842 : memref<1x32x512xf32, #tpu.memory_space<hbm>> -> memref<32x512xf32, #tpu.memory_space<hbm>>
    tpu.wait_dma2 semaphore(%arg22 : memref<!tpu.dma_semaphore, #tpu.memory_space<semaphore_mem>>) src(%arg9 : memref<32x512xf32, #tpu.memory_space<vmem>>) dst(%dma_wait3A_1843 : memref<32x512xf32, #tpu.memory_space<hbm>>)
    %dma_wait3A_1844 = arith.constant 384 : i32
    %dma_wait3A_1845 = arith.constant 0 : i32
    %dma_wait3A_1846 = tpu.memref_slice %arg3[%add3A, %dma_wait3A_1844, %dma_wait3A_1845] : memref<32x512x512xf32, #tpu.memory_space<hbm>> -> memref<1x32x512xf32, #tpu.memory_space<hbm>>
    %dma_wait3A_1847 = tpu.memref_squeeze %dma_wait3A_1846 : memref<1x32x512xf32, #tpu.memory_space<hbm>> -> memref<32x512xf32, #tpu.memory_space<hbm>>
    %dma_wait3A_1848 = arith.constant 384 : i32
    %dma_wait3A_1849 = arith.constant 0 : i32
    %dma_wait3A_1850 = tpu.memref_slice %arg3[%add3A, %dma_wait3A_1848, %dma_wait3A_1849] : memref<32x512x512xf32, #tpu.memory_space<hbm>> -> memref<1x32x512xf32, #tpu.memory_space<hbm>>
    %dma_wait3A_1851 = tpu.memref_squeeze %dma_wait3A_1850 : memref<1x32x512xf32, #tpu.memory_space<hbm>> -> memref<32x512xf32, #tpu.memory_space<hbm>>
    tpu.wait_dma2 semaphore(%arg17 : memref<!tpu.dma_semaphore, #tpu.memory_space<semaphore_mem>>) src(%arg4 : memref<32x512xf32, #tpu.memory_space<vmem>>) dst(%dma_wait3A_1851 : memref<32x512xf32, #tpu.memory_space<hbm>>)
    %dma_wait3A_1852 = arith.constant 416 : i32
    %dma_wait3A_1853 = arith.constant 0 : i32
    %dma_wait3A_1854 = tpu.memref_slice %arg3[%add3A, %dma_wait3A_1852, %dma_wait3A_1853] : memref<32x512x512xf32, #tpu.memory_space<hbm>> -> memref<1x32x512xf32, #tpu.memory_space<hbm>>
    %dma_wait3A_1855 = tpu.memref_squeeze %dma_wait3A_1854 : memref<1x32x512xf32, #tpu.memory_space<hbm>> -> memref<32x512xf32, #tpu.memory_space<hbm>>
    %dma_wait3A_1856 = arith.constant 416 : i32
    %dma_wait3A_1857 = arith.constant 0 : i32
    %dma_wait3A_1858 = tpu.memref_slice %arg3[%add3A, %dma_wait3A_1856, %dma_wait3A_1857] : memref<32x512x512xf32, #tpu.memory_space<hbm>> -> memref<1x32x512xf32, #tpu.memory_space<hbm>>
    %dma_wait3A_1859 = tpu.memref_squeeze %dma_wait3A_1858 : memref<1x32x512xf32, #tpu.memory_space<hbm>> -> memref<32x512xf32, #tpu.memory_space<hbm>>
    tpu.wait_dma2 semaphore(%arg18 : memref<!tpu.dma_semaphore, #tpu.memory_space<semaphore_mem>>) src(%arg5 : memref<32x512xf32, #tpu.memory_space<vmem>>) dst(%dma_wait3A_1859 : memref<32x512xf32, #tpu.memory_space<hbm>>)
    %dma_wait3A_1860 = arith.constant 448 : i32
    %dma_wait3A_1861 = arith.constant 0 : i32
    %dma_wait3A_1862 = tpu.memref_slice %arg3[%add3A, %dma_wait3A_1860, %dma_wait3A_1861] : memref<32x512x512xf32, #tpu.memory_space<hbm>> -> memref<1x32x512xf32, #tpu.memory_space<hbm>>
    %dma_wait3A_1863 = tpu.memref_squeeze %dma_wait3A_1862 : memref<1x32x512xf32, #tpu.memory_space<hbm>> -> memref<32x512xf32, #tpu.memory_space<hbm>>
    %dma_wait3A_1864 = arith.constant 448 : i32
    %dma_wait3A_1865 = arith.constant 0 : i32
    %dma_wait3A_1866 = tpu.memref_slice %arg3[%add3A, %dma_wait3A_1864, %dma_wait3A_1865] : memref<32x512x512xf32, #tpu.memory_space<hbm>> -> memref<1x32x512xf32, #tpu.memory_space<hbm>>
    %dma_wait3A_1867 = tpu.memref_squeeze %dma_wait3A_1866 : memref<1x32x512xf32, #tpu.memory_space<hbm>> -> memref<32x512xf32, #tpu.memory_space<hbm>>
    tpu.wait_dma2 semaphore(%arg19 : memref<!tpu.dma_semaphore, #tpu.memory_space<semaphore_mem>>) src(%arg6 : memref<32x512xf32, #tpu.memory_space<vmem>>) dst(%dma_wait3A_1867 : memref<32x512xf32, #tpu.memory_space<hbm>>)
    %dma_wait3A_1868 = arith.constant 480 : i32
    %dma_wait3A_1869 = arith.constant 0 : i32
    %dma_wait3A_1870 = tpu.memref_slice %arg3[%add3A, %dma_wait3A_1868, %dma_wait3A_1869] : memref<32x512x512xf32, #tpu.memory_space<hbm>> -> memref<1x32x512xf32, #tpu.memory_space<hbm>>
    %dma_wait3A_1871 = tpu.memref_squeeze %dma_wait3A_1870 : memref<1x32x512xf32, #tpu.memory_space<hbm>> -> memref<32x512xf32, #tpu.memory_space<hbm>>
    %dma_wait3A_1872 = arith.constant 480 : i32
    %dma_wait3A_1873 = arith.constant 0 : i32
    %dma_wait3A_1874 = tpu.memref_slice %arg3[%add3A, %dma_wait3A_1872, %dma_wait3A_1873] : memref<32x512x512xf32, #tpu.memory_space<hbm>> -> memref<1x32x512xf32, #tpu.memory_space<hbm>>
    %dma_wait3A_1875 = tpu.memref_squeeze %dma_wait3A_1874 : memref<1x32x512xf32, #tpu.memory_space<hbm>> -> memref<32x512xf32, #tpu.memory_space<hbm>>
    tpu.wait_dma2 semaphore(%arg20 : memref<!tpu.dma_semaphore, #tpu.memory_space<semaphore_mem>>) src(%arg7 : memref<32x512xf32, #tpu.memory_space<vmem>>) dst(%dma_wait3A_1875 : memref<32x512xf32, #tpu.memory_space<hbm>>)
    %sub3A_1876 = arith.subi %select_n3A_319, %select_n3A_315 : i32
    %sub3A_1877 = arith.subi %shift_left3A_329, %shift_left3A_325 : i32
    %add3A_1878 = arith.constant 63 : i32
    %add3A_1879 = arith.addi %sub3A_1876, %add3A_1878 : i32
    %shift_right_logical3A_1880 = arith.constant 6 : i32
    %shift_right_logical3A_1881 = arith.shrui %add3A_1879, %shift_right_logical3A_1880 : i32
    %add3A_1882 = arith.constant 31 : i32
    %add3A_1883 = arith.addi %sub3A_1877, %add3A_1882 : i32
    %shift_right_logical3A_1884 = arith.constant 5 : i32
    %shift_right_logical3A_1885 = arith.shrui %add3A_1883, %shift_right_logical3A_1884 : i32
    %while3A_1886 = arith.constant 0 : i32
    %while3A_1887 = arith.constant 0 : i32
    %while3A_1888 = arith.subi %shift_right_logical3A_1881, %while3A_1887 : i32
    %while3A_1889 = arith.addi %while3A_1887, %while3A_1888 : i32
    %while3A_1890 = arith.constant 1 : i32
    %while3A_1891 = arith.divsi %while3A_1888, %while3A_1890 : i32
    %while3A_1892 = arith.muli %while3A_1891, %while3A_1890 : i32
    %while3A_1893 = arith.addi %while3A_1887, %while3A_1892 : i32
    %while3A_1894 = arith.constant 1 : i32
    scf.for %while3A_1907 = %while3A_1887 to %while3A_1893 step %while3A_1894  : i32 {
      %mul3A_1908 = arith.constant 64 : i32
      %mul3A_1909 = arith.muli %while3A_1907, %mul3A_1908 : i32
      %add3A_1910 = arith.addi %select_n3A_315, %mul3A_1909 : i32
      %sub3A_1911 = arith.constant 64 : i32
      %sub3A_1912 = arith.subi %select_n3A_319, %sub3A_1911 : i32
      %min3A_1913 = arith.minsi %add3A_1910, %sub3A_1912 : i32
      %while3A_1914 = arith.constant 0 : i32
      %while3A_1915 = arith.subi %shift_right_logical3A_1885, %while3A_1914 : i32
      %while3A_1916 = arith.addi %while3A_1914, %while3A_1915 : i32
      %while3A_1917 = arith.constant 1 : i32
      %while3A_1918 = arith.divsi %while3A_1915, %while3A_1917 : i32
      %while3A_1919 = arith.muli %while3A_1918, %while3A_1917 : i32
      %while3A_1920 = arith.addi %while3A_1914, %while3A_1919 : i32
      %while3A_1921 = arith.constant 1 : i32
      scf.for %while3A_1923 = %while3A_1914 to %while3A_1920 step %while3A_1921  : i32 {
        %mul3A_1924 = arith.constant 32 : i32
        %mul3A_1925 = arith.muli %while3A_1923, %mul3A_1924 : i32
        %add3A_1926 = arith.addi %shift_left3A_325, %mul3A_1925 : i32
        %sub3A_1927 = arith.constant 32 : i32
        %sub3A_1928 = arith.subi %shift_left3A_329, %sub3A_1927 : i32
        %min3A_1929 = arith.minsi %add3A_1926, %sub3A_1928 : i32
        %multiple_of3A = tpu.assume_multiple %min3A_1929, 8 : i32
        %dma_start3A_1930 = tpu.memref_slice %arg3[%add3A, %min3A_1913, %multiple_of3A] : memref<32x512x512xf32, #tpu.memory_space<hbm>> -> memref<1x64x32xf32, #tpu.memory_space<hbm>>
        %dma_start3A_1931 = tpu.memref_squeeze %dma_start3A_1930 : memref<1x64x32xf32, #tpu.memory_space<hbm>> -> memref<64x32xf32, #tpu.memory_space<hbm>>
        %dma_start3A_1932 = tpu.memref_slice %arg3[%add3A, %min3A_1913, %multiple_of3A] : memref<32x512x512xf32, #tpu.memory_space<hbm>> -> memref<1x64x32xf32, #tpu.memory_space<hbm>>
        %dma_start3A_1933 = tpu.memref_squeeze %dma_start3A_1932 : memref<1x64x32xf32, #tpu.memory_space<hbm>> -> memref<64x32xf32, #tpu.memory_space<hbm>>
        tpu.enqueue_dma source(%arg10 : memref<64x32xf32, #tpu.memory_space<vmem>>) target(%dma_start3A_1933 : memref<64x32xf32, #tpu.memory_space<hbm>>) target_semaphore(%arg23 : memref<!tpu.dma_semaphore, #tpu.memory_space<semaphore_mem>>)
      }
      %while3A_1922 = arith.constant 1 : i32
      scf.for %while3A_1923 = %while3A_1920 to %while3A_1916 step %while3A_1922  : i32 {
        %mul3A_1924 = arith.constant 32 : i32
        %mul3A_1925 = arith.muli %while3A_1923, %mul3A_1924 : i32
        %add3A_1926 = arith.addi %shift_left3A_325, %mul3A_1925 : i32
        %sub3A_1927 = arith.constant 32 : i32
        %sub3A_1928 = arith.subi %shift_left3A_329, %sub3A_1927 : i32
        %min3A_1929 = arith.minsi %add3A_1926, %sub3A_1928 : i32
        %multiple_of3A = tpu.assume_multiple %min3A_1929, 8 : i32
        %dma_start3A_1930 = tpu.memref_slice %arg3[%add3A, %min3A_1913, %multiple_of3A] : memref<32x512x512xf32, #tpu.memory_space<hbm>> -> memref<1x64x32xf32, #tpu.memory_space<hbm>>
        %dma_start3A_1931 = tpu.memref_squeeze %dma_start3A_1930 : memref<1x64x32xf32, #tpu.memory_space<hbm>> -> memref<64x32xf32, #tpu.memory_space<hbm>>
        %dma_start3A_1932 = tpu.memref_slice %arg3[%add3A, %min3A_1913, %multiple_of3A] : memref<32x512x512xf32, #tpu.memory_space<hbm>> -> memref<1x64x32xf32, #tpu.memory_space<hbm>>
        %dma_start3A_1933 = tpu.memref_squeeze %dma_start3A_1932 : memref<1x64x32xf32, #tpu.memory_space<hbm>> -> memref<64x32xf32, #tpu.memory_space<hbm>>
        tpu.enqueue_dma source(%arg10 : memref<64x32xf32, #tpu.memory_space<vmem>>) target(%dma_start3A_1933 : memref<64x32xf32, #tpu.memory_space<hbm>>) target_semaphore(%arg23 : memref<!tpu.dma_semaphore, #tpu.memory_space<semaphore_mem>>)
      }
    }
    %while3A_1895 = arith.constant 1 : i32
    scf.for %while3A_1907 = %while3A_1893 to %while3A_1889 step %while3A_1895  : i32 {
      %mul3A_1908 = arith.constant 64 : i32
      %mul3A_1909 = arith.muli %while3A_1907, %mul3A_1908 : i32
      %add3A_1910 = arith.addi %select_n3A_315, %mul3A_1909 : i32
      %sub3A_1911 = arith.constant 64 : i32
      %sub3A_1912 = arith.subi %select_n3A_319, %sub3A_1911 : i32
      %min3A_1913 = arith.minsi %add3A_1910, %sub3A_1912 : i32
      %while3A_1914 = arith.constant 0 : i32
      %while3A_1915 = arith.subi %shift_right_logical3A_1885, %while3A_1914 : i32
      %while3A_1916 = arith.addi %while3A_1914, %while3A_1915 : i32
      %while3A_1917 = arith.constant 1 : i32
      %while3A_1918 = arith.divsi %while3A_1915, %while3A_1917 : i32
      %while3A_1919 = arith.muli %while3A_1918, %while3A_1917 : i32
      %while3A_1920 = arith.addi %while3A_1914, %while3A_1919 : i32
      %while3A_1921 = arith.constant 1 : i32
      scf.for %while3A_1923 = %while3A_1914 to %while3A_1920 step %while3A_1921  : i32 {
        %mul3A_1924 = arith.constant 32 : i32
        %mul3A_1925 = arith.muli %while3A_1923, %mul3A_1924 : i32
        %add3A_1926 = arith.addi %shift_left3A_325, %mul3A_1925 : i32
        %sub3A_1927 = arith.constant 32 : i32
        %sub3A_1928 = arith.subi %shift_left3A_329, %sub3A_1927 : i32
        %min3A_1929 = arith.minsi %add3A_1926, %sub3A_1928 : i32
        %multiple_of3A = tpu.assume_multiple %min3A_1929, 8 : i32
        %dma_start3A_1930 = tpu.memref_slice %arg3[%add3A, %min3A_1913, %multiple_of3A] : memref<32x512x512xf32, #tpu.memory_space<hbm>> -> memref<1x64x32xf32, #tpu.memory_space<hbm>>
        %dma_start3A_1931 = tpu.memref_squeeze %dma_start3A_1930 : memref<1x64x32xf32, #tpu.memory_space<hbm>> -> memref<64x32xf32, #tpu.memory_space<hbm>>
        %dma_start3A_1932 = tpu.memref_slice %arg3[%add3A, %min3A_1913, %multiple_of3A] : memref<32x512x512xf32, #tpu.memory_space<hbm>> -> memref<1x64x32xf32, #tpu.memory_space<hbm>>
        %dma_start3A_1933 = tpu.memref_squeeze %dma_start3A_1932 : memref<1x64x32xf32, #tpu.memory_space<hbm>> -> memref<64x32xf32, #tpu.memory_space<hbm>>
        tpu.enqueue_dma source(%arg10 : memref<64x32xf32, #tpu.memory_space<vmem>>) target(%dma_start3A_1933 : memref<64x32xf32, #tpu.memory_space<hbm>>) target_semaphore(%arg23 : memref<!tpu.dma_semaphore, #tpu.memory_space<semaphore_mem>>)
      }
      %while3A_1922 = arith.constant 1 : i32
      scf.for %while3A_1923 = %while3A_1920 to %while3A_1916 step %while3A_1922  : i32 {
        %mul3A_1924 = arith.constant 32 : i32
        %mul3A_1925 = arith.muli %while3A_1923, %mul3A_1924 : i32
        %add3A_1926 = arith.addi %shift_left3A_325, %mul3A_1925 : i32
        %sub3A_1927 = arith.constant 32 : i32
        %sub3A_1928 = arith.subi %shift_left3A_329, %sub3A_1927 : i32
        %min3A_1929 = arith.minsi %add3A_1926, %sub3A_1928 : i32
        %multiple_of3A = tpu.assume_multiple %min3A_1929, 8 : i32
        %dma_start3A_1930 = tpu.memref_slice %arg3[%add3A, %min3A_1913, %multiple_of3A] : memref<32x512x512xf32, #tpu.memory_space<hbm>> -> memref<1x64x32xf32, #tpu.memory_space<hbm>>
        %dma_start3A_1931 = tpu.memref_squeeze %dma_start3A_1930 : memref<1x64x32xf32, #tpu.memory_space<hbm>> -> memref<64x32xf32, #tpu.memory_space<hbm>>
        %dma_start3A_1932 = tpu.memref_slice %arg3[%add3A, %min3A_1913, %multiple_of3A] : memref<32x512x512xf32, #tpu.memory_space<hbm>> -> memref<1x64x32xf32, #tpu.memory_space<hbm>>
        %dma_start3A_1933 = tpu.memref_squeeze %dma_start3A_1932 : memref<1x64x32xf32, #tpu.memory_space<hbm>> -> memref<64x32xf32, #tpu.memory_space<hbm>>
        tpu.enqueue_dma source(%arg10 : memref<64x32xf32, #tpu.memory_space<vmem>>) target(%dma_start3A_1933 : memref<64x32xf32, #tpu.memory_space<hbm>>) target_semaphore(%arg23 : memref<!tpu.dma_semaphore, #tpu.memory_space<semaphore_mem>>)
      }
    }
    %mul3A_1896 = arith.muli %shift_right_logical3A_1881, %shift_right_logical3A_1885 : i32
    %while3A_1897 = arith.constant 0 : i32
    %while3A_1898 = arith.constant 0 : i32
    %while3A_1899 = arith.subi %mul3A_1896, %while3A_1898 : i32
    %while3A_1900 = arith.addi %while3A_1898, %while3A_1899 : i32
    %while3A_1901 = arith.constant 1 : i32
    %while3A_1902 = arith.divsi %while3A_1899, %while3A_1901 : i32
    %while3A_1903 = arith.muli %while3A_1902, %while3A_1901 : i32
    %while3A_1904 = arith.addi %while3A_1898, %while3A_1903 : i32
    %while3A_1905 = arith.constant 1 : i32
    scf.for %while3A_1907 = %while3A_1898 to %while3A_1904 step %while3A_1905  : i32 {
      %dma_wait3A_1908 = arith.constant 0 : i32
      %dma_wait3A_1909 = arith.constant 0 : i32
      %dma_wait3A_1910 = arith.constant 0 : i32
      %dma_wait3A_1911 = tpu.memref_slice %arg2[%dma_wait3A_1908, %dma_wait3A_1909, %dma_wait3A_1910] : memref<32x512x512xf32, #tpu.memory_space<hbm>> -> memref<1x64x32xf32, #tpu.memory_space<hbm>>
      %dma_wait3A_1912 = tpu.memref_squeeze %dma_wait3A_1911 : memref<1x64x32xf32, #tpu.memory_space<hbm>> -> memref<64x32xf32, #tpu.memory_space<hbm>>
      %dma_wait3A_1913 = arith.constant 0 : i32
      %dma_wait3A_1914 = arith.constant 0 : i32
      %dma_wait3A_1915 = tpu.memref_slice %arg2[%dma_wait3A_1908, %dma_wait3A_1913, %dma_wait3A_1914] : memref<32x512x512xf32, #tpu.memory_space<hbm>> -> memref<1x64x32xf32, #tpu.memory_space<hbm>>
      %dma_wait3A_1916 = tpu.memref_squeeze %dma_wait3A_1915 : memref<1x64x32xf32, #tpu.memory_space<hbm>> -> memref<64x32xf32, #tpu.memory_space<hbm>>
      tpu.wait_dma2 semaphore(%arg23 : memref<!tpu.dma_semaphore, #tpu.memory_space<semaphore_mem>>) src(%dma_wait3A_1916 : memref<64x32xf32, #tpu.memory_space<hbm>>) dst(%arg10 : memref<64x32xf32, #tpu.memory_space<vmem>>)
    }
    %while3A_1906 = arith.constant 1 : i32
    scf.for %while3A_1907 = %while3A_1904 to %while3A_1900 step %while3A_1906  : i32 {
      %dma_wait3A_1908 = arith.constant 0 : i32
      %dma_wait3A_1909 = arith.constant 0 : i32
      %dma_wait3A_1910 = arith.constant 0 : i32
      %dma_wait3A_1911 = tpu.memref_slice %arg2[%dma_wait3A_1908, %dma_wait3A_1909, %dma_wait3A_1910] : memref<32x512x512xf32, #tpu.memory_space<hbm>> -> memref<1x64x32xf32, #tpu.memory_space<hbm>>
      %dma_wait3A_1912 = tpu.memref_squeeze %dma_wait3A_1911 : memref<1x64x32xf32, #tpu.memory_space<hbm>> -> memref<64x32xf32, #tpu.memory_space<hbm>>
      %dma_wait3A_1913 = arith.constant 0 : i32
      %dma_wait3A_1914 = arith.constant 0 : i32
      %dma_wait3A_1915 = tpu.memref_slice %arg2[%dma_wait3A_1908, %dma_wait3A_1913, %dma_wait3A_1914] : memref<32x512x512xf32, #tpu.memory_space<hbm>> -> memref<1x64x32xf32, #tpu.memory_space<hbm>>
      %dma_wait3A_1916 = tpu.memref_squeeze %dma_wait3A_1915 : memref<1x64x32xf32, #tpu.memory_space<hbm>> -> memref<64x32xf32, #tpu.memory_space<hbm>>
      tpu.wait_dma2 semaphore(%arg23 : memref<!tpu.dma_semaphore, #tpu.memory_space<semaphore_mem>>) src(%dma_wait3A_1916 : memref<64x32xf32, #tpu.memory_space<hbm>>) dst(%arg10 : memref<64x32xf32, #tpu.memory_space<vmem>>)
    }
    return
  }
}

</mosaic_0001>

<sc_bundles>
// kernel: kernel.3.cloned.1.call-start
scs
__scs_entry_jumppad:
0x0: {  	(pc) =	sbr.rel $0x88, $3  }
0x1: {  	(tag) =	ssettag $0x0;
	lr =	simm.s32 $0x1  }
0x2: {  	[smem:$0x3FA0] =	sst lr;
	_ =	strace $0xD0000000  }
0x3: {  	_ = 	snop  }
0x4: {  	_ = 	snop  }
0x5: {  	_ = 	snop  }
0x6: {  	_ = 	snop  }
0x7: {  	_ = 	snop  }
__scs_overlays_trampoline_lowered:
0x8: {  	[smem:$0x3FAF] =	sst s0  }
0x9: {  	[smem:$0x3FB0] =	sst s1  }
0xa: {  	[smem:$0x3FB1] =	sst s2  }
0xb: {  	[smem:$0x3FB2] =	sst s3  }
0xc: {  	[smem:$0x3FB3] =	sst s4  }
0xd: {  	[smem:$0x3FB4] =	sst s5  }
0xe: {  	[smem:$0x3FB5] =	sst s6  }
0xf: {  	[smem:$0x3FB6] =	sst s7  }
0x10: {  	[smem:$0x3FB7] =	sst s8  }
0x11: {  	[smem:$0x3FB8] =	sst s9;
	s0 =	simm.s32 @!p0 $0x0  }
0x12: {  	s1 =	sld [smem:$0x3F9E];
	s0 =	simm.s32 @p0 $0x1  }
0x13: {  	[smem:$0x3FB9] =	sst s0;
	s0 =	simm.s32 @!p1 $0x0  }
0x14: {  	s2 =	sld [smem:$0x3F9D];
	s0 =	simm.s32 @p1 $0x1  }
0x15: {  	[smem:$0x3FBA] =	sst s0;
	s0 =	simm.s32 @!p2 $0x0  }
0x16: {  	s3 =	sld [smem:$0x3FDB];
	s0 =	simm.s32 @p2 $0x1  }
0x17: {  	s4 =	simm.s32 $0x1BF5;
	[smem:$0x3FBC] =	sst s0  }
0x18: {  	s0 =	sld [smem:$0x3F9F];
	_ =	swait.ge [sflag:s4], $0x0  }
0x19: {  	s7 =	sld [smem:$0x3FA0]  }
0x1a: {  	s8 =	sadd.s32 $0xFFFFE003, lr  }
0x1b: {  	s9 =	sadd.s32 $0xFFFFFEF7, lr;
	s5 =	simm.s32 $0xFFFFFFFF;
	p2 =	slt.u32 s8, $0xFFFFF086  }
0x1c: {  	p1 =	slt.u32 s9, $0xF7A;
	s5 =	simm.s32 @!p2 $0x0  }
0x1d: {  	s5 =	simm.s32 @p1 $0x1;
	p0 =	seq.s32 s7, s2  }
0x1e: {  	s7 =	smul.u32 @!p0 $0xF7A, s2;
	p2 =	seq.s32 @!p0 s5, $0x0  }
0x1f: {  	s9 =	smul.u32 $0xF7A, s1;
	s8 =	simm.s32 @!p0 $0x1BF5;
	p2 =	por !p2, p0  }
0x20: {  	[sflag:s8] =	ssyncset.s32 @!p0 $0xFFFFF086;
	s6 =	sadd.s32 @!p0 s3, s7;
	s7 =	simm.s32 @!p0 $0x108  }
0x21: {  	s3 =	sadd.s32 s3, s9;
	s6 =	sadd.s32 @!p0 $0x88, s6;
	s7 =	simm.s32 @p2 $0x1082  }
0x22: {  	[simem:s7], [sflag:s8] =	dma.local @!p0 [hbm:s6], $0xF7A  }
0x23: {  	s9 =	sor.u32 $0xD0000000, s2;
	s6 =	simm.s32 $0x108;
	_ =	swait.ge @!p0 [sflag:s8], $0x0  }
0x24: {  	s3 =	sadd.s32 $0x88, s3;
	s6 =	simm.s32 @!p1 $0x1082;
	[sflag:s4] =	ssyncset.s32 $0xFFFFF086  }
0x25: {  	[simem:s6], [sflag:s4] =	dma.local [hbm:s3], $0xF7A  }
0x26: {  	[smem:$0x3FA0] =	sst s1;
	(tag) =	ssettag s2;
	_ =	strace s9  }
0x27: {  	s1 =	sld [smem:$0x3FB0]  }
0x28: {  	s2 =	sld [smem:$0x3FB1]  }
0x29: {  	s4 =	sld [smem:$0x3FB3]  }
0x2a: {  	p0 =	seq.s32 s5, $0x0;
	s5 =	sld [smem:$0x3FB4]  }
0x2b: {  	s6 =	sld [smem:$0x3FB5]  }
0x2c: {  	s7 =	sld [smem:$0x3FB6]  }
0x2d: {  	s3 =	simm.s32 $0x108;
	s8 =	sld [smem:$0x3FB7]  }
0x2e: {  	s3 =	simm.s32 @!p0 $0x1082;
	s9 =	sld [smem:$0x3FB8]  }
0x2f: {  	lr =	sadd.s32 s0, s3;
	s0 =	sld [smem:$0x3FAF]  }
0x30: {  	s3 =	sld [smem:$0x3FB2]  }
0x31: {  	[smem:$0x3FBB] =	sst s10  }
0x32: {  	s10 =	sld [smem:$0x3FB9];
	_ =	sdelay $0x3  }
0x33: {  	p0 =	seq.s32 s10, $0x1;
	s10 =	sld [smem:$0x3FBB];
	_ =	sdelay $0x3  }
0x34: {  	[smem:$0x3FBB] =	sst s10  }
0x35: {  	s10 =	sld [smem:$0x3FBA];
	_ =	sdelay $0x3  }
0x36: {  	p1 =	seq.s32 s10, $0x1;
	s10 =	sld [smem:$0x3FBB];
	_ =	sdelay $0x3  }
0x37: {  	[smem:$0x3FBB] =	sst s10  }
0x38: {  	s10 =	sld [smem:$0x3FBC]  }
0x39: {  	_ = 	snop;
	(pc) =	sbr.ind lr, $3  }
0x3a: {  	_ = 	snop  }
0x3b: {  	_ = 	snop  }
0x3c: {  	p2 =	seq.s32 s10, $0x1;
	s10 =	sld [smem:$0x3FBB]  }
0x3d: {  	_ =	shalt  }
0x3e: {  	_ =	shalt  }
0x3f: {  	_ =	shalt  }
0x40: {  	_ =	shalt  }
0x41: {  	_ =	shalt  }
0x42: {  	_ =	shalt  }
0x43: {  	_ =	shalt  }
0x44: {  	_ =	shalt  }
0x45: {  	_ =	shalt  }
0x46: {  	_ =	shalt  }
0x47: {  	_ =	shalt  }
0x48: {  	_ =	shalt  }
0x49: {  	_ =	shalt  }
0x4a: {  	_ =	shalt  }
0x4b: {  	_ =	shalt  }
0x4c: {  	_ =	shalt  }
0x4d: {  	_ =	shalt  }
0x4e: {  	_ =	shalt  }
0x4f: {  	_ =	shalt  }
0x50: {  	_ =	shalt  }
0x51: {  	_ =	shalt  }
0x52: {  	_ =	shalt  }
0x53: {  	_ =	shalt  }
0x54: {  	_ =	shalt  }
0x55: {  	_ =	shalt  }
0x56: {  	_ =	shalt  }
0x57: {  	_ =	shalt  }
0x58: {  	_ =	shalt  }
0x59: {  	_ =	shalt  }
0x5a: {  	_ =	shalt  }
0x5b: {  	_ =	shalt  }
0x5c: {  	_ =	shalt  }
0x5d: {  	_ =	shalt  }
0x5e: {  	_ =	shalt  }
0x5f: {  	_ =	shalt  }
0x60: {  	_ =	shalt  }
0x61: {  	_ =	shalt  }
0x62: {  	_ =	shalt  }
0x63: {  	_ =	shalt  }
0x64: {  	_ =	shalt  }
0x65: {  	_ =	shalt  }
0x66: {  	_ =	shalt  }
0x67: {  	_ =	shalt  }
0x68: {  	_ =	shalt  }
0x69: {  	_ =	shalt  }
0x6a: {  	_ =	shalt  }
0x6b: {  	_ =	shalt  }
0x6c: {  	_ =	shalt  }
0x6d: {  	_ =	shalt  }
0x6e: {  	_ =	shalt  }
0x6f: {  	_ =	shalt  }
0x70: {  	_ =	shalt  }
0x71: {  	_ =	shalt  }
0x72: {  	_ =	shalt  }
0x73: {  	_ =	shalt  }
0x74: {  	_ =	shalt  }
0x75: {  	_ =	shalt  }
0x76: {  	_ =	shalt  }
0x77: {  	_ =	shalt  }
0x78: {  	_ =	shalt  }
0x79: {  	_ =	shalt  }
0x7a: {  	_ =	shalt  }
0x7b: {  	_ =	shalt  }
0x7c: {  	_ =	shalt  }
0x7d: {  	_ =	shalt  }
0x7e: {  	_ =	shalt  }
0x7f: {  	_ =	shalt  }
0x80: {  	_ =	shalt  }
0x81: {  	_ =	shalt  }
0x82: {  	_ =	shalt  }
0x83: {  	_ =	shalt  }
0x84: {  	_ =	shalt  }
0x85: {  	_ =	shalt  }
0x86: {  	_ =	shalt  }
0x87: {  	_ =	shalt  }
.Lfunc_end0:
.L_simem_size_0:
called_computation_lowered:
.L_overlay_start_0:
0x88: {  	s2 =	sld [smem:$0x3FD9]  }
0x89: {  	s3 =	sld [smem:$0x3FFE];
	_ =	sdelay $0x1  }
0x8a: {  	s1 =	srdreg.scid  }
0x8b: {  	s0 =	sand.u32 $0x1, s1  }
0x8c: {  	s18 =	sshll.u32 s0, $0xA;
	s2 =	sadd.s32 s3, s2  }
0x8d: {  	s2 =	sadd.s32 s2, s18  }
0x8e: {  	[smem:$0x3FC7] =	sst s2  }
0x8f: {  	_ = 	snop  }
0x90: {  	s2 =	sld [smem:$0x3FC9]  }
0x91: {  	s19 =	sld [smem:$0x3FD0];
	(tm) =	ssettm $0x1  }
0x92: {  	s4 =	sld [smem:$0x3FFB];
	_ =	sdelay $0x3  }
0x93: {  	_ =	strace s4  }
0x94: {  	s4 =	sld [smem:$0x3FFC];
	_ =	sdelay $0x3  }
0x95: {  	_ =	strace s4  }
0x96: {  	s4 =	sld [smem:$0x3FFD];
	_ =	sdelay $0x3  }
0x97: {  	_ =	strace s4  }
0x98: {  	_ =	strace $0x8FFFFFFF  }
0x99: {  	s20 =	sld [smem:$0x3FDB];
	_ =	sdelay $0x1  }
0x9a: {  	s5 =	simm.s32 $_scs_section_size  }
0x9b: {  	s6 =	simm.s32 $_size__tile_overlayer_lowered;
	s7 =	simm.s32 $_tile_overlayer_lowered  }
0x9c: {  	s23 =	simm.s32 $0x1BFF;
	s22 =	sshll.u32 s7, $0x1;
	s4 =	sadd.s32 s5, s20  }
0x9d: {  	s8 =	simm.s32 $0x0;
	s21 =	sshll.u32 s6, $0x1;
	s6 =	sadd.s32 s22, s4  }
0x9e: {  	[timem:s8], [sflag:s23] =	dma.local [hbm:s6], s21  }
0x9f: {  	_ =	swait.ge [sflag:s23], s21  }
0xa0: {  	s5 =	ssub.s32 $0x0, s21;
	[sflag:s23] =	ssyncset.done $0x0  }
0xa1: {  	[sflag:s23] =	ssyncadd.s32 s5;
	_ =	sdelay $0x1  }
0xa2: {  	s24 =	simm.s32 $0x1B8B  }
0xa3: {  	_ =	swait.ge [sflag:s24], $0x1  }
0xa4: {  	[sflag:s24] =	ssyncset.done $0x0  }
0xa5: {  	s25 =	simm.s32 $0x1B8E;
	[sflag:s24] =	ssyncadd.s32 $0xFFFFFFFF  }
0xa6: {  	s26 =	simm.s32 $execute0_lowered;
	[smem:$0x3FD2] =	sst s25  }
0xa7: {  	s5 =	sshll.u32 s26, $0x1;
	_ =	strace $0x80000046;
	[dreg:$0x1] =	wrdreg $0xFFFFFFFF  }
0xa8: {  	s28 =	simm.s32 $_size_execute0_lowered;
	s4 =	sadd.s32 s4, s5;
	[dreg:$0x0] =	wrdreg $0x0  }
0xa9: {  	s5 =	sshll.u32 s28, $0x1;
	[dreg:$0x2] =	wrdreg s4  }
0xaa: {  	[dreg:$0x3] =	wrdreg s5  }
0xab: {  	[dreg:$0x4] =	wrdreg $0xC0  }
0xac: {  	_ =	task [dreg:s8], $0x5FFFF  }
0xad: {  	[dreg:$0x1] =	wrdreg $0xFFFFFFFF  }
0xae: {  	[dreg:$0x0] =	wrdreg $0x60  }
0xaf: {  	[dreg:$0x2] =	wrdreg s2  }
0xb0: {  	[dreg:$0x3] =	wrdreg s19  }
0xb1: {  	[dreg:$0x4] =	wrdreg $0x9  }
0xb2: {  	_ =	task.clear_ibuf [dreg:s8], $0x5FFFF;
	_ =	strace $0x90000046  }
0xb3: {  	s29 =	simm.s32 $0x9;
	_ =	strace $0x80000048  }
0xb4: {  	_ =	swait.ge [sflag:s29], $0x1  }
0xb5: {  	[sflag:s29] =	ssyncadd.s32 $0xFFFFFFFF  }
0xb6: {  	_ =	strace $0x90000048  }
0xb7: {  	_ =	sfence  }
0xb8: {  	s30 =	sld [smem:$0x0];
	_ =	sdelay $0x2  }
0xb9: {  	s31 =	sshll.u32 s1, $0xD;
	s1 =	sshrl.u32 s1, $0x2  }
0xba: {  	s3 =	sand.u32 $0x4000, s31;
	s1 =	sadd.s32 s1, s30  }
0xbb: {  	s0 =	sor.u32 s3, s0;
	s1 =	sshll.u32 s1, $0x11  }
0xbc: {  	s0 =	sor.u32 s1, s0  }
0xbd: {  	s0 =	sadd.s32 $0x8F2B, s0  }
0xbe: {  	[sflag:s0] =	ssyncadd.remote.s32 $0x1  }
0xbf: {  	_ =	sfence.sel $0xFFFF  }
0xc0: {  	[dreg:$0x0] =	wrdreg $0xFFFFFFFF;
	(pc) =	sbr.abs _section_cstart, $3  }
0xc1: {  	[dreg:$0x1] =	wrdreg $0xFFFFFFFF  }
0xc2: {  	_ =	task.clear_ibuf [dreg:s8], $0x2FFFF;
	_ =	strace $0x9FFFFFFF  }
0xc3: {  	(tm) =	ssettm $0x7FFFFFFF  }
tec
execute0_lowered:
.L_overlay_start_1:
0x0: {  	(tag) =	ssettag $0x1  }
0x1: {  	s0 =	srdreg.scid;
	s1 =	stileid.u32  }
0x2: {  	s2 =	sand.u32 $0x1, s0;
	s15 =	sshll.u32 s1, $0x1  }
0x3: {  	s5 =	simm.s32 $0x57;
	s4 =	sor.u32 s2, s15  }
0x4: {  	s3 =	simm.s32 $0x177;
	s0 =	simm.s32 $0xE6;
	p0 =	seq.s32 s4, $0x0  }
0x5: {  	s1 =	simm.s32 $0x18D;
	s0 =	simm.s32 @!p0 $0x0;
	s5 =	simm.s32 @!p0 $0x0  }
0x6: {  	s1 =	simm.s32 @!p0 $0x0;
	s3 =	simm.s32 @!p0 $0x0;
	p0 =	seq.s32 s4, $0x1  }
0x7: {  	s0 =	simm.s32 @p0 $0x118;
	s5 =	simm.s32 @p0 $0x17  }
0x8: {  	s1 =	simm.s32 @p0 $0x194;
	s3 =	simm.s32 @p0 $0x10E;
	p0 =	seq.s32 s4, $0x2  }
0x9: {  	s0 =	simm.s32 @p0 $0xD;
	s5 =	simm.s32 @p0 $0x10  }
0xa: {  	s1 =	simm.s32 @p0 $0x1A8;
	s3 =	simm.s32 @p0 $0xCF;
	p0 =	seq.s32 s4, $0x3  }
0xb: {  	s0 =	simm.s32 @p0 $0x40;
	s5 =	simm.s32 @p0 $0xCA  }
0xc: {  	s1 =	simm.s32 @p0 $0x18C;
	s3 =	simm.s32 @p0 $0x185;
	p0 =	seq.s32 s4, $0x4  }
0xd: {  	s6 =	sadd.s32 $0xFFFFFFFB, s4;
	s0 =	simm.s32 @p0 $0x39;
	s5 =	simm.s32 @p0 $0x80  }
0xe: {  	s1 =	simm.s32 @p0 $0x1B2;
	s3 =	simm.s32 @p0 $0x113;
	p0 =	seq.s32 s4, $0x5  }
0xf: {  	p1 =	slt.u32 s6, $0x2;
	s5 =	simm.s32 @p0 $0xC9  }
0x10: {  	s1 =	simm.s32 @p0 $0x15A;
	s3 =	simm.s32 @p0 $0x16E;
	p0 =	seq.s32 s4, $0x6  }
0x11: {  	s0 =	simm.s32 @p1 $0x7;
	s5 =	simm.s32 @p0 $0xB0  }
0x12: {  	s1 =	simm.s32 @p0 $0x141;
	s3 =	simm.s32 @p0 $0x17A;
	p0 =	seq.s32 s4, $0x7  }
0x13: {  	s0 =	simm.s32 @p0 $0x58;
	s5 =	simm.s32 @p0 $0x50  }
0x14: {  	s1 =	simm.s32 @p0 $0x148;
	s3 =	simm.s32 @p0 $0xAD;
	p0 =	seq.s32 s4, $0x8  }
0x15: {  	s0 =	simm.s32 @p0 $0xCD;
	s5 =	simm.s32 @p0 $0xE4  }
0x16: {  	s1 =	simm.s32 @p0 $0x129;
	s3 =	simm.s32 @p0 $0x131;
	p0 =	seq.s32 s4, $0x9  }
0x17: {  	s0 =	simm.s32 @p0 $0x9;
	s5 =	simm.s32 @p0 $0x51  }
0x18: {  	s1 =	simm.s32 @p0 $0x110;
	s3 =	simm.s32 @p0 $0x14A;
	p0 =	seq.s32 s4, $0xA  }
0x19: {  	s0 =	simm.s32 @p0 $0xD7;
	s5 =	simm.s32 @p0 $0xFA  }
0x1a: {  	s1 =	simm.s32 @p0 $0x1EE;
	s3 =	simm.s32 @p0 $0x1B8;
	p0 =	seq.s32 s4, $0xB  }
0x1b: {  	s0 =	simm.s32 @p0 $0x8F;
	s5 =	simm.s32 @p0 $0x12  }
0x1c: {  	s1 =	simm.s32 @p0 $0x191;
	s3 =	simm.s32 @p0 $0xC4;
	p0 =	seq.s32 s4, $0xC  }
0x1d: {  	s0 =	simm.s32 @p0 $0x11B;
	s5 =	simm.s32 @p0 $0x1C  }
0x1e: {  	s1 =	simm.s32 @p0 $0x1CD;
	s3 =	simm.s32 @p0 $0x1EE;
	p0 =	seq.s32 s4, $0xD  }
0x1f: {  	s0 =	simm.s32 @p0 $0x77;
	s5 =	simm.s32 @p0 $0x25  }
0x20: {  	s1 =	simm.s32 @p0 $0x146;
	s3 =	simm.s32 @p0 $0x122;
	p0 =	seq.s32 s4, $0xE  }
0x21: {  	s0 =	simm.s32 @p0 $0x41;
	s5 =	simm.s32 @p0 $0xE1  }
0x22: {  	s1 =	simm.s32 @p0 $0xF1;
	s3 =	simm.s32 @p0 $0x1E2;
	p0 =	seq.s32 s4, $0xF  }
0x23: {  	s0 =	simm.s32 @p0 $0x39;
	s5 =	simm.s32 @p0 $0x10A  }
0x24: {  	s1 =	simm.s32 @p0 $0xF0;
	s3 =	simm.s32 @p0 $0x194;
	p0 =	seq.s32 s4, $0x10  }
0x25: {  	s0 =	simm.s32 @p0 $0x9C;
	s5 =	simm.s32 @p0 $0x127  }
0x26: {  	s1 =	simm.s32 @p0 $0x1DE;
	s3 =	simm.s32 @p0 $0x1B7;
	p0 =	seq.s32 s4, $0x11  }
0x27: {  	s0 =	simm.s32 @p0 $0x17;
	s5 =	simm.s32 @p0 $0x26  }
0x28: {  	s1 =	simm.s32 @p0 $0xE0;
	s3 =	simm.s32 @p0 $0x154;
	p0 =	seq.s32 s4, $0x12  }
0x29: {  	s0 =	simm.s32 @p0 $0x51;
	s5 =	simm.s32 @p0 $0x149  }
0x2a: {  	s1 =	simm.s32 @p0 $0x105;
	s3 =	simm.s32 @p0 $0x1C1;
	p0 =	seq.s32 s4, $0x13  }
0x2b: {  	s0 =	simm.s32 @p0 $0x4B;
	s5 =	simm.s32 @p0 $0x7C  }
0x2c: {  	s1 =	simm.s32 @p0 $0x1DD;
	s3 =	simm.s32 @p0 $0x134;
	p0 =	seq.s32 s4, $0x14  }
0x2d: {  	s16 =	ssub.s32 $0x2, s2;
	s0 =	simm.s32 @p0 $0x71;
	s5 =	simm.s32 @p0 $0x73  }
0x2e: {  	s1 =	simm.s32 @p0 $0xCF;
	s3 =	simm.s32 @p0 $0xBB;
	p0 =	seq.s32 s4, $0x15  }
0x2f: {  	p2 =	seq.s32 s4, $0x1C;
	s0 =	simm.s32 @p0 $0xE6;
	s5 =	simm.s32 @p0 $0x7B  }
0x30: {  	s1 =	simm.s32 @p0 $0x19B;
	s3 =	simm.s32 @p0 $0x1C4;
	p0 =	seq.s32 s4, $0x16  }
0x31: {  	p3 =	seq.s32 s4, $0x1D;
	s0 =	simm.s32 @p0 $0x9F;
	s5 =	simm.s32 @p0 $0xBF  }
0x32: {  	s1 =	simm.s32 @p0 $0x165;
	s3 =	simm.s32 @p0 $0x13D;
	p0 =	seq.s32 s4, $0x17  }
0x33: {  	s7 =	sshrl.u32 s16, $0x1;
	s0 =	simm.s32 @p0 $0xCC;
	s5 =	simm.s32 @p0 $0x84  }
0x34: {  	s1 =	simm.s32 @p0 $0x1A6;
	s3 =	simm.s32 @p0 $0x1DD;
	p0 =	seq.s32 s4, $0x18  }
0x35: {  	s6 =	ssub.s32 s16, s7;
	s0 =	simm.s32 @p0 $0xFE;
	s5 =	simm.s32 @p0 $0x26  }
0x36: {  	s1 =	simm.s32 @p0 $0x1F3;
	s3 =	simm.s32 @p0 $0xFB;
	p0 =	seq.s32 s4, $0x19  }
0x37: {  	[smem:$0x7B1] =	sst s6;
	s0 =	simm.s32 @p0 $0xFC;
	s5 =	simm.s32 @p0 $0xAC  }
0x38: {  	s1 =	simm.s32 @p0 $0x1FC;
	s3 =	simm.s32 @p0 $0x1C0;
	p0 =	seq.s32 s4, $0x1A  }
0x39: {  	p1 =	seq.s32 s4, $0x1F;
	s0 =	simm.s32 @p0 $0x11;
	s5 =	simm.s32 @p0 $0x51  }
0x3a: {  	s1 =	simm.s32 @p0 $0xE3;
	s3 =	simm.s32 @p0 $0x1DF;
	p0 =	seq.s32 s4, $0x1B  }
0x3b: {  	s0 =	simm.s32 @p0 $0x14A;
	s5 =	simm.s32 @p0 $0x20;
	s1 =	simm.s32 @p0 $0x1EC  }
0x3c: {  	s3 =	simm.s32 @p0 $0x1BF;
	p0 =	seq.s32 s4, $0x1E;
	s0 =	simm.s32 @p2 $0x91  }
0x3d: {  	s5 =	simm.s32 @p2 $0x4B;
	s3 =	simm.s32 @p2 $0x1D7;
	s0 =	simm.s32 @p3 $0x14C  }
0x3e: {  	s5 =	simm.s32 @p3 $0x17A;
	s3 =	simm.s32 @p3 $0x1BA;
	s0 =	simm.s32 @p0 $0x1D  }
0x3f: {  	s5 =	simm.s32 @p0 $0x11D;
	s3 =	simm.s32 @p0 $0x1BB;
	s2 =	smov.u32 s0  }
0x40: {  	s5 =	simm.s32 @p1 $0x153;
	s7 =	sshll.u32 s0, $0xB;
	s2 =	simm.s32 @p1 $0xA3  }
0x41: {  	s17 =	sshll.u32 s5, $0x2;
	s29 =	smax.u32 s2, $0x20;
	s12 =	smax.u32 s2, $0x60  }
0x42: {  	s30 =	smax.u32 s2, $0x40;
	s13 =	smax.u32 s2, $0x80;
	[dreg:$0x5] =	wrdreg s12  }
0x43: {  	s16 =	smax.u32 s2, $0xA0;
	s14 =	smax.u32 s2, $0xC0;
	[dreg:$0x6] =	wrdreg s13  }
0x44: {  	s8 =	sand.u32 $0xFFFFFFE0, s17;
	s6 =	sand.u32 $0x1C, s17;
	[dreg:$0x7] =	wrdreg s16  }
0x45: {  	[dreg:$0x8] =	wrdreg s14;
	s9 =	sshll.u32 s29, $0xB;
	s10 =	sadd.s32 s8, s7  }
0x46: {  	s12 =	sshll.u32 s12, $0xB;
	s15 =	sshll.u32 s13, $0xB;
	s11 =	sadd.s32 s8, s9  }
0x47: {  	s10 =	sor.u32 s6, s10;
	s20 =	sadd.s32 s8, s12;
	s13 =	sadd.s32 s8, s15  }
0x48: {  	[smem:$0x7B5] =	sst s10;
	s18 =	sor.u32 s6, s11;
	s10 =	sshll.u32 s30, $0xB  }
0x49: {  	s21 =	sor.u32 s6, s13;
	[smem:$0x7B7] =	sst s18;
	s19 =	sadd.s32 s8, s10  }
0x4a: {  	[smem:$0x7C0] =	sst s21;
	s18 =	smax.u32 s2, $0x100;
	s11 =	sor.u32 s6, s19  }
0x4b: {  	s19 =	smax.u32 s2, $0xE0;
	[smem:$0x7BA] =	sst s11;
	s11 =	sor.u32 s6, s20  }
0x4c: {  	s17 =	sshll.u32 s19, $0xB;
	s20 =	smax.u32 s2, $0x120;
	[smem:$0x7BD] =	sst s11  }
0x4d: {  	s11 =	sshll.u32 s16, $0xB;
	s16 =	sshll.u32 s14, $0xB;
	s24 =	sadd.s32 s8, s17  }
0x4e: {  	s22 =	sadd.s32 s8, s11;
	s23 =	sadd.s32 s8, s16;
	s26 =	sor.u32 s6, s24  }
0x4f: {  	s24 =	sshll.u32 s20, $0xB;
	s13 =	sor.u32 s6, s22;
	[smem:$0x7C9] =	sst s26  }
0x50: {  	s25 =	sor.u32 s6, s23;
	s22 =	smax.u32 s2, $0x140;
	[smem:$0x7C3] =	sst s13  }
0x51: {  	s23 =	sshll.u32 s18, $0xB;
	s26 =	sadd.s32 s8, s24;
	[smem:$0x7C6] =	sst s25  }
0x52: {  	s25 =	sshll.u32 s22, $0xB;
	s14 =	sadd.s32 s8, s23;
	s21 =	sor.u32 s6, s26  }
0x53: {  	s28 =	sadd.s32 s8, s25;
	s13 =	sor.u32 s6, s14;
	[smem:$0x7CF] =	sst s21  }
0x54: {  	s3 =	simm.s32 @p1 $0x1C5;
	[smem:$0x7CE] =	sst s13;
	s26 =	sor.u32 s6, s28  }
0x55: {  	s6 =	sor.u32 s6, s8;
	s8 =	sshll.u32 s3, $0x2;
	[smem:$0x7D3] =	sst s26  }
0x56: {  	s13 =	simm.s32 $0x0;
	[smem:$0x7DA] =	sst s6;
	s26 =	sand.u32 $0xFFFFFFE0, s8  }
0x57: {  	[smem:$0x7FF] =	sst s13;
	s28 =	sand.u32 $0x1C, s8;
	s7 =	sadd.s32 s26, s7  }
0x58: {  	s9 =	sadd.s32 s26, s9;
	s10 =	sadd.s32 s26, s10;
	s12 =	sadd.s32 s26, s12  }
0x59: {  	s15 =	sadd.s32 s26, s15;
	s11 =	sadd.s32 s26, s11;
	s16 =	sadd.s32 s26, s16  }
0x5a: {  	s17 =	sadd.s32 s26, s17;
	s8 =	sadd.s32 s26, s25;
	s31 =	sor.u32 s28, s10  }
0x5b: {  	s10 =	sor.u32 s28, s15;
	s6 =	sor.u32 s28, s16;
	s15 =	rddreg [dreg:$0x1]  }
0x5c: {  	s14 =	sor.u32 s28, s7;
	s25 =	sor.u32 s28, s8;
	[smem:$0x7CA] =	sst s6  }
0x5d: {  	s7 =	sadd.s32 s26, s24;
	s6 =	sadd.s32 s26, s23;
	[smem:$0x7D4] =	sst s25  }
0x5e: {  	s26 =	sor.u32 s28, s26;
	s23 =	sor.u32 s28, s6;
	s6 =	rddreg [dreg:$0x0]  }
0x5f: {  	[smem:$0x7D8] =	sst s26  }
0x60: {  	_ =	strace $0x80000047;
	[dreg:$0x3] =	wrdreg s29  }
0x61: {  	[dreg:$0x4] =	wrdreg s30  }
0x62: {  	s21 =	sor.u32 s28, s9;
	s9 =	sor.u32 s28, s12;
	[dreg:$0x9] =	wrdreg s19  }
0x63: {  	s12 =	sor.u32 s28, s17;
	s25 =	sshll.u32 s4, $0xF;
	[dreg:$0xa] =	wrdreg s18  }
0x64: {  	s24 =	sor.u32 s28, s7;
	s7 =	sor.u32 $0x800, s25;
	[dreg:$0xb] =	wrdreg s20  }
0x65: {  	s17 =	sshll.u32 s4, $0x12;
	s8 =	sadd.s32 s6, s7;
	[dreg:$0xc] =	wrdreg s22  }
0x66: {  	s26 =	sor.u32 $0x1000, s25;
	s4 =	sadd.s32 s15, s7;
	[dreg:$0xd] =	wrdreg s8  }
0x67: {  	s7 =	sadd.s32 s6, s26;
	[dreg:$0xe] =	wrdreg s4  }
0x68: {  	[dreg:$0xf] =	wrdreg s7;
	s4 =	sadd.s32 s15, s26;
	s8 =	sor.u32 $0x1800, s25  }
0x69: {  	[dreg:$0x10] =	wrdreg s4;
	s26 =	sadd.s32 s6, s8  }
0x6a: {  	s7 =	sor.u32 $0x2000, s25;
	s4 =	sadd.s32 s15, s8;
	[dreg:$0x11] =	wrdreg s26  }
0x6b: {  	s8 =	sadd.s32 s6, s7;
	[dreg:$0x12] =	wrdreg s4  }
0x6c: {  	[dreg:$0x13] =	wrdreg s8;
	s4 =	sadd.s32 s15, s7;
	s26 =	sor.u32 $0x2800, s25  }
0x6d: {  	[dreg:$0x14] =	wrdreg s4;
	s7 =	sadd.s32 s6, s26  }
0x6e: {  	s8 =	sor.u32 $0x3000, s25;
	s4 =	sadd.s32 s15, s26;
	[dreg:$0x15] =	wrdreg s7  }
0x6f: {  	s26 =	sadd.s32 s6, s8;
	[dreg:$0x16] =	wrdreg s4  }
0x70: {  	[dreg:$0x17] =	wrdreg s26;
	s4 =	sadd.s32 s15, s8;
	s7 =	sor.u32 $0x3800, s25  }
0x71: {  	[dreg:$0x18] =	wrdreg s4;
	s8 =	sadd.s32 s6, s7  }
0x72: {  	s26 =	sor.u32 $0x4000, s25;
	s4 =	sadd.s32 s15, s7;
	[dreg:$0x19] =	wrdreg s8  }
0x73: {  	s5 =	sadd.s32 $0x7, s5;
	s7 =	sadd.s32 s6, s26;
	[dreg:$0x1a] =	wrdreg s4  }
0x74: {  	s11 =	sor.u32 s28, s11;
	[dreg:$0x1b] =	wrdreg s7;
	s4 =	sadd.s32 s15, s26  }
0x75: {  	s8 =	sor.u32 $0x4800, s25;
	s7 =	sadd.s32 s6, s25;
	[dreg:$0x1c] =	wrdreg s4  }
0x76: {  	s16 =	sand.u32 $0xFFFFFFF8, s5;
	s26 =	sadd.s32 s6, s8;
	[dreg:$0x1f] =	wrdreg s7  }
0x77: {  	s5 =	sor.u32 $0x5800, s25;
	s4 =	sadd.s32 s15, s8;
	[dreg:$0x1d] =	wrdreg s26  }
0x78: {  	s28 =	sor.u32 $0x6800, s25;
	s8 =	sadd.s32 s15, s25;
	[dreg:$0x1e] =	wrdreg s4  }
0x79: {  	s7 =	sor.u32 $0x7000, s25;
	[smem:$0x7A4] =	sst s8;
	s4 =	sor.u32 $0x5000, s25  }
0x7a: {  	s26 =	sor.u32 $0x6000, s25;
	s8 =	sor.u32 $0x7800, s25;
	s25 =	sadd.s32 s6, s4  }
0x7b: {  	s4 =	sadd.s32 s15, s4;
	[smem:$0x7A5] =	sst s25  }
0x7c: {  	s25 =	sadd.s32 s6, s5;
	[smem:$0x7AB] =	sst s4  }
0x7d: {  	[smem:$0x7A6] =	sst s25;
	s25 =	sadd.s32 s6, s26  }
0x7e: {  	[smem:$0x7A7] =	sst s25;
	s25 =	sadd.s32 s6, s28  }
0x7f: {  	[smem:$0x7A8] =	sst s25;
	s25 =	sadd.s32 s6, s7  }
0x80: {  	s6 =	sadd.s32 s6, s8;
	[smem:$0x7A9] =	sst s25  }
0x81: {  	[smem:$0x7AA] =	sst s6;
	s25 =	sadd.s32 s15, s5  }
0x82: {  	s1 =	simm.s32 @p2 $0x158;
	s5 =	sadd.s32 s15, s26;
	[smem:$0x7AC] =	sst s25  }
0x83: {  	s1 =	simm.s32 @p3 $0x1E6;
	s6 =	sadd.s32 s15, s28;
	[smem:$0x7AD] =	sst s5  }
0x84: {  	s1 =	simm.s32 @p0 $0x13F;
	s26 =	sadd.s32 s15, s7;
	[smem:$0x7AE] =	sst s6  }
0x85: {  	s1 =	simm.s32 @p1 $0x1ED;
	[smem:$0x7AF] =	sst s26  }
0x86: {  	s7 =	smin.u32 s1, $0x20;
	s6 =	sadd.s32 s15, s8;
	s8 =	sld [smem:$0x7B1]  }
0x87: {  	[smem:$0x7B3] =	sst s7  }
0x88: {  	s25 =	ssub.s32 s1, s2;
	s0 =	ssub.s32 s7, s0;
	s7 =	sld [smem:$0x7B7]  }
0x89: {  	s5 =	sand.u32 $0xFFFFFFF8, s3;
	s3 =	ssub.s32 s3, s16;
	[smem:$0x7B0] =	sst s6  }
0x8a: {  	s4 =	sadd.s32 $0x3F, s25;
	s28 =	sadd.s32 $0xFFFFFFE0, s5;
	s5 =	sld [smem:$0x7B5]  }
0x8b: {  	[smem:$0x7B4] =	sst s0;
	s25 =	sshrl.u32 s4, $0x6;
	s4 =	smax.u32 s8, $0x1  }
0x8c: {  	s3 =	sadd.s32 $0x18, s3;
	s6 =	sadd.s32 $0xFFFFFFC0, s14;
	[smem:$0x7B2] =	sst s4  }
0x8d: {  	s26 =	sshrl.u32 s3, $0x5;
	s0 =	sshra.s32 s5, $0x2;
	s4 =	sld [smem:$0x7BA]  }
0x8e: {  	s3 =	sadd.s32 $0xFFFF0000, s7;
	[smem:$0x7B6] =	sst s0;
	s0 =	sshra.s32 s6, $0x2  }
0x8f: {  	s8 =	sshra.s32 s3, $0x2;
	[smem:$0x7B8] =	sst s0  }
0x90: {  	s14 =	sadd.s32 $0xFFFEFFC0, s21;
	s0 =	sadd.s32 $0x4000, s8;
	s8 =	sld [smem:$0x7BD]  }
0x91: {  	s21 =	sshra.s32 s14, $0x2;
	[smem:$0x7B9] =	sst s0  }
0x92: {  	s0 =	sadd.s32 $0x4000, s21;
	s21 =	sadd.s32 $0xFFFCFFC0, s9;
	s9 =	sld [smem:$0x7C3]  }
0x93: {  	s6 =	sadd.s32 $0xFFFDFFC0, s31;
	s3 =	sadd.s32 $0xFFFE0000, s4;
	[smem:$0x7BB] =	sst s0  }
0x94: {  	s5 =	sshra.s32 s3, $0x2;
	s4 =	sshra.s32 s21, $0x2;
	s21 =	sld [smem:$0x7C6]  }
0x95: {  	s7 =	sshra.s32 s6, $0x2;
	s0 =	sadd.s32 $0x8000, s5;
	s5 =	sld [smem:$0x7C0]  }
0x96: {  	s3 =	sadd.s32 $0xFFFD0000, s8;
	[smem:$0x7BC] =	sst s0;
	s0 =	sadd.s32 $0x8000, s7  }
0x97: {  	s11 =	sadd.s32 $0xFFFAFFC0, s11;
	s14 =	sshra.s32 s3, $0x2;
	[smem:$0x7BE] =	sst s0  }
0x98: {  	s0 =	sadd.s32 $0xC000, s14;
	s14 =	sshra.s32 s11, $0x2;
	s11 =	sld [smem:$0x7CF]  }
0x99: {  	[smem:$0x7BF] =	sst s0  }
0x9a: {  	s3 =	sadd.s32 $0xFFFC0000, s5;
	s0 =	sadd.s32 $0xC000, s4;
	s5 =	sld [smem:$0x7C9]  }
0x9b: {  	s7 =	sadd.s32 $0xFFFBFFC0, s10;
	[smem:$0x7C1] =	sst s0  }
0x9c: {  	s6 =	sshra.s32 s3, $0x2;
	s3 =	sadd.s32 $0xFFFB0000, s9;
	s9 =	sld [smem:$0x7CE]  }
0x9d: {  	s0 =	sadd.s32 $0x10000, s6;
	s10 =	sshra.s32 s3, $0x2;
	s6 =	sld [smem:$0x7CA]  }
0x9e: {  	s3 =	sadd.s32 $0xFFFA0000, s21;
	s21 =	sadd.s32 $0xFFF6FFC0, s24;
	s24 =	sld [smem:$0x7D4]  }
0x9f: {  	s8 =	sshra.s32 s7, $0x2;
	s7 =	sadd.s32 $0xFFF8FFC0, s12;
	[smem:$0x7C2] =	sst s0  }
0xa0: {  	s0 =	sadd.s32 $0x10000, s8;
	s8 =	sshra.s32 s7, $0x2;
	s7 =	sld [smem:$0x7DA]  }
0xa1: {  	s4 =	sshra.s32 s3, $0x2;
	[smem:$0x7C4] =	sst s0  }
0xa2: {  	s0 =	sadd.s32 $0x14000, s10;
	[smem:$0x7C8] =	sst s4  }
0xa3: {  	s10 =	sadd.s32 $0xFFF7FFC0, s23;
	s4 =	sadd.s32 $0xFFF70000, s11;
	s23 =	sld [smem:$0x7D3]  }
0xa4: {  	[smem:$0x7C5] =	sst s0;
	s0 =	sadd.s32 $0x14000, s14;
	s3 =	sadd.s32 $0xFFF9FFC0, s6  }
0xa5: {  	s14 =	sshra.s32 s4, $0x2;
	s4 =	sadd.s32 $0xFFF5FFC0, s24;
	[smem:$0x7C7] =	sst s0  }
0xa6: {  	s24 =	sadd.s32 $0xFFFFFFC0, s30;
	s0 =	sadd.s32 $0xFFF90000, s5;
	s5 =	sld [smem:$0x7D8]  }
0xa7: {  	s3 =	sshra.s32 s3, $0x2;
	[smem:$0x7E0] =	sst s24  }
0xa8: {  	s24 =	smin.u32 s1, $0x120;
	s0 =	sshra.s32 s0, $0x2;
	[smem:$0x7CB] =	sst s3  }
0xa9: {  	s3 =	sshra.s32 s10, $0x2;
	[smem:$0x7ED] =	sst s24;
	s0 =	sadd.s32 $0x4000, s0  }
0xaa: {  	s12 =	sadd.s32 $0x8000, s3;
	[smem:$0x7CC] =	sst s0  }
0xab: {  	s3 =	sadd.s32 $0xFFF60000, s23;
	s23 =	smin.u32 s1, $0x60;
	[smem:$0x7D1] =	sst s12  }
0xac: {  	s10 =	smin.u32 s1, $0x1E0;
	s0 =	sadd.s32 $0x4000, s8;
	[smem:$0x7E1] =	sst s23  }
0xad: {  	s12 =	sadd.s32 $0xFFFFFE40, s10;
	[smem:$0x7CD] =	sst s0  }
0xae: {  	s10 =	smin.u32 s1, $0xC0;
	[smem:$0x7DD] =	sst s12  }
0xaf: {  	s3 =	sshra.s32 s3, $0x2;
	[smem:$0x7E7] =	sst s10  }
0xb0: {  	s6 =	smin.u32 s1, $0x180;
	s3 =	sadd.s32 $0x10000, s3;
	s12 =	rddreg [dreg:$0x8]  }
0xb1: {  	s0 =	sadd.s32 $0xFFF80000, s9;
	s9 =	smin.u32 s1, $0x1C0;
	[smem:$0x7D6] =	sst s3  }
0xb2: {  	s3 =	sadd.s32 $0xFFFFFEA0, s6;
	s11 =	sadd.s32 $0xFFFFFE60, s9;
	s9 =	rddreg [dreg:$0x7]  }
0xb3: {  	[smem:$0x7D9] =	sst s3  }
0xb4: {  	s0 =	sshra.s32 s0, $0x2;
	[smem:$0x7DC] =	sst s11  }
0xb5: {  	s0 =	sadd.s32 $0x8000, s0;
	s3 =	rddreg [dreg:$0x5]  }
0xb6: {  	s11 =	smin.u32 s1, $0xE0;
	[smem:$0x7D0] =	sst s0  }
0xb7: {  	s0 =	sadd.s32 $0xC000, s14;
	[smem:$0x7E9] =	sst s11  }
0xb8: {  	s14 =	sadd.s32 $0xFFFFFFE0, s29;
	[smem:$0x7D2] =	sst s0  }
0xb9: {  	s0 =	sshra.s32 s21, $0x2;
	[smem:$0x7DE] =	sst s14;
	s21 =	smin.u32 s1, $0x40  }
0xba: {  	s14 =	sadd.s32 $0xFFFFFFC0, s23;
	s23 =	smin.u32 s1, $0x100;
	[smem:$0x7DF] =	sst s21  }
0xbb: {  	s4 =	sshra.s32 s4, $0x2;
	s0 =	sadd.s32 $0xC000, s0;
	[smem:$0x7EB] =	sst s23  }
0xbc: {  	s31 =	sadd.s32 $0xFFFFFFE0, s21;
	s21 =	sadd.s32 $0xFFFFFF20, s19;
	[smem:$0x7D5] =	sst s0  }
0xbd: {  	s8 =	smin.u32 s1, $0x1A0;
	s0 =	sadd.s32 $0x10000, s4;
	[smem:$0x7EA] =	sst s21  }
0xbe: {  	s4 =	smin.u32 s1, $0x80;
	[smem:$0x7D7] =	sst s0;
	s0 =	sadd.s32 $0xFFFFFFC0, s5  }
0xbf: {  	s5 =	sshra.s32 s7, $0x2;
	s7 =	smin.u32 s1, $0xA0;
	[smem:$0x7E3] =	sst s4  }
0xc0: {  	s6 =	sshra.s32 s0, $0x2;
	s0 =	sadd.s32 $0xFFFFFE80, s8;
	s8 =	rddreg [dreg:$0x6]  }
0xc1: {  	[smem:$0x7E5] =	sst s7  }
0xc2: {  	s29 =	sadd.s32 $0xFFFFFF80, s7;
	[smem:$0x7FA] =	sst s5  }
0xc3: {  	s7 =	sadd.s32 $0xFFFFFF60, s10;
	s10 =	sadd.s32 $0xFFFFFEE0, s20;
	[smem:$0x7DB] =	sst s0  }
0xc4: {  	[smem:$0x7EE] =	sst s10  }
0xc5: {  	s20 =	smul.u32 s25, s26;
	s0 =	sadd.s32 $0xFFFFFFA0, s3;
	[smem:$0x7FC] =	sst s6  }
0xc6: {  	[smem:$0x7E2] =	sst s0  }
0xc7: {  	s19 =	sadd.s32 $0xFFFFFF20, s23;
	s23 =	sadd.s32 $0x14000, s6;
	[smem:$0x7F2] =	sst s20  }
0xc8: {  	s3 =	sadd.s32 $0x4000, s5;
	[smem:$0x7F4] =	sst s23  }
0xc9: {  	s10 =	sadd.s32 $0x8000, s5;
	[smem:$0x7F5] =	sst s3  }
0xca: {  	p5 =	seq.s32 s25, $0x0;
	s0 =	sadd.s32 $0xFFFFFF80, s8;
	[smem:$0x7F7] =	sst s10  }
0xcb: {  	s8 =	sadd.s32 $0xFFFFFF40, s11;
	s11 =	smin.u32 s1, $0x140;
	[smem:$0x7E4] =	sst s0  }
0xcc: {  	p6 =	seq.s32 s26, $0x0;
	s20 =	sadd.s32 $0xFFFFFE20, s1;
	[smem:$0x7EF] =	sst s11  }
0xcd: {  	p0 =	por p5, p6;
	s23 =	sadd.s32 $0xC000, s6;
	[smem:$0x7F9] =	sst s20  }
0xce: {  	s30 =	simm.s32 $0xC000;
	s0 =	sadd.s32 $0xFFFFFF60, s9;
	[smem:$0x7FD] =	sst s23  }
0xcf: {  	s21 =	sadd.s32 $0xFFFFFF00, s24;
	s9 =	sadd.s32 $0xFFFFFF00, s18;
	[smem:$0x7E6] =	sst s0  }
0xd0: {  	s4 =	sadd.s32 $0xFFFFFFA0, s4;
	s18 =	sadd.s32 $0xFFFFFEC0, s22;
	[smem:$0x7EC] =	sst s9  }
0xd1: {  	s3 =	simm.s32 $0xD;
	s22 =	sadd.s32 $0x14000, s5;
	[smem:$0x7F0] =	sst s18  }
0xd2: {  	s24 =	sadd.s32 $0xFFFFFEE0, s11;
	s0 =	sadd.s32 $0xFFFFFF40, s12;
	[smem:$0x7F3] =	sst s22  }
0xd3: {  	s23 =	simm.s32 $0x8000;
	s12 =	smin.u32 s1, $0x160;
	[smem:$0x7E8] =	sst s0  }
.Ltmp0:
0xd4: {  	s9 =	sadd.s32 $0x4000, s6;
	[smem:$0x7F1] =	sst s12;
	(pc) =	sbr.rel .LBB2_1-.Ltmp0, $4  }
0xd5: {  	s20 =	simm.s32 $0x0;
	s18 =	sadd.s32 $0x8000, s6;
	[smem:$0x7F6] =	sst s9  }
0xd6: {  	s22 =	sadd.s32 $0xC000, s5;
	s6 =	simm.s32 $0x18000;
	[smem:$0x7F8] =	sst s18  }
0xd7: {  	s11 =	sadd.s32 $0xFFFFFEC0, s12;
	s12 =	sadd.s32 $0xFFFFFFC0, s1;
	[smem:$0x7FB] =	sst s22  }
0xd8: {  	v0 =	vimm.f32 $0.0e+00;
	s18 =	simm.s32 $0x4000;
	s9 =	simm.s32 $0x20;
	s0 =	simm.s32 $0x200  }
.LBB2_66:
0xd9: {  	[sflag:s3] =	ssyncadd.s32 $0xFFFFF800  }
.LBB2_67:
0xda: {  	s5 =	sld [smem:$0x7B2];
	_ =	sdelay $0x1  }
0xdb: {  	s20 =	sadd.s32 $0x1, s20  }
0xdc: {  	p1 =	sne.s32 s20, s5  }
.Ltmp1:
0xdd: {  	_ = 	snop;
	(pc) =	sbr.rel @!p1 .LBB2_68-.Ltmp1, $1  }
0xde: {  	_ =	sdelay $0x3  }
.LBB2_1:
0xdf: {  	[tilespmem:$0x18000] =	vst v0  }
0xe0: {  	[tilespmem:$0x18010] =	vst v0  }
0xe1: {  	[tilespmem:$0x18020] =	vst v0  }
0xe2: {  	[tilespmem:$0x18030] =	vst v0  }
0xe3: {  	[tilespmem:$0x18040] =	vst v0  }
0xe4: {  	[tilespmem:$0x18050] =	vst v0  }
0xe5: {  	[tilespmem:$0x18060] =	vst v0  }
0xe6: {  	[tilespmem:$0x18070] =	vst v0  }
0xe7: {  	[tilespmem:$0x18080] =	vst v0  }
0xe8: {  	[tilespmem:$0x18090] =	vst v0  }
0xe9: {  	[tilespmem:$0x180A0] =	vst v0  }
0xea: {  	[tilespmem:$0x180B0] =	vst v0  }
0xeb: {  	[tilespmem:$0x180C0] =	vst v0  }
0xec: {  	[tilespmem:$0x180D0] =	vst v0  }
0xed: {  	[tilespmem:$0x180E0] =	vst v0  }
0xee: {  	[tilespmem:$0x180F0] =	vst v0  }
0xef: {  	[tilespmem:$0x18100] =	vst v0  }
0xf0: {  	[tilespmem:$0x18110] =	vst v0  }
0xf1: {  	[tilespmem:$0x18120] =	vst v0  }
0xf2: {  	[tilespmem:$0x18130] =	vst v0  }
0xf3: {  	[tilespmem:$0x18140] =	vst v0  }
0xf4: {  	[tilespmem:$0x18150] =	vst v0  }
0xf5: {  	[tilespmem:$0x18160] =	vst v0  }
0xf6: {  	[tilespmem:$0x18170] =	vst v0  }
0xf7: {  	[tilespmem:$0x18180] =	vst v0  }
0xf8: {  	[tilespmem:$0x18190] =	vst v0  }
0xf9: {  	[tilespmem:$0x181A0] =	vst v0  }
0xfa: {  	[tilespmem:$0x181B0] =	vst v0  }
0xfb: {  	[tilespmem:$0x181C0] =	vst v0  }
0xfc: {  	[tilespmem:$0x181D0] =	vst v0  }
0xfd: {  	[tilespmem:$0x181E0] =	vst v0  }
0xfe: {  	[tilespmem:$0x181F0] =	vst v0  }
0xff: {  	[tilespmem:$0x18200] =	vst v0  }
0x100: {  	[tilespmem:$0x18210] =	vst v0  }
0x101: {  	[tilespmem:$0x18220] =	vst v0  }
0x102: {  	[tilespmem:$0x18230] =	vst v0  }
0x103: {  	[tilespmem:$0x18240] =	vst v0  }
0x104: {  	[tilespmem:$0x18250] =	vst v0  }
0x105: {  	[tilespmem:$0x18260] =	vst v0  }
0x106: {  	[tilespmem:$0x18270] =	vst v0  }
0x107: {  	[tilespmem:$0x18280] =	vst v0  }
0x108: {  	[tilespmem:$0x18290] =	vst v0  }
0x109: {  	[tilespmem:$0x182A0] =	vst v0  }
0x10a: {  	[tilespmem:$0x182B0] =	vst v0  }
0x10b: {  	[tilespmem:$0x182C0] =	vst v0  }
0x10c: {  	[tilespmem:$0x182D0] =	vst v0  }
0x10d: {  	[tilespmem:$0x182E0] =	vst v0  }
0x10e: {  	[tilespmem:$0x182F0] =	vst v0  }
0x10f: {  	[tilespmem:$0x18300] =	vst v0  }
0x110: {  	[tilespmem:$0x18310] =	vst v0  }
0x111: {  	[tilespmem:$0x18320] =	vst v0  }
0x112: {  	[tilespmem:$0x18330] =	vst v0  }
0x113: {  	[tilespmem:$0x18340] =	vst v0  }
0x114: {  	[tilespmem:$0x18350] =	vst v0  }
0x115: {  	[tilespmem:$0x18360] =	vst v0  }
0x116: {  	[tilespmem:$0x18370] =	vst v0  }
0x117: {  	[tilespmem:$0x18380] =	vst v0  }
0x118: {  	[tilespmem:$0x18390] =	vst v0  }
0x119: {  	[tilespmem:$0x183A0] =	vst v0  }
0x11a: {  	[tilespmem:$0x183B0] =	vst v0  }
0x11b: {  	[tilespmem:$0x183C0] =	vst v0  }
0x11c: {  	[tilespmem:$0x183D0] =	vst v0  }
0x11d: {  	[tilespmem:$0x183E0] =	vst v0  }
0x11e: {  	[tilespmem:$0x183F0] =	vst v0  }
0x11f: {  	[tilespmem:$0x18400] =	vst v0  }
0x120: {  	[tilespmem:$0x18410] =	vst v0  }
0x121: {  	[tilespmem:$0x18420] =	vst v0  }
0x122: {  	[tilespmem:$0x18430] =	vst v0  }
0x123: {  	[tilespmem:$0x18440] =	vst v0  }
0x124: {  	[tilespmem:$0x18450] =	vst v0  }
0x125: {  	[tilespmem:$0x18460] =	vst v0  }
0x126: {  	[tilespmem:$0x18470] =	vst v0  }
0x127: {  	[tilespmem:$0x18480] =	vst v0  }
0x128: {  	[tilespmem:$0x18490] =	vst v0  }
0x129: {  	[tilespmem:$0x184A0] =	vst v0  }
0x12a: {  	[tilespmem:$0x184B0] =	vst v0  }
0x12b: {  	[tilespmem:$0x184C0] =	vst v0  }
0x12c: {  	[tilespmem:$0x184D0] =	vst v0  }
0x12d: {  	[tilespmem:$0x184E0] =	vst v0  }
0x12e: {  	[tilespmem:$0x184F0] =	vst v0  }
0x12f: {  	[tilespmem:$0x18500] =	vst v0  }
0x130: {  	[tilespmem:$0x18510] =	vst v0  }
0x131: {  	[tilespmem:$0x18520] =	vst v0  }
0x132: {  	[tilespmem:$0x18530] =	vst v0  }
0x133: {  	[tilespmem:$0x18540] =	vst v0  }
0x134: {  	[tilespmem:$0x18550] =	vst v0  }
0x135: {  	[tilespmem:$0x18560] =	vst v0  }
0x136: {  	[tilespmem:$0x18570] =	vst v0  }
0x137: {  	[tilespmem:$0x18580] =	vst v0  }
0x138: {  	[tilespmem:$0x18590] =	vst v0  }
0x139: {  	[tilespmem:$0x185A0] =	vst v0  }
0x13a: {  	[tilespmem:$0x185B0] =	vst v0  }
0x13b: {  	[tilespmem:$0x185C0] =	vst v0  }
0x13c: {  	[tilespmem:$0x185D0] =	vst v0  }
0x13d: {  	[tilespmem:$0x185E0] =	vst v0  }
0x13e: {  	[tilespmem:$0x185F0] =	vst v0  }
0x13f: {  	[tilespmem:$0x18600] =	vst v0  }
0x140: {  	[tilespmem:$0x18610] =	vst v0  }
0x141: {  	[tilespmem:$0x18620] =	vst v0  }
0x142: {  	[tilespmem:$0x18630] =	vst v0  }
0x143: {  	[tilespmem:$0x18640] =	vst v0  }
0x144: {  	[tilespmem:$0x18650] =	vst v0  }
0x145: {  	[tilespmem:$0x18660] =	vst v0  }
0x146: {  	[tilespmem:$0x18670] =	vst v0  }
0x147: {  	[tilespmem:$0x18680] =	vst v0  }
0x148: {  	[tilespmem:$0x18690] =	vst v0  }
0x149: {  	[tilespmem:$0x186A0] =	vst v0  }
0x14a: {  	[tilespmem:$0x186B0] =	vst v0  }
0x14b: {  	[tilespmem:$0x186C0] =	vst v0  }
0x14c: {  	[tilespmem:$0x186D0] =	vst v0  }
0x14d: {  	[tilespmem:$0x186E0] =	vst v0  }
0x14e: {  	[tilespmem:$0x186F0] =	vst v0  }
0x14f: {  	[tilespmem:$0x18700] =	vst v0  }
0x150: {  	[tilespmem:$0x18710] =	vst v0  }
0x151: {  	[tilespmem:$0x18720] =	vst v0  }
0x152: {  	[tilespmem:$0x18730] =	vst v0  }
0x153: {  	[tilespmem:$0x18740] =	vst v0  }
0x154: {  	[tilespmem:$0x18750] =	vst v0  }
0x155: {  	[tilespmem:$0x18760] =	vst v0  }
0x156: {  	[tilespmem:$0x18770] =	vst v0  }
0x157: {  	[tilespmem:$0x18780] =	vst v0  }
0x158: {  	[tilespmem:$0x18790] =	vst v0  }
0x159: {  	[tilespmem:$0x187A0] =	vst v0  }
0x15a: {  	[tilespmem:$0x187B0] =	vst v0  }
0x15b: {  	[tilespmem:$0x187C0] =	vst v0  }
0x15c: {  	[tilespmem:$0x187D0] =	vst v0  }
0x15d: {  	[tilespmem:$0x187E0] =	vst v0  }
0x15e: {  	[tilespmem:$0x187F0] =	vst v0;
	s5 =	rddreg [dreg:$0x1f]  }
0x15f: {  	[tilespmem:s13], [sflag:$0x1] =	stream.linear.gather [hbm4b:s5+s13], $0x4000, $0x38;
	[tilespmem:$0x18800] =	vst v63  }
0x160: {  	s22 =	rddreg [dreg:$0xd]  }
0x161: {  	[tilespmem:s18], [sflag:$0x2] =	stream.linear.gather [hbm4b:s22+s13], $0x4000, $0x38;
	[tilespmem:$0x18800] =	vst v63  }
0x162: {  	s10 =	rddreg [dreg:$0xf]  }
0x163: {  	[tilespmem:s23], [sflag:$0x3] =	stream.linear.gather [hbm4b:s10+s13], $0x4000, $0x38;
	[tilespmem:$0x18800] =	vst v63  }
0x164: {  	s22 =	rddreg [dreg:$0x11]  }
0x165: {  	[tilespmem:s30], [sflag:$0x4] =	stream.linear.gather [hbm4b:s22+s13], $0x4000, $0x38;
	[tilespmem:$0x18800] =	vst v63  }
0x166: {  	s10 =	simm.s32 $0x10000;
	s30 =	rddreg [dreg:$0x13]  }
0x167: {  	[tilespmem:s10], [sflag:$0x5] =	stream.linear.gather [hbm4b:s30+s13], $0x4000, $0x38;
	[tilespmem:$0x18800] =	vst v63  }
0x168: {  	s22 =	rddreg [dreg:$0x15];
	s30 =	simm.s32 $0x14000  }
0x169: {  	[tilespmem:s30], [sflag:$0x6] =	stream.linear.gather [hbm4b:s22+s13], $0x4000, $0x38;
	[tilespmem:$0x18800] =	vst v63  }
0x16a: {  	s22 =	simm.s32 $0x1  }
0x16b: {  	_ =	swait.ge [sflag:s22], $0x4000  }
0x16c: {  	s30 =	sld [smem:$0x7B3];
	_ =	sdelay $0x2  }
0x16d: {  	p1 =	sge.u32 s2, s30  }
.Ltmp2:
0x16e: {  	_ = 	snop;
	(pc) =	sbr.rel @p1 .LBB2_4-.Ltmp2, $3  }
0x16f: {  	_ =	sdelay $0x1  }
0x170: {  	[sflag:s22] =	ssyncset.done $0x0  }
0x171: {  	[sflag:s22] =	ssyncadd.s32 $0xFFFFC000  }
0x172: {  	s5 =	sld [smem:$0x7B4];
	_ =	sdelay $0x2  }
0x173: {  	p1 =	sne.s32 s5, $0x1  }
.Ltmp3:
0x174: {  	s10 =	sld [smem:$0x7B6];
	(pc) =	sbr.rel @!p1 .LBB2_4-.Ltmp3, $3  }
0x175: {  	s22 =	sld [smem:$0x7B8];
	_ =	sdelay $0x1  }
0x176: {  	[tilespmem:s10+$0x0] =	vst v0  }
0x177: {  	s5 =	sadd.s32 $0xFFFFFFFF, s5;
	s10 =	sadd.s32 $0x200, s10;
	[tilespmem:s22+$0x0] =	vst v0  }
.LBB2_3:
0x178: {  	[tilespmem:s10+$0x0] =	vst v0;
	s22 =	sadd.s32 $0x200, s22;
	p1 =	sne.s32 s5, $0x1  }
.Ltmp4:
0x179: {  	s5 =	sadd.s32 $0xFFFFFFFF, s5;
	[tilespmem:s22+$0x0] =	vst v0;
	(pc) =	sbr.rel @p1 .LBB2_3-.Ltmp4, $2  }
0x17a: {  	_ =	sdelay $0x2  }
0x17b: {  	s10 =	sadd.s32 $0x200, s10  }
.LBB2_4:
0x17c: {  	s5 =	sld [smem:$0x7A4];
	_ =	sdelay $0x1  }
0x17d: {  	s10 =	simm.s32 $0x7  }
0x17e: {  	[hbm4b:s5+s13] =	stream.linear.scatter [tilespmem:s13], [sflag:$0x7], $0x4000, $0x38;
	[tilespmem:$0x18800] =	vst v63  }
0x17f: {  	_ =	swait.ge [sflag:s10], $0x4000  }
0x180: {  	[sflag:s10] =	ssyncset.done $0x0  }
0x181: {  	s22 =	rddreg [dreg:$0x17];
	[sflag:s10] =	ssyncadd.s32 $0xFFFFC000  }
0x182: {  	[tilespmem:s13], [sflag:$0x1] =	stream.linear.gather [hbm4b:s22+s13], $0x4000, $0x38;
	[tilespmem:$0x18800] =	vst v63  }
0x183: {  	s22 =	simm.s32 $0x2  }
0x184: {  	_ =	swait.ge [sflag:s22], $0x4000  }
0x185: {  	s10 =	sld [smem:$0x7DF];
	_ =	sdelay $0x1  }
0x186: {  	s30 =	rddreg [dreg:$0x3]  }
0x187: {  	p1 =	sge.u32 s30, s10  }
.Ltmp5:
0x188: {  	_ = 	snop;
	(pc) =	sbr.rel @p1 .LBB2_8-.Ltmp5, $3  }
0x189: {  	_ =	sdelay $0x1  }
0x18a: {  	[sflag:s22] =	ssyncset.done $0x0  }
0x18b: {  	[sflag:s22] =	ssyncadd.s32 $0xFFFFC000  }
0x18c: {  	s5 =	sld [smem:$0x7DE];
	_ =	sdelay $0x2  }
0x18d: {  	s10 =	sadd.s32 $0x1, s5  }
0x18e: {  	p1 =	slt.s32 s10, s31  }
.Ltmp6:
0x18f: {  	_ = 	snop;
	(pc) =	sbr.rel @!p1 .LBB2_7-.Ltmp6, $3  }
0x190: {  	s22 =	sld [smem:$0x7B9];
	_ =	sdelay $0x1  }
0x191: {  	s5 =	sld [smem:$0x7BB]  }
0x192: {  	[tilespmem:s22+$0x0] =	vst v0  }
.LBB2_6:
0x193: {  	s10 =	sadd.s32 $0x1, s10  }
0x194: {  	[tilespmem:s5+$0x0] =	vst v0;
	s22 =	sadd.s32 $0x200, s22;
	s5 =	sadd.s32 $0x200, s5;
	p1 =	slt.s32 s10, s31  }
.Ltmp7:
0x195: {  	(pc) =	sbr.rel @p1 .LBB2_6-.Ltmp7, $2  }
0x196: {  	_ =	sdelay $0x2  }
0x197: {  	[tilespmem:s22+$0x0] =	vst v0  }
.LBB2_7:
0x198: {  	_ = 	snop  }
0x199: {  	[tilespmem:s5+$0x0] =	vst v0  }
.LBB2_8:
0x19a: {  	s5 =	rddreg [dreg:$0xe];
	s10 =	simm.s32 $0x8  }
0x19b: {  	[hbm4b:s5+s13] =	stream.linear.scatter [tilespmem:s18], [sflag:$0x8], $0x4000, $0x38;
	[tilespmem:$0x18800] =	vst v63  }
0x19c: {  	_ =	swait.ge [sflag:s10], $0x4000  }
0x19d: {  	[sflag:s10] =	ssyncset.done $0x0  }
0x19e: {  	s22 =	rddreg [dreg:$0x19];
	[sflag:s10] =	ssyncadd.s32 $0xFFFFC000  }
0x19f: {  	[tilespmem:s18], [sflag:$0x2] =	stream.linear.gather [hbm4b:s22+s13], $0x4000, $0x38;
	[tilespmem:$0x18800] =	vst v63  }
0x1a0: {  	s22 =	simm.s32 $0x3  }
0x1a1: {  	_ =	swait.ge [sflag:s22], $0x4000  }
0x1a2: {  	s10 =	sld [smem:$0x7E1];
	_ =	sdelay $0x1  }
0x1a3: {  	s30 =	rddreg [dreg:$0x4]  }
0x1a4: {  	p1 =	sge.u32 s30, s10  }
.Ltmp8:
0x1a5: {  	_ = 	snop;
	(pc) =	sbr.rel @p1 .LBB2_12-.Ltmp8, $3  }
0x1a6: {  	_ =	sdelay $0x1  }
0x1a7: {  	[sflag:s22] =	ssyncset.done $0x0  }
0x1a8: {  	[sflag:s22] =	ssyncadd.s32 $0xFFFFC000  }
0x1a9: {  	s5 =	sld [smem:$0x7E0];
	_ =	sdelay $0x2  }
0x1aa: {  	s10 =	sadd.s32 $0x1, s5  }
0x1ab: {  	p1 =	slt.s32 s10, s14  }
.Ltmp9:
0x1ac: {  	_ = 	snop;
	(pc) =	sbr.rel @!p1 .LBB2_11-.Ltmp9, $3  }
0x1ad: {  	s22 =	sld [smem:$0x7BC];
	_ =	sdelay $0x1  }
0x1ae: {  	s5 =	sld [smem:$0x7BE]  }
0x1af: {  	[tilespmem:s22+$0x0] =	vst v0  }
.LBB2_10:
0x1b0: {  	s10 =	sadd.s32 $0x1, s10  }
0x1b1: {  	[tilespmem:s5+$0x0] =	vst v0;
	s22 =	sadd.s32 $0x200, s22;
	s5 =	sadd.s32 $0x200, s5;
	p1 =	slt.s32 s10, s14  }
.Ltmp10:
0x1b2: {  	(pc) =	sbr.rel @p1 .LBB2_10-.Ltmp10, $2  }
0x1b3: {  	_ =	sdelay $0x2  }
0x1b4: {  	[tilespmem:s22+$0x0] =	vst v0  }
.LBB2_11:
0x1b5: {  	_ = 	snop  }
0x1b6: {  	[tilespmem:s5+$0x0] =	vst v0  }
.LBB2_12:
0x1b7: {  	s5 =	rddreg [dreg:$0x10];
	s10 =	simm.s32 $0x9  }
0x1b8: {  	[hbm4b:s5+s13] =	stream.linear.scatter [tilespmem:s23], [sflag:$0x9], $0x4000, $0x38;
	[tilespmem:$0x18800] =	vst v63  }
0x1b9: {  	_ =	swait.ge [sflag:s10], $0x4000  }
0x1ba: {  	[sflag:s10] =	ssyncset.done $0x0  }
0x1bb: {  	s22 =	rddreg [dreg:$0x1b];
	[sflag:s10] =	ssyncadd.s32 $0xFFFFC000  }
0x1bc: {  	[tilespmem:s23], [sflag:$0x3] =	stream.linear.gather [hbm4b:s22+s13], $0x4000, $0x38;
	[tilespmem:$0x18800] =	vst v63  }
0x1bd: {  	s22 =	simm.s32 $0x4  }
0x1be: {  	_ =	swait.ge [sflag:s22], $0x4000  }
0x1bf: {  	s10 =	sld [smem:$0x7E3];
	_ =	sdelay $0x1  }
0x1c0: {  	s30 =	rddreg [dreg:$0x5]  }
0x1c1: {  	p1 =	sge.u32 s30, s10  }
.Ltmp11:
0x1c2: {  	_ = 	snop;
	(pc) =	sbr.rel @p1 .LBB2_16-.Ltmp11, $3  }
0x1c3: {  	_ =	sdelay $0x1  }
0x1c4: {  	[sflag:s22] =	ssyncset.done $0x0  }
0x1c5: {  	[sflag:s22] =	ssyncadd.s32 $0xFFFFC000  }
0x1c6: {  	s5 =	sld [smem:$0x7E2];
	_ =	sdelay $0x2  }
0x1c7: {  	s10 =	sadd.s32 $0x1, s5  }
0x1c8: {  	p1 =	slt.s32 s10, s4  }
.Ltmp12:
0x1c9: {  	_ = 	snop;
	(pc) =	sbr.rel @!p1 .LBB2_15-.Ltmp12, $3  }
0x1ca: {  	s22 =	sld [smem:$0x7BF];
	_ =	sdelay $0x1  }
0x1cb: {  	s5 =	sld [smem:$0x7C1]  }
0x1cc: {  	[tilespmem:s22+$0x0] =	vst v0  }
.LBB2_14:
0x1cd: {  	s10 =	sadd.s32 $0x1, s10  }
0x1ce: {  	[tilespmem:s5+$0x0] =	vst v0;
	s22 =	sadd.s32 $0x200, s22;
	s5 =	sadd.s32 $0x200, s5;
	p1 =	slt.s32 s10, s4  }
.Ltmp13:
0x1cf: {  	(pc) =	sbr.rel @p1 .LBB2_14-.Ltmp13, $2  }
0x1d0: {  	_ =	sdelay $0x2  }
0x1d1: {  	[tilespmem:s22+$0x0] =	vst v0  }
.LBB2_15:
0x1d2: {  	_ = 	snop  }
0x1d3: {  	[tilespmem:s5+$0x0] =	vst v0  }
.LBB2_16:
0x1d4: {  	s5 =	rddreg [dreg:$0x12];
	s10 =	simm.s32 $0xC000;
	s22 =	simm.s32 $0xA  }
0x1d5: {  	[hbm4b:s5+s13] =	stream.linear.scatter [tilespmem:s10], [sflag:$0xA], $0x4000, $0x38;
	[tilespmem:$0x18800] =	vst v63  }
0x1d6: {  	_ =	swait.ge [sflag:s22], $0x4000  }
0x1d7: {  	[sflag:s22] =	ssyncset.done $0x0  }
0x1d8: {  	s30 =	rddreg [dreg:$0x1d];
	[sflag:s22] =	ssyncadd.s32 $0xFFFFC000;
	s22 =	simm.s32 $0x5  }
0x1d9: {  	[tilespmem:s10], [sflag:$0x4] =	stream.linear.gather [hbm4b:s30+s13], $0x4000, $0x38;
	[tilespmem:$0x18800] =	vst v63  }
0x1da: {  	_ =	swait.ge [sflag:s22], $0x4000  }
0x1db: {  	s30 =	sld [smem:$0x7E5];
	_ =	sdelay $0x1  }
0x1dc: {  	s10 =	rddreg [dreg:$0x6]  }
0x1dd: {  	p1 =	sge.u32 s10, s30  }
.Ltmp14:
0x1de: {  	_ = 	snop;
	(pc) =	sbr.rel @p1 .LBB2_20-.Ltmp14, $3  }
0x1df: {  	_ =	sdelay $0x1  }
0x1e0: {  	[sflag:s22] =	ssyncset.done $0x0  }
0x1e1: {  	[sflag:s22] =	ssyncadd.s32 $0xFFFFC000  }
0x1e2: {  	s5 =	sld [smem:$0x7E4];
	_ =	sdelay $0x2  }
0x1e3: {  	s10 =	sadd.s32 $0x1, s5  }
0x1e4: {  	p1 =	slt.s32 s10, s29  }
.Ltmp15:
0x1e5: {  	_ = 	snop;
	(pc) =	sbr.rel @!p1 .LBB2_19-.Ltmp15, $3  }
0x1e6: {  	s22 =	sld [smem:$0x7C2];
	_ =	sdelay $0x1  }
0x1e7: {  	s5 =	sld [smem:$0x7C4]  }
0x1e8: {  	[tilespmem:s22+$0x0] =	vst v0  }
.LBB2_18:
0x1e9: {  	s10 =	sadd.s32 $0x1, s10  }
0x1ea: {  	[tilespmem:s5+$0x0] =	vst v0;
	s22 =	sadd.s32 $0x200, s22;
	s5 =	sadd.s32 $0x200, s5;
	p1 =	slt.s32 s10, s29  }
.Ltmp16:
0x1eb: {  	(pc) =	sbr.rel @p1 .LBB2_18-.Ltmp16, $2  }
0x1ec: {  	_ =	sdelay $0x2  }
0x1ed: {  	[tilespmem:s22+$0x0] =	vst v0  }
.LBB2_19:
0x1ee: {  	_ = 	snop  }
0x1ef: {  	[tilespmem:s5+$0x0] =	vst v0  }
.LBB2_20:
0x1f0: {  	s5 =	rddreg [dreg:$0x14];
	s10 =	simm.s32 $0x10000;
	s22 =	simm.s32 $0xB  }
0x1f1: {  	[hbm4b:s5+s13] =	stream.linear.scatter [tilespmem:s10], [sflag:$0xB], $0x4000, $0x38;
	[tilespmem:$0x18800] =	vst v63  }
0x1f2: {  	_ =	swait.ge [sflag:s22], $0x4000  }
0x1f3: {  	s30 =	sld [smem:$0x7A5]  }
0x1f4: {  	[sflag:s22] =	ssyncset.done $0x0  }
0x1f5: {  	[sflag:s22] =	ssyncadd.s32 $0xFFFFC000;
	s22 =	simm.s32 $0x6  }
0x1f6: {  	[tilespmem:s10], [sflag:$0x5] =	stream.linear.gather [hbm4b:s30+s13], $0x4000, $0x38;
	[tilespmem:$0x18800] =	vst v63  }
0x1f7: {  	_ =	swait.ge [sflag:s22], $0x4000  }
0x1f8: {  	s30 =	sld [smem:$0x7E7];
	_ =	sdelay $0x1  }
0x1f9: {  	s10 =	rddreg [dreg:$0x7]  }
0x1fa: {  	p1 =	sge.u32 s10, s30  }
.Ltmp17:
0x1fb: {  	_ = 	snop;
	(pc) =	sbr.rel @p1 .LBB2_24-.Ltmp17, $3  }
0x1fc: {  	_ =	sdelay $0x1  }
0x1fd: {  	[sflag:s22] =	ssyncset.done $0x0  }
0x1fe: {  	[sflag:s22] =	ssyncadd.s32 $0xFFFFC000  }
0x1ff: {  	s5 =	sld [smem:$0x7E6];
	_ =	sdelay $0x2  }
0x200: {  	s10 =	sadd.s32 $0x1, s5  }
0x201: {  	p1 =	slt.s32 s10, s7  }
.Ltmp18:
0x202: {  	_ = 	snop;
	(pc) =	sbr.rel @!p1 .LBB2_23-.Ltmp18, $3  }
0x203: {  	s22 =	sld [smem:$0x7C5];
	_ =	sdelay $0x1  }
0x204: {  	s5 =	sld [smem:$0x7C7]  }
0x205: {  	[tilespmem:s22+$0x0] =	vst v0  }
.LBB2_22:
0x206: {  	s10 =	sadd.s32 $0x1, s10  }
0x207: {  	[tilespmem:s5+$0x0] =	vst v0;
	s22 =	sadd.s32 $0x200, s22;
	s5 =	sadd.s32 $0x200, s5;
	p1 =	slt.s32 s10, s7  }
.Ltmp19:
0x208: {  	(pc) =	sbr.rel @p1 .LBB2_22-.Ltmp19, $2  }
0x209: {  	_ =	sdelay $0x2  }
0x20a: {  	[tilespmem:s22+$0x0] =	vst v0  }
.LBB2_23:
0x20b: {  	_ = 	snop  }
0x20c: {  	[tilespmem:s5+$0x0] =	vst v0  }
.LBB2_24:
0x20d: {  	s5 =	rddreg [dreg:$0x16];
	s10 =	simm.s32 $0x14000;
	s22 =	simm.s32 $0xC  }
0x20e: {  	[hbm4b:s5+s13] =	stream.linear.scatter [tilespmem:s10], [sflag:$0xC], $0x4000, $0x38;
	[tilespmem:$0x18800] =	vst v63  }
0x20f: {  	_ =	swait.ge [sflag:s22], $0x4000  }
0x210: {  	s30 =	sld [smem:$0x7A6]  }
0x211: {  	[sflag:s22] =	ssyncset.done $0x0  }
0x212: {  	[sflag:s22] =	ssyncadd.s32 $0xFFFFC000;
	s22 =	simm.s32 $0x1  }
0x213: {  	[tilespmem:s10], [sflag:$0x6] =	stream.linear.gather [hbm4b:s30+s13], $0x4000, $0x38;
	[tilespmem:$0x18800] =	vst v63  }
0x214: {  	_ =	swait.ge [sflag:s22], $0x4000  }
0x215: {  	s30 =	sld [smem:$0x7E9];
	_ =	sdelay $0x1  }
0x216: {  	s10 =	rddreg [dreg:$0x8]  }
0x217: {  	p1 =	sge.u32 s10, s30  }
.Ltmp20:
0x218: {  	_ = 	snop;
	(pc) =	sbr.rel @p1 .LBB2_28-.Ltmp20, $3  }
0x219: {  	_ =	sdelay $0x1  }
0x21a: {  	[sflag:s22] =	ssyncset.done $0x0  }
0x21b: {  	[sflag:s22] =	ssyncadd.s32 $0xFFFFC000  }
0x21c: {  	s5 =	sld [smem:$0x7E8];
	_ =	sdelay $0x2  }
0x21d: {  	s10 =	sadd.s32 $0x1, s5  }
0x21e: {  	p1 =	slt.s32 s10, s8  }
.Ltmp21:
0x21f: {  	_ = 	snop;
	(pc) =	sbr.rel @!p1 .LBB2_27-.Ltmp21, $3  }
0x220: {  	s22 =	sld [smem:$0x7C8];
	_ =	sdelay $0x1  }
0x221: {  	s5 =	sld [smem:$0x7CB]  }
0x222: {  	[tilespmem:s22+$0x0] =	vst v0  }
.LBB2_26:
0x223: {  	s10 =	sadd.s32 $0x1, s10  }
0x224: {  	[tilespmem:s5+$0x0] =	vst v0;
	s22 =	sadd.s32 $0x200, s22;
	s5 =	sadd.s32 $0x200, s5;
	p1 =	slt.s32 s10, s8  }
.Ltmp22:
0x225: {  	(pc) =	sbr.rel @p1 .LBB2_26-.Ltmp22, $2  }
0x226: {  	_ =	sdelay $0x2  }
0x227: {  	[tilespmem:s22+$0x0] =	vst v0  }
.LBB2_27:
0x228: {  	_ = 	snop  }
0x229: {  	[tilespmem:s5+$0x0] =	vst v0  }
.LBB2_28:
0x22a: {  	s5 =	rddreg [dreg:$0x18];
	s10 =	simm.s32 $0x7  }
0x22b: {  	[hbm4b:s5+s13] =	stream.linear.scatter [tilespmem:s13], [sflag:$0x7], $0x4000, $0x38;
	[tilespmem:$0x18800] =	vst v63  }
0x22c: {  	_ =	swait.ge [sflag:s10], $0x4000  }
0x22d: {  	s22 =	sld [smem:$0x7A7]  }
0x22e: {  	[sflag:s10] =	ssyncset.done $0x0  }
0x22f: {  	[sflag:s10] =	ssyncadd.s32 $0xFFFFC000  }
0x230: {  	[tilespmem:s13], [sflag:$0x1] =	stream.linear.gather [hbm4b:s22+s13], $0x4000, $0x38;
	[tilespmem:$0x18800] =	vst v63  }
0x231: {  	s22 =	simm.s32 $0x2  }
0x232: {  	_ =	swait.ge [sflag:s22], $0x4000  }
0x233: {  	s10 =	sld [smem:$0x7EB];
	_ =	sdelay $0x1  }
0x234: {  	s30 =	rddreg [dreg:$0x9]  }
0x235: {  	p1 =	sge.u32 s30, s10  }
.Ltmp23:
0x236: {  	_ = 	snop;
	(pc) =	sbr.rel @p1 .LBB2_32-.Ltmp23, $3  }
0x237: {  	_ =	sdelay $0x1  }
0x238: {  	[sflag:s22] =	ssyncset.done $0x0  }
0x239: {  	[sflag:s22] =	ssyncadd.s32 $0xFFFFC000  }
0x23a: {  	s5 =	sld [smem:$0x7EA];
	_ =	sdelay $0x2  }
0x23b: {  	s10 =	sadd.s32 $0x1, s5  }
0x23c: {  	p1 =	slt.s32 s10, s19  }
.Ltmp24:
0x23d: {  	_ = 	snop;
	(pc) =	sbr.rel @!p1 .LBB2_31-.Ltmp24, $3  }
0x23e: {  	s22 =	sld [smem:$0x7CC];
	_ =	sdelay $0x1  }
0x23f: {  	s5 =	sld [smem:$0x7CD]  }
0x240: {  	[tilespmem:s22+$0x0] =	vst v0  }
.LBB2_30:
0x241: {  	s10 =	sadd.s32 $0x1, s10  }
0x242: {  	[tilespmem:s5+$0x0] =	vst v0;
	s22 =	sadd.s32 $0x200, s22;
	s5 =	sadd.s32 $0x200, s5;
	p1 =	slt.s32 s10, s19  }
.Ltmp25:
0x243: {  	(pc) =	sbr.rel @p1 .LBB2_30-.Ltmp25, $2  }
0x244: {  	_ =	sdelay $0x2  }
0x245: {  	[tilespmem:s22+$0x0] =	vst v0  }
.LBB2_31:
0x246: {  	_ = 	snop  }
0x247: {  	[tilespmem:s5+$0x0] =	vst v0  }
.LBB2_32:
0x248: {  	s5 =	rddreg [dreg:$0x1a];
	s10 =	simm.s32 $0x8  }
0x249: {  	[hbm4b:s5+s13] =	stream.linear.scatter [tilespmem:s18], [sflag:$0x8], $0x4000, $0x38;
	[tilespmem:$0x18800] =	vst v63  }
0x24a: {  	_ =	swait.ge [sflag:s10], $0x4000  }
0x24b: {  	s22 =	sld [smem:$0x7A8]  }
0x24c: {  	[sflag:s10] =	ssyncset.done $0x0  }
0x24d: {  	[sflag:s10] =	ssyncadd.s32 $0xFFFFC000  }
0x24e: {  	[tilespmem:s18], [sflag:$0x2] =	stream.linear.gather [hbm4b:s22+s13], $0x4000, $0x38;
	[tilespmem:$0x18800] =	vst v63  }
0x24f: {  	s22 =	simm.s32 $0x3  }
0x250: {  	_ =	swait.ge [sflag:s22], $0x4000  }
0x251: {  	s10 =	sld [smem:$0x7ED];
	_ =	sdelay $0x1  }
0x252: {  	s30 =	rddreg [dreg:$0xa]  }
0x253: {  	p1 =	sge.u32 s30, s10  }
.Ltmp26:
0x254: {  	_ = 	snop;
	(pc) =	sbr.rel @p1 .LBB2_36-.Ltmp26, $3  }
0x255: {  	_ =	sdelay $0x1  }
0x256: {  	[sflag:s22] =	ssyncset.done $0x0  }
0x257: {  	[sflag:s22] =	ssyncadd.s32 $0xFFFFC000  }
0x258: {  	s5 =	sld [smem:$0x7EC];
	_ =	sdelay $0x2  }
0x259: {  	s10 =	sadd.s32 $0x1, s5  }
0x25a: {  	p1 =	slt.s32 s10, s21  }
.Ltmp27:
0x25b: {  	_ = 	snop;
	(pc) =	sbr.rel @!p1 .LBB2_35-.Ltmp27, $3  }
0x25c: {  	s22 =	sld [smem:$0x7D0];
	_ =	sdelay $0x1  }
0x25d: {  	s5 =	sld [smem:$0x7D1]  }
0x25e: {  	[tilespmem:s22+$0x0] =	vst v0  }
.LBB2_34:
0x25f: {  	s10 =	sadd.s32 $0x1, s10  }
0x260: {  	[tilespmem:s5+$0x0] =	vst v0;
	s22 =	sadd.s32 $0x200, s22;
	s5 =	sadd.s32 $0x200, s5;
	p1 =	slt.s32 s10, s21  }
.Ltmp28:
0x261: {  	(pc) =	sbr.rel @p1 .LBB2_34-.Ltmp28, $2  }
0x262: {  	_ =	sdelay $0x2  }
0x263: {  	[tilespmem:s22+$0x0] =	vst v0  }
.LBB2_35:
0x264: {  	_ = 	snop  }
0x265: {  	[tilespmem:s5+$0x0] =	vst v0  }
.LBB2_36:
0x266: {  	s5 =	rddreg [dreg:$0x1c];
	s10 =	simm.s32 $0x9  }
0x267: {  	[hbm4b:s5+s13] =	stream.linear.scatter [tilespmem:s23], [sflag:$0x9], $0x4000, $0x38;
	[tilespmem:$0x18800] =	vst v63  }
0x268: {  	_ =	swait.ge [sflag:s10], $0x4000  }
0x269: {  	s22 =	sld [smem:$0x7A9]  }
0x26a: {  	[sflag:s10] =	ssyncset.done $0x0  }
0x26b: {  	[sflag:s10] =	ssyncadd.s32 $0xFFFFC000  }
0x26c: {  	[tilespmem:s23], [sflag:$0x3] =	stream.linear.gather [hbm4b:s22+s13], $0x4000, $0x38;
	[tilespmem:$0x18800] =	vst v63  }
0x26d: {  	s22 =	simm.s32 $0x4  }
0x26e: {  	_ =	swait.ge [sflag:s22], $0x4000  }
0x26f: {  	s10 =	sld [smem:$0x7EF];
	_ =	sdelay $0x1  }
0x270: {  	s30 =	rddreg [dreg:$0xb]  }
0x271: {  	p1 =	sge.u32 s30, s10  }
.Ltmp29:
0x272: {  	_ = 	snop;
	(pc) =	sbr.rel @p1 .LBB2_40-.Ltmp29, $3  }
0x273: {  	_ =	sdelay $0x1  }
0x274: {  	[sflag:s22] =	ssyncset.done $0x0  }
0x275: {  	[sflag:s22] =	ssyncadd.s32 $0xFFFFC000  }
0x276: {  	s5 =	sld [smem:$0x7EE];
	_ =	sdelay $0x2  }
0x277: {  	s10 =	sadd.s32 $0x1, s5  }
0x278: {  	p1 =	slt.s32 s10, s24  }
.Ltmp30:
0x279: {  	_ = 	snop;
	(pc) =	sbr.rel @!p1 .LBB2_39-.Ltmp30, $3  }
0x27a: {  	s22 =	sld [smem:$0x7D2];
	_ =	sdelay $0x1  }
0x27b: {  	s5 =	sld [smem:$0x7D5]  }
0x27c: {  	[tilespmem:s22+$0x0] =	vst v0  }
.LBB2_38:
0x27d: {  	s10 =	sadd.s32 $0x1, s10  }
0x27e: {  	[tilespmem:s5+$0x0] =	vst v0;
	s22 =	sadd.s32 $0x200, s22;
	s5 =	sadd.s32 $0x200, s5;
	p1 =	slt.s32 s10, s24  }
.Ltmp31:
0x27f: {  	(pc) =	sbr.rel @p1 .LBB2_38-.Ltmp31, $2  }
0x280: {  	_ =	sdelay $0x2  }
0x281: {  	[tilespmem:s22+$0x0] =	vst v0  }
.LBB2_39:
0x282: {  	_ = 	snop  }
0x283: {  	[tilespmem:s5+$0x0] =	vst v0  }
.LBB2_40:
0x284: {  	s5 =	rddreg [dreg:$0x1e];
	s10 =	simm.s32 $0xC000;
	s22 =	simm.s32 $0xA  }
0x285: {  	[hbm4b:s5+s13] =	stream.linear.scatter [tilespmem:s10], [sflag:$0xA], $0x4000, $0x38;
	[tilespmem:$0x18800] =	vst v63  }
0x286: {  	_ =	swait.ge [sflag:s22], $0x4000  }
0x287: {  	[sflag:s22] =	ssyncset.done $0x0  }
0x288: {  	[sflag:s22] =	ssyncadd.s32 $0xFFFFC000;
	s22 =	sld [smem:$0x7AA];
	_ =	sdelay $0x2  }
0x289: {  	[tilespmem:s10], [sflag:$0x4] =	stream.linear.gather [hbm4b:s22+s13], $0x4000, $0x38;
	[tilespmem:$0x18800] =	vst v63  }
0x28a: {  	s22 =	simm.s32 $0x5  }
0x28b: {  	_ =	swait.ge [sflag:s22], $0x4000  }
0x28c: {  	s10 =	sld [smem:$0x7F1];
	_ =	sdelay $0x1  }
0x28d: {  	s5 =	rddreg [dreg:$0xc]  }
0x28e: {  	p1 =	sge.u32 s5, s10  }
.Ltmp32:
0x28f: {  	_ = 	snop;
	(pc) =	sbr.rel @p1 .LBB2_44-.Ltmp32, $3  }
0x290: {  	_ =	sdelay $0x1  }
0x291: {  	[sflag:s22] =	ssyncset.done $0x0  }
0x292: {  	s30 =	simm.s32 $0xC000;
	[sflag:s22] =	ssyncadd.s32 $0xFFFFC000  }
0x293: {  	s5 =	sld [smem:$0x7F0];
	_ =	sdelay $0x2  }
0x294: {  	s10 =	sadd.s32 $0x1, s5  }
0x295: {  	p1 =	slt.s32 s10, s11  }
.Ltmp33:
0x296: {  	_ = 	snop;
	(pc) =	sbr.rel @!p1 .LBB2_43-.Ltmp33, $3  }
0x297: {  	s22 =	sld [smem:$0x7D6];
	_ =	sdelay $0x1  }
0x298: {  	s5 =	sld [smem:$0x7D7]  }
0x299: {  	[tilespmem:s22+$0x0] =	vst v0  }
.LBB2_42:
0x29a: {  	s10 =	sadd.s32 $0x1, s10  }
0x29b: {  	[tilespmem:s5+$0x0] =	vst v0;
	s22 =	sadd.s32 $0x200, s22;
	s5 =	sadd.s32 $0x200, s5;
	p1 =	slt.s32 s10, s11  }
.Ltmp34:
0x29c: {  	(pc) =	sbr.rel @p1 .LBB2_42-.Ltmp34, $2  }
0x29d: {  	_ =	sdelay $0x2  }
0x29e: {  	[tilespmem:s22+$0x0] =	vst v0  }
.LBB2_43:
0x29f: {  	_ = 	snop  }
0x2a0: {  	[tilespmem:s5+$0x0] =	vst v0  }
.LBB2_44:
0x2a1: {  	s5 =	sld [smem:$0x7AB]  }
0x2a2: {  	p1 =	slt.u32 s1, $0x161  }
.Ltmp35:
0x2a3: {  	s10 =	simm.s32 $0x10000;
	s22 =	simm.s32 $0x6;
	(pc) =	sbr.rel @p1 .LBB2_47-.Ltmp35, $4  }
0x2a4: {  	[hbm4b:s5+s13] =	stream.linear.scatter [tilespmem:s10], [sflag:$0xB], $0x4000, $0x38;
	[tilespmem:$0x18800] =	vst v63  }
0x2a5: {  	_ =	swait.ge [sflag:s22], $0x4000  }
0x2a6: {  	[sflag:s22] =	ssyncset.done $0x0  }
0x2a7: {  	[sflag:s22] =	ssyncadd.s32 $0xFFFFC000  }
0x2a8: {  	s5 =	sld [smem:$0x7D9];
	_ =	sdelay $0x2  }
0x2a9: {  	p1 =	sne.s32 s5, $0x1  }
.Ltmp36:
0x2aa: {  	s10 =	sld [smem:$0x7F3];
	(pc) =	sbr.rel @!p1 .LBB2_47-.Ltmp36, $3  }
0x2ab: {  	s22 =	sld [smem:$0x7F4];
	_ =	sdelay $0x1  }
0x2ac: {  	[tilespmem:s10+$0x0] =	vst v0  }
0x2ad: {  	s5 =	sadd.s32 $0xFFFFFFFF, s5;
	s10 =	sadd.s32 $0x200, s10;
	[tilespmem:s22+$0x0] =	vst v0  }
.LBB2_46:
0x2ae: {  	[tilespmem:s10+$0x0] =	vst v0;
	s22 =	sadd.s32 $0x200, s22;
	p1 =	sne.s32 s5, $0x1  }
.Ltmp37:
0x2af: {  	s5 =	sadd.s32 $0xFFFFFFFF, s5;
	[tilespmem:s22+$0x0] =	vst v0;
	(pc) =	sbr.rel @p1 .LBB2_46-.Ltmp37, $2  }
0x2b0: {  	_ =	sdelay $0x2  }
0x2b1: {  	s10 =	sadd.s32 $0x200, s10  }
.LBB2_47:
0x2b2: {  	s5 =	sld [smem:$0x7AC]  }
0x2b3: {  	p1 =	slt.u32 s1, $0x181  }
.Ltmp38:
0x2b4: {  	s10 =	simm.s32 $0x14000;
	s22 =	simm.s32 $0x1;
	(pc) =	sbr.rel @p1 .LBB2_50-.Ltmp38, $4  }
0x2b5: {  	[hbm4b:s5+s13] =	stream.linear.scatter [tilespmem:s10], [sflag:$0xC], $0x4000, $0x38;
	[tilespmem:$0x18800] =	vst v63  }
0x2b6: {  	_ =	swait.ge [sflag:s22], $0x4000  }
0x2b7: {  	[sflag:s22] =	ssyncset.done $0x0  }
0x2b8: {  	[sflag:s22] =	ssyncadd.s32 $0xFFFFC000  }
0x2b9: {  	s5 =	sld [smem:$0x7DB];
	_ =	sdelay $0x2  }
0x2ba: {  	p1 =	sne.s32 s5, $0x1  }
.Ltmp39:
0x2bb: {  	s10 =	sld [smem:$0x7FA];
	(pc) =	sbr.rel @!p1 .LBB2_50-.Ltmp39, $3  }
0x2bc: {  	s22 =	sld [smem:$0x7FC];
	_ =	sdelay $0x1  }
0x2bd: {  	[tilespmem:s10+$0x0] =	vst v0  }
0x2be: {  	s5 =	sadd.s32 $0xFFFFFFFF, s5;
	s10 =	sadd.s32 $0x200, s10;
	[tilespmem:s22+$0x0] =	vst v0  }
.LBB2_49:
0x2bf: {  	[tilespmem:s10+$0x0] =	vst v0;
	s22 =	sadd.s32 $0x200, s22;
	p1 =	sne.s32 s5, $0x1  }
.Ltmp40:
0x2c0: {  	s5 =	sadd.s32 $0xFFFFFFFF, s5;
	[tilespmem:s22+$0x0] =	vst v0;
	(pc) =	sbr.rel @p1 .LBB2_49-.Ltmp40, $2  }
0x2c1: {  	_ =	sdelay $0x2  }
0x2c2: {  	s10 =	sadd.s32 $0x200, s10  }
.LBB2_50:
0x2c3: {  	s5 =	sld [smem:$0x7AD]  }
0x2c4: {  	p1 =	slt.u32 s1, $0x1A1  }
.Ltmp41:
0x2c5: {  	s22 =	simm.s32 $0x2;
	(pc) =	sbr.rel @p1 .LBB2_53-.Ltmp41, $4  }
0x2c6: {  	[hbm4b:s5+s13] =	stream.linear.scatter [tilespmem:s13], [sflag:$0x7], $0x4000, $0x38;
	[tilespmem:$0x18800] =	vst v63  }
0x2c7: {  	_ =	swait.ge [sflag:s22], $0x4000  }
0x2c8: {  	[sflag:s22] =	ssyncset.done $0x0  }
0x2c9: {  	[sflag:s22] =	ssyncadd.s32 $0xFFFFC000  }
0x2ca: {  	s5 =	sld [smem:$0x7DC];
	_ =	sdelay $0x2  }
0x2cb: {  	p1 =	sne.s32 s5, $0x1  }
.Ltmp42:
0x2cc: {  	s10 =	sld [smem:$0x7F5];
	(pc) =	sbr.rel @!p1 .LBB2_53-.Ltmp42, $3  }
0x2cd: {  	s22 =	sld [smem:$0x7F6];
	_ =	sdelay $0x1  }
0x2ce: {  	[tilespmem:s10+$0x0] =	vst v0  }
0x2cf: {  	s5 =	sadd.s32 $0xFFFFFFFF, s5;
	s10 =	sadd.s32 $0x200, s10;
	[tilespmem:s22+$0x0] =	vst v0  }
.LBB2_52:
0x2d0: {  	[tilespmem:s10+$0x0] =	vst v0;
	s22 =	sadd.s32 $0x200, s22;
	p1 =	sne.s32 s5, $0x1  }
.Ltmp43:
0x2d1: {  	s5 =	sadd.s32 $0xFFFFFFFF, s5;
	[tilespmem:s22+$0x0] =	vst v0;
	(pc) =	sbr.rel @p1 .LBB2_52-.Ltmp43, $2  }
0x2d2: {  	_ =	sdelay $0x2  }
0x2d3: {  	s10 =	sadd.s32 $0x200, s10  }
.LBB2_53:
0x2d4: {  	s5 =	sld [smem:$0x7AE]  }
0x2d5: {  	p1 =	slt.u32 s1, $0x1C1  }
.Ltmp44:
0x2d6: {  	s22 =	simm.s32 $0x3;
	(pc) =	sbr.rel @p1 .LBB2_56-.Ltmp44, $4  }
0x2d7: {  	[hbm4b:s5+s13] =	stream.linear.scatter [tilespmem:s18], [sflag:$0x8], $0x4000, $0x38;
	[tilespmem:$0x18800] =	vst v63  }
0x2d8: {  	_ =	swait.ge [sflag:s22], $0x4000  }
0x2d9: {  	[sflag:s22] =	ssyncset.done $0x0  }
0x2da: {  	[sflag:s22] =	ssyncadd.s32 $0xFFFFC000  }
0x2db: {  	s5 =	sld [smem:$0x7DD];
	_ =	sdelay $0x2  }
0x2dc: {  	p1 =	sne.s32 s5, $0x1  }
.Ltmp45:
0x2dd: {  	s10 =	sld [smem:$0x7F7];
	(pc) =	sbr.rel @!p1 .LBB2_56-.Ltmp45, $3  }
0x2de: {  	s22 =	sld [smem:$0x7F8];
	_ =	sdelay $0x1  }
0x2df: {  	[tilespmem:s10+$0x0] =	vst v0  }
0x2e0: {  	s5 =	sadd.s32 $0xFFFFFFFF, s5;
	s10 =	sadd.s32 $0x200, s10;
	[tilespmem:s22+$0x0] =	vst v0  }
.LBB2_55:
0x2e1: {  	[tilespmem:s10+$0x0] =	vst v0;
	s22 =	sadd.s32 $0x200, s22;
	p1 =	sne.s32 s5, $0x1  }
.Ltmp46:
0x2e2: {  	s5 =	sadd.s32 $0xFFFFFFFF, s5;
	[tilespmem:s22+$0x0] =	vst v0;
	(pc) =	sbr.rel @p1 .LBB2_55-.Ltmp46, $2  }
0x2e3: {  	_ =	sdelay $0x2  }
0x2e4: {  	s10 =	sadd.s32 $0x200, s10  }
.LBB2_56:
0x2e5: {  	s5 =	sld [smem:$0x7AF];
	_ =	sdelay $0x1  }
0x2e6: {  	p1 =	slt.u32 s1, $0x1E1  }
0x2e7: {  	[hbm4b:s5+s13] =	stream.linear.scatter [tilespmem:s23], [sflag:$0x9], $0x4000, $0x38;
	[tilespmem:$0x18800] =	vst v63  }
.Ltmp47:
0x2e8: {  	_ = 	snop;
	(pc) =	sbr.rel @p1 .LBB2_59-.Ltmp47, $4  }
0x2e9: {  	s23 =	simm.s32 $0x4  }
0x2ea: {  	_ =	swait.ge [sflag:s23], $0x4000  }
0x2eb: {  	[sflag:s23] =	ssyncset.done $0x0  }
0x2ec: {  	[sflag:s23] =	ssyncadd.s32 $0xFFFFC000  }
0x2ed: {  	s5 =	sld [smem:$0x7F9];
	_ =	sdelay $0x2  }
0x2ee: {  	p1 =	sne.s32 s5, $0x1  }
.Ltmp48:
0x2ef: {  	s10 =	sld [smem:$0x7FB];
	(pc) =	sbr.rel @!p1 .LBB2_59-.Ltmp48, $3  }
0x2f0: {  	s22 =	sld [smem:$0x7FD];
	_ =	sdelay $0x1  }
0x2f1: {  	[tilespmem:s10+$0x0] =	vst v0  }
0x2f2: {  	s5 =	sadd.s32 $0xFFFFFFFF, s5;
	s10 =	sadd.s32 $0x200, s10;
	[tilespmem:s22+$0x0] =	vst v0  }
.LBB2_58:
0x2f3: {  	[tilespmem:s10+$0x0] =	vst v0;
	s22 =	sadd.s32 $0x200, s22;
	p1 =	sne.s32 s5, $0x1  }
.Ltmp49:
0x2f4: {  	s5 =	sadd.s32 $0xFFFFFFFF, s5;
	[tilespmem:s22+$0x0] =	vst v0;
	(pc) =	sbr.rel @p1 .LBB2_58-.Ltmp49, $2  }
0x2f5: {  	_ =	sdelay $0x2  }
0x2f6: {  	s10 =	sadd.s32 $0x200, s10  }
.LBB2_59:
0x2f7: {  	s5 =	sld [smem:$0x7B0];
	_ =	sdelay $0x1  }
0x2f8: {  	s10 =	simm.s32 $0x0;
	s18 =	simm.s32 $0xB  }
0x2f9: {  	[hbm4b:s5+s10] =	stream.linear.scatter [tilespmem:s30], [sflag:$0xA], $0x4000, $0x38;
	[tilespmem:$0x18800] =	vst v63  }
0x2fa: {  	_ =	swait.ge [sflag:s18], $0x4000  }
0x2fb: {  	[sflag:s18] =	ssyncset.done $0x0  }
0x2fc: {  	s22 =	simm.s32 $0xC;
	[sflag:s18] =	ssyncadd.s32 $0xFFFFC000  }
0x2fd: {  	_ =	swait.ge [sflag:s22], $0x4000  }
0x2fe: {  	[sflag:s22] =	ssyncset.done $0x0  }
0x2ff: {  	s23 =	simm.s32 $0x7;
	[sflag:s22] =	ssyncadd.s32 $0xFFFFC000  }
0x300: {  	_ =	swait.ge [sflag:s23], $0x4000  }
0x301: {  	[sflag:s23] =	ssyncset.done $0x0  }
0x302: {  	s18 =	simm.s32 $0x8;
	[sflag:s23] =	ssyncadd.s32 $0xFFFFC000  }
0x303: {  	_ =	swait.ge [sflag:s18], $0x4000  }
0x304: {  	[sflag:s18] =	ssyncset.done $0x0  }
0x305: {  	s22 =	simm.s32 $0x9;
	[sflag:s18] =	ssyncadd.s32 $0xFFFFC000  }
0x306: {  	_ =	swait.ge [sflag:s22], $0x4000  }
.Ltmp50:
0x307: {  	[sflag:s22] =	ssyncset.done $0x0;
	(pc) =	sbr.rel @p0 .LBB2_63-.Ltmp50, $4  }
0x308: {  	s23 =	simm.s32 $0xA;
	[sflag:s22] =	ssyncadd.s32 $0xFFFFC000  }
0x309: {  	_ =	swait.ge [sflag:s23], $0x4000  }
0x30a: {  	[sflag:s23] =	ssyncset.done $0x0  }
0x30b: {  	[sflag:s23] =	ssyncadd.s32 $0xFFFFC000  }
.LBB2_60:
0x30c: {  	s5 =	sshll.u32 s10, $0x6  }
0x30d: {  	s5 =	sadd.s32 s2, s5  }
0x30e: {  	s18 =	smov.u32 s12;
	p1 =	slt.s32 s5, s12  }
0x30f: {  	s18 =	smov.u32 @p1 s5  }
0x310: {  	p1 =	slt.s32 s16, s28;
	s5 =	sshll.u32 s18, $0x9;
	s18 =	smov.u32 s28  }
0x311: {  	s18 =	smov.u32 @p1 s16;
	p1 =	sne.s32 s26, $0x1  }
.Ltmp51:
0x312: {  	_ = 	snop;
	(pc) =	sbr.rel @!p1 .LBB2_62-.Ltmp51, $4  }
0x313: {  	s22 =	sadd.s32 s17, s5  }
0x314: {  	s5 =	sadd.s32 s18, s22  }
0x315: {  	s5 =	sshrl.u32 s5, $0x3  }
0x316: {  	s23 =	sadd.s32 $0xFFFFFFFF, s26;
	s18 =	sadd.s32 s15, s5;
	s5 =	sadd.s32 $0x20, s16  }
.LBB2_61:
0x317: {  	[hbm4b:s18+s9] =	stream.strided.scatter [tilespmem:s6], [sflag:$0xD], $0x800, s0, s9, $0x38;
	[tilespmem:$0x18800] =	vst v63  }
0x318: {  	p2 =	sne.s32 s23, $0x1  }
.Ltmp52:
0x319: {  	p1 =	slt.s32 s5, s28;
	s18 =	smov.u32 s28;
	(pc) =	sbr.rel @p2 .LBB2_61-.Ltmp52, $4  }
0x31a: {  	s23 =	sadd.s32 $0xFFFFFFFF, s23;
	s18 =	smov.u32 @p1 s5  }
0x31b: {  	s18 =	sadd.s32 s18, s22  }
0x31c: {  	s18 =	sshrl.u32 s18, $0x3  }
0x31d: {  	s5 =	sadd.s32 $0x20, s5;
	s18 =	sadd.s32 s15, s18  }
.LBB2_62:
0x31e: {  	s10 =	sadd.s32 $0x1, s10  }
0x31f: {  	p1 =	sne.s32 s10, s25  }
.Ltmp53:
0x320: {  	_ = 	snop;
	(pc) =	sbr.rel @p1 .LBB2_60-.Ltmp53, $2  }
0x321: {  	_ =	sdelay $0x2  }
0x322: {  	[hbm4b:s18+s9] =	stream.strided.scatter [tilespmem:s6], [sflag:$0xD], $0x800, s0, s9, $0x38;
	[tilespmem:$0x18800] =	vst v63  }
.LBB2_63:
0x323: {  	s5 =	sld [smem:$0x7F2];
	_ =	sdelay $0x2  }
0x324: {  	p1 =	slt.s32 s5, $0x1  }
.Ltmp54:
0x325: {  	_ = 	snop;
	(pc) =	sbr.rel @p1 .LBB2_67-.Ltmp54, $2  }
0x326: {  	_ =	sdelay $0x2  }
0x327: {  	s18 =	simm.s32 $0x4000;
	s23 =	simm.s32 $0x8000  }
0x328: {  	s5 =	sld [smem:$0x7F2];
	_ =	sdelay $0x2  }
0x329: {  	p1 =	sne.s32 s5, $0x1  }
.Ltmp55:
0x32a: {  	_ = 	snop;
	(pc) =	sbr.rel @!p1 .LBB2_66-.Ltmp55, $3  }
0x32b: {  	_ =	sdelay $0x1  }
0x32c: {  	_ =	swait.ge [sflag:s3], $0x800  }
0x32d: {  	[sflag:s3] =	ssyncset.done $0x0;
	s5 =	sadd.s32 $0xFFFFFFFF, s5  }
.LBB2_65:
0x32e: {  	p1 =	sne.s32 s5, $0x1;
	s5 =	sadd.s32 $0xFFFFFFFF, s5;
	[sflag:s3] =	ssyncadd.s32 $0xFFFFF800  }
.Ltmp56:
0x32f: {  	(pc) =	sbr.rel @p1 .LBB2_65-.Ltmp56, $3  }
0x330: {  	_ =	sdelay $0x1  }
0x331: {  	_ =	swait.ge [sflag:s3], $0x800  }
0x332: {  	[sflag:s3] =	ssyncset.done $0x0  }
.Ltmp57:
0x333: {  	_ = 	snop;
	(pc) =	sbr.rel .LBB2_66-.Ltmp57, $1  }
0x334: {  	_ =	sdelay $0x3  }
.LBB2_68:
0x335: {  	_ =	sfence.sel $0x180000  }
0x336: {  	[bflag:$0x0] =	sbarrier.arrive $0xFFFF  }
0x337: {  	_ =	strace $0x90000047  }
0x338: {  	s0 =	stileid.u32;
	[bflag:$0x2] =	sbarrier.arrive $0xFFFF  }
0x339: {  	p0 =	sne.s32 s0, $0x0;
	s0 =	rddreg [dreg:$0x2]  }
0x33a: {  	s0 =	sadd.s32 @!p0 $0x100000, s0  }
0x33b: {  	[sflag:s0] =	ssyncadd.tile.s32 @!p0 $0x1;
	_ =	shalt  }
.Lfunc_end2:
_tile_overlayer_lowered:
.L_overlay_start_2:
0x33c: {  	(tag) =	ssettag $0x2  }
0x33d: {  	s0 =	rddreg [dreg:$0x0];
	s2 =	stileid.u32  }
0x33e: {  	s1 =	rddreg [dreg:$0x1];
	p0 =	sne.s32 s2, $0x0  }
0x33f: {  	s3 =	rddreg [dreg:$0x2];
	[bflag:$0x3] =	sbarrier.arrive $0xFFFF;
	s2 =	simm.s32 @!p0 $0x1C0E  }
0x340: {  	[timem:s3], [sflag:s2] =	dma.local @!p0 [hbm:s0], s1  }
0x341: {  	s0 =	simm.s32 @!p0 $0xE  }
0x342: {  	_ =	swait.ge @!p0 [sflag:s0], s1  }
0x343: {  	s1 =	ssub.s32 @!p0 $0x0, s1;
	[sflag:s0] =	ssyncset.done @!p0 $0x0  }
0x344: {  	[sflag:s0] =	ssyncadd.s32 @!p0 s1  }
0x345: {  	[bflag:$0x3] =	sbarrier.arrive $0xFFFF  }
0x346: {  	_ =	shalt  }

</sc_bundles>
